<compile_context>
chip_gen: v7x
topology: tpu7x:2x2x1
jax: 0.10.2.dev20260603
libtpu: 0.0.44.dev20260713+nightly
codegen_flags: <defaults>
</compile_context>

<pallas_src>
import jax
import jax.numpy as jnp
from jax import lax
from jax.experimental import pallas as pl
from jax.experimental.pallas import tpu as pltpu
from jax.experimental.pallas import tpu_sc as plsc

RES = 512
DEPTH = 10.0
B = 16
N = 65536
MAP_WORDS = RES * RES
REGION_WORDS = 128 * RES
CH = 8192
NBLK = N // CH


def _b2f(v):
    return v.astype(jnp.bfloat16).astype(jnp.float32)


def _project_kernel(tm_ref, xs_ref, ys_ref, zs_ref, lin_ref, zn_ref):
    xb = _b2f(xs_ref[...])
    yb = _b2f(ys_ref[...])
    zb = _b2f(zs_ref[...])
    m = [_b2f(tm_ref[0, 0, k]) for k in range(12)]
    px = (xb * m[0] + yb * m[1]) + (zb * m[2] + m[3])
    py = (xb * m[4] + yb * m[5]) + (zb * m[6] + m[7])
    pz = (xb * m[8] + yb * m[9]) + (zb * m[10] + m[11])
    nx = px / DEPTH
    ny = py / DEPTH
    nz = pz / DEPTH
    pxf = jnp.clip((nx + 1.0) / 2.0 * RES, 0.0, RES - 1)
    pyf = jnp.clip((1.0 - ny) / 2.0 * RES, 0.0, RES - 1)
    ix = pxf.astype(jnp.int32)
    iy = pyf.astype(jnp.int32)
    lin_ref[...] = iy * RES + ix
    zn_ref[...] = nz


def _project(point_cloud, tmat):
    xyz = jnp.transpose(point_cloud, (2, 0, 1))
    xs = xyz[0].reshape(B, 64, 1024)
    ys = xyz[1].reshape(B, 64, 1024)
    zs = xyz[2].reshape(B, 64, 1024)
    tm = tmat.reshape(B, 1, 12)
    grid = (B, 8)
    pt_spec = pl.BlockSpec((1, 8, 1024), lambda b, j: (b, j, 0))
    lin, zn = pl.pallas_call(
        _project_kernel,
        grid=grid,
        in_specs=[
            pl.BlockSpec((1, 1, 12), lambda b, j: (b, 0, 0),
                         memory_space=pltpu.SMEM),
            pt_spec, pt_spec, pt_spec,
        ],
        out_specs=[pt_spec, pt_spec],
        out_shape=[
            jax.ShapeDtypeStruct((B, 64, 1024), jnp.int32),
            jax.ShapeDtypeStruct((B, 64, 1024), jnp.float32),
        ],
    )(tm, xs, ys, zs)
    return lin.reshape(B * N), zn.reshape(B * N)


def _scatter_body(lin_hbm, z_hbm, out_hbm,
                  map_v, lin_a, lin_b, z_a, z_b, kbuf,
                  sem_la, sem_lb, sem_za, sem_zb):
    nc = plsc.get_sparse_core_info().num_cores
    wid = lax.axis_index("s") * nc + lax.axis_index("c")
    batch = wid // 2
    half = wid % 2
    lane = lax.iota(jnp.int32, 16)

    kbuf[pl.ds(16, 16)] = jnp.full((16,), -1, jnp.int32)

    pt_base = batch * N
    slots = [(lin_a, z_a, sem_la, sem_za), (lin_b, z_b, sem_lb, sem_zb)]

    UNROLL = 8

    def chunk_loop(cur_lin, cur_z, rb):
        def body(i, _):
            lins = [cur_lin[pl.ds((i * UNROLL + u) * 16, 16)]
                    for u in range(UNROLL)]
            zs = [cur_z[pl.ds((i * UNROLL + u) * 16, 16)]
                  for u in range(UNROLL)]
            for u in range(UNROLL):
                off = lins[u] - rb
                msk = (off >= 0) & (off < REGION_WORDS)
                plsc.store_scatter(map_v, [off], zs[u], mask=msk)
            return 0
        lax.fori_loop(0, CH // (16 * UNROLL), body, 0)

    def start(blk):
        lbuf, zbuf, lsem, zsem = slots[blk % 2]
        src = pl.ds(pt_base + blk * CH, CH)
        cl = pltpu.make_async_copy(lin_hbm.at[src], lbuf, lsem)
        cz = pltpu.make_async_copy(z_hbm.at[src], zbuf, zsem)
        cl.start()
        cz.start()
        return cl, cz

    for p in range(2):
        rb = (half * 2 + p) * REGION_WORDS

        zvec = jnp.zeros((16,), jnp.float32)

        def zero(i, _):
            for u in range(8):
                map_v[pl.ds((i * 8 + u) * 16, 16)] = zvec
            return 0
        lax.fori_loop(0, REGION_WORDS // 128, zero, 0)

        pending = start(0)
        for blk in range(NBLK):
            cl, cz = pending
            cl.wait()
            cz.wait()
            if blk + 1 < NBLK:
                pending = start(blk + 1)
            lbuf, zbuf, _, _ = slots[blk % 2]
            chunk_loop(lbuf, zbuf, rb)

        pltpu.sync_copy(map_v, out_hbm.at[pl.ds(batch * MAP_WORDS + rb,
                                                REGION_WORDS)])


def _scatter(lin_flat, z_flat):
    mesh = plsc.VectorSubcoreMesh(core_axis_name="c", subcore_axis_name="s")
    return pl.kernel(
        _scatter_body,
        out_type=jax.ShapeDtypeStruct((B * MAP_WORDS,), jnp.float32),
        mesh=mesh,
        compiler_params=pltpu.CompilerParams(needs_layout_passes=False),
        scratch_types=[
            pltpu.VMEM((REGION_WORDS,), jnp.float32),
            pltpu.VMEM((CH,), jnp.int32),
            pltpu.VMEM((CH,), jnp.int32),
            pltpu.VMEM((CH,), jnp.float32),
            pltpu.VMEM((CH,), jnp.float32),
            pltpu.VMEM((32,), jnp.int32),
            pltpu.SemaphoreType.DMA,
            pltpu.SemaphoreType.DMA,
            pltpu.SemaphoreType.DMA,
            pltpu.SemaphoreType.DMA,
        ],
    )(lin_flat, z_flat)


@jax.jit
def kernel(point_cloud, transformation_matrices):
    lin, zn = _project(point_cloud, transformation_matrices)
    out = _scatter(lin, zn)
    return out.reshape(B, RES, RES)

# --- scband reference (transcript-rebuilt; emitter-appended) ---
"""Pipeline reference for scband-point-cloud-to-depth-map-8263517077853 (READ-ONLY COPY).

The authoritative reference and input builder live on the scoring server;
editing this copy changes nothing except your own understanding.
"""

import jax, jax.numpy as jnp
import numpy as np

RESOLUTION = 512
DEPTH = 10.0


def setup_inputs(seed: int = 0) -> dict:
    key = jax.random.key(seed)
    k1, k2 = jax.random.split(key)
    point_cloud = jax.random.normal(k1, (16, 65536, 3), dtype=jnp.float32)
    transformation_matrices = jax.random.normal(k2, (16, 3, 4), dtype=jnp.float32)
    return {"point_cloud": point_cloud, "transformation_matrices": transformation_matrices}


def reference(point_cloud, transformation_matrices):
    B, N, _ = point_cloud.shape
    res = RESOLUTION
    ones_column = jnp.ones((B, N, 1), dtype=point_cloud.dtype)
    point_cloud_h = jnp.concatenate([point_cloud, ones_column], axis=2)
    transformed_points_h = jnp.matmul(point_cloud_h, jnp.transpose(transformation_matrices, (0, 2, 1)))
    transformed_points = transformed_points_h[:, :, :3]
    normalized_points = transformed_points / DEPTH
    pixel_x = jnp.clip((normalized_points[:, :, 0] + 1.0) / 2.0 * res, 0.0, res - 1)
    pixel_y = jnp.clip((1.0 - normalized_points[:, :, 1]) / 2.0 * res, 0.0, res - 1)
    # int() truncation in torch; values are >= 0 after clamp so truncation == floor
    ix = pixel_x.astype(jnp.int32)
    iy = pixel_y.astype(jnp.int32)
    bidx = jnp.broadcast_to(jnp.arange(B, dtype=jnp.int32)[:, None], (B, N))
    depth_map = jnp.zeros((B, res, res), dtype=jnp.float32)
    # scatter-overwrite: last write wins for duplicate pixels (matches sequential loop up to duplicate ordering)
    depth_map = depth_map.at[bidx, iy, ix].set(normalized_points[:, :, 2])
    # bilinear resize to the same (res, res) size, half-pixel centers (align_corners=False)
    depth_map = jax.image.resize(depth_map[:, None, :, :], (B, 1, res, res), method='bilinear')
    depth_map = jnp.squeeze(depth_map, axis=1)
    return depth_map

if __name__ == "__main__":
    import jax
    _d = setup_inputs()
    print(jax.jit(kernel)(*tuple(_d.values())))

</pallas_src>

<mosaic_0001>
#map = affine_map<(d0, d1) -> (0)>
module attributes {stable_mosaic.version = 14 : i64} {
  func.func @_scatter_body(%arg0: i32, %arg1: i32, %arg2: memref<1048576xi32, #tpu.memory_space<hbm>>, %arg3: memref<1048576xf32, #tpu.memory_space<hbm>>, %arg4: memref<4194304xf32, #tpu.memory_space<hbm>>, %arg5: memref<65536xf32, #tpu.memory_space<vmem>>, %arg6: memref<8192xi32, #tpu.memory_space<vmem>>, %arg7: memref<8192xi32, #tpu.memory_space<vmem>>, %arg8: memref<8192xf32, #tpu.memory_space<vmem>>, %arg9: memref<8192xf32, #tpu.memory_space<vmem>>, %arg10: memref<32xi32, #tpu.memory_space<vmem>>, %arg11: memref<!tpu.dma_semaphore, #tpu.memory_space<semaphore_mem>>, %arg12: memref<!tpu.dma_semaphore, #tpu.memory_space<semaphore_mem>>, %arg13: memref<!tpu.dma_semaphore, #tpu.memory_space<semaphore_mem>>, %arg14: memref<!tpu.dma_semaphore, #tpu.memory_space<semaphore_mem>>) attributes {dimension_semantics = [#tpu.dimension_semantics<core_parallel>, #tpu.dimension_semantics<subcore_parallel>], iteration_bounds = array<i64: 2, 16>, scalar_prefetch = 0 : i64, scratch_operands = 10 : i64, tpu.core_type = #tpu.core_type<sc_vector_subcore>, window_params = [{transform_indices = #map}, {transform_indices = #map}, {transform_indices = #map}]} {
    %mul3A = arith.constant 2 : i32
    %mul3A_0 = arith.muli %arg1, %mul3A : i32
    %add3A = arith.addi %mul3A_0, %arg0 : i32
    %jit3A = arith.constant 2 : i32
    %div3A = arith.divsi %add3A, %jit3A : i32
    %sign3A = arith.constant 0 : i32
    %sign3A_1 = arith.cmpi sgt, %add3A, %sign3A : i32
    %sign3A_2 = arith.extui %sign3A_1 : i1 to i32
    %sign3A_3 = arith.constant 0 : i32
    %sign3A_4 = arith.cmpi slt, %add3A, %sign3A_3 : i32
    %sign3A_5 = arith.extui %sign3A_4 : i1 to i32
    %sign3A_6 = arith.subi %sign3A_2, %sign3A_5 : i32
    %sign3A_7 = arith.constant 0 : i32
    %sign3A_8 = arith.cmpi sgt, %jit3A, %sign3A_7 : i32
    %sign3A_9 = arith.extui %sign3A_8 : i1 to i32
    %sign3A_10 = arith.constant 0 : i32
    %sign3A_11 = arith.cmpi slt, %jit3A, %sign3A_10 : i32
    %sign3A_12 = arith.extui %sign3A_11 : i1 to i32
    %sign3A_13 = arith.subi %sign3A_9, %sign3A_12 : i32
    %ne3A = arith.cmpi ne, %sign3A_6, %sign3A_13 : i32
    %rem3A = arith.remsi %add3A, %jit3A : i32
    %ne3A_14 = arith.constant 0 : i32
    %ne3A_15 = arith.cmpi ne, %rem3A, %ne3A_14 : i32
    %and3A = arith.andi %ne3A, %ne3A_15 : i1
    %sub3A = arith.constant 1 : i32
    %sub3A_16 = arith.subi %div3A, %sub3A : i32
    %select_n3A = arith.select %and3A, %sub3A_16, %div3A : i32
    %jit3A_17 = arith.constant 2 : i32
    %eq3A = arith.constant 0 : i32
    %eq3A_18 = arith.cmpi eq, %jit3A_17, %eq3A : i32
    %jit3A_19 = arith.constant 1 : i32
    %select_n3A_20 = arith.select %eq3A_18, %jit3A_19, %jit3A_17 : i32
    %rem3A_21 = arith.remsi %add3A, %select_n3A_20 : i32
    %ne3A_22 = arith.constant 0 : i32
    %ne3A_23 = arith.cmpi ne, %rem3A_21, %ne3A_22 : i32
    %lt3A = arith.constant 0 : i32
    %lt3A_24 = arith.cmpi slt, %rem3A_21, %lt3A : i32
    %lt3A_25 = arith.constant 0 : i32
    %lt3A_26 = arith.cmpi slt, %select_n3A_20, %lt3A_25 : i32
    %ne3A_27 = arith.xori %lt3A_24, %lt3A_26 : i1
    %and3A_28 = arith.andi %ne3A_27, %ne3A_23 : i1
    %add3A_29 = arith.addi %rem3A_21, %select_n3A_20 : i32
    %select_n3A_30 = arith.select %and3A_28, %add3A_29, %rem3A_21 : i32
    %iota3A = tpu.iota {dimensions = array<i32: 0>} : vector<16xi32>
    %broadcast_in_dim3A = arith.constant -1 : i32
    %broadcast_in_dim3A_31 = vector.broadcast %broadcast_in_dim3A : i32 to vector<16xi32>
    %swap3A = arith.constant 16 : index
    %swap3A_32 = tpu.vector_load %arg10[%swap3A] {strides = array<i32>} : memref<32xi32, #tpu.memory_space<vmem>>, vector<16xi32>,
    tpu.vector_store %arg10[%swap3A], %broadcast_in_dim3A_31 {strides = array<i32>} : memref<32xi32, #tpu.memory_space<vmem>>, vector<16xi32>,
    %mul3A_33 = arith.constant 65536 : i32
    %mul3A_34 = arith.muli %select_n3A, %mul3A_33 : i32
    %mul3A_35 = arith.constant 2 : i32
    %mul3A_36 = arith.muli %select_n3A_30, %mul3A_35 : i32
    %add3A_37 = arith.constant 0 : i32
    %add3A_38 = arith.addi %mul3A_36, %add3A_37 : i32
    %mul3A_39 = arith.constant 65536 : i32
    %mul3A_40 = arith.muli %add3A_38, %mul3A_39 : i32
    %broadcast_in_dim3A_41 = arith.constant 0.000000e+00 : f32
    %broadcast_in_dim3A_42 = vector.broadcast %broadcast_in_dim3A_41 : f32 to vector<16xf32>
    %scan3A = arith.constant 0 : i32
    %scan3A_43 = arith.constant 0 : i32
    %scan3A_44 = arith.constant 512 : i32
    %scan3A_45 = arith.addi %scan3A_43, %scan3A_44 : i32
    %scan3A_46 = arith.constant 1 : i32
    %scan3A_47 = scf.for %scan3A_340 = %scan3A_43 to %scan3A_45 step %scan3A_46 iter_args(%scan3A_341 = %scan3A) -> (i32)  : i32 {
      %mul3A_342 = arith.constant 8 : i32
      %mul3A_343 = arith.muli %scan3A_340, %mul3A_342 : i32
      %add3A_344 = arith.constant 0 : i32
      %add3A_345 = arith.addi %mul3A_343, %add3A_344 : i32
      %mul3A_346 = arith.constant 16 : i32
      %mul3A_347 = arith.muli %add3A_345, %mul3A_346 : i32
      %swap3A_348 = arith.index_cast %mul3A_347 : i32 to index
      %swap3A_349 = tpu.vector_load %arg5[%swap3A_348] {strides = array<i32>} : memref<65536xf32, #tpu.memory_space<vmem>>, vector<16xf32>,
      tpu.vector_store %arg5[%swap3A_348], %broadcast_in_dim3A_42 {strides = array<i32>} : memref<65536xf32, #tpu.memory_space<vmem>>, vector<16xf32>,
      %mul3A_350 = arith.constant 8 : i32
      %mul3A_351 = arith.muli %scan3A_340, %mul3A_350 : i32
      %add3A_352 = arith.constant 1 : i32
      %add3A_353 = arith.addi %mul3A_351, %add3A_352 : i32
      %mul3A_354 = arith.constant 16 : i32
      %mul3A_355 = arith.muli %add3A_353, %mul3A_354 : i32
      %swap3A_356 = arith.index_cast %mul3A_355 : i32 to index
      %swap3A_357 = tpu.vector_load %arg5[%swap3A_356] {strides = array<i32>} : memref<65536xf32, #tpu.memory_space<vmem>>, vector<16xf32>,
      tpu.vector_store %arg5[%swap3A_356], %broadcast_in_dim3A_42 {strides = array<i32>} : memref<65536xf32, #tpu.memory_space<vmem>>, vector<16xf32>,
      %mul3A_358 = arith.constant 8 : i32
      %mul3A_359 = arith.muli %scan3A_340, %mul3A_358 : i32
      %add3A_360 = arith.constant 2 : i32
      %add3A_361 = arith.addi %mul3A_359, %add3A_360 : i32
      %mul3A_362 = arith.constant 16 : i32
      %mul3A_363 = arith.muli %add3A_361, %mul3A_362 : i32
      %swap3A_364 = arith.index_cast %mul3A_363 : i32 to index
      %swap3A_365 = tpu.vector_load %arg5[%swap3A_364] {strides = array<i32>} : memref<65536xf32, #tpu.memory_space<vmem>>, vector<16xf32>,
      tpu.vector_store %arg5[%swap3A_364], %broadcast_in_dim3A_42 {strides = array<i32>} : memref<65536xf32, #tpu.memory_space<vmem>>, vector<16xf32>,
      %mul3A_366 = arith.constant 8 : i32
      %mul3A_367 = arith.muli %scan3A_340, %mul3A_366 : i32
      %add3A_368 = arith.constant 3 : i32
      %add3A_369 = arith.addi %mul3A_367, %add3A_368 : i32
      %mul3A_370 = arith.constant 16 : i32
      %mul3A_371 = arith.muli %add3A_369, %mul3A_370 : i32
      %swap3A_372 = arith.index_cast %mul3A_371 : i32 to index
      %swap3A_373 = tpu.vector_load %arg5[%swap3A_372] {strides = array<i32>} : memref<65536xf32, #tpu.memory_space<vmem>>, vector<16xf32>,
      tpu.vector_store %arg5[%swap3A_372], %broadcast_in_dim3A_42 {strides = array<i32>} : memref<65536xf32, #tpu.memory_space<vmem>>, vector<16xf32>,
      %mul3A_374 = arith.constant 8 : i32
      %mul3A_375 = arith.muli %scan3A_340, %mul3A_374 : i32
      %add3A_376 = arith.constant 4 : i32
      %add3A_377 = arith.addi %mul3A_375, %add3A_376 : i32
      %mul3A_378 = arith.constant 16 : i32
      %mul3A_379 = arith.muli %add3A_377, %mul3A_378 : i32
      %swap3A_380 = arith.index_cast %mul3A_379 : i32 to index
      %swap3A_381 = tpu.vector_load %arg5[%swap3A_380] {strides = array<i32>} : memref<65536xf32, #tpu.memory_space<vmem>>, vector<16xf32>,
      tpu.vector_store %arg5[%swap3A_380], %broadcast_in_dim3A_42 {strides = array<i32>} : memref<65536xf32, #tpu.memory_space<vmem>>, vector<16xf32>,
      %mul3A_382 = arith.constant 8 : i32
      %mul3A_383 = arith.muli %scan3A_340, %mul3A_382 : i32
      %add3A_384 = arith.constant 5 : i32
      %add3A_385 = arith.addi %mul3A_383, %add3A_384 : i32
      %mul3A_386 = arith.constant 16 : i32
      %mul3A_387 = arith.muli %add3A_385, %mul3A_386 : i32
      %swap3A_388 = arith.index_cast %mul3A_387 : i32 to index
      %swap3A_389 = tpu.vector_load %arg5[%swap3A_388] {strides = array<i32>} : memref<65536xf32, #tpu.memory_space<vmem>>, vector<16xf32>,
      tpu.vector_store %arg5[%swap3A_388], %broadcast_in_dim3A_42 {strides = array<i32>} : memref<65536xf32, #tpu.memory_space<vmem>>, vector<16xf32>,
      %mul3A_390 = arith.constant 8 : i32
      %mul3A_391 = arith.muli %scan3A_340, %mul3A_390 : i32
      %add3A_392 = arith.constant 6 : i32
      %add3A_393 = arith.addi %mul3A_391, %add3A_392 : i32
      %mul3A_394 = arith.constant 16 : i32
      %mul3A_395 = arith.muli %add3A_393, %mul3A_394 : i32
      %swap3A_396 = arith.index_cast %mul3A_395 : i32 to index
      %swap3A_397 = tpu.vector_load %arg5[%swap3A_396] {strides = array<i32>} : memref<65536xf32, #tpu.memory_space<vmem>>, vector<16xf32>,
      tpu.vector_store %arg5[%swap3A_396], %broadcast_in_dim3A_42 {strides = array<i32>} : memref<65536xf32, #tpu.memory_space<vmem>>, vector<16xf32>,
      %mul3A_398 = arith.constant 8 : i32
      %mul3A_399 = arith.muli %scan3A_340, %mul3A_398 : i32
      %add3A_400 = arith.constant 7 : i32
      %add3A_401 = arith.addi %mul3A_399, %add3A_400 : i32
      %mul3A_402 = arith.constant 16 : i32
      %mul3A_403 = arith.muli %add3A_401, %mul3A_402 : i32
      %swap3A_404 = arith.index_cast %mul3A_403 : i32 to index
      %swap3A_405 = tpu.vector_load %arg5[%swap3A_404] {strides = array<i32>} : memref<65536xf32, #tpu.memory_space<vmem>>, vector<16xf32>,
      tpu.vector_store %arg5[%swap3A_404], %broadcast_in_dim3A_42 {strides = array<i32>} : memref<65536xf32, #tpu.memory_space<vmem>>, vector<16xf32>,
      %scan3A_406 = arith.constant 0 : i32
      scf.yield %scan3A_406 : i32
    }
    %scan3A_48 = arith.constant 512 : i32
    %add3A_49 = arith.constant 0 : i32
    %add3A_50 = arith.addi %mul3A_34, %add3A_49 : i32
    %dma_start3A = tpu.memref_slice %arg2[%add3A_50] : memref<1048576xi32, #tpu.memory_space<hbm>> -> memref<8192xi32, #tpu.memory_space<hbm>>
    %dma_start3A_51 = tpu.memref_slice %arg2[%add3A_50] : memref<1048576xi32, #tpu.memory_space<hbm>> -> memref<8192xi32, #tpu.memory_space<hbm>>
    tpu.enqueue_dma source(%dma_start3A_51 : memref<8192xi32, #tpu.memory_space<hbm>>) target(%arg6 : memref<8192xi32, #tpu.memory_space<vmem>>) target_semaphore(%arg11 : memref<!tpu.dma_semaphore, #tpu.memory_space<semaphore_mem>>)
    %dma_start3A_52 = tpu.memref_slice %arg3[%add3A_50] : memref<1048576xf32, #tpu.memory_space<hbm>> -> memref<8192xf32, #tpu.memory_space<hbm>>
    %dma_start3A_53 = tpu.memref_slice %arg3[%add3A_50] : memref<1048576xf32, #tpu.memory_space<hbm>> -> memref<8192xf32, #tpu.memory_space<hbm>>
    tpu.enqueue_dma source(%dma_start3A_53 : memref<8192xf32, #tpu.memory_space<hbm>>) target(%arg8 : memref<8192xf32, #tpu.memory_space<vmem>>) target_semaphore(%arg13 : memref<!tpu.dma_semaphore, #tpu.memory_space<semaphore_mem>>)
    %dma_wait3A = tpu.memref_slice %arg2[%add3A_50] : memref<1048576xi32, #tpu.memory_space<hbm>> -> memref<8192xi32, #tpu.memory_space<hbm>>
    %dma_wait3A_54 = tpu.memref_slice %arg2[%add3A_50] : memref<1048576xi32, #tpu.memory_space<hbm>> -> memref<8192xi32, #tpu.memory_space<hbm>>
    tpu.wait_dma2 semaphore(%arg11 : memref<!tpu.dma_semaphore, #tpu.memory_space<semaphore_mem>>) src(%dma_wait3A_54 : memref<8192xi32, #tpu.memory_space<hbm>>) dst(%arg6 : memref<8192xi32, #tpu.memory_space<vmem>>)
    %dma_wait3A_55 = tpu.memref_slice %arg3[%add3A_50] : memref<1048576xf32, #tpu.memory_space<hbm>> -> memref<8192xf32, #tpu.memory_space<hbm>>
    %dma_wait3A_56 = tpu.memref_slice %arg3[%add3A_50] : memref<1048576xf32, #tpu.memory_space<hbm>> -> memref<8192xf32, #tpu.memory_space<hbm>>
    tpu.wait_dma2 semaphore(%arg13 : memref<!tpu.dma_semaphore, #tpu.memory_space<semaphore_mem>>) src(%dma_wait3A_56 : memref<8192xf32, #tpu.memory_space<hbm>>) dst(%arg8 : memref<8192xf32, #tpu.memory_space<vmem>>)
    %add3A_57 = arith.constant 8192 : i32
    %add3A_58 = arith.addi %mul3A_34, %add3A_57 : i32
    %dma_start3A_59 = tpu.memref_slice %arg2[%add3A_58] : memref<1048576xi32, #tpu.memory_space<hbm>> -> memref<8192xi32, #tpu.memory_space<hbm>>
    %dma_start3A_60 = tpu.memref_slice %arg2[%add3A_58] : memref<1048576xi32, #tpu.memory_space<hbm>> -> memref<8192xi32, #tpu.memory_space<hbm>>
    tpu.enqueue_dma source(%dma_start3A_60 : memref<8192xi32, #tpu.memory_space<hbm>>) target(%arg7 : memref<8192xi32, #tpu.memory_space<vmem>>) target_semaphore(%arg12 : memref<!tpu.dma_semaphore, #tpu.memory_space<semaphore_mem>>)
    %dma_start3A_61 = tpu.memref_slice %arg3[%add3A_58] : memref<1048576xf32, #tpu.memory_space<hbm>> -> memref<8192xf32, #tpu.memory_space<hbm>>
    %dma_start3A_62 = tpu.memref_slice %arg3[%add3A_58] : memref<1048576xf32, #tpu.memory_space<hbm>> -> memref<8192xf32, #tpu.memory_space<hbm>>
    tpu.enqueue_dma source(%dma_start3A_62 : memref<8192xf32, #tpu.memory_space<hbm>>) target(%arg9 : memref<8192xf32, #tpu.memory_space<vmem>>) target_semaphore(%arg14 : memref<!tpu.dma_semaphore, #tpu.memory_space<semaphore_mem>>)
    %scan3A_63 = arith.constant 0 : i32
    %scan3A_64 = arith.constant 0 : i32
    %scan3A_65 = arith.constant 64 : i32
    %scan3A_66 = arith.addi %scan3A_64, %scan3A_65 : i32
    %scan3A_67 = arith.constant 1 : i32
    %scan3A_68 = scf.for %scan3A_340 = %scan3A_64 to %scan3A_66 step %scan3A_67 iter_args(%scan3A_341 = %scan3A_63) -> (i32)  : i32 {
      %mul3A_342 = arith.constant 8 : i32
      %mul3A_343 = arith.muli %scan3A_340, %mul3A_342 : i32
      %add3A_344 = arith.constant 0 : i32
      %add3A_345 = arith.addi %mul3A_343, %add3A_344 : i32
      %mul3A_346 = arith.constant 16 : i32
      %mul3A_347 = arith.muli %add3A_345, %mul3A_346 : i32
      %get3A = arith.index_cast %mul3A_347 : i32 to index
      %get3A_348 = tpu.vector_load %arg6[%get3A] {strides = array<i32>} : memref<8192xi32, #tpu.memory_space<vmem>>, vector<16xi32>,
      %mul3A_349 = arith.constant 8 : i32
      %mul3A_350 = arith.muli %scan3A_340, %mul3A_349 : i32
      %add3A_351 = arith.constant 1 : i32
      %add3A_352 = arith.addi %mul3A_350, %add3A_351 : i32
      %mul3A_353 = arith.constant 16 : i32
      %mul3A_354 = arith.muli %add3A_352, %mul3A_353 : i32
      %get3A_355 = arith.index_cast %mul3A_354 : i32 to index
      %get3A_356 = tpu.vector_load %arg6[%get3A_355] {strides = array<i32>} : memref<8192xi32, #tpu.memory_space<vmem>>, vector<16xi32>,
      %mul3A_357 = arith.constant 8 : i32
      %mul3A_358 = arith.muli %scan3A_340, %mul3A_357 : i32
      %add3A_359 = arith.constant 2 : i32
      %add3A_360 = arith.addi %mul3A_358, %add3A_359 : i32
      %mul3A_361 = arith.constant 16 : i32
      %mul3A_362 = arith.muli %add3A_360, %mul3A_361 : i32
      %get3A_363 = arith.index_cast %mul3A_362 : i32 to index
      %get3A_364 = tpu.vector_load %arg6[%get3A_363] {strides = array<i32>} : memref<8192xi32, #tpu.memory_space<vmem>>, vector<16xi32>,
      %mul3A_365 = arith.constant 8 : i32
      %mul3A_366 = arith.muli %scan3A_340, %mul3A_365 : i32
      %add3A_367 = arith.constant 3 : i32
      %add3A_368 = arith.addi %mul3A_366, %add3A_367 : i32
      %mul3A_369 = arith.constant 16 : i32
      %mul3A_370 = arith.muli %add3A_368, %mul3A_369 : i32
      %get3A_371 = arith.index_cast %mul3A_370 : i32 to index
      %get3A_372 = tpu.vector_load %arg6[%get3A_371] {strides = array<i32>} : memref<8192xi32, #tpu.memory_space<vmem>>, vector<16xi32>,
      %mul3A_373 = arith.constant 8 : i32
      %mul3A_374 = arith.muli %scan3A_340, %mul3A_373 : i32
      %add3A_375 = arith.constant 4 : i32
      %add3A_376 = arith.addi %mul3A_374, %add3A_375 : i32
      %mul3A_377 = arith.constant 16 : i32
      %mul3A_378 = arith.muli %add3A_376, %mul3A_377 : i32
      %get3A_379 = arith.index_cast %mul3A_378 : i32 to index
      %get3A_380 = tpu.vector_load %arg6[%get3A_379] {strides = array<i32>} : memref<8192xi32, #tpu.memory_space<vmem>>, vector<16xi32>,
      %mul3A_381 = arith.constant 8 : i32
      %mul3A_382 = arith.muli %scan3A_340, %mul3A_381 : i32
      %add3A_383 = arith.constant 5 : i32
      %add3A_384 = arith.addi %mul3A_382, %add3A_383 : i32
      %mul3A_385 = arith.constant 16 : i32
      %mul3A_386 = arith.muli %add3A_384, %mul3A_385 : i32
      %get3A_387 = arith.index_cast %mul3A_386 : i32 to index
      %get3A_388 = tpu.vector_load %arg6[%get3A_387] {strides = array<i32>} : memref<8192xi32, #tpu.memory_space<vmem>>, vector<16xi32>,
      %mul3A_389 = arith.constant 8 : i32
      %mul3A_390 = arith.muli %scan3A_340, %mul3A_389 : i32
      %add3A_391 = arith.constant 6 : i32
      %add3A_392 = arith.addi %mul3A_390, %add3A_391 : i32
      %mul3A_393 = arith.constant 16 : i32
      %mul3A_394 = arith.muli %add3A_392, %mul3A_393 : i32
      %get3A_395 = arith.index_cast %mul3A_394 : i32 to index
      %get3A_396 = tpu.vector_load %arg6[%get3A_395] {strides = array<i32>} : memref<8192xi32, #tpu.memory_space<vmem>>, vector<16xi32>,
      %mul3A_397 = arith.constant 8 : i32
      %mul3A_398 = arith.muli %scan3A_340, %mul3A_397 : i32
      %add3A_399 = arith.constant 7 : i32
      %add3A_400 = arith.addi %mul3A_398, %add3A_399 : i32
      %mul3A_401 = arith.constant 16 : i32
      %mul3A_402 = arith.muli %add3A_400, %mul3A_401 : i32
      %get3A_403 = arith.index_cast %mul3A_402 : i32 to index
      %get3A_404 = tpu.vector_load %arg6[%get3A_403] {strides = array<i32>} : memref<8192xi32, #tpu.memory_space<vmem>>, vector<16xi32>,
      %mul3A_405 = arith.constant 8 : i32
      %mul3A_406 = arith.muli %scan3A_340, %mul3A_405 : i32
      %add3A_407 = arith.constant 0 : i32
      %add3A_408 = arith.addi %mul3A_406, %add3A_407 : i32
      %mul3A_409 = arith.constant 16 : i32
      %mul3A_410 = arith.muli %add3A_408, %mul3A_409 : i32
      %get3A_411 = arith.index_cast %mul3A_410 : i32 to index
      %get3A_412 = tpu.vector_load %arg8[%get3A_411] {strides = array<i32>} : memref<8192xf32, #tpu.memory_space<vmem>>, vector<16xf32>,
      %mul3A_413 = arith.constant 8 : i32
      %mul3A_414 = arith.muli %scan3A_340, %mul3A_413 : i32
      %add3A_415 = arith.constant 1 : i32
      %add3A_416 = arith.addi %mul3A_414, %add3A_415 : i32
      %mul3A_417 = arith.constant 16 : i32
      %mul3A_418 = arith.muli %add3A_416, %mul3A_417 : i32
      %get3A_419 = arith.index_cast %mul3A_418 : i32 to index
      %get3A_420 = tpu.vector_load %arg8[%get3A_419] {strides = array<i32>} : memref<8192xf32, #tpu.memory_space<vmem>>, vector<16xf32>,
      %mul3A_421 = arith.constant 8 : i32
      %mul3A_422 = arith.muli %scan3A_340, %mul3A_421 : i32
      %add3A_423 = arith.constant 2 : i32
      %add3A_424 = arith.addi %mul3A_422, %add3A_423 : i32
      %mul3A_425 = arith.constant 16 : i32
      %mul3A_426 = arith.muli %add3A_424, %mul3A_425 : i32
      %get3A_427 = arith.index_cast %mul3A_426 : i32 to index
      %get3A_428 = tpu.vector_load %arg8[%get3A_427] {strides = array<i32>} : memref<8192xf32, #tpu.memory_space<vmem>>, vector<16xf32>,
      %mul3A_429 = arith.constant 8 : i32
      %mul3A_430 = arith.muli %scan3A_340, %mul3A_429 : i32
      %add3A_431 = arith.constant 3 : i32
      %add3A_432 = arith.addi %mul3A_430, %add3A_431 : i32
      %mul3A_433 = arith.constant 16 : i32
      %mul3A_434 = arith.muli %add3A_432, %mul3A_433 : i32
      %get3A_435 = arith.index_cast %mul3A_434 : i32 to index
      %get3A_436 = tpu.vector_load %arg8[%get3A_435] {strides = array<i32>} : memref<8192xf32, #tpu.memory_space<vmem>>, vector<16xf32>,
      %mul3A_437 = arith.constant 8 : i32
      %mul3A_438 = arith.muli %scan3A_340, %mul3A_437 : i32
      %add3A_439 = arith.constant 4 : i32
      %add3A_440 = arith.addi %mul3A_438, %add3A_439 : i32
      %mul3A_441 = arith.constant 16 : i32
      %mul3A_442 = arith.muli %add3A_440, %mul3A_441 : i32
      %get3A_443 = arith.index_cast %mul3A_442 : i32 to index
      %get3A_444 = tpu.vector_load %arg8[%get3A_443] {strides = array<i32>} : memref<8192xf32, #tpu.memory_space<vmem>>, vector<16xf32>,
      %mul3A_445 = arith.constant 8 : i32
      %mul3A_446 = arith.muli %scan3A_340, %mul3A_445 : i32
      %add3A_447 = arith.constant 5 : i32
      %add3A_448 = arith.addi %mul3A_446, %add3A_447 : i32
      %mul3A_449 = arith.constant 16 : i32
      %mul3A_450 = arith.muli %add3A_448, %mul3A_449 : i32
      %get3A_451 = arith.index_cast %mul3A_450 : i32 to index
      %get3A_452 = tpu.vector_load %arg8[%get3A_451] {strides = array<i32>} : memref<8192xf32, #tpu.memory_space<vmem>>, vector<16xf32>,
      %mul3A_453 = arith.constant 8 : i32
      %mul3A_454 = arith.muli %scan3A_340, %mul3A_453 : i32
      %add3A_455 = arith.constant 6 : i32
      %add3A_456 = arith.addi %mul3A_454, %add3A_455 : i32
      %mul3A_457 = arith.constant 16 : i32
      %mul3A_458 = arith.muli %add3A_456, %mul3A_457 : i32
      %get3A_459 = arith.index_cast %mul3A_458 : i32 to index
      %get3A_460 = tpu.vector_load %arg8[%get3A_459] {strides = array<i32>} : memref<8192xf32, #tpu.memory_space<vmem>>, vector<16xf32>,
      %mul3A_461 = arith.constant 8 : i32
      %mul3A_462 = arith.muli %scan3A_340, %mul3A_461 : i32
      %add3A_463 = arith.constant 7 : i32
      %add3A_464 = arith.addi %mul3A_462, %add3A_463 : i32
      %mul3A_465 = arith.constant 16 : i32
      %mul3A_466 = arith.muli %add3A_464, %mul3A_465 : i32
      %get3A_467 = arith.index_cast %mul3A_466 : i32 to index
      %get3A_468 = tpu.vector_load %arg8[%get3A_467] {strides = array<i32>} : memref<8192xf32, #tpu.memory_space<vmem>>, vector<16xf32>,
      %sub3A_469 = vector.broadcast %mul3A_40 : i32 to vector<16xi32>
      %sub3A_470 = arith.subi %get3A_348, %sub3A_469 : vector<16xi32>
      %ge3A = arith.constant 0 : i32
      %ge3A_471 = vector.broadcast %ge3A : i32 to vector<16xi32>
      %ge3A_472 = arith.cmpi sge, %sub3A_470, %ge3A_471 : vector<16xi32>
      %lt3A_473 = arith.constant 65536 : i32
      %lt3A_474 = vector.broadcast %lt3A_473 : i32 to vector<16xi32>
      %lt3A_475 = arith.cmpi slt, %sub3A_470, %lt3A_474 : vector<16xi32>
      %and3A_476 = arith.andi %ge3A_472, %lt3A_475 : vector<16xi1>
      tpu.vector_store_idx %arg5[%sub3A_470], %get3A_412 masked %and3A_476 : memref<65536xf32, #tpu.memory_space<vmem>>[vector<16xi32>], vector<16xf32>, vector<16xi1>
      %sub3A_477 = vector.broadcast %mul3A_40 : i32 to vector<16xi32>
      %sub3A_478 = arith.subi %get3A_356, %sub3A_477 : vector<16xi32>
      %ge3A_479 = arith.constant 0 : i32
      %ge3A_480 = vector.broadcast %ge3A_479 : i32 to vector<16xi32>
      %ge3A_481 = arith.cmpi sge, %sub3A_478, %ge3A_480 : vector<16xi32>
      %lt3A_482 = arith.constant 65536 : i32
      %lt3A_483 = vector.broadcast %lt3A_482 : i32 to vector<16xi32>
      %lt3A_484 = arith.cmpi slt, %sub3A_478, %lt3A_483 : vector<16xi32>
      %and3A_485 = arith.andi %ge3A_481, %lt3A_484 : vector<16xi1>
      tpu.vector_store_idx %arg5[%sub3A_478], %get3A_420 masked %and3A_485 : memref<65536xf32, #tpu.memory_space<vmem>>[vector<16xi32>], vector<16xf32>, vector<16xi1>
      %sub3A_486 = vector.broadcast %mul3A_40 : i32 to vector<16xi32>
      %sub3A_487 = arith.subi %get3A_364, %sub3A_486 : vector<16xi32>
      %ge3A_488 = arith.constant 0 : i32
      %ge3A_489 = vector.broadcast %ge3A_488 : i32 to vector<16xi32>
      %ge3A_490 = arith.cmpi sge, %sub3A_487, %ge3A_489 : vector<16xi32>
      %lt3A_491 = arith.constant 65536 : i32
      %lt3A_492 = vector.broadcast %lt3A_491 : i32 to vector<16xi32>
      %lt3A_493 = arith.cmpi slt, %sub3A_487, %lt3A_492 : vector<16xi32>
      %and3A_494 = arith.andi %ge3A_490, %lt3A_493 : vector<16xi1>
      tpu.vector_store_idx %arg5[%sub3A_487], %get3A_428 masked %and3A_494 : memref<65536xf32, #tpu.memory_space<vmem>>[vector<16xi32>], vector<16xf32>, vector<16xi1>
      %sub3A_495 = vector.broadcast %mul3A_40 : i32 to vector<16xi32>
      %sub3A_496 = arith.subi %get3A_372, %sub3A_495 : vector<16xi32>
      %ge3A_497 = arith.constant 0 : i32
      %ge3A_498 = vector.broadcast %ge3A_497 : i32 to vector<16xi32>
      %ge3A_499 = arith.cmpi sge, %sub3A_496, %ge3A_498 : vector<16xi32>
      %lt3A_500 = arith.constant 65536 : i32
      %lt3A_501 = vector.broadcast %lt3A_500 : i32 to vector<16xi32>
      %lt3A_502 = arith.cmpi slt, %sub3A_496, %lt3A_501 : vector<16xi32>
      %and3A_503 = arith.andi %ge3A_499, %lt3A_502 : vector<16xi1>
      tpu.vector_store_idx %arg5[%sub3A_496], %get3A_436 masked %and3A_503 : memref<65536xf32, #tpu.memory_space<vmem>>[vector<16xi32>], vector<16xf32>, vector<16xi1>
      %sub3A_504 = vector.broadcast %mul3A_40 : i32 to vector<16xi32>
      %sub3A_505 = arith.subi %get3A_380, %sub3A_504 : vector<16xi32>
      %ge3A_506 = arith.constant 0 : i32
      %ge3A_507 = vector.broadcast %ge3A_506 : i32 to vector<16xi32>
      %ge3A_508 = arith.cmpi sge, %sub3A_505, %ge3A_507 : vector<16xi32>
      %lt3A_509 = arith.constant 65536 : i32
      %lt3A_510 = vector.broadcast %lt3A_509 : i32 to vector<16xi32>
      %lt3A_511 = arith.cmpi slt, %sub3A_505, %lt3A_510 : vector<16xi32>
      %and3A_512 = arith.andi %ge3A_508, %lt3A_511 : vector<16xi1>
      tpu.vector_store_idx %arg5[%sub3A_505], %get3A_444 masked %and3A_512 : memref<65536xf32, #tpu.memory_space<vmem>>[vector<16xi32>], vector<16xf32>, vector<16xi1>
      %sub3A_513 = vector.broadcast %mul3A_40 : i32 to vector<16xi32>
      %sub3A_514 = arith.subi %get3A_388, %sub3A_513 : vector<16xi32>
      %ge3A_515 = arith.constant 0 : i32
      %ge3A_516 = vector.broadcast %ge3A_515 : i32 to vector<16xi32>
      %ge3A_517 = arith.cmpi sge, %sub3A_514, %ge3A_516 : vector<16xi32>
      %lt3A_518 = arith.constant 65536 : i32
      %lt3A_519 = vector.broadcast %lt3A_518 : i32 to vector<16xi32>
      %lt3A_520 = arith.cmpi slt, %sub3A_514, %lt3A_519 : vector<16xi32>
      %and3A_521 = arith.andi %ge3A_517, %lt3A_520 : vector<16xi1>
      tpu.vector_store_idx %arg5[%sub3A_514], %get3A_452 masked %and3A_521 : memref<65536xf32, #tpu.memory_space<vmem>>[vector<16xi32>], vector<16xf32>, vector<16xi1>
      %sub3A_522 = vector.broadcast %mul3A_40 : i32 to vector<16xi32>
      %sub3A_523 = arith.subi %get3A_396, %sub3A_522 : vector<16xi32>
      %ge3A_524 = arith.constant 0 : i32
      %ge3A_525 = vector.broadcast %ge3A_524 : i32 to vector<16xi32>
      %ge3A_526 = arith.cmpi sge, %sub3A_523, %ge3A_525 : vector<16xi32>
      %lt3A_527 = arith.constant 65536 : i32
      %lt3A_528 = vector.broadcast %lt3A_527 : i32 to vector<16xi32>
      %lt3A_529 = arith.cmpi slt, %sub3A_523, %lt3A_528 : vector<16xi32>
      %and3A_530 = arith.andi %ge3A_526, %lt3A_529 : vector<16xi1>
      tpu.vector_store_idx %arg5[%sub3A_523], %get3A_460 masked %and3A_530 : memref<65536xf32, #tpu.memory_space<vmem>>[vector<16xi32>], vector<16xf32>, vector<16xi1>
      %sub3A_531 = vector.broadcast %mul3A_40 : i32 to vector<16xi32>
      %sub3A_532 = arith.subi %get3A_404, %sub3A_531 : vector<16xi32>
      %ge3A_533 = arith.constant 0 : i32
      %ge3A_534 = vector.broadcast %ge3A_533 : i32 to vector<16xi32>
      %ge3A_535 = arith.cmpi sge, %sub3A_532, %ge3A_534 : vector<16xi32>
      %lt3A_536 = arith.constant 65536 : i32
      %lt3A_537 = vector.broadcast %lt3A_536 : i32 to vector<16xi32>
      %lt3A_538 = arith.cmpi slt, %sub3A_532, %lt3A_537 : vector<16xi32>
      %and3A_539 = arith.andi %ge3A_535, %lt3A_538 : vector<16xi1>
      tpu.vector_store_idx %arg5[%sub3A_532], %get3A_468 masked %and3A_539 : memref<65536xf32, #tpu.memory_space<vmem>>[vector<16xi32>], vector<16xf32>, vector<16xi1>
      %scan3A_540 = arith.constant 0 : i32
      scf.yield %scan3A_540 : i32
    }
    %scan3A_69 = arith.constant 64 : i32
    %dma_wait3A_70 = tpu.memref_slice %arg2[%add3A_58] : memref<1048576xi32, #tpu.memory_space<hbm>> -> memref<8192xi32, #tpu.memory_space<hbm>>
    %dma_wait3A_71 = tpu.memref_slice %arg2[%add3A_58] : memref<1048576xi32, #tpu.memory_space<hbm>> -> memref<8192xi32, #tpu.memory_space<hbm>>
    tpu.wait_dma2 semaphore(%arg12 : memref<!tpu.dma_semaphore, #tpu.memory_space<semaphore_mem>>) src(%dma_wait3A_71 : memref<8192xi32, #tpu.memory_space<hbm>>) dst(%arg7 : memref<8192xi32, #tpu.memory_space<vmem>>)
    %dma_wait3A_72 = tpu.memref_slice %arg3[%add3A_58] : memref<1048576xf32, #tpu.memory_space<hbm>> -> memref<8192xf32, #tpu.memory_space<hbm>>
    %dma_wait3A_73 = tpu.memref_slice %arg3[%add3A_58] : memref<1048576xf32, #tpu.memory_space<hbm>> -> memref<8192xf32, #tpu.memory_space<hbm>>
    tpu.wait_dma2 semaphore(%arg14 : memref<!tpu.dma_semaphore, #tpu.memory_space<semaphore_mem>>) src(%dma_wait3A_73 : memref<8192xf32, #tpu.memory_space<hbm>>) dst(%arg9 : memref<8192xf32, #tpu.memory_space<vmem>>)
    %add3A_74 = arith.constant 16384 : i32
    %add3A_75 = arith.addi %mul3A_34, %add3A_74 : i32
    %dma_start3A_76 = tpu.memref_slice %arg2[%add3A_75] : memref<1048576xi32, #tpu.memory_space<hbm>> -> memref<8192xi32, #tpu.memory_space<hbm>>
    %dma_start3A_77 = tpu.memref_slice %arg2[%add3A_75] : memref<1048576xi32, #tpu.memory_space<hbm>> -> memref<8192xi32, #tpu.memory_space<hbm>>
    tpu.enqueue_dma source(%dma_start3A_77 : memref<8192xi32, #tpu.memory_space<hbm>>) target(%arg6 : memref<8192xi32, #tpu.memory_space<vmem>>) target_semaphore(%arg11 : memref<!tpu.dma_semaphore, #tpu.memory_space<semaphore_mem>>)
    %dma_start3A_78 = tpu.memref_slice %arg3[%add3A_75] : memref<1048576xf32, #tpu.memory_space<hbm>> -> memref<8192xf32, #tpu.memory_space<hbm>>
    %dma_start3A_79 = tpu.memref_slice %arg3[%add3A_75] : memref<1048576xf32, #tpu.memory_space<hbm>> -> memref<8192xf32, #tpu.memory_space<hbm>>
    tpu.enqueue_dma source(%dma_start3A_79 : memref<8192xf32, #tpu.memory_space<hbm>>) target(%arg8 : memref<8192xf32, #tpu.memory_space<vmem>>) target_semaphore(%arg13 : memref<!tpu.dma_semaphore, #tpu.memory_space<semaphore_mem>>)
    %scan3A_80 = arith.constant 0 : i32
    %scan3A_81 = arith.constant 0 : i32
    %scan3A_82 = arith.constant 64 : i32
    %scan3A_83 = arith.addi %scan3A_81, %scan3A_82 : i32
    %scan3A_84 = arith.constant 1 : i32
    %scan3A_85 = scf.for %scan3A_340 = %scan3A_81 to %scan3A_83 step %scan3A_84 iter_args(%scan3A_341 = %scan3A_80) -> (i32)  : i32 {
      %mul3A_342 = arith.constant 8 : i32
      %mul3A_343 = arith.muli %scan3A_340, %mul3A_342 : i32
      %add3A_344 = arith.constant 0 : i32
      %add3A_345 = arith.addi %mul3A_343, %add3A_344 : i32
      %mul3A_346 = arith.constant 16 : i32
      %mul3A_347 = arith.muli %add3A_345, %mul3A_346 : i32
      %get3A = arith.index_cast %mul3A_347 : i32 to index
      %get3A_348 = tpu.vector_load %arg7[%get3A] {strides = array<i32>} : memref<8192xi32, #tpu.memory_space<vmem>>, vector<16xi32>,
      %mul3A_349 = arith.constant 8 : i32
      %mul3A_350 = arith.muli %scan3A_340, %mul3A_349 : i32
      %add3A_351 = arith.constant 1 : i32
      %add3A_352 = arith.addi %mul3A_350, %add3A_351 : i32
      %mul3A_353 = arith.constant 16 : i32
      %mul3A_354 = arith.muli %add3A_352, %mul3A_353 : i32
      %get3A_355 = arith.index_cast %mul3A_354 : i32 to index
      %get3A_356 = tpu.vector_load %arg7[%get3A_355] {strides = array<i32>} : memref<8192xi32, #tpu.memory_space<vmem>>, vector<16xi32>,
      %mul3A_357 = arith.constant 8 : i32
      %mul3A_358 = arith.muli %scan3A_340, %mul3A_357 : i32
      %add3A_359 = arith.constant 2 : i32
      %add3A_360 = arith.addi %mul3A_358, %add3A_359 : i32
      %mul3A_361 = arith.constant 16 : i32
      %mul3A_362 = arith.muli %add3A_360, %mul3A_361 : i32
      %get3A_363 = arith.index_cast %mul3A_362 : i32 to index
      %get3A_364 = tpu.vector_load %arg7[%get3A_363] {strides = array<i32>} : memref<8192xi32, #tpu.memory_space<vmem>>, vector<16xi32>,
      %mul3A_365 = arith.constant 8 : i32
      %mul3A_366 = arith.muli %scan3A_340, %mul3A_365 : i32
      %add3A_367 = arith.constant 3 : i32
      %add3A_368 = arith.addi %mul3A_366, %add3A_367 : i32
      %mul3A_369 = arith.constant 16 : i32
      %mul3A_370 = arith.muli %add3A_368, %mul3A_369 : i32
      %get3A_371 = arith.index_cast %mul3A_370 : i32 to index
      %get3A_372 = tpu.vector_load %arg7[%get3A_371] {strides = array<i32>} : memref<8192xi32, #tpu.memory_space<vmem>>, vector<16xi32>,
      %mul3A_373 = arith.constant 8 : i32
      %mul3A_374 = arith.muli %scan3A_340, %mul3A_373 : i32
      %add3A_375 = arith.constant 4 : i32
      %add3A_376 = arith.addi %mul3A_374, %add3A_375 : i32
      %mul3A_377 = arith.constant 16 : i32
      %mul3A_378 = arith.muli %add3A_376, %mul3A_377 : i32
      %get3A_379 = arith.index_cast %mul3A_378 : i32 to index
      %get3A_380 = tpu.vector_load %arg7[%get3A_379] {strides = array<i32>} : memref<8192xi32, #tpu.memory_space<vmem>>, vector<16xi32>,
      %mul3A_381 = arith.constant 8 : i32
      %mul3A_382 = arith.muli %scan3A_340, %mul3A_381 : i32
      %add3A_383 = arith.constant 5 : i32
      %add3A_384 = arith.addi %mul3A_382, %add3A_383 : i32
      %mul3A_385 = arith.constant 16 : i32
      %mul3A_386 = arith.muli %add3A_384, %mul3A_385 : i32
      %get3A_387 = arith.index_cast %mul3A_386 : i32 to index
      %get3A_388 = tpu.vector_load %arg7[%get3A_387] {strides = array<i32>} : memref<8192xi32, #tpu.memory_space<vmem>>, vector<16xi32>,
      %mul3A_389 = arith.constant 8 : i32
      %mul3A_390 = arith.muli %scan3A_340, %mul3A_389 : i32
      %add3A_391 = arith.constant 6 : i32
      %add3A_392 = arith.addi %mul3A_390, %add3A_391 : i32
      %mul3A_393 = arith.constant 16 : i32
      %mul3A_394 = arith.muli %add3A_392, %mul3A_393 : i32
      %get3A_395 = arith.index_cast %mul3A_394 : i32 to index
      %get3A_396 = tpu.vector_load %arg7[%get3A_395] {strides = array<i32>} : memref<8192xi32, #tpu.memory_space<vmem>>, vector<16xi32>,
      %mul3A_397 = arith.constant 8 : i32
      %mul3A_398 = arith.muli %scan3A_340, %mul3A_397 : i32
      %add3A_399 = arith.constant 7 : i32
      %add3A_400 = arith.addi %mul3A_398, %add3A_399 : i32
      %mul3A_401 = arith.constant 16 : i32
      %mul3A_402 = arith.muli %add3A_400, %mul3A_401 : i32
      %get3A_403 = arith.index_cast %mul3A_402 : i32 to index
      %get3A_404 = tpu.vector_load %arg7[%get3A_403] {strides = array<i32>} : memref<8192xi32, #tpu.memory_space<vmem>>, vector<16xi32>,
      %mul3A_405 = arith.constant 8 : i32
      %mul3A_406 = arith.muli %scan3A_340, %mul3A_405 : i32
      %add3A_407 = arith.constant 0 : i32
      %add3A_408 = arith.addi %mul3A_406, %add3A_407 : i32
      %mul3A_409 = arith.constant 16 : i32
      %mul3A_410 = arith.muli %add3A_408, %mul3A_409 : i32
      %get3A_411 = arith.index_cast %mul3A_410 : i32 to index
      %get3A_412 = tpu.vector_load %arg9[%get3A_411] {strides = array<i32>} : memref<8192xf32, #tpu.memory_space<vmem>>, vector<16xf32>,
      %mul3A_413 = arith.constant 8 : i32
      %mul3A_414 = arith.muli %scan3A_340, %mul3A_413 : i32
      %add3A_415 = arith.constant 1 : i32
      %add3A_416 = arith.addi %mul3A_414, %add3A_415 : i32
      %mul3A_417 = arith.constant 16 : i32
      %mul3A_418 = arith.muli %add3A_416, %mul3A_417 : i32
      %get3A_419 = arith.index_cast %mul3A_418 : i32 to index
      %get3A_420 = tpu.vector_load %arg9[%get3A_419] {strides = array<i32>} : memref<8192xf32, #tpu.memory_space<vmem>>, vector<16xf32>,
      %mul3A_421 = arith.constant 8 : i32
      %mul3A_422 = arith.muli %scan3A_340, %mul3A_421 : i32
      %add3A_423 = arith.constant 2 : i32
      %add3A_424 = arith.addi %mul3A_422, %add3A_423 : i32
      %mul3A_425 = arith.constant 16 : i32
      %mul3A_426 = arith.muli %add3A_424, %mul3A_425 : i32
      %get3A_427 = arith.index_cast %mul3A_426 : i32 to index
      %get3A_428 = tpu.vector_load %arg9[%get3A_427] {strides = array<i32>} : memref<8192xf32, #tpu.memory_space<vmem>>, vector<16xf32>,
      %mul3A_429 = arith.constant 8 : i32
      %mul3A_430 = arith.muli %scan3A_340, %mul3A_429 : i32
      %add3A_431 = arith.constant 3 : i32
      %add3A_432 = arith.addi %mul3A_430, %add3A_431 : i32
      %mul3A_433 = arith.constant 16 : i32
      %mul3A_434 = arith.muli %add3A_432, %mul3A_433 : i32
      %get3A_435 = arith.index_cast %mul3A_434 : i32 to index
      %get3A_436 = tpu.vector_load %arg9[%get3A_435] {strides = array<i32>} : memref<8192xf32, #tpu.memory_space<vmem>>, vector<16xf32>,
      %mul3A_437 = arith.constant 8 : i32
      %mul3A_438 = arith.muli %scan3A_340, %mul3A_437 : i32
      %add3A_439 = arith.constant 4 : i32
      %add3A_440 = arith.addi %mul3A_438, %add3A_439 : i32
      %mul3A_441 = arith.constant 16 : i32
      %mul3A_442 = arith.muli %add3A_440, %mul3A_441 : i32
      %get3A_443 = arith.index_cast %mul3A_442 : i32 to index
      %get3A_444 = tpu.vector_load %arg9[%get3A_443] {strides = array<i32>} : memref<8192xf32, #tpu.memory_space<vmem>>, vector<16xf32>,
      %mul3A_445 = arith.constant 8 : i32
      %mul3A_446 = arith.muli %scan3A_340, %mul3A_445 : i32
      %add3A_447 = arith.constant 5 : i32
      %add3A_448 = arith.addi %mul3A_446, %add3A_447 : i32
      %mul3A_449 = arith.constant 16 : i32
      %mul3A_450 = arith.muli %add3A_448, %mul3A_449 : i32
      %get3A_451 = arith.index_cast %mul3A_450 : i32 to index
      %get3A_452 = tpu.vector_load %arg9[%get3A_451] {strides = array<i32>} : memref<8192xf32, #tpu.memory_space<vmem>>, vector<16xf32>,
      %mul3A_453 = arith.constant 8 : i32
      %mul3A_454 = arith.muli %scan3A_340, %mul3A_453 : i32
      %add3A_455 = arith.constant 6 : i32
      %add3A_456 = arith.addi %mul3A_454, %add3A_455 : i32
      %mul3A_457 = arith.constant 16 : i32
      %mul3A_458 = arith.muli %add3A_456, %mul3A_457 : i32
      %get3A_459 = arith.index_cast %mul3A_458 : i32 to index
      %get3A_460 = tpu.vector_load %arg9[%get3A_459] {strides = array<i32>} : memref<8192xf32, #tpu.memory_space<vmem>>, vector<16xf32>,
      %mul3A_461 = arith.constant 8 : i32
      %mul3A_462 = arith.muli %scan3A_340, %mul3A_461 : i32
      %add3A_463 = arith.constant 7 : i32
      %add3A_464 = arith.addi %mul3A_462, %add3A_463 : i32
      %mul3A_465 = arith.constant 16 : i32
      %mul3A_466 = arith.muli %add3A_464, %mul3A_465 : i32
      %get3A_467 = arith.index_cast %mul3A_466 : i32 to index
      %get3A_468 = tpu.vector_load %arg9[%get3A_467] {strides = array<i32>} : memref<8192xf32, #tpu.memory_space<vmem>>, vector<16xf32>,
      %sub3A_469 = vector.broadcast %mul3A_40 : i32 to vector<16xi32>
      %sub3A_470 = arith.subi %get3A_348, %sub3A_469 : vector<16xi32>
      %ge3A = arith.constant 0 : i32
      %ge3A_471 = vector.broadcast %ge3A : i32 to vector<16xi32>
      %ge3A_472 = arith.cmpi sge, %sub3A_470, %ge3A_471 : vector<16xi32>
      %lt3A_473 = arith.constant 65536 : i32
      %lt3A_474 = vector.broadcast %lt3A_473 : i32 to vector<16xi32>
      %lt3A_475 = arith.cmpi slt, %sub3A_470, %lt3A_474 : vector<16xi32>
      %and3A_476 = arith.andi %ge3A_472, %lt3A_475 : vector<16xi1>
      tpu.vector_store_idx %arg5[%sub3A_470], %get3A_412 masked %and3A_476 : memref<65536xf32, #tpu.memory_space<vmem>>[vector<16xi32>], vector<16xf32>, vector<16xi1>
      %sub3A_477 = vector.broadcast %mul3A_40 : i32 to vector<16xi32>
      %sub3A_478 = arith.subi %get3A_356, %sub3A_477 : vector<16xi32>
      %ge3A_479 = arith.constant 0 : i32
      %ge3A_480 = vector.broadcast %ge3A_479 : i32 to vector<16xi32>
      %ge3A_481 = arith.cmpi sge, %sub3A_478, %ge3A_480 : vector<16xi32>
      %lt3A_482 = arith.constant 65536 : i32
      %lt3A_483 = vector.broadcast %lt3A_482 : i32 to vector<16xi32>
      %lt3A_484 = arith.cmpi slt, %sub3A_478, %lt3A_483 : vector<16xi32>
      %and3A_485 = arith.andi %ge3A_481, %lt3A_484 : vector<16xi1>
      tpu.vector_store_idx %arg5[%sub3A_478], %get3A_420 masked %and3A_485 : memref<65536xf32, #tpu.memory_space<vmem>>[vector<16xi32>], vector<16xf32>, vector<16xi1>
      %sub3A_486 = vector.broadcast %mul3A_40 : i32 to vector<16xi32>
      %sub3A_487 = arith.subi %get3A_364, %sub3A_486 : vector<16xi32>
      %ge3A_488 = arith.constant 0 : i32
      %ge3A_489 = vector.broadcast %ge3A_488 : i32 to vector<16xi32>
      %ge3A_490 = arith.cmpi sge, %sub3A_487, %ge3A_489 : vector<16xi32>
      %lt3A_491 = arith.constant 65536 : i32
      %lt3A_492 = vector.broadcast %lt3A_491 : i32 to vector<16xi32>
      %lt3A_493 = arith.cmpi slt, %sub3A_487, %lt3A_492 : vector<16xi32>
      %and3A_494 = arith.andi %ge3A_490, %lt3A_493 : vector<16xi1>
      tpu.vector_store_idx %arg5[%sub3A_487], %get3A_428 masked %and3A_494 : memref<65536xf32, #tpu.memory_space<vmem>>[vector<16xi32>], vector<16xf32>, vector<16xi1>
      %sub3A_495 = vector.broadcast %mul3A_40 : i32 to vector<16xi32>
      %sub3A_496 = arith.subi %get3A_372, %sub3A_495 : vector<16xi32>
      %ge3A_497 = arith.constant 0 : i32
      %ge3A_498 = vector.broadcast %ge3A_497 : i32 to vector<16xi32>
      %ge3A_499 = arith.cmpi sge, %sub3A_496, %ge3A_498 : vector<16xi32>
      %lt3A_500 = arith.constant 65536 : i32
      %lt3A_501 = vector.broadcast %lt3A_500 : i32 to vector<16xi32>
      %lt3A_502 = arith.cmpi slt, %sub3A_496, %lt3A_501 : vector<16xi32>
      %and3A_503 = arith.andi %ge3A_499, %lt3A_502 : vector<16xi1>
      tpu.vector_store_idx %arg5[%sub3A_496], %get3A_436 masked %and3A_503 : memref<65536xf32, #tpu.memory_space<vmem>>[vector<16xi32>], vector<16xf32>, vector<16xi1>
      %sub3A_504 = vector.broadcast %mul3A_40 : i32 to vector<16xi32>
      %sub3A_505 = arith.subi %get3A_380, %sub3A_504 : vector<16xi32>
      %ge3A_506 = arith.constant 0 : i32
      %ge3A_507 = vector.broadcast %ge3A_506 : i32 to vector<16xi32>
      %ge3A_508 = arith.cmpi sge, %sub3A_505, %ge3A_507 : vector<16xi32>
      %lt3A_509 = arith.constant 65536 : i32
      %lt3A_510 = vector.broadcast %lt3A_509 : i32 to vector<16xi32>
      %lt3A_511 = arith.cmpi slt, %sub3A_505, %lt3A_510 : vector<16xi32>
      %and3A_512 = arith.andi %ge3A_508, %lt3A_511 : vector<16xi1>
      tpu.vector_store_idx %arg5[%sub3A_505], %get3A_444 masked %and3A_512 : memref<65536xf32, #tpu.memory_space<vmem>>[vector<16xi32>], vector<16xf32>, vector<16xi1>
      %sub3A_513 = vector.broadcast %mul3A_40 : i32 to vector<16xi32>
      %sub3A_514 = arith.subi %get3A_388, %sub3A_513 : vector<16xi32>
      %ge3A_515 = arith.constant 0 : i32
      %ge3A_516 = vector.broadcast %ge3A_515 : i32 to vector<16xi32>
      %ge3A_517 = arith.cmpi sge, %sub3A_514, %ge3A_516 : vector<16xi32>
      %lt3A_518 = arith.constant 65536 : i32
      %lt3A_519 = vector.broadcast %lt3A_518 : i32 to vector<16xi32>
      %lt3A_520 = arith.cmpi slt, %sub3A_514, %lt3A_519 : vector<16xi32>
      %and3A_521 = arith.andi %ge3A_517, %lt3A_520 : vector<16xi1>
      tpu.vector_store_idx %arg5[%sub3A_514], %get3A_452 masked %and3A_521 : memref<65536xf32, #tpu.memory_space<vmem>>[vector<16xi32>], vector<16xf32>, vector<16xi1>
      %sub3A_522 = vector.broadcast %mul3A_40 : i32 to vector<16xi32>
      %sub3A_523 = arith.subi %get3A_396, %sub3A_522 : vector<16xi32>
      %ge3A_524 = arith.constant 0 : i32
      %ge3A_525 = vector.broadcast %ge3A_524 : i32 to vector<16xi32>
      %ge3A_526 = arith.cmpi sge, %sub3A_523, %ge3A_525 : vector<16xi32>
      %lt3A_527 = arith.constant 65536 : i32
      %lt3A_528 = vector.broadcast %lt3A_527 : i32 to vector<16xi32>
      %lt3A_529 = arith.cmpi slt, %sub3A_523, %lt3A_528 : vector<16xi32>
      %and3A_530 = arith.andi %ge3A_526, %lt3A_529 : vector<16xi1>
      tpu.vector_store_idx %arg5[%sub3A_523], %get3A_460 masked %and3A_530 : memref<65536xf32, #tpu.memory_space<vmem>>[vector<16xi32>], vector<16xf32>, vector<16xi1>
      %sub3A_531 = vector.broadcast %mul3A_40 : i32 to vector<16xi32>
      %sub3A_532 = arith.subi %get3A_404, %sub3A_531 : vector<16xi32>
      %ge3A_533 = arith.constant 0 : i32
      %ge3A_534 = vector.broadcast %ge3A_533 : i32 to vector<16xi32>
      %ge3A_535 = arith.cmpi sge, %sub3A_532, %ge3A_534 : vector<16xi32>
      %lt3A_536 = arith.constant 65536 : i32
      %lt3A_537 = vector.broadcast %lt3A_536 : i32 to vector<16xi32>
      %lt3A_538 = arith.cmpi slt, %sub3A_532, %lt3A_537 : vector<16xi32>
      %and3A_539 = arith.andi %ge3A_535, %lt3A_538 : vector<16xi1>
      tpu.vector_store_idx %arg5[%sub3A_532], %get3A_468 masked %and3A_539 : memref<65536xf32, #tpu.memory_space<vmem>>[vector<16xi32>], vector<16xf32>, vector<16xi1>
      %scan3A_540 = arith.constant 0 : i32
      scf.yield %scan3A_540 : i32
    }
    %scan3A_86 = arith.constant 64 : i32
    %dma_wait3A_87 = tpu.memref_slice %arg2[%add3A_75] : memref<1048576xi32, #tpu.memory_space<hbm>> -> memref<8192xi32, #tpu.memory_space<hbm>>
    %dma_wait3A_88 = tpu.memref_slice %arg2[%add3A_75] : memref<1048576xi32, #tpu.memory_space<hbm>> -> memref<8192xi32, #tpu.memory_space<hbm>>
    tpu.wait_dma2 semaphore(%arg11 : memref<!tpu.dma_semaphore, #tpu.memory_space<semaphore_mem>>) src(%dma_wait3A_88 : memref<8192xi32, #tpu.memory_space<hbm>>) dst(%arg6 : memref<8192xi32, #tpu.memory_space<vmem>>)
    %dma_wait3A_89 = tpu.memref_slice %arg3[%add3A_75] : memref<1048576xf32, #tpu.memory_space<hbm>> -> memref<8192xf32, #tpu.memory_space<hbm>>
    %dma_wait3A_90 = tpu.memref_slice %arg3[%add3A_75] : memref<1048576xf32, #tpu.memory_space<hbm>> -> memref<8192xf32, #tpu.memory_space<hbm>>
    tpu.wait_dma2 semaphore(%arg13 : memref<!tpu.dma_semaphore, #tpu.memory_space<semaphore_mem>>) src(%dma_wait3A_90 : memref<8192xf32, #tpu.memory_space<hbm>>) dst(%arg8 : memref<8192xf32, #tpu.memory_space<vmem>>)
    %add3A_91 = arith.constant 24576 : i32
    %add3A_92 = arith.addi %mul3A_34, %add3A_91 : i32
    %dma_start3A_93 = tpu.memref_slice %arg2[%add3A_92] : memref<1048576xi32, #tpu.memory_space<hbm>> -> memref<8192xi32, #tpu.memory_space<hbm>>
    %dma_start3A_94 = tpu.memref_slice %arg2[%add3A_92] : memref<1048576xi32, #tpu.memory_space<hbm>> -> memref<8192xi32, #tpu.memory_space<hbm>>
    tpu.enqueue_dma source(%dma_start3A_94 : memref<8192xi32, #tpu.memory_space<hbm>>) target(%arg7 : memref<8192xi32, #tpu.memory_space<vmem>>) target_semaphore(%arg12 : memref<!tpu.dma_semaphore, #tpu.memory_space<semaphore_mem>>)
    %dma_start3A_95 = tpu.memref_slice %arg3[%add3A_92] : memref<1048576xf32, #tpu.memory_space<hbm>> -> memref<8192xf32, #tpu.memory_space<hbm>>
    %dma_start3A_96 = tpu.memref_slice %arg3[%add3A_92] : memref<1048576xf32, #tpu.memory_space<hbm>> -> memref<8192xf32, #tpu.memory_space<hbm>>
    tpu.enqueue_dma source(%dma_start3A_96 : memref<8192xf32, #tpu.memory_space<hbm>>) target(%arg9 : memref<8192xf32, #tpu.memory_space<vmem>>) target_semaphore(%arg14 : memref<!tpu.dma_semaphore, #tpu.memory_space<semaphore_mem>>)
    %scan3A_97 = arith.constant 0 : i32
    %scan3A_98 = arith.constant 0 : i32
    %scan3A_99 = arith.constant 64 : i32
    %scan3A_100 = arith.addi %scan3A_98, %scan3A_99 : i32
    %scan3A_101 = arith.constant 1 : i32
    %scan3A_102 = scf.for %scan3A_340 = %scan3A_98 to %scan3A_100 step %scan3A_101 iter_args(%scan3A_341 = %scan3A_97) -> (i32)  : i32 {
      %mul3A_342 = arith.constant 8 : i32
      %mul3A_343 = arith.muli %scan3A_340, %mul3A_342 : i32
      %add3A_344 = arith.constant 0 : i32
      %add3A_345 = arith.addi %mul3A_343, %add3A_344 : i32
      %mul3A_346 = arith.constant 16 : i32
      %mul3A_347 = arith.muli %add3A_345, %mul3A_346 : i32
      %get3A = arith.index_cast %mul3A_347 : i32 to index
      %get3A_348 = tpu.vector_load %arg6[%get3A] {strides = array<i32>} : memref<8192xi32, #tpu.memory_space<vmem>>, vector<16xi32>,
      %mul3A_349 = arith.constant 8 : i32
      %mul3A_350 = arith.muli %scan3A_340, %mul3A_349 : i32
      %add3A_351 = arith.constant 1 : i32
      %add3A_352 = arith.addi %mul3A_350, %add3A_351 : i32
      %mul3A_353 = arith.constant 16 : i32
      %mul3A_354 = arith.muli %add3A_352, %mul3A_353 : i32
      %get3A_355 = arith.index_cast %mul3A_354 : i32 to index
      %get3A_356 = tpu.vector_load %arg6[%get3A_355] {strides = array<i32>} : memref<8192xi32, #tpu.memory_space<vmem>>, vector<16xi32>,
      %mul3A_357 = arith.constant 8 : i32
      %mul3A_358 = arith.muli %scan3A_340, %mul3A_357 : i32
      %add3A_359 = arith.constant 2 : i32
      %add3A_360 = arith.addi %mul3A_358, %add3A_359 : i32
      %mul3A_361 = arith.constant 16 : i32
      %mul3A_362 = arith.muli %add3A_360, %mul3A_361 : i32
      %get3A_363 = arith.index_cast %mul3A_362 : i32 to index
      %get3A_364 = tpu.vector_load %arg6[%get3A_363] {strides = array<i32>} : memref<8192xi32, #tpu.memory_space<vmem>>, vector<16xi32>,
      %mul3A_365 = arith.constant 8 : i32
      %mul3A_366 = arith.muli %scan3A_340, %mul3A_365 : i32
      %add3A_367 = arith.constant 3 : i32
      %add3A_368 = arith.addi %mul3A_366, %add3A_367 : i32
      %mul3A_369 = arith.constant 16 : i32
      %mul3A_370 = arith.muli %add3A_368, %mul3A_369 : i32
      %get3A_371 = arith.index_cast %mul3A_370 : i32 to index
      %get3A_372 = tpu.vector_load %arg6[%get3A_371] {strides = array<i32>} : memref<8192xi32, #tpu.memory_space<vmem>>, vector<16xi32>,
      %mul3A_373 = arith.constant 8 : i32
      %mul3A_374 = arith.muli %scan3A_340, %mul3A_373 : i32
      %add3A_375 = arith.constant 4 : i32
      %add3A_376 = arith.addi %mul3A_374, %add3A_375 : i32
      %mul3A_377 = arith.constant 16 : i32
      %mul3A_378 = arith.muli %add3A_376, %mul3A_377 : i32
      %get3A_379 = arith.index_cast %mul3A_378 : i32 to index
      %get3A_380 = tpu.vector_load %arg6[%get3A_379] {strides = array<i32>} : memref<8192xi32, #tpu.memory_space<vmem>>, vector<16xi32>,
      %mul3A_381 = arith.constant 8 : i32
      %mul3A_382 = arith.muli %scan3A_340, %mul3A_381 : i32
      %add3A_383 = arith.constant 5 : i32
      %add3A_384 = arith.addi %mul3A_382, %add3A_383 : i32
      %mul3A_385 = arith.constant 16 : i32
      %mul3A_386 = arith.muli %add3A_384, %mul3A_385 : i32
      %get3A_387 = arith.index_cast %mul3A_386 : i32 to index
      %get3A_388 = tpu.vector_load %arg6[%get3A_387] {strides = array<i32>} : memref<8192xi32, #tpu.memory_space<vmem>>, vector<16xi32>,
      %mul3A_389 = arith.constant 8 : i32
      %mul3A_390 = arith.muli %scan3A_340, %mul3A_389 : i32
      %add3A_391 = arith.constant 6 : i32
      %add3A_392 = arith.addi %mul3A_390, %add3A_391 : i32
      %mul3A_393 = arith.constant 16 : i32
      %mul3A_394 = arith.muli %add3A_392, %mul3A_393 : i32
      %get3A_395 = arith.index_cast %mul3A_394 : i32 to index
      %get3A_396 = tpu.vector_load %arg6[%get3A_395] {strides = array<i32>} : memref<8192xi32, #tpu.memory_space<vmem>>, vector<16xi32>,
      %mul3A_397 = arith.constant 8 : i32
      %mul3A_398 = arith.muli %scan3A_340, %mul3A_397 : i32
      %add3A_399 = arith.constant 7 : i32
      %add3A_400 = arith.addi %mul3A_398, %add3A_399 : i32
      %mul3A_401 = arith.constant 16 : i32
      %mul3A_402 = arith.muli %add3A_400, %mul3A_401 : i32
      %get3A_403 = arith.index_cast %mul3A_402 : i32 to index
      %get3A_404 = tpu.vector_load %arg6[%get3A_403] {strides = array<i32>} : memref<8192xi32, #tpu.memory_space<vmem>>, vector<16xi32>,
      %mul3A_405 = arith.constant 8 : i32
      %mul3A_406 = arith.muli %scan3A_340, %mul3A_405 : i32
      %add3A_407 = arith.constant 0 : i32
      %add3A_408 = arith.addi %mul3A_406, %add3A_407 : i32
      %mul3A_409 = arith.constant 16 : i32
      %mul3A_410 = arith.muli %add3A_408, %mul3A_409 : i32
      %get3A_411 = arith.index_cast %mul3A_410 : i32 to index
      %get3A_412 = tpu.vector_load %arg8[%get3A_411] {strides = array<i32>} : memref<8192xf32, #tpu.memory_space<vmem>>, vector<16xf32>,
      %mul3A_413 = arith.constant 8 : i32
      %mul3A_414 = arith.muli %scan3A_340, %mul3A_413 : i32
      %add3A_415 = arith.constant 1 : i32
      %add3A_416 = arith.addi %mul3A_414, %add3A_415 : i32
      %mul3A_417 = arith.constant 16 : i32
      %mul3A_418 = arith.muli %add3A_416, %mul3A_417 : i32
      %get3A_419 = arith.index_cast %mul3A_418 : i32 to index
      %get3A_420 = tpu.vector_load %arg8[%get3A_419] {strides = array<i32>} : memref<8192xf32, #tpu.memory_space<vmem>>, vector<16xf32>,
      %mul3A_421 = arith.constant 8 : i32
      %mul3A_422 = arith.muli %scan3A_340, %mul3A_421 : i32
      %add3A_423 = arith.constant 2 : i32
      %add3A_424 = arith.addi %mul3A_422, %add3A_423 : i32
      %mul3A_425 = arith.constant 16 : i32
      %mul3A_426 = arith.muli %add3A_424, %mul3A_425 : i32
      %get3A_427 = arith.index_cast %mul3A_426 : i32 to index
      %get3A_428 = tpu.vector_load %arg8[%get3A_427] {strides = array<i32>} : memref<8192xf32, #tpu.memory_space<vmem>>, vector<16xf32>,
      %mul3A_429 = arith.constant 8 : i32
      %mul3A_430 = arith.muli %scan3A_340, %mul3A_429 : i32
      %add3A_431 = arith.constant 3 : i32
      %add3A_432 = arith.addi %mul3A_430, %add3A_431 : i32
      %mul3A_433 = arith.constant 16 : i32
      %mul3A_434 = arith.muli %add3A_432, %mul3A_433 : i32
      %get3A_435 = arith.index_cast %mul3A_434 : i32 to index
      %get3A_436 = tpu.vector_load %arg8[%get3A_435] {strides = array<i32>} : memref<8192xf32, #tpu.memory_space<vmem>>, vector<16xf32>,
      %mul3A_437 = arith.constant 8 : i32
      %mul3A_438 = arith.muli %scan3A_340, %mul3A_437 : i32
      %add3A_439 = arith.constant 4 : i32
      %add3A_440 = arith.addi %mul3A_438, %add3A_439 : i32
      %mul3A_441 = arith.constant 16 : i32
      %mul3A_442 = arith.muli %add3A_440, %mul3A_441 : i32
      %get3A_443 = arith.index_cast %mul3A_442 : i32 to index
      %get3A_444 = tpu.vector_load %arg8[%get3A_443] {strides = array<i32>} : memref<8192xf32, #tpu.memory_space<vmem>>, vector<16xf32>,
      %mul3A_445 = arith.constant 8 : i32
      %mul3A_446 = arith.muli %scan3A_340, %mul3A_445 : i32
      %add3A_447 = arith.constant 5 : i32
      %add3A_448 = arith.addi %mul3A_446, %add3A_447 : i32
      %mul3A_449 = arith.constant 16 : i32
      %mul3A_450 = arith.muli %add3A_448, %mul3A_449 : i32
      %get3A_451 = arith.index_cast %mul3A_450 : i32 to index
      %get3A_452 = tpu.vector_load %arg8[%get3A_451] {strides = array<i32>} : memref<8192xf32, #tpu.memory_space<vmem>>, vector<16xf32>,
      %mul3A_453 = arith.constant 8 : i32
      %mul3A_454 = arith.muli %scan3A_340, %mul3A_453 : i32
      %add3A_455 = arith.constant 6 : i32
      %add3A_456 = arith.addi %mul3A_454, %add3A_455 : i32
      %mul3A_457 = arith.constant 16 : i32
      %mul3A_458 = arith.muli %add3A_456, %mul3A_457 : i32
      %get3A_459 = arith.index_cast %mul3A_458 : i32 to index
      %get3A_460 = tpu.vector_load %arg8[%get3A_459] {strides = array<i32>} : memref<8192xf32, #tpu.memory_space<vmem>>, vector<16xf32>,
      %mul3A_461 = arith.constant 8 : i32
      %mul3A_462 = arith.muli %scan3A_340, %mul3A_461 : i32
      %add3A_463 = arith.constant 7 : i32
      %add3A_464 = arith.addi %mul3A_462, %add3A_463 : i32
      %mul3A_465 = arith.constant 16 : i32
      %mul3A_466 = arith.muli %add3A_464, %mul3A_465 : i32
      %get3A_467 = arith.index_cast %mul3A_466 : i32 to index
      %get3A_468 = tpu.vector_load %arg8[%get3A_467] {strides = array<i32>} : memref<8192xf32, #tpu.memory_space<vmem>>, vector<16xf32>,
      %sub3A_469 = vector.broadcast %mul3A_40 : i32 to vector<16xi32>
      %sub3A_470 = arith.subi %get3A_348, %sub3A_469 : vector<16xi32>
      %ge3A = arith.constant 0 : i32
      %ge3A_471 = vector.broadcast %ge3A : i32 to vector<16xi32>
      %ge3A_472 = arith.cmpi sge, %sub3A_470, %ge3A_471 : vector<16xi32>
      %lt3A_473 = arith.constant 65536 : i32
      %lt3A_474 = vector.broadcast %lt3A_473 : i32 to vector<16xi32>
      %lt3A_475 = arith.cmpi slt, %sub3A_470, %lt3A_474 : vector<16xi32>
      %and3A_476 = arith.andi %ge3A_472, %lt3A_475 : vector<16xi1>
      tpu.vector_store_idx %arg5[%sub3A_470], %get3A_412 masked %and3A_476 : memref<65536xf32, #tpu.memory_space<vmem>>[vector<16xi32>], vector<16xf32>, vector<16xi1>
      %sub3A_477 = vector.broadcast %mul3A_40 : i32 to vector<16xi32>
      %sub3A_478 = arith.subi %get3A_356, %sub3A_477 : vector<16xi32>
      %ge3A_479 = arith.constant 0 : i32
      %ge3A_480 = vector.broadcast %ge3A_479 : i32 to vector<16xi32>
      %ge3A_481 = arith.cmpi sge, %sub3A_478, %ge3A_480 : vector<16xi32>
      %lt3A_482 = arith.constant 65536 : i32
      %lt3A_483 = vector.broadcast %lt3A_482 : i32 to vector<16xi32>
      %lt3A_484 = arith.cmpi slt, %sub3A_478, %lt3A_483 : vector<16xi32>
      %and3A_485 = arith.andi %ge3A_481, %lt3A_484 : vector<16xi1>
      tpu.vector_store_idx %arg5[%sub3A_478], %get3A_420 masked %and3A_485 : memref<65536xf32, #tpu.memory_space<vmem>>[vector<16xi32>], vector<16xf32>, vector<16xi1>
      %sub3A_486 = vector.broadcast %mul3A_40 : i32 to vector<16xi32>
      %sub3A_487 = arith.subi %get3A_364, %sub3A_486 : vector<16xi32>
      %ge3A_488 = arith.constant 0 : i32
      %ge3A_489 = vector.broadcast %ge3A_488 : i32 to vector<16xi32>
      %ge3A_490 = arith.cmpi sge, %sub3A_487, %ge3A_489 : vector<16xi32>
      %lt3A_491 = arith.constant 65536 : i32
      %lt3A_492 = vector.broadcast %lt3A_491 : i32 to vector<16xi32>
      %lt3A_493 = arith.cmpi slt, %sub3A_487, %lt3A_492 : vector<16xi32>
      %and3A_494 = arith.andi %ge3A_490, %lt3A_493 : vector<16xi1>
      tpu.vector_store_idx %arg5[%sub3A_487], %get3A_428 masked %and3A_494 : memref<65536xf32, #tpu.memory_space<vmem>>[vector<16xi32>], vector<16xf32>, vector<16xi1>
      %sub3A_495 = vector.broadcast %mul3A_40 : i32 to vector<16xi32>
      %sub3A_496 = arith.subi %get3A_372, %sub3A_495 : vector<16xi32>
      %ge3A_497 = arith.constant 0 : i32
      %ge3A_498 = vector.broadcast %ge3A_497 : i32 to vector<16xi32>
      %ge3A_499 = arith.cmpi sge, %sub3A_496, %ge3A_498 : vector<16xi32>
      %lt3A_500 = arith.constant 65536 : i32
      %lt3A_501 = vector.broadcast %lt3A_500 : i32 to vector<16xi32>
      %lt3A_502 = arith.cmpi slt, %sub3A_496, %lt3A_501 : vector<16xi32>
      %and3A_503 = arith.andi %ge3A_499, %lt3A_502 : vector<16xi1>
      tpu.vector_store_idx %arg5[%sub3A_496], %get3A_436 masked %and3A_503 : memref<65536xf32, #tpu.memory_space<vmem>>[vector<16xi32>], vector<16xf32>, vector<16xi1>
      %sub3A_504 = vector.broadcast %mul3A_40 : i32 to vector<16xi32>
      %sub3A_505 = arith.subi %get3A_380, %sub3A_504 : vector<16xi32>
      %ge3A_506 = arith.constant 0 : i32
      %ge3A_507 = vector.broadcast %ge3A_506 : i32 to vector<16xi32>
      %ge3A_508 = arith.cmpi sge, %sub3A_505, %ge3A_507 : vector<16xi32>
      %lt3A_509 = arith.constant 65536 : i32
      %lt3A_510 = vector.broadcast %lt3A_509 : i32 to vector<16xi32>
      %lt3A_511 = arith.cmpi slt, %sub3A_505, %lt3A_510 : vector<16xi32>
      %and3A_512 = arith.andi %ge3A_508, %lt3A_511 : vector<16xi1>
      tpu.vector_store_idx %arg5[%sub3A_505], %get3A_444 masked %and3A_512 : memref<65536xf32, #tpu.memory_space<vmem>>[vector<16xi32>], vector<16xf32>, vector<16xi1>
      %sub3A_513 = vector.broadcast %mul3A_40 : i32 to vector<16xi32>
      %sub3A_514 = arith.subi %get3A_388, %sub3A_513 : vector<16xi32>
      %ge3A_515 = arith.constant 0 : i32
      %ge3A_516 = vector.broadcast %ge3A_515 : i32 to vector<16xi32>
      %ge3A_517 = arith.cmpi sge, %sub3A_514, %ge3A_516 : vector<16xi32>
      %lt3A_518 = arith.constant 65536 : i32
      %lt3A_519 = vector.broadcast %lt3A_518 : i32 to vector<16xi32>
      %lt3A_520 = arith.cmpi slt, %sub3A_514, %lt3A_519 : vector<16xi32>
      %and3A_521 = arith.andi %ge3A_517, %lt3A_520 : vector<16xi1>
      tpu.vector_store_idx %arg5[%sub3A_514], %get3A_452 masked %and3A_521 : memref<65536xf32, #tpu.memory_space<vmem>>[vector<16xi32>], vector<16xf32>, vector<16xi1>
      %sub3A_522 = vector.broadcast %mul3A_40 : i32 to vector<16xi32>
      %sub3A_523 = arith.subi %get3A_396, %sub3A_522 : vector<16xi32>
      %ge3A_524 = arith.constant 0 : i32
      %ge3A_525 = vector.broadcast %ge3A_524 : i32 to vector<16xi32>
      %ge3A_526 = arith.cmpi sge, %sub3A_523, %ge3A_525 : vector<16xi32>
      %lt3A_527 = arith.constant 65536 : i32
      %lt3A_528 = vector.broadcast %lt3A_527 : i32 to vector<16xi32>
      %lt3A_529 = arith.cmpi slt, %sub3A_523, %lt3A_528 : vector<16xi32>
      %and3A_530 = arith.andi %ge3A_526, %lt3A_529 : vector<16xi1>
      tpu.vector_store_idx %arg5[%sub3A_523], %get3A_460 masked %and3A_530 : memref<65536xf32, #tpu.memory_space<vmem>>[vector<16xi32>], vector<16xf32>, vector<16xi1>
      %sub3A_531 = vector.broadcast %mul3A_40 : i32 to vector<16xi32>
      %sub3A_532 = arith.subi %get3A_404, %sub3A_531 : vector<16xi32>
      %ge3A_533 = arith.constant 0 : i32
      %ge3A_534 = vector.broadcast %ge3A_533 : i32 to vector<16xi32>
      %ge3A_535 = arith.cmpi sge, %sub3A_532, %ge3A_534 : vector<16xi32>
      %lt3A_536 = arith.constant 65536 : i32
      %lt3A_537 = vector.broadcast %lt3A_536 : i32 to vector<16xi32>
      %lt3A_538 = arith.cmpi slt, %sub3A_532, %lt3A_537 : vector<16xi32>
      %and3A_539 = arith.andi %ge3A_535, %lt3A_538 : vector<16xi1>
      tpu.vector_store_idx %arg5[%sub3A_532], %get3A_468 masked %and3A_539 : memref<65536xf32, #tpu.memory_space<vmem>>[vector<16xi32>], vector<16xf32>, vector<16xi1>
      %scan3A_540 = arith.constant 0 : i32
      scf.yield %scan3A_540 : i32
    }
    %scan3A_103 = arith.constant 64 : i32
    %dma_wait3A_104 = tpu.memref_slice %arg2[%add3A_92] : memref<1048576xi32, #tpu.memory_space<hbm>> -> memref<8192xi32, #tpu.memory_space<hbm>>
    %dma_wait3A_105 = tpu.memref_slice %arg2[%add3A_92] : memref<1048576xi32, #tpu.memory_space<hbm>> -> memref<8192xi32, #tpu.memory_space<hbm>>
    tpu.wait_dma2 semaphore(%arg12 : memref<!tpu.dma_semaphore, #tpu.memory_space<semaphore_mem>>) src(%dma_wait3A_105 : memref<8192xi32, #tpu.memory_space<hbm>>) dst(%arg7 : memref<8192xi32, #tpu.memory_space<vmem>>)
    %dma_wait3A_106 = tpu.memref_slice %arg3[%add3A_92] : memref<1048576xf32, #tpu.memory_space<hbm>> -> memref<8192xf32, #tpu.memory_space<hbm>>
    %dma_wait3A_107 = tpu.memref_slice %arg3[%add3A_92] : memref<1048576xf32, #tpu.memory_space<hbm>> -> memref<8192xf32, #tpu.memory_space<hbm>>
    tpu.wait_dma2 semaphore(%arg14 : memref<!tpu.dma_semaphore, #tpu.memory_space<semaphore_mem>>) src(%dma_wait3A_107 : memref<8192xf32, #tpu.memory_space<hbm>>) dst(%arg9 : memref<8192xf32, #tpu.memory_space<vmem>>)
    %add3A_108 = arith.constant 32768 : i32
    %add3A_109 = arith.addi %mul3A_34, %add3A_108 : i32
    %dma_start3A_110 = tpu.memref_slice %arg2[%add3A_109] : memref<1048576xi32, #tpu.memory_space<hbm>> -> memref<8192xi32, #tpu.memory_space<hbm>>
    %dma_start3A_111 = tpu.memref_slice %arg2[%add3A_109] : memref<1048576xi32, #tpu.memory_space<hbm>> -> memref<8192xi32, #tpu.memory_space<hbm>>
    tpu.enqueue_dma source(%dma_start3A_111 : memref<8192xi32, #tpu.memory_space<hbm>>) target(%arg6 : memref<8192xi32, #tpu.memory_space<vmem>>) target_semaphore(%arg11 : memref<!tpu.dma_semaphore, #tpu.memory_space<semaphore_mem>>)
    %dma_start3A_112 = tpu.memref_slice %arg3[%add3A_109] : memref<1048576xf32, #tpu.memory_space<hbm>> -> memref<8192xf32, #tpu.memory_space<hbm>>
    %dma_start3A_113 = tpu.memref_slice %arg3[%add3A_109] : memref<1048576xf32, #tpu.memory_space<hbm>> -> memref<8192xf32, #tpu.memory_space<hbm>>
    tpu.enqueue_dma source(%dma_start3A_113 : memref<8192xf32, #tpu.memory_space<hbm>>) target(%arg8 : memref<8192xf32, #tpu.memory_space<vmem>>) target_semaphore(%arg13 : memref<!tpu.dma_semaphore, #tpu.memory_space<semaphore_mem>>)
    %scan3A_114 = arith.constant 0 : i32
    %scan3A_115 = arith.constant 0 : i32
    %scan3A_116 = arith.constant 64 : i32
    %scan3A_117 = arith.addi %scan3A_115, %scan3A_116 : i32
    %scan3A_118 = arith.constant 1 : i32
    %scan3A_119 = scf.for %scan3A_340 = %scan3A_115 to %scan3A_117 step %scan3A_118 iter_args(%scan3A_341 = %scan3A_114) -> (i32)  : i32 {
      %mul3A_342 = arith.constant 8 : i32
      %mul3A_343 = arith.muli %scan3A_340, %mul3A_342 : i32
      %add3A_344 = arith.constant 0 : i32
      %add3A_345 = arith.addi %mul3A_343, %add3A_344 : i32
      %mul3A_346 = arith.constant 16 : i32
      %mul3A_347 = arith.muli %add3A_345, %mul3A_346 : i32
      %get3A = arith.index_cast %mul3A_347 : i32 to index
      %get3A_348 = tpu.vector_load %arg7[%get3A] {strides = array<i32>} : memref<8192xi32, #tpu.memory_space<vmem>>, vector<16xi32>,
      %mul3A_349 = arith.constant 8 : i32
      %mul3A_350 = arith.muli %scan3A_340, %mul3A_349 : i32
      %add3A_351 = arith.constant 1 : i32
      %add3A_352 = arith.addi %mul3A_350, %add3A_351 : i32
      %mul3A_353 = arith.constant 16 : i32
      %mul3A_354 = arith.muli %add3A_352, %mul3A_353 : i32
      %get3A_355 = arith.index_cast %mul3A_354 : i32 to index
      %get3A_356 = tpu.vector_load %arg7[%get3A_355] {strides = array<i32>} : memref<8192xi32, #tpu.memory_space<vmem>>, vector<16xi32>,
      %mul3A_357 = arith.constant 8 : i32
      %mul3A_358 = arith.muli %scan3A_340, %mul3A_357 : i32
      %add3A_359 = arith.constant 2 : i32
      %add3A_360 = arith.addi %mul3A_358, %add3A_359 : i32
      %mul3A_361 = arith.constant 16 : i32
      %mul3A_362 = arith.muli %add3A_360, %mul3A_361 : i32
      %get3A_363 = arith.index_cast %mul3A_362 : i32 to index
      %get3A_364 = tpu.vector_load %arg7[%get3A_363] {strides = array<i32>} : memref<8192xi32, #tpu.memory_space<vmem>>, vector<16xi32>,
      %mul3A_365 = arith.constant 8 : i32
      %mul3A_366 = arith.muli %scan3A_340, %mul3A_365 : i32
      %add3A_367 = arith.constant 3 : i32
      %add3A_368 = arith.addi %mul3A_366, %add3A_367 : i32
      %mul3A_369 = arith.constant 16 : i32
      %mul3A_370 = arith.muli %add3A_368, %mul3A_369 : i32
      %get3A_371 = arith.index_cast %mul3A_370 : i32 to index
      %get3A_372 = tpu.vector_load %arg7[%get3A_371] {strides = array<i32>} : memref<8192xi32, #tpu.memory_space<vmem>>, vector<16xi32>,
      %mul3A_373 = arith.constant 8 : i32
      %mul3A_374 = arith.muli %scan3A_340, %mul3A_373 : i32
      %add3A_375 = arith.constant 4 : i32
      %add3A_376 = arith.addi %mul3A_374, %add3A_375 : i32
      %mul3A_377 = arith.constant 16 : i32
      %mul3A_378 = arith.muli %add3A_376, %mul3A_377 : i32
      %get3A_379 = arith.index_cast %mul3A_378 : i32 to index
      %get3A_380 = tpu.vector_load %arg7[%get3A_379] {strides = array<i32>} : memref<8192xi32, #tpu.memory_space<vmem>>, vector<16xi32>,
      %mul3A_381 = arith.constant 8 : i32
      %mul3A_382 = arith.muli %scan3A_340, %mul3A_381 : i32
      %add3A_383 = arith.constant 5 : i32
      %add3A_384 = arith.addi %mul3A_382, %add3A_383 : i32
      %mul3A_385 = arith.constant 16 : i32
      %mul3A_386 = arith.muli %add3A_384, %mul3A_385 : i32
      %get3A_387 = arith.index_cast %mul3A_386 : i32 to index
      %get3A_388 = tpu.vector_load %arg7[%get3A_387] {strides = array<i32>} : memref<8192xi32, #tpu.memory_space<vmem>>, vector<16xi32>,
      %mul3A_389 = arith.constant 8 : i32
      %mul3A_390 = arith.muli %scan3A_340, %mul3A_389 : i32
      %add3A_391 = arith.constant 6 : i32
      %add3A_392 = arith.addi %mul3A_390, %add3A_391 : i32
      %mul3A_393 = arith.constant 16 : i32
      %mul3A_394 = arith.muli %add3A_392, %mul3A_393 : i32
      %get3A_395 = arith.index_cast %mul3A_394 : i32 to index
      %get3A_396 = tpu.vector_load %arg7[%get3A_395] {strides = array<i32>} : memref<8192xi32, #tpu.memory_space<vmem>>, vector<16xi32>,
      %mul3A_397 = arith.constant 8 : i32
      %mul3A_398 = arith.muli %scan3A_340, %mul3A_397 : i32
      %add3A_399 = arith.constant 7 : i32
      %add3A_400 = arith.addi %mul3A_398, %add3A_399 : i32
      %mul3A_401 = arith.constant 16 : i32
      %mul3A_402 = arith.muli %add3A_400, %mul3A_401 : i32
      %get3A_403 = arith.index_cast %mul3A_402 : i32 to index
      %get3A_404 = tpu.vector_load %arg7[%get3A_403] {strides = array<i32>} : memref<8192xi32, #tpu.memory_space<vmem>>, vector<16xi32>,
      %mul3A_405 = arith.constant 8 : i32
      %mul3A_406 = arith.muli %scan3A_340, %mul3A_405 : i32
      %add3A_407 = arith.constant 0 : i32
      %add3A_408 = arith.addi %mul3A_406, %add3A_407 : i32
      %mul3A_409 = arith.constant 16 : i32
      %mul3A_410 = arith.muli %add3A_408, %mul3A_409 : i32
      %get3A_411 = arith.index_cast %mul3A_410 : i32 to index
      %get3A_412 = tpu.vector_load %arg9[%get3A_411] {strides = array<i32>} : memref<8192xf32, #tpu.memory_space<vmem>>, vector<16xf32>,
      %mul3A_413 = arith.constant 8 : i32
      %mul3A_414 = arith.muli %scan3A_340, %mul3A_413 : i32
      %add3A_415 = arith.constant 1 : i32
      %add3A_416 = arith.addi %mul3A_414, %add3A_415 : i32
      %mul3A_417 = arith.constant 16 : i32
      %mul3A_418 = arith.muli %add3A_416, %mul3A_417 : i32
      %get3A_419 = arith.index_cast %mul3A_418 : i32 to index
      %get3A_420 = tpu.vector_load %arg9[%get3A_419] {strides = array<i32>} : memref<8192xf32, #tpu.memory_space<vmem>>, vector<16xf32>,
      %mul3A_421 = arith.constant 8 : i32
      %mul3A_422 = arith.muli %scan3A_340, %mul3A_421 : i32
      %add3A_423 = arith.constant 2 : i32
      %add3A_424 = arith.addi %mul3A_422, %add3A_423 : i32
      %mul3A_425 = arith.constant 16 : i32
      %mul3A_426 = arith.muli %add3A_424, %mul3A_425 : i32
      %get3A_427 = arith.index_cast %mul3A_426 : i32 to index
      %get3A_428 = tpu.vector_load %arg9[%get3A_427] {strides = array<i32>} : memref<8192xf32, #tpu.memory_space<vmem>>, vector<16xf32>,
      %mul3A_429 = arith.constant 8 : i32
      %mul3A_430 = arith.muli %scan3A_340, %mul3A_429 : i32
      %add3A_431 = arith.constant 3 : i32
      %add3A_432 = arith.addi %mul3A_430, %add3A_431 : i32
      %mul3A_433 = arith.constant 16 : i32
      %mul3A_434 = arith.muli %add3A_432, %mul3A_433 : i32
      %get3A_435 = arith.index_cast %mul3A_434 : i32 to index
      %get3A_436 = tpu.vector_load %arg9[%get3A_435] {strides = array<i32>} : memref<8192xf32, #tpu.memory_space<vmem>>, vector<16xf32>,
      %mul3A_437 = arith.constant 8 : i32
      %mul3A_438 = arith.muli %scan3A_340, %mul3A_437 : i32
      %add3A_439 = arith.constant 4 : i32
      %add3A_440 = arith.addi %mul3A_438, %add3A_439 : i32
      %mul3A_441 = arith.constant 16 : i32
      %mul3A_442 = arith.muli %add3A_440, %mul3A_441 : i32
      %get3A_443 = arith.index_cast %mul3A_442 : i32 to index
      %get3A_444 = tpu.vector_load %arg9[%get3A_443] {strides = array<i32>} : memref<8192xf32, #tpu.memory_space<vmem>>, vector<16xf32>,
      %mul3A_445 = arith.constant 8 : i32
      %mul3A_446 = arith.muli %scan3A_340, %mul3A_445 : i32
      %add3A_447 = arith.constant 5 : i32
      %add3A_448 = arith.addi %mul3A_446, %add3A_447 : i32
      %mul3A_449 = arith.constant 16 : i32
      %mul3A_450 = arith.muli %add3A_448, %mul3A_449 : i32
      %get3A_451 = arith.index_cast %mul3A_450 : i32 to index
      %get3A_452 = tpu.vector_load %arg9[%get3A_451] {strides = array<i32>} : memref<8192xf32, #tpu.memory_space<vmem>>, vector<16xf32>,
      %mul3A_453 = arith.constant 8 : i32
      %mul3A_454 = arith.muli %scan3A_340, %mul3A_453 : i32
      %add3A_455 = arith.constant 6 : i32
      %add3A_456 = arith.addi %mul3A_454, %add3A_455 : i32
      %mul3A_457 = arith.constant 16 : i32
      %mul3A_458 = arith.muli %add3A_456, %mul3A_457 : i32
      %get3A_459 = arith.index_cast %mul3A_458 : i32 to index
      %get3A_460 = tpu.vector_load %arg9[%get3A_459] {strides = array<i32>} : memref<8192xf32, #tpu.memory_space<vmem>>, vector<16xf32>,
      %mul3A_461 = arith.constant 8 : i32
      %mul3A_462 = arith.muli %scan3A_340, %mul3A_461 : i32
      %add3A_463 = arith.constant 7 : i32
      %add3A_464 = arith.addi %mul3A_462, %add3A_463 : i32
      %mul3A_465 = arith.constant 16 : i32
      %mul3A_466 = arith.muli %add3A_464, %mul3A_465 : i32
      %get3A_467 = arith.index_cast %mul3A_466 : i32 to index
      %get3A_468 = tpu.vector_load %arg9[%get3A_467] {strides = array<i32>} : memref<8192xf32, #tpu.memory_space<vmem>>, vector<16xf32>,
      %sub3A_469 = vector.broadcast %mul3A_40 : i32 to vector<16xi32>
      %sub3A_470 = arith.subi %get3A_348, %sub3A_469 : vector<16xi32>
      %ge3A = arith.constant 0 : i32
      %ge3A_471 = vector.broadcast %ge3A : i32 to vector<16xi32>
      %ge3A_472 = arith.cmpi sge, %sub3A_470, %ge3A_471 : vector<16xi32>
      %lt3A_473 = arith.constant 65536 : i32
      %lt3A_474 = vector.broadcast %lt3A_473 : i32 to vector<16xi32>
      %lt3A_475 = arith.cmpi slt, %sub3A_470, %lt3A_474 : vector<16xi32>
      %and3A_476 = arith.andi %ge3A_472, %lt3A_475 : vector<16xi1>
      tpu.vector_store_idx %arg5[%sub3A_470], %get3A_412 masked %and3A_476 : memref<65536xf32, #tpu.memory_space<vmem>>[vector<16xi32>], vector<16xf32>, vector<16xi1>
      %sub3A_477 = vector.broadcast %mul3A_40 : i32 to vector<16xi32>
      %sub3A_478 = arith.subi %get3A_356, %sub3A_477 : vector<16xi32>
      %ge3A_479 = arith.constant 0 : i32
      %ge3A_480 = vector.broadcast %ge3A_479 : i32 to vector<16xi32>
      %ge3A_481 = arith.cmpi sge, %sub3A_478, %ge3A_480 : vector<16xi32>
      %lt3A_482 = arith.constant 65536 : i32
      %lt3A_483 = vector.broadcast %lt3A_482 : i32 to vector<16xi32>
      %lt3A_484 = arith.cmpi slt, %sub3A_478, %lt3A_483 : vector<16xi32>
      %and3A_485 = arith.andi %ge3A_481, %lt3A_484 : vector<16xi1>
      tpu.vector_store_idx %arg5[%sub3A_478], %get3A_420 masked %and3A_485 : memref<65536xf32, #tpu.memory_space<vmem>>[vector<16xi32>], vector<16xf32>, vector<16xi1>
      %sub3A_486 = vector.broadcast %mul3A_40 : i32 to vector<16xi32>
      %sub3A_487 = arith.subi %get3A_364, %sub3A_486 : vector<16xi32>
      %ge3A_488 = arith.constant 0 : i32
      %ge3A_489 = vector.broadcast %ge3A_488 : i32 to vector<16xi32>
      %ge3A_490 = arith.cmpi sge, %sub3A_487, %ge3A_489 : vector<16xi32>
      %lt3A_491 = arith.constant 65536 : i32
      %lt3A_492 = vector.broadcast %lt3A_491 : i32 to vector<16xi32>
      %lt3A_493 = arith.cmpi slt, %sub3A_487, %lt3A_492 : vector<16xi32>
      %and3A_494 = arith.andi %ge3A_490, %lt3A_493 : vector<16xi1>
      tpu.vector_store_idx %arg5[%sub3A_487], %get3A_428 masked %and3A_494 : memref<65536xf32, #tpu.memory_space<vmem>>[vector<16xi32>], vector<16xf32>, vector<16xi1>
      %sub3A_495 = vector.broadcast %mul3A_40 : i32 to vector<16xi32>
      %sub3A_496 = arith.subi %get3A_372, %sub3A_495 : vector<16xi32>
      %ge3A_497 = arith.constant 0 : i32
      %ge3A_498 = vector.broadcast %ge3A_497 : i32 to vector<16xi32>
      %ge3A_499 = arith.cmpi sge, %sub3A_496, %ge3A_498 : vector<16xi32>
      %lt3A_500 = arith.constant 65536 : i32
      %lt3A_501 = vector.broadcast %lt3A_500 : i32 to vector<16xi32>
      %lt3A_502 = arith.cmpi slt, %sub3A_496, %lt3A_501 : vector<16xi32>
      %and3A_503 = arith.andi %ge3A_499, %lt3A_502 : vector<16xi1>
      tpu.vector_store_idx %arg5[%sub3A_496], %get3A_436 masked %and3A_503 : memref<65536xf32, #tpu.memory_space<vmem>>[vector<16xi32>], vector<16xf32>, vector<16xi1>
      %sub3A_504 = vector.broadcast %mul3A_40 : i32 to vector<16xi32>
      %sub3A_505 = arith.subi %get3A_380, %sub3A_504 : vector<16xi32>
      %ge3A_506 = arith.constant 0 : i32
      %ge3A_507 = vector.broadcast %ge3A_506 : i32 to vector<16xi32>
      %ge3A_508 = arith.cmpi sge, %sub3A_505, %ge3A_507 : vector<16xi32>
      %lt3A_509 = arith.constant 65536 : i32
      %lt3A_510 = vector.broadcast %lt3A_509 : i32 to vector<16xi32>
      %lt3A_511 = arith.cmpi slt, %sub3A_505, %lt3A_510 : vector<16xi32>
      %and3A_512 = arith.andi %ge3A_508, %lt3A_511 : vector<16xi1>
      tpu.vector_store_idx %arg5[%sub3A_505], %get3A_444 masked %and3A_512 : memref<65536xf32, #tpu.memory_space<vmem>>[vector<16xi32>], vector<16xf32>, vector<16xi1>
      %sub3A_513 = vector.broadcast %mul3A_40 : i32 to vector<16xi32>
      %sub3A_514 = arith.subi %get3A_388, %sub3A_513 : vector<16xi32>
      %ge3A_515 = arith.constant 0 : i32
      %ge3A_516 = vector.broadcast %ge3A_515 : i32 to vector<16xi32>
      %ge3A_517 = arith.cmpi sge, %sub3A_514, %ge3A_516 : vector<16xi32>
      %lt3A_518 = arith.constant 65536 : i32
      %lt3A_519 = vector.broadcast %lt3A_518 : i32 to vector<16xi32>
      %lt3A_520 = arith.cmpi slt, %sub3A_514, %lt3A_519 : vector<16xi32>
      %and3A_521 = arith.andi %ge3A_517, %lt3A_520 : vector<16xi1>
      tpu.vector_store_idx %arg5[%sub3A_514], %get3A_452 masked %and3A_521 : memref<65536xf32, #tpu.memory_space<vmem>>[vector<16xi32>], vector<16xf32>, vector<16xi1>
      %sub3A_522 = vector.broadcast %mul3A_40 : i32 to vector<16xi32>
      %sub3A_523 = arith.subi %get3A_396, %sub3A_522 : vector<16xi32>
      %ge3A_524 = arith.constant 0 : i32
      %ge3A_525 = vector.broadcast %ge3A_524 : i32 to vector<16xi32>
      %ge3A_526 = arith.cmpi sge, %sub3A_523, %ge3A_525 : vector<16xi32>
      %lt3A_527 = arith.constant 65536 : i32
      %lt3A_528 = vector.broadcast %lt3A_527 : i32 to vector<16xi32>
      %lt3A_529 = arith.cmpi slt, %sub3A_523, %lt3A_528 : vector<16xi32>
      %and3A_530 = arith.andi %ge3A_526, %lt3A_529 : vector<16xi1>
      tpu.vector_store_idx %arg5[%sub3A_523], %get3A_460 masked %and3A_530 : memref<65536xf32, #tpu.memory_space<vmem>>[vector<16xi32>], vector<16xf32>, vector<16xi1>
      %sub3A_531 = vector.broadcast %mul3A_40 : i32 to vector<16xi32>
      %sub3A_532 = arith.subi %get3A_404, %sub3A_531 : vector<16xi32>
      %ge3A_533 = arith.constant 0 : i32
      %ge3A_534 = vector.broadcast %ge3A_533 : i32 to vector<16xi32>
      %ge3A_535 = arith.cmpi sge, %sub3A_532, %ge3A_534 : vector<16xi32>
      %lt3A_536 = arith.constant 65536 : i32
      %lt3A_537 = vector.broadcast %lt3A_536 : i32 to vector<16xi32>
      %lt3A_538 = arith.cmpi slt, %sub3A_532, %lt3A_537 : vector<16xi32>
      %and3A_539 = arith.andi %ge3A_535, %lt3A_538 : vector<16xi1>
      tpu.vector_store_idx %arg5[%sub3A_532], %get3A_468 masked %and3A_539 : memref<65536xf32, #tpu.memory_space<vmem>>[vector<16xi32>], vector<16xf32>, vector<16xi1>
      %scan3A_540 = arith.constant 0 : i32
      scf.yield %scan3A_540 : i32
    }
    %scan3A_120 = arith.constant 64 : i32
    %dma_wait3A_121 = tpu.memref_slice %arg2[%add3A_109] : memref<1048576xi32, #tpu.memory_space<hbm>> -> memref<8192xi32, #tpu.memory_space<hbm>>
    %dma_wait3A_122 = tpu.memref_slice %arg2[%add3A_109] : memref<1048576xi32, #tpu.memory_space<hbm>> -> memref<8192xi32, #tpu.memory_space<hbm>>
    tpu.wait_dma2 semaphore(%arg11 : memref<!tpu.dma_semaphore, #tpu.memory_space<semaphore_mem>>) src(%dma_wait3A_122 : memref<8192xi32, #tpu.memory_space<hbm>>) dst(%arg6 : memref<8192xi32, #tpu.memory_space<vmem>>)
    %dma_wait3A_123 = tpu.memref_slice %arg3[%add3A_109] : memref<1048576xf32, #tpu.memory_space<hbm>> -> memref<8192xf32, #tpu.memory_space<hbm>>
    %dma_wait3A_124 = tpu.memref_slice %arg3[%add3A_109] : memref<1048576xf32, #tpu.memory_space<hbm>> -> memref<8192xf32, #tpu.memory_space<hbm>>
    tpu.wait_dma2 semaphore(%arg13 : memref<!tpu.dma_semaphore, #tpu.memory_space<semaphore_mem>>) src(%dma_wait3A_124 : memref<8192xf32, #tpu.memory_space<hbm>>) dst(%arg8 : memref<8192xf32, #tpu.memory_space<vmem>>)
    %add3A_125 = arith.constant 40960 : i32
    %add3A_126 = arith.addi %mul3A_34, %add3A_125 : i32
    %dma_start3A_127 = tpu.memref_slice %arg2[%add3A_126] : memref<1048576xi32, #tpu.memory_space<hbm>> -> memref<8192xi32, #tpu.memory_space<hbm>>
    %dma_start3A_128 = tpu.memref_slice %arg2[%add3A_126] : memref<1048576xi32, #tpu.memory_space<hbm>> -> memref<8192xi32, #tpu.memory_space<hbm>>
    tpu.enqueue_dma source(%dma_start3A_128 : memref<8192xi32, #tpu.memory_space<hbm>>) target(%arg7 : memref<8192xi32, #tpu.memory_space<vmem>>) target_semaphore(%arg12 : memref<!tpu.dma_semaphore, #tpu.memory_space<semaphore_mem>>)
    %dma_start3A_129 = tpu.memref_slice %arg3[%add3A_126] : memref<1048576xf32, #tpu.memory_space<hbm>> -> memref<8192xf32, #tpu.memory_space<hbm>>
    %dma_start3A_130 = tpu.memref_slice %arg3[%add3A_126] : memref<1048576xf32, #tpu.memory_space<hbm>> -> memref<8192xf32, #tpu.memory_space<hbm>>
    tpu.enqueue_dma source(%dma_start3A_130 : memref<8192xf32, #tpu.memory_space<hbm>>) target(%arg9 : memref<8192xf32, #tpu.memory_space<vmem>>) target_semaphore(%arg14 : memref<!tpu.dma_semaphore, #tpu.memory_space<semaphore_mem>>)
    %scan3A_131 = arith.constant 0 : i32
    %scan3A_132 = arith.constant 0 : i32
    %scan3A_133 = arith.constant 64 : i32
    %scan3A_134 = arith.addi %scan3A_132, %scan3A_133 : i32
    %scan3A_135 = arith.constant 1 : i32
    %scan3A_136 = scf.for %scan3A_340 = %scan3A_132 to %scan3A_134 step %scan3A_135 iter_args(%scan3A_341 = %scan3A_131) -> (i32)  : i32 {
      %mul3A_342 = arith.constant 8 : i32
      %mul3A_343 = arith.muli %scan3A_340, %mul3A_342 : i32
      %add3A_344 = arith.constant 0 : i32
      %add3A_345 = arith.addi %mul3A_343, %add3A_344 : i32
      %mul3A_346 = arith.constant 16 : i32
      %mul3A_347 = arith.muli %add3A_345, %mul3A_346 : i32
      %get3A = arith.index_cast %mul3A_347 : i32 to index
      %get3A_348 = tpu.vector_load %arg6[%get3A] {strides = array<i32>} : memref<8192xi32, #tpu.memory_space<vmem>>, vector<16xi32>,
      %mul3A_349 = arith.constant 8 : i32
      %mul3A_350 = arith.muli %scan3A_340, %mul3A_349 : i32
      %add3A_351 = arith.constant 1 : i32
      %add3A_352 = arith.addi %mul3A_350, %add3A_351 : i32
      %mul3A_353 = arith.constant 16 : i32
      %mul3A_354 = arith.muli %add3A_352, %mul3A_353 : i32
      %get3A_355 = arith.index_cast %mul3A_354 : i32 to index
      %get3A_356 = tpu.vector_load %arg6[%get3A_355] {strides = array<i32>} : memref<8192xi32, #tpu.memory_space<vmem>>, vector<16xi32>,
      %mul3A_357 = arith.constant 8 : i32
      %mul3A_358 = arith.muli %scan3A_340, %mul3A_357 : i32
      %add3A_359 = arith.constant 2 : i32
      %add3A_360 = arith.addi %mul3A_358, %add3A_359 : i32
      %mul3A_361 = arith.constant 16 : i32
      %mul3A_362 = arith.muli %add3A_360, %mul3A_361 : i32
      %get3A_363 = arith.index_cast %mul3A_362 : i32 to index
      %get3A_364 = tpu.vector_load %arg6[%get3A_363] {strides = array<i32>} : memref<8192xi32, #tpu.memory_space<vmem>>, vector<16xi32>,
      %mul3A_365 = arith.constant 8 : i32
      %mul3A_366 = arith.muli %scan3A_340, %mul3A_365 : i32
      %add3A_367 = arith.constant 3 : i32
      %add3A_368 = arith.addi %mul3A_366, %add3A_367 : i32
      %mul3A_369 = arith.constant 16 : i32
      %mul3A_370 = arith.muli %add3A_368, %mul3A_369 : i32
      %get3A_371 = arith.index_cast %mul3A_370 : i32 to index
      %get3A_372 = tpu.vector_load %arg6[%get3A_371] {strides = array<i32>} : memref<8192xi32, #tpu.memory_space<vmem>>, vector<16xi32>,
      %mul3A_373 = arith.constant 8 : i32
      %mul3A_374 = arith.muli %scan3A_340, %mul3A_373 : i32
      %add3A_375 = arith.constant 4 : i32
      %add3A_376 = arith.addi %mul3A_374, %add3A_375 : i32
      %mul3A_377 = arith.constant 16 : i32
      %mul3A_378 = arith.muli %add3A_376, %mul3A_377 : i32
      %get3A_379 = arith.index_cast %mul3A_378 : i32 to index
      %get3A_380 = tpu.vector_load %arg6[%get3A_379] {strides = array<i32>} : memref<8192xi32, #tpu.memory_space<vmem>>, vector<16xi32>,
      %mul3A_381 = arith.constant 8 : i32
      %mul3A_382 = arith.muli %scan3A_340, %mul3A_381 : i32
      %add3A_383 = arith.constant 5 : i32
      %add3A_384 = arith.addi %mul3A_382, %add3A_383 : i32
      %mul3A_385 = arith.constant 16 : i32
      %mul3A_386 = arith.muli %add3A_384, %mul3A_385 : i32
      %get3A_387 = arith.index_cast %mul3A_386 : i32 to index
      %get3A_388 = tpu.vector_load %arg6[%get3A_387] {strides = array<i32>} : memref<8192xi32, #tpu.memory_space<vmem>>, vector<16xi32>,
      %mul3A_389 = arith.constant 8 : i32
      %mul3A_390 = arith.muli %scan3A_340, %mul3A_389 : i32
      %add3A_391 = arith.constant 6 : i32
      %add3A_392 = arith.addi %mul3A_390, %add3A_391 : i32
      %mul3A_393 = arith.constant 16 : i32
      %mul3A_394 = arith.muli %add3A_392, %mul3A_393 : i32
      %get3A_395 = arith.index_cast %mul3A_394 : i32 to index
      %get3A_396 = tpu.vector_load %arg6[%get3A_395] {strides = array<i32>} : memref<8192xi32, #tpu.memory_space<vmem>>, vector<16xi32>,
      %mul3A_397 = arith.constant 8 : i32
      %mul3A_398 = arith.muli %scan3A_340, %mul3A_397 : i32
      %add3A_399 = arith.constant 7 : i32
      %add3A_400 = arith.addi %mul3A_398, %add3A_399 : i32
      %mul3A_401 = arith.constant 16 : i32
      %mul3A_402 = arith.muli %add3A_400, %mul3A_401 : i32
      %get3A_403 = arith.index_cast %mul3A_402 : i32 to index
      %get3A_404 = tpu.vector_load %arg6[%get3A_403] {strides = array<i32>} : memref<8192xi32, #tpu.memory_space<vmem>>, vector<16xi32>,
      %mul3A_405 = arith.constant 8 : i32
      %mul3A_406 = arith.muli %scan3A_340, %mul3A_405 : i32
      %add3A_407 = arith.constant 0 : i32
      %add3A_408 = arith.addi %mul3A_406, %add3A_407 : i32
      %mul3A_409 = arith.constant 16 : i32
      %mul3A_410 = arith.muli %add3A_408, %mul3A_409 : i32
      %get3A_411 = arith.index_cast %mul3A_410 : i32 to index
      %get3A_412 = tpu.vector_load %arg8[%get3A_411] {strides = array<i32>} : memref<8192xf32, #tpu.memory_space<vmem>>, vector<16xf32>,
      %mul3A_413 = arith.constant 8 : i32
      %mul3A_414 = arith.muli %scan3A_340, %mul3A_413 : i32
      %add3A_415 = arith.constant 1 : i32
      %add3A_416 = arith.addi %mul3A_414, %add3A_415 : i32
      %mul3A_417 = arith.constant 16 : i32
      %mul3A_418 = arith.muli %add3A_416, %mul3A_417 : i32
      %get3A_419 = arith.index_cast %mul3A_418 : i32 to index
      %get3A_420 = tpu.vector_load %arg8[%get3A_419] {strides = array<i32>} : memref<8192xf32, #tpu.memory_space<vmem>>, vector<16xf32>,
      %mul3A_421 = arith.constant 8 : i32
      %mul3A_422 = arith.muli %scan3A_340, %mul3A_421 : i32
      %add3A_423 = arith.constant 2 : i32
      %add3A_424 = arith.addi %mul3A_422, %add3A_423 : i32
      %mul3A_425 = arith.constant 16 : i32
      %mul3A_426 = arith.muli %add3A_424, %mul3A_425 : i32
      %get3A_427 = arith.index_cast %mul3A_426 : i32 to index
      %get3A_428 = tpu.vector_load %arg8[%get3A_427] {strides = array<i32>} : memref<8192xf32, #tpu.memory_space<vmem>>, vector<16xf32>,
      %mul3A_429 = arith.constant 8 : i32
      %mul3A_430 = arith.muli %scan3A_340, %mul3A_429 : i32
      %add3A_431 = arith.constant 3 : i32
      %add3A_432 = arith.addi %mul3A_430, %add3A_431 : i32
      %mul3A_433 = arith.constant 16 : i32
      %mul3A_434 = arith.muli %add3A_432, %mul3A_433 : i32
      %get3A_435 = arith.index_cast %mul3A_434 : i32 to index
      %get3A_436 = tpu.vector_load %arg8[%get3A_435] {strides = array<i32>} : memref<8192xf32, #tpu.memory_space<vmem>>, vector<16xf32>,
      %mul3A_437 = arith.constant 8 : i32
      %mul3A_438 = arith.muli %scan3A_340, %mul3A_437 : i32
      %add3A_439 = arith.constant 4 : i32
      %add3A_440 = arith.addi %mul3A_438, %add3A_439 : i32
      %mul3A_441 = arith.constant 16 : i32
      %mul3A_442 = arith.muli %add3A_440, %mul3A_441 : i32
      %get3A_443 = arith.index_cast %mul3A_442 : i32 to index
      %get3A_444 = tpu.vector_load %arg8[%get3A_443] {strides = array<i32>} : memref<8192xf32, #tpu.memory_space<vmem>>, vector<16xf32>,
      %mul3A_445 = arith.constant 8 : i32
      %mul3A_446 = arith.muli %scan3A_340, %mul3A_445 : i32
      %add3A_447 = arith.constant 5 : i32
      %add3A_448 = arith.addi %mul3A_446, %add3A_447 : i32
      %mul3A_449 = arith.constant 16 : i32
      %mul3A_450 = arith.muli %add3A_448, %mul3A_449 : i32
      %get3A_451 = arith.index_cast %mul3A_450 : i32 to index
      %get3A_452 = tpu.vector_load %arg8[%get3A_451] {strides = array<i32>} : memref<8192xf32, #tpu.memory_space<vmem>>, vector<16xf32>,
      %mul3A_453 = arith.constant 8 : i32
      %mul3A_454 = arith.muli %scan3A_340, %mul3A_453 : i32
      %add3A_455 = arith.constant 6 : i32
      %add3A_456 = arith.addi %mul3A_454, %add3A_455 : i32
      %mul3A_457 = arith.constant 16 : i32
      %mul3A_458 = arith.muli %add3A_456, %mul3A_457 : i32
      %get3A_459 = arith.index_cast %mul3A_458 : i32 to index
      %get3A_460 = tpu.vector_load %arg8[%get3A_459] {strides = array<i32>} : memref<8192xf32, #tpu.memory_space<vmem>>, vector<16xf32>,
      %mul3A_461 = arith.constant 8 : i32
      %mul3A_462 = arith.muli %scan3A_340, %mul3A_461 : i32
      %add3A_463 = arith.constant 7 : i32
      %add3A_464 = arith.addi %mul3A_462, %add3A_463 : i32
      %mul3A_465 = arith.constant 16 : i32
      %mul3A_466 = arith.muli %add3A_464, %mul3A_465 : i32
      %get3A_467 = arith.index_cast %mul3A_466 : i32 to index
      %get3A_468 = tpu.vector_load %arg8[%get3A_467] {strides = array<i32>} : memref<8192xf32, #tpu.memory_space<vmem>>, vector<16xf32>,
      %sub3A_469 = vector.broadcast %mul3A_40 : i32 to vector<16xi32>
      %sub3A_470 = arith.subi %get3A_348, %sub3A_469 : vector<16xi32>
      %ge3A = arith.constant 0 : i32
      %ge3A_471 = vector.broadcast %ge3A : i32 to vector<16xi32>
      %ge3A_472 = arith.cmpi sge, %sub3A_470, %ge3A_471 : vector<16xi32>
      %lt3A_473 = arith.constant 65536 : i32
      %lt3A_474 = vector.broadcast %lt3A_473 : i32 to vector<16xi32>
      %lt3A_475 = arith.cmpi slt, %sub3A_470, %lt3A_474 : vector<16xi32>
      %and3A_476 = arith.andi %ge3A_472, %lt3A_475 : vector<16xi1>
      tpu.vector_store_idx %arg5[%sub3A_470], %get3A_412 masked %and3A_476 : memref<65536xf32, #tpu.memory_space<vmem>>[vector<16xi32>], vector<16xf32>, vector<16xi1>
      %sub3A_477 = vector.broadcast %mul3A_40 : i32 to vector<16xi32>
      %sub3A_478 = arith.subi %get3A_356, %sub3A_477 : vector<16xi32>
      %ge3A_479 = arith.constant 0 : i32
      %ge3A_480 = vector.broadcast %ge3A_479 : i32 to vector<16xi32>
      %ge3A_481 = arith.cmpi sge, %sub3A_478, %ge3A_480 : vector<16xi32>
      %lt3A_482 = arith.constant 65536 : i32
      %lt3A_483 = vector.broadcast %lt3A_482 : i32 to vector<16xi32>
      %lt3A_484 = arith.cmpi slt, %sub3A_478, %lt3A_483 : vector<16xi32>
      %and3A_485 = arith.andi %ge3A_481, %lt3A_484 : vector<16xi1>
      tpu.vector_store_idx %arg5[%sub3A_478], %get3A_420 masked %and3A_485 : memref<65536xf32, #tpu.memory_space<vmem>>[vector<16xi32>], vector<16xf32>, vector<16xi1>
      %sub3A_486 = vector.broadcast %mul3A_40 : i32 to vector<16xi32>
      %sub3A_487 = arith.subi %get3A_364, %sub3A_486 : vector<16xi32>
      %ge3A_488 = arith.constant 0 : i32
      %ge3A_489 = vector.broadcast %ge3A_488 : i32 to vector<16xi32>
      %ge3A_490 = arith.cmpi sge, %sub3A_487, %ge3A_489 : vector<16xi32>
      %lt3A_491 = arith.constant 65536 : i32
      %lt3A_492 = vector.broadcast %lt3A_491 : i32 to vector<16xi32>
      %lt3A_493 = arith.cmpi slt, %sub3A_487, %lt3A_492 : vector<16xi32>
      %and3A_494 = arith.andi %ge3A_490, %lt3A_493 : vector<16xi1>
      tpu.vector_store_idx %arg5[%sub3A_487], %get3A_428 masked %and3A_494 : memref<65536xf32, #tpu.memory_space<vmem>>[vector<16xi32>], vector<16xf32>, vector<16xi1>
      %sub3A_495 = vector.broadcast %mul3A_40 : i32 to vector<16xi32>
      %sub3A_496 = arith.subi %get3A_372, %sub3A_495 : vector<16xi32>
      %ge3A_497 = arith.constant 0 : i32
      %ge3A_498 = vector.broadcast %ge3A_497 : i32 to vector<16xi32>
      %ge3A_499 = arith.cmpi sge, %sub3A_496, %ge3A_498 : vector<16xi32>
      %lt3A_500 = arith.constant 65536 : i32
      %lt3A_501 = vector.broadcast %lt3A_500 : i32 to vector<16xi32>
      %lt3A_502 = arith.cmpi slt, %sub3A_496, %lt3A_501 : vector<16xi32>
      %and3A_503 = arith.andi %ge3A_499, %lt3A_502 : vector<16xi1>
      tpu.vector_store_idx %arg5[%sub3A_496], %get3A_436 masked %and3A_503 : memref<65536xf32, #tpu.memory_space<vmem>>[vector<16xi32>], vector<16xf32>, vector<16xi1>
      %sub3A_504 = vector.broadcast %mul3A_40 : i32 to vector<16xi32>
      %sub3A_505 = arith.subi %get3A_380, %sub3A_504 : vector<16xi32>
      %ge3A_506 = arith.constant 0 : i32
      %ge3A_507 = vector.broadcast %ge3A_506 : i32 to vector<16xi32>
      %ge3A_508 = arith.cmpi sge, %sub3A_505, %ge3A_507 : vector<16xi32>
      %lt3A_509 = arith.constant 65536 : i32
      %lt3A_510 = vector.broadcast %lt3A_509 : i32 to vector<16xi32>
      %lt3A_511 = arith.cmpi slt, %sub3A_505, %lt3A_510 : vector<16xi32>
      %and3A_512 = arith.andi %ge3A_508, %lt3A_511 : vector<16xi1>
      tpu.vector_store_idx %arg5[%sub3A_505], %get3A_444 masked %and3A_512 : memref<65536xf32, #tpu.memory_space<vmem>>[vector<16xi32>], vector<16xf32>, vector<16xi1>
      %sub3A_513 = vector.broadcast %mul3A_40 : i32 to vector<16xi32>
      %sub3A_514 = arith.subi %get3A_388, %sub3A_513 : vector<16xi32>
      %ge3A_515 = arith.constant 0 : i32
      %ge3A_516 = vector.broadcast %ge3A_515 : i32 to vector<16xi32>
      %ge3A_517 = arith.cmpi sge, %sub3A_514, %ge3A_516 : vector<16xi32>
      %lt3A_518 = arith.constant 65536 : i32
      %lt3A_519 = vector.broadcast %lt3A_518 : i32 to vector<16xi32>
      %lt3A_520 = arith.cmpi slt, %sub3A_514, %lt3A_519 : vector<16xi32>
      %and3A_521 = arith.andi %ge3A_517, %lt3A_520 : vector<16xi1>
      tpu.vector_store_idx %arg5[%sub3A_514], %get3A_452 masked %and3A_521 : memref<65536xf32, #tpu.memory_space<vmem>>[vector<16xi32>], vector<16xf32>, vector<16xi1>
      %sub3A_522 = vector.broadcast %mul3A_40 : i32 to vector<16xi32>
      %sub3A_523 = arith.subi %get3A_396, %sub3A_522 : vector<16xi32>
      %ge3A_524 = arith.constant 0 : i32
      %ge3A_525 = vector.broadcast %ge3A_524 : i32 to vector<16xi32>
      %ge3A_526 = arith.cmpi sge, %sub3A_523, %ge3A_525 : vector<16xi32>
      %lt3A_527 = arith.constant 65536 : i32
      %lt3A_528 = vector.broadcast %lt3A_527 : i32 to vector<16xi32>
      %lt3A_529 = arith.cmpi slt, %sub3A_523, %lt3A_528 : vector<16xi32>
      %and3A_530 = arith.andi %ge3A_526, %lt3A_529 : vector<16xi1>
      tpu.vector_store_idx %arg5[%sub3A_523], %get3A_460 masked %and3A_530 : memref<65536xf32, #tpu.memory_space<vmem>>[vector<16xi32>], vector<16xf32>, vector<16xi1>
      %sub3A_531 = vector.broadcast %mul3A_40 : i32 to vector<16xi32>
      %sub3A_532 = arith.subi %get3A_404, %sub3A_531 : vector<16xi32>
      %ge3A_533 = arith.constant 0 : i32
      %ge3A_534 = vector.broadcast %ge3A_533 : i32 to vector<16xi32>
      %ge3A_535 = arith.cmpi sge, %sub3A_532, %ge3A_534 : vector<16xi32>
      %lt3A_536 = arith.constant 65536 : i32
      %lt3A_537 = vector.broadcast %lt3A_536 : i32 to vector<16xi32>
      %lt3A_538 = arith.cmpi slt, %sub3A_532, %lt3A_537 : vector<16xi32>
      %and3A_539 = arith.andi %ge3A_535, %lt3A_538 : vector<16xi1>
      tpu.vector_store_idx %arg5[%sub3A_532], %get3A_468 masked %and3A_539 : memref<65536xf32, #tpu.memory_space<vmem>>[vector<16xi32>], vector<16xf32>, vector<16xi1>
      %scan3A_540 = arith.constant 0 : i32
      scf.yield %scan3A_540 : i32
    }
    %scan3A_137 = arith.constant 64 : i32
    %dma_wait3A_138 = tpu.memref_slice %arg2[%add3A_126] : memref<1048576xi32, #tpu.memory_space<hbm>> -> memref<8192xi32, #tpu.memory_space<hbm>>
    %dma_wait3A_139 = tpu.memref_slice %arg2[%add3A_126] : memref<1048576xi32, #tpu.memory_space<hbm>> -> memref<8192xi32, #tpu.memory_space<hbm>>
    tpu.wait_dma2 semaphore(%arg12 : memref<!tpu.dma_semaphore, #tpu.memory_space<semaphore_mem>>) src(%dma_wait3A_139 : memref<8192xi32, #tpu.memory_space<hbm>>) dst(%arg7 : memref<8192xi32, #tpu.memory_space<vmem>>)
    %dma_wait3A_140 = tpu.memref_slice %arg3[%add3A_126] : memref<1048576xf32, #tpu.memory_space<hbm>> -> memref<8192xf32, #tpu.memory_space<hbm>>
    %dma_wait3A_141 = tpu.memref_slice %arg3[%add3A_126] : memref<1048576xf32, #tpu.memory_space<hbm>> -> memref<8192xf32, #tpu.memory_space<hbm>>
    tpu.wait_dma2 semaphore(%arg14 : memref<!tpu.dma_semaphore, #tpu.memory_space<semaphore_mem>>) src(%dma_wait3A_141 : memref<8192xf32, #tpu.memory_space<hbm>>) dst(%arg9 : memref<8192xf32, #tpu.memory_space<vmem>>)
    %add3A_142 = arith.constant 49152 : i32
    %add3A_143 = arith.addi %mul3A_34, %add3A_142 : i32
    %dma_start3A_144 = tpu.memref_slice %arg2[%add3A_143] : memref<1048576xi32, #tpu.memory_space<hbm>> -> memref<8192xi32, #tpu.memory_space<hbm>>
    %dma_start3A_145 = tpu.memref_slice %arg2[%add3A_143] : memref<1048576xi32, #tpu.memory_space<hbm>> -> memref<8192xi32, #tpu.memory_space<hbm>>
    tpu.enqueue_dma source(%dma_start3A_145 : memref<8192xi32, #tpu.memory_space<hbm>>) target(%arg6 : memref<8192xi32, #tpu.memory_space<vmem>>) target_semaphore(%arg11 : memref<!tpu.dma_semaphore, #tpu.memory_space<semaphore_mem>>)
    %dma_start3A_146 = tpu.memref_slice %arg3[%add3A_143] : memref<1048576xf32, #tpu.memory_space<hbm>> -> memref<8192xf32, #tpu.memory_space<hbm>>
    %dma_start3A_147 = tpu.memref_slice %arg3[%add3A_143] : memref<1048576xf32, #tpu.memory_space<hbm>> -> memref<8192xf32, #tpu.memory_space<hbm>>
    tpu.enqueue_dma source(%dma_start3A_147 : memref<8192xf32, #tpu.memory_space<hbm>>) target(%arg8 : memref<8192xf32, #tpu.memory_space<vmem>>) target_semaphore(%arg13 : memref<!tpu.dma_semaphore, #tpu.memory_space<semaphore_mem>>)
    %scan3A_148 = arith.constant 0 : i32
    %scan3A_149 = arith.constant 0 : i32
    %scan3A_150 = arith.constant 64 : i32
    %scan3A_151 = arith.addi %scan3A_149, %scan3A_150 : i32
    %scan3A_152 = arith.constant 1 : i32
    %scan3A_153 = scf.for %scan3A_340 = %scan3A_149 to %scan3A_151 step %scan3A_152 iter_args(%scan3A_341 = %scan3A_148) -> (i32)  : i32 {
      %mul3A_342 = arith.constant 8 : i32
      %mul3A_343 = arith.muli %scan3A_340, %mul3A_342 : i32
      %add3A_344 = arith.constant 0 : i32
      %add3A_345 = arith.addi %mul3A_343, %add3A_344 : i32
      %mul3A_346 = arith.constant 16 : i32
      %mul3A_347 = arith.muli %add3A_345, %mul3A_346 : i32
      %get3A = arith.index_cast %mul3A_347 : i32 to index
      %get3A_348 = tpu.vector_load %arg7[%get3A] {strides = array<i32>} : memref<8192xi32, #tpu.memory_space<vmem>>, vector<16xi32>,
      %mul3A_349 = arith.constant 8 : i32
      %mul3A_350 = arith.muli %scan3A_340, %mul3A_349 : i32
      %add3A_351 = arith.constant 1 : i32
      %add3A_352 = arith.addi %mul3A_350, %add3A_351 : i32
      %mul3A_353 = arith.constant 16 : i32
      %mul3A_354 = arith.muli %add3A_352, %mul3A_353 : i32
      %get3A_355 = arith.index_cast %mul3A_354 : i32 to index
      %get3A_356 = tpu.vector_load %arg7[%get3A_355] {strides = array<i32>} : memref<8192xi32, #tpu.memory_space<vmem>>, vector<16xi32>,
      %mul3A_357 = arith.constant 8 : i32
      %mul3A_358 = arith.muli %scan3A_340, %mul3A_357 : i32
      %add3A_359 = arith.constant 2 : i32
      %add3A_360 = arith.addi %mul3A_358, %add3A_359 : i32
      %mul3A_361 = arith.constant 16 : i32
      %mul3A_362 = arith.muli %add3A_360, %mul3A_361 : i32
      %get3A_363 = arith.index_cast %mul3A_362 : i32 to index
      %get3A_364 = tpu.vector_load %arg7[%get3A_363] {strides = array<i32>} : memref<8192xi32, #tpu.memory_space<vmem>>, vector<16xi32>,
      %mul3A_365 = arith.constant 8 : i32
      %mul3A_366 = arith.muli %scan3A_340, %mul3A_365 : i32
      %add3A_367 = arith.constant 3 : i32
      %add3A_368 = arith.addi %mul3A_366, %add3A_367 : i32
      %mul3A_369 = arith.constant 16 : i32
      %mul3A_370 = arith.muli %add3A_368, %mul3A_369 : i32
      %get3A_371 = arith.index_cast %mul3A_370 : i32 to index
      %get3A_372 = tpu.vector_load %arg7[%get3A_371] {strides = array<i32>} : memref<8192xi32, #tpu.memory_space<vmem>>, vector<16xi32>,
      %mul3A_373 = arith.constant 8 : i32
      %mul3A_374 = arith.muli %scan3A_340, %mul3A_373 : i32
      %add3A_375 = arith.constant 4 : i32
      %add3A_376 = arith.addi %mul3A_374, %add3A_375 : i32
      %mul3A_377 = arith.constant 16 : i32
      %mul3A_378 = arith.muli %add3A_376, %mul3A_377 : i32
      %get3A_379 = arith.index_cast %mul3A_378 : i32 to index
      %get3A_380 = tpu.vector_load %arg7[%get3A_379] {strides = array<i32>} : memref<8192xi32, #tpu.memory_space<vmem>>, vector<16xi32>,
      %mul3A_381 = arith.constant 8 : i32
      %mul3A_382 = arith.muli %scan3A_340, %mul3A_381 : i32
      %add3A_383 = arith.constant 5 : i32
      %add3A_384 = arith.addi %mul3A_382, %add3A_383 : i32
      %mul3A_385 = arith.constant 16 : i32
      %mul3A_386 = arith.muli %add3A_384, %mul3A_385 : i32
      %get3A_387 = arith.index_cast %mul3A_386 : i32 to index
      %get3A_388 = tpu.vector_load %arg7[%get3A_387] {strides = array<i32>} : memref<8192xi32, #tpu.memory_space<vmem>>, vector<16xi32>,
      %mul3A_389 = arith.constant 8 : i32
      %mul3A_390 = arith.muli %scan3A_340, %mul3A_389 : i32
      %add3A_391 = arith.constant 6 : i32
      %add3A_392 = arith.addi %mul3A_390, %add3A_391 : i32
      %mul3A_393 = arith.constant 16 : i32
      %mul3A_394 = arith.muli %add3A_392, %mul3A_393 : i32
      %get3A_395 = arith.index_cast %mul3A_394 : i32 to index
      %get3A_396 = tpu.vector_load %arg7[%get3A_395] {strides = array<i32>} : memref<8192xi32, #tpu.memory_space<vmem>>, vector<16xi32>,
      %mul3A_397 = arith.constant 8 : i32
      %mul3A_398 = arith.muli %scan3A_340, %mul3A_397 : i32
      %add3A_399 = arith.constant 7 : i32
      %add3A_400 = arith.addi %mul3A_398, %add3A_399 : i32
      %mul3A_401 = arith.constant 16 : i32
      %mul3A_402 = arith.muli %add3A_400, %mul3A_401 : i32
      %get3A_403 = arith.index_cast %mul3A_402 : i32 to index
      %get3A_404 = tpu.vector_load %arg7[%get3A_403] {strides = array<i32>} : memref<8192xi32, #tpu.memory_space<vmem>>, vector<16xi32>,
      %mul3A_405 = arith.constant 8 : i32
      %mul3A_406 = arith.muli %scan3A_340, %mul3A_405 : i32
      %add3A_407 = arith.constant 0 : i32
      %add3A_408 = arith.addi %mul3A_406, %add3A_407 : i32
      %mul3A_409 = arith.constant 16 : i32
      %mul3A_410 = arith.muli %add3A_408, %mul3A_409 : i32
      %get3A_411 = arith.index_cast %mul3A_410 : i32 to index
      %get3A_412 = tpu.vector_load %arg9[%get3A_411] {strides = array<i32>} : memref<8192xf32, #tpu.memory_space<vmem>>, vector<16xf32>,
      %mul3A_413 = arith.constant 8 : i32
      %mul3A_414 = arith.muli %scan3A_340, %mul3A_413 : i32
      %add3A_415 = arith.constant 1 : i32
      %add3A_416 = arith.addi %mul3A_414, %add3A_415 : i32
      %mul3A_417 = arith.constant 16 : i32
      %mul3A_418 = arith.muli %add3A_416, %mul3A_417 : i32
      %get3A_419 = arith.index_cast %mul3A_418 : i32 to index
      %get3A_420 = tpu.vector_load %arg9[%get3A_419] {strides = array<i32>} : memref<8192xf32, #tpu.memory_space<vmem>>, vector<16xf32>,
      %mul3A_421 = arith.constant 8 : i32
      %mul3A_422 = arith.muli %scan3A_340, %mul3A_421 : i32
      %add3A_423 = arith.constant 2 : i32
      %add3A_424 = arith.addi %mul3A_422, %add3A_423 : i32
      %mul3A_425 = arith.constant 16 : i32
      %mul3A_426 = arith.muli %add3A_424, %mul3A_425 : i32
      %get3A_427 = arith.index_cast %mul3A_426 : i32 to index
      %get3A_428 = tpu.vector_load %arg9[%get3A_427] {strides = array<i32>} : memref<8192xf32, #tpu.memory_space<vmem>>, vector<16xf32>,
      %mul3A_429 = arith.constant 8 : i32
      %mul3A_430 = arith.muli %scan3A_340, %mul3A_429 : i32
      %add3A_431 = arith.constant 3 : i32
      %add3A_432 = arith.addi %mul3A_430, %add3A_431 : i32
      %mul3A_433 = arith.constant 16 : i32
      %mul3A_434 = arith.muli %add3A_432, %mul3A_433 : i32
      %get3A_435 = arith.index_cast %mul3A_434 : i32 to index
      %get3A_436 = tpu.vector_load %arg9[%get3A_435] {strides = array<i32>} : memref<8192xf32, #tpu.memory_space<vmem>>, vector<16xf32>,
      %mul3A_437 = arith.constant 8 : i32
      %mul3A_438 = arith.muli %scan3A_340, %mul3A_437 : i32
      %add3A_439 = arith.constant 4 : i32
      %add3A_440 = arith.addi %mul3A_438, %add3A_439 : i32
      %mul3A_441 = arith.constant 16 : i32
      %mul3A_442 = arith.muli %add3A_440, %mul3A_441 : i32
      %get3A_443 = arith.index_cast %mul3A_442 : i32 to index
      %get3A_444 = tpu.vector_load %arg9[%get3A_443] {strides = array<i32>} : memref<8192xf32, #tpu.memory_space<vmem>>, vector<16xf32>,
      %mul3A_445 = arith.constant 8 : i32
      %mul3A_446 = arith.muli %scan3A_340, %mul3A_445 : i32
      %add3A_447 = arith.constant 5 : i32
      %add3A_448 = arith.addi %mul3A_446, %add3A_447 : i32
      %mul3A_449 = arith.constant 16 : i32
      %mul3A_450 = arith.muli %add3A_448, %mul3A_449 : i32
      %get3A_451 = arith.index_cast %mul3A_450 : i32 to index
      %get3A_452 = tpu.vector_load %arg9[%get3A_451] {strides = array<i32>} : memref<8192xf32, #tpu.memory_space<vmem>>, vector<16xf32>,
      %mul3A_453 = arith.constant 8 : i32
      %mul3A_454 = arith.muli %scan3A_340, %mul3A_453 : i32
      %add3A_455 = arith.constant 6 : i32
      %add3A_456 = arith.addi %mul3A_454, %add3A_455 : i32
      %mul3A_457 = arith.constant 16 : i32
      %mul3A_458 = arith.muli %add3A_456, %mul3A_457 : i32
      %get3A_459 = arith.index_cast %mul3A_458 : i32 to index
      %get3A_460 = tpu.vector_load %arg9[%get3A_459] {strides = array<i32>} : memref<8192xf32, #tpu.memory_space<vmem>>, vector<16xf32>,
      %mul3A_461 = arith.constant 8 : i32
      %mul3A_462 = arith.muli %scan3A_340, %mul3A_461 : i32
      %add3A_463 = arith.constant 7 : i32
      %add3A_464 = arith.addi %mul3A_462, %add3A_463 : i32
      %mul3A_465 = arith.constant 16 : i32
      %mul3A_466 = arith.muli %add3A_464, %mul3A_465 : i32
      %get3A_467 = arith.index_cast %mul3A_466 : i32 to index
      %get3A_468 = tpu.vector_load %arg9[%get3A_467] {strides = array<i32>} : memref<8192xf32, #tpu.memory_space<vmem>>, vector<16xf32>,
      %sub3A_469 = vector.broadcast %mul3A_40 : i32 to vector<16xi32>
      %sub3A_470 = arith.subi %get3A_348, %sub3A_469 : vector<16xi32>
      %ge3A = arith.constant 0 : i32
      %ge3A_471 = vector.broadcast %ge3A : i32 to vector<16xi32>
      %ge3A_472 = arith.cmpi sge, %sub3A_470, %ge3A_471 : vector<16xi32>
      %lt3A_473 = arith.constant 65536 : i32
      %lt3A_474 = vector.broadcast %lt3A_473 : i32 to vector<16xi32>
      %lt3A_475 = arith.cmpi slt, %sub3A_470, %lt3A_474 : vector<16xi32>
      %and3A_476 = arith.andi %ge3A_472, %lt3A_475 : vector<16xi1>
      tpu.vector_store_idx %arg5[%sub3A_470], %get3A_412 masked %and3A_476 : memref<65536xf32, #tpu.memory_space<vmem>>[vector<16xi32>], vector<16xf32>, vector<16xi1>
      %sub3A_477 = vector.broadcast %mul3A_40 : i32 to vector<16xi32>
      %sub3A_478 = arith.subi %get3A_356, %sub3A_477 : vector<16xi32>
      %ge3A_479 = arith.constant 0 : i32
      %ge3A_480 = vector.broadcast %ge3A_479 : i32 to vector<16xi32>
      %ge3A_481 = arith.cmpi sge, %sub3A_478, %ge3A_480 : vector<16xi32>
      %lt3A_482 = arith.constant 65536 : i32
      %lt3A_483 = vector.broadcast %lt3A_482 : i32 to vector<16xi32>
      %lt3A_484 = arith.cmpi slt, %sub3A_478, %lt3A_483 : vector<16xi32>
      %and3A_485 = arith.andi %ge3A_481, %lt3A_484 : vector<16xi1>
      tpu.vector_store_idx %arg5[%sub3A_478], %get3A_420 masked %and3A_485 : memref<65536xf32, #tpu.memory_space<vmem>>[vector<16xi32>], vector<16xf32>, vector<16xi1>
      %sub3A_486 = vector.broadcast %mul3A_40 : i32 to vector<16xi32>
      %sub3A_487 = arith.subi %get3A_364, %sub3A_486 : vector<16xi32>
      %ge3A_488 = arith.constant 0 : i32
      %ge3A_489 = vector.broadcast %ge3A_488 : i32 to vector<16xi32>
      %ge3A_490 = arith.cmpi sge, %sub3A_487, %ge3A_489 : vector<16xi32>
      %lt3A_491 = arith.constant 65536 : i32
      %lt3A_492 = vector.broadcast %lt3A_491 : i32 to vector<16xi32>
      %lt3A_493 = arith.cmpi slt, %sub3A_487, %lt3A_492 : vector<16xi32>
      %and3A_494 = arith.andi %ge3A_490, %lt3A_493 : vector<16xi1>
      tpu.vector_store_idx %arg5[%sub3A_487], %get3A_428 masked %and3A_494 : memref<65536xf32, #tpu.memory_space<vmem>>[vector<16xi32>], vector<16xf32>, vector<16xi1>
      %sub3A_495 = vector.broadcast %mul3A_40 : i32 to vector<16xi32>
      %sub3A_496 = arith.subi %get3A_372, %sub3A_495 : vector<16xi32>
      %ge3A_497 = arith.constant 0 : i32
      %ge3A_498 = vector.broadcast %ge3A_497 : i32 to vector<16xi32>
      %ge3A_499 = arith.cmpi sge, %sub3A_496, %ge3A_498 : vector<16xi32>
      %lt3A_500 = arith.constant 65536 : i32
      %lt3A_501 = vector.broadcast %lt3A_500 : i32 to vector<16xi32>
      %lt3A_502 = arith.cmpi slt, %sub3A_496, %lt3A_501 : vector<16xi32>
      %and3A_503 = arith.andi %ge3A_499, %lt3A_502 : vector<16xi1>
      tpu.vector_store_idx %arg5[%sub3A_496], %get3A_436 masked %and3A_503 : memref<65536xf32, #tpu.memory_space<vmem>>[vector<16xi32>], vector<16xf32>, vector<16xi1>
      %sub3A_504 = vector.broadcast %mul3A_40 : i32 to vector<16xi32>
      %sub3A_505 = arith.subi %get3A_380, %sub3A_504 : vector<16xi32>
      %ge3A_506 = arith.constant 0 : i32
      %ge3A_507 = vector.broadcast %ge3A_506 : i32 to vector<16xi32>
      %ge3A_508 = arith.cmpi sge, %sub3A_505, %ge3A_507 : vector<16xi32>
      %lt3A_509 = arith.constant 65536 : i32
      %lt3A_510 = vector.broadcast %lt3A_509 : i32 to vector<16xi32>
      %lt3A_511 = arith.cmpi slt, %sub3A_505, %lt3A_510 : vector<16xi32>
      %and3A_512 = arith.andi %ge3A_508, %lt3A_511 : vector<16xi1>
      tpu.vector_store_idx %arg5[%sub3A_505], %get3A_444 masked %and3A_512 : memref<65536xf32, #tpu.memory_space<vmem>>[vector<16xi32>], vector<16xf32>, vector<16xi1>
      %sub3A_513 = vector.broadcast %mul3A_40 : i32 to vector<16xi32>
      %sub3A_514 = arith.subi %get3A_388, %sub3A_513 : vector<16xi32>
      %ge3A_515 = arith.constant 0 : i32
      %ge3A_516 = vector.broadcast %ge3A_515 : i32 to vector<16xi32>
      %ge3A_517 = arith.cmpi sge, %sub3A_514, %ge3A_516 : vector<16xi32>
      %lt3A_518 = arith.constant 65536 : i32
      %lt3A_519 = vector.broadcast %lt3A_518 : i32 to vector<16xi32>
      %lt3A_520 = arith.cmpi slt, %sub3A_514, %lt3A_519 : vector<16xi32>
      %and3A_521 = arith.andi %ge3A_517, %lt3A_520 : vector<16xi1>
      tpu.vector_store_idx %arg5[%sub3A_514], %get3A_452 masked %and3A_521 : memref<65536xf32, #tpu.memory_space<vmem>>[vector<16xi32>], vector<16xf32>, vector<16xi1>
      %sub3A_522 = vector.broadcast %mul3A_40 : i32 to vector<16xi32>
      %sub3A_523 = arith.subi %get3A_396, %sub3A_522 : vector<16xi32>
      %ge3A_524 = arith.constant 0 : i32
      %ge3A_525 = vector.broadcast %ge3A_524 : i32 to vector<16xi32>
      %ge3A_526 = arith.cmpi sge, %sub3A_523, %ge3A_525 : vector<16xi32>
      %lt3A_527 = arith.constant 65536 : i32
      %lt3A_528 = vector.broadcast %lt3A_527 : i32 to vector<16xi32>
      %lt3A_529 = arith.cmpi slt, %sub3A_523, %lt3A_528 : vector<16xi32>
      %and3A_530 = arith.andi %ge3A_526, %lt3A_529 : vector<16xi1>
      tpu.vector_store_idx %arg5[%sub3A_523], %get3A_460 masked %and3A_530 : memref<65536xf32, #tpu.memory_space<vmem>>[vector<16xi32>], vector<16xf32>, vector<16xi1>
      %sub3A_531 = vector.broadcast %mul3A_40 : i32 to vector<16xi32>
      %sub3A_532 = arith.subi %get3A_404, %sub3A_531 : vector<16xi32>
      %ge3A_533 = arith.constant 0 : i32
      %ge3A_534 = vector.broadcast %ge3A_533 : i32 to vector<16xi32>
      %ge3A_535 = arith.cmpi sge, %sub3A_532, %ge3A_534 : vector<16xi32>
      %lt3A_536 = arith.constant 65536 : i32
      %lt3A_537 = vector.broadcast %lt3A_536 : i32 to vector<16xi32>
      %lt3A_538 = arith.cmpi slt, %sub3A_532, %lt3A_537 : vector<16xi32>
      %and3A_539 = arith.andi %ge3A_535, %lt3A_538 : vector<16xi1>
      tpu.vector_store_idx %arg5[%sub3A_532], %get3A_468 masked %and3A_539 : memref<65536xf32, #tpu.memory_space<vmem>>[vector<16xi32>], vector<16xf32>, vector<16xi1>
      %scan3A_540 = arith.constant 0 : i32
      scf.yield %scan3A_540 : i32
    }
    %scan3A_154 = arith.constant 64 : i32
    %dma_wait3A_155 = tpu.memref_slice %arg2[%add3A_143] : memref<1048576xi32, #tpu.memory_space<hbm>> -> memref<8192xi32, #tpu.memory_space<hbm>>
    %dma_wait3A_156 = tpu.memref_slice %arg2[%add3A_143] : memref<1048576xi32, #tpu.memory_space<hbm>> -> memref<8192xi32, #tpu.memory_space<hbm>>
    tpu.wait_dma2 semaphore(%arg11 : memref<!tpu.dma_semaphore, #tpu.memory_space<semaphore_mem>>) src(%dma_wait3A_156 : memref<8192xi32, #tpu.memory_space<hbm>>) dst(%arg6 : memref<8192xi32, #tpu.memory_space<vmem>>)
    %dma_wait3A_157 = tpu.memref_slice %arg3[%add3A_143] : memref<1048576xf32, #tpu.memory_space<hbm>> -> memref<8192xf32, #tpu.memory_space<hbm>>
    %dma_wait3A_158 = tpu.memref_slice %arg3[%add3A_143] : memref<1048576xf32, #tpu.memory_space<hbm>> -> memref<8192xf32, #tpu.memory_space<hbm>>
    tpu.wait_dma2 semaphore(%arg13 : memref<!tpu.dma_semaphore, #tpu.memory_space<semaphore_mem>>) src(%dma_wait3A_158 : memref<8192xf32, #tpu.memory_space<hbm>>) dst(%arg8 : memref<8192xf32, #tpu.memory_space<vmem>>)
    %add3A_159 = arith.constant 57344 : i32
    %add3A_160 = arith.addi %mul3A_34, %add3A_159 : i32
    %dma_start3A_161 = tpu.memref_slice %arg2[%add3A_160] : memref<1048576xi32, #tpu.memory_space<hbm>> -> memref<8192xi32, #tpu.memory_space<hbm>>
    %dma_start3A_162 = tpu.memref_slice %arg2[%add3A_160] : memref<1048576xi32, #tpu.memory_space<hbm>> -> memref<8192xi32, #tpu.memory_space<hbm>>
    tpu.enqueue_dma source(%dma_start3A_162 : memref<8192xi32, #tpu.memory_space<hbm>>) target(%arg7 : memref<8192xi32, #tpu.memory_space<vmem>>) target_semaphore(%arg12 : memref<!tpu.dma_semaphore, #tpu.memory_space<semaphore_mem>>)
    %dma_start3A_163 = tpu.memref_slice %arg3[%add3A_160] : memref<1048576xf32, #tpu.memory_space<hbm>> -> memref<8192xf32, #tpu.memory_space<hbm>>
    %dma_start3A_164 = tpu.memref_slice %arg3[%add3A_160] : memref<1048576xf32, #tpu.memory_space<hbm>> -> memref<8192xf32, #tpu.memory_space<hbm>>
    tpu.enqueue_dma source(%dma_start3A_164 : memref<8192xf32, #tpu.memory_space<hbm>>) target(%arg9 : memref<8192xf32, #tpu.memory_space<vmem>>) target_semaphore(%arg14 : memref<!tpu.dma_semaphore, #tpu.memory_space<semaphore_mem>>)
    %scan3A_165 = arith.constant 0 : i32
    %scan3A_166 = arith.constant 0 : i32
    %scan3A_167 = arith.constant 64 : i32
    %scan3A_168 = arith.addi %scan3A_166, %scan3A_167 : i32
    %scan3A_169 = arith.constant 1 : i32
    %scan3A_170 = scf.for %scan3A_340 = %scan3A_166 to %scan3A_168 step %scan3A_169 iter_args(%scan3A_341 = %scan3A_165) -> (i32)  : i32 {
      %mul3A_342 = arith.constant 8 : i32
      %mul3A_343 = arith.muli %scan3A_340, %mul3A_342 : i32
      %add3A_344 = arith.constant 0 : i32
      %add3A_345 = arith.addi %mul3A_343, %add3A_344 : i32
      %mul3A_346 = arith.constant 16 : i32
      %mul3A_347 = arith.muli %add3A_345, %mul3A_346 : i32
      %get3A = arith.index_cast %mul3A_347 : i32 to index
      %get3A_348 = tpu.vector_load %arg6[%get3A] {strides = array<i32>} : memref<8192xi32, #tpu.memory_space<vmem>>, vector<16xi32>,
      %mul3A_349 = arith.constant 8 : i32
      %mul3A_350 = arith.muli %scan3A_340, %mul3A_349 : i32
      %add3A_351 = arith.constant 1 : i32
      %add3A_352 = arith.addi %mul3A_350, %add3A_351 : i32
      %mul3A_353 = arith.constant 16 : i32
      %mul3A_354 = arith.muli %add3A_352, %mul3A_353 : i32
      %get3A_355 = arith.index_cast %mul3A_354 : i32 to index
      %get3A_356 = tpu.vector_load %arg6[%get3A_355] {strides = array<i32>} : memref<8192xi32, #tpu.memory_space<vmem>>, vector<16xi32>,
      %mul3A_357 = arith.constant 8 : i32
      %mul3A_358 = arith.muli %scan3A_340, %mul3A_357 : i32
      %add3A_359 = arith.constant 2 : i32
      %add3A_360 = arith.addi %mul3A_358, %add3A_359 : i32
      %mul3A_361 = arith.constant 16 : i32
      %mul3A_362 = arith.muli %add3A_360, %mul3A_361 : i32
      %get3A_363 = arith.index_cast %mul3A_362 : i32 to index
      %get3A_364 = tpu.vector_load %arg6[%get3A_363] {strides = array<i32>} : memref<8192xi32, #tpu.memory_space<vmem>>, vector<16xi32>,
      %mul3A_365 = arith.constant 8 : i32
      %mul3A_366 = arith.muli %scan3A_340, %mul3A_365 : i32
      %add3A_367 = arith.constant 3 : i32
      %add3A_368 = arith.addi %mul3A_366, %add3A_367 : i32
      %mul3A_369 = arith.constant 16 : i32
      %mul3A_370 = arith.muli %add3A_368, %mul3A_369 : i32
      %get3A_371 = arith.index_cast %mul3A_370 : i32 to index
      %get3A_372 = tpu.vector_load %arg6[%get3A_371] {strides = array<i32>} : memref<8192xi32, #tpu.memory_space<vmem>>, vector<16xi32>,
      %mul3A_373 = arith.constant 8 : i32
      %mul3A_374 = arith.muli %scan3A_340, %mul3A_373 : i32
      %add3A_375 = arith.constant 4 : i32
      %add3A_376 = arith.addi %mul3A_374, %add3A_375 : i32
      %mul3A_377 = arith.constant 16 : i32
      %mul3A_378 = arith.muli %add3A_376, %mul3A_377 : i32
      %get3A_379 = arith.index_cast %mul3A_378 : i32 to index
      %get3A_380 = tpu.vector_load %arg6[%get3A_379] {strides = array<i32>} : memref<8192xi32, #tpu.memory_space<vmem>>, vector<16xi32>,
      %mul3A_381 = arith.constant 8 : i32
      %mul3A_382 = arith.muli %scan3A_340, %mul3A_381 : i32
      %add3A_383 = arith.constant 5 : i32
      %add3A_384 = arith.addi %mul3A_382, %add3A_383 : i32
      %mul3A_385 = arith.constant 16 : i32
      %mul3A_386 = arith.muli %add3A_384, %mul3A_385 : i32
      %get3A_387 = arith.index_cast %mul3A_386 : i32 to index
      %get3A_388 = tpu.vector_load %arg6[%get3A_387] {strides = array<i32>} : memref<8192xi32, #tpu.memory_space<vmem>>, vector<16xi32>,
      %mul3A_389 = arith.constant 8 : i32
      %mul3A_390 = arith.muli %scan3A_340, %mul3A_389 : i32
      %add3A_391 = arith.constant 6 : i32
      %add3A_392 = arith.addi %mul3A_390, %add3A_391 : i32
      %mul3A_393 = arith.constant 16 : i32
      %mul3A_394 = arith.muli %add3A_392, %mul3A_393 : i32
      %get3A_395 = arith.index_cast %mul3A_394 : i32 to index
      %get3A_396 = tpu.vector_load %arg6[%get3A_395] {strides = array<i32>} : memref<8192xi32, #tpu.memory_space<vmem>>, vector<16xi32>,
      %mul3A_397 = arith.constant 8 : i32
      %mul3A_398 = arith.muli %scan3A_340, %mul3A_397 : i32
      %add3A_399 = arith.constant 7 : i32
      %add3A_400 = arith.addi %mul3A_398, %add3A_399 : i32
      %mul3A_401 = arith.constant 16 : i32
      %mul3A_402 = arith.muli %add3A_400, %mul3A_401 : i32
      %get3A_403 = arith.index_cast %mul3A_402 : i32 to index
      %get3A_404 = tpu.vector_load %arg6[%get3A_403] {strides = array<i32>} : memref<8192xi32, #tpu.memory_space<vmem>>, vector<16xi32>,
      %mul3A_405 = arith.constant 8 : i32
      %mul3A_406 = arith.muli %scan3A_340, %mul3A_405 : i32
      %add3A_407 = arith.constant 0 : i32
      %add3A_408 = arith.addi %mul3A_406, %add3A_407 : i32
      %mul3A_409 = arith.constant 16 : i32
      %mul3A_410 = arith.muli %add3A_408, %mul3A_409 : i32
      %get3A_411 = arith.index_cast %mul3A_410 : i32 to index
      %get3A_412 = tpu.vector_load %arg8[%get3A_411] {strides = array<i32>} : memref<8192xf32, #tpu.memory_space<vmem>>, vector<16xf32>,
      %mul3A_413 = arith.constant 8 : i32
      %mul3A_414 = arith.muli %scan3A_340, %mul3A_413 : i32
      %add3A_415 = arith.constant 1 : i32
      %add3A_416 = arith.addi %mul3A_414, %add3A_415 : i32
      %mul3A_417 = arith.constant 16 : i32
      %mul3A_418 = arith.muli %add3A_416, %mul3A_417 : i32
      %get3A_419 = arith.index_cast %mul3A_418 : i32 to index
      %get3A_420 = tpu.vector_load %arg8[%get3A_419] {strides = array<i32>} : memref<8192xf32, #tpu.memory_space<vmem>>, vector<16xf32>,
      %mul3A_421 = arith.constant 8 : i32
      %mul3A_422 = arith.muli %scan3A_340, %mul3A_421 : i32
      %add3A_423 = arith.constant 2 : i32
      %add3A_424 = arith.addi %mul3A_422, %add3A_423 : i32
      %mul3A_425 = arith.constant 16 : i32
      %mul3A_426 = arith.muli %add3A_424, %mul3A_425 : i32
      %get3A_427 = arith.index_cast %mul3A_426 : i32 to index
      %get3A_428 = tpu.vector_load %arg8[%get3A_427] {strides = array<i32>} : memref<8192xf32, #tpu.memory_space<vmem>>, vector<16xf32>,
      %mul3A_429 = arith.constant 8 : i32
      %mul3A_430 = arith.muli %scan3A_340, %mul3A_429 : i32
      %add3A_431 = arith.constant 3 : i32
      %add3A_432 = arith.addi %mul3A_430, %add3A_431 : i32
      %mul3A_433 = arith.constant 16 : i32
      %mul3A_434 = arith.muli %add3A_432, %mul3A_433 : i32
      %get3A_435 = arith.index_cast %mul3A_434 : i32 to index
      %get3A_436 = tpu.vector_load %arg8[%get3A_435] {strides = array<i32>} : memref<8192xf32, #tpu.memory_space<vmem>>, vector<16xf32>,
      %mul3A_437 = arith.constant 8 : i32
      %mul3A_438 = arith.muli %scan3A_340, %mul3A_437 : i32
      %add3A_439 = arith.constant 4 : i32
      %add3A_440 = arith.addi %mul3A_438, %add3A_439 : i32
      %mul3A_441 = arith.constant 16 : i32
      %mul3A_442 = arith.muli %add3A_440, %mul3A_441 : i32
      %get3A_443 = arith.index_cast %mul3A_442 : i32 to index
      %get3A_444 = tpu.vector_load %arg8[%get3A_443] {strides = array<i32>} : memref<8192xf32, #tpu.memory_space<vmem>>, vector<16xf32>,
      %mul3A_445 = arith.constant 8 : i32
      %mul3A_446 = arith.muli %scan3A_340, %mul3A_445 : i32
      %add3A_447 = arith.constant 5 : i32
      %add3A_448 = arith.addi %mul3A_446, %add3A_447 : i32
      %mul3A_449 = arith.constant 16 : i32
      %mul3A_450 = arith.muli %add3A_448, %mul3A_449 : i32
      %get3A_451 = arith.index_cast %mul3A_450 : i32 to index
      %get3A_452 = tpu.vector_load %arg8[%get3A_451] {strides = array<i32>} : memref<8192xf32, #tpu.memory_space<vmem>>, vector<16xf32>,
      %mul3A_453 = arith.constant 8 : i32
      %mul3A_454 = arith.muli %scan3A_340, %mul3A_453 : i32
      %add3A_455 = arith.constant 6 : i32
      %add3A_456 = arith.addi %mul3A_454, %add3A_455 : i32
      %mul3A_457 = arith.constant 16 : i32
      %mul3A_458 = arith.muli %add3A_456, %mul3A_457 : i32
      %get3A_459 = arith.index_cast %mul3A_458 : i32 to index
      %get3A_460 = tpu.vector_load %arg8[%get3A_459] {strides = array<i32>} : memref<8192xf32, #tpu.memory_space<vmem>>, vector<16xf32>,
      %mul3A_461 = arith.constant 8 : i32
      %mul3A_462 = arith.muli %scan3A_340, %mul3A_461 : i32
      %add3A_463 = arith.constant 7 : i32
      %add3A_464 = arith.addi %mul3A_462, %add3A_463 : i32
      %mul3A_465 = arith.constant 16 : i32
      %mul3A_466 = arith.muli %add3A_464, %mul3A_465 : i32
      %get3A_467 = arith.index_cast %mul3A_466 : i32 to index
      %get3A_468 = tpu.vector_load %arg8[%get3A_467] {strides = array<i32>} : memref<8192xf32, #tpu.memory_space<vmem>>, vector<16xf32>,
      %sub3A_469 = vector.broadcast %mul3A_40 : i32 to vector<16xi32>
      %sub3A_470 = arith.subi %get3A_348, %sub3A_469 : vector<16xi32>
      %ge3A = arith.constant 0 : i32
      %ge3A_471 = vector.broadcast %ge3A : i32 to vector<16xi32>
      %ge3A_472 = arith.cmpi sge, %sub3A_470, %ge3A_471 : vector<16xi32>
      %lt3A_473 = arith.constant 65536 : i32
      %lt3A_474 = vector.broadcast %lt3A_473 : i32 to vector<16xi32>
      %lt3A_475 = arith.cmpi slt, %sub3A_470, %lt3A_474 : vector<16xi32>
      %and3A_476 = arith.andi %ge3A_472, %lt3A_475 : vector<16xi1>
      tpu.vector_store_idx %arg5[%sub3A_470], %get3A_412 masked %and3A_476 : memref<65536xf32, #tpu.memory_space<vmem>>[vector<16xi32>], vector<16xf32>, vector<16xi1>
      %sub3A_477 = vector.broadcast %mul3A_40 : i32 to vector<16xi32>
      %sub3A_478 = arith.subi %get3A_356, %sub3A_477 : vector<16xi32>
      %ge3A_479 = arith.constant 0 : i32
      %ge3A_480 = vector.broadcast %ge3A_479 : i32 to vector<16xi32>
      %ge3A_481 = arith.cmpi sge, %sub3A_478, %ge3A_480 : vector<16xi32>
      %lt3A_482 = arith.constant 65536 : i32
      %lt3A_483 = vector.broadcast %lt3A_482 : i32 to vector<16xi32>
      %lt3A_484 = arith.cmpi slt, %sub3A_478, %lt3A_483 : vector<16xi32>
      %and3A_485 = arith.andi %ge3A_481, %lt3A_484 : vector<16xi1>
      tpu.vector_store_idx %arg5[%sub3A_478], %get3A_420 masked %and3A_485 : memref<65536xf32, #tpu.memory_space<vmem>>[vector<16xi32>], vector<16xf32>, vector<16xi1>
      %sub3A_486 = vector.broadcast %mul3A_40 : i32 to vector<16xi32>
      %sub3A_487 = arith.subi %get3A_364, %sub3A_486 : vector<16xi32>
      %ge3A_488 = arith.constant 0 : i32
      %ge3A_489 = vector.broadcast %ge3A_488 : i32 to vector<16xi32>
      %ge3A_490 = arith.cmpi sge, %sub3A_487, %ge3A_489 : vector<16xi32>
      %lt3A_491 = arith.constant 65536 : i32
      %lt3A_492 = vector.broadcast %lt3A_491 : i32 to vector<16xi32>
      %lt3A_493 = arith.cmpi slt, %sub3A_487, %lt3A_492 : vector<16xi32>
      %and3A_494 = arith.andi %ge3A_490, %lt3A_493 : vector<16xi1>
      tpu.vector_store_idx %arg5[%sub3A_487], %get3A_428 masked %and3A_494 : memref<65536xf32, #tpu.memory_space<vmem>>[vector<16xi32>], vector<16xf32>, vector<16xi1>
      %sub3A_495 = vector.broadcast %mul3A_40 : i32 to vector<16xi32>
      %sub3A_496 = arith.subi %get3A_372, %sub3A_495 : vector<16xi32>
      %ge3A_497 = arith.constant 0 : i32
      %ge3A_498 = vector.broadcast %ge3A_497 : i32 to vector<16xi32>
      %ge3A_499 = arith.cmpi sge, %sub3A_496, %ge3A_498 : vector<16xi32>
      %lt3A_500 = arith.constant 65536 : i32
      %lt3A_501 = vector.broadcast %lt3A_500 : i32 to vector<16xi32>
      %lt3A_502 = arith.cmpi slt, %sub3A_496, %lt3A_501 : vector<16xi32>
      %and3A_503 = arith.andi %ge3A_499, %lt3A_502 : vector<16xi1>
      tpu.vector_store_idx %arg5[%sub3A_496], %get3A_436 masked %and3A_503 : memref<65536xf32, #tpu.memory_space<vmem>>[vector<16xi32>], vector<16xf32>, vector<16xi1>
      %sub3A_504 = vector.broadcast %mul3A_40 : i32 to vector<16xi32>
      %sub3A_505 = arith.subi %get3A_380, %sub3A_504 : vector<16xi32>
      %ge3A_506 = arith.constant 0 : i32
      %ge3A_507 = vector.broadcast %ge3A_506 : i32 to vector<16xi32>
      %ge3A_508 = arith.cmpi sge, %sub3A_505, %ge3A_507 : vector<16xi32>
      %lt3A_509 = arith.constant 65536 : i32
      %lt3A_510 = vector.broadcast %lt3A_509 : i32 to vector<16xi32>
      %lt3A_511 = arith.cmpi slt, %sub3A_505, %lt3A_510 : vector<16xi32>
      %and3A_512 = arith.andi %ge3A_508, %lt3A_511 : vector<16xi1>
      tpu.vector_store_idx %arg5[%sub3A_505], %get3A_444 masked %and3A_512 : memref<65536xf32, #tpu.memory_space<vmem>>[vector<16xi32>], vector<16xf32>, vector<16xi1>
      %sub3A_513 = vector.broadcast %mul3A_40 : i32 to vector<16xi32>
      %sub3A_514 = arith.subi %get3A_388, %sub3A_513 : vector<16xi32>
      %ge3A_515 = arith.constant 0 : i32
      %ge3A_516 = vector.broadcast %ge3A_515 : i32 to vector<16xi32>
      %ge3A_517 = arith.cmpi sge, %sub3A_514, %ge3A_516 : vector<16xi32>
      %lt3A_518 = arith.constant 65536 : i32
      %lt3A_519 = vector.broadcast %lt3A_518 : i32 to vector<16xi32>
      %lt3A_520 = arith.cmpi slt, %sub3A_514, %lt3A_519 : vector<16xi32>
      %and3A_521 = arith.andi %ge3A_517, %lt3A_520 : vector<16xi1>
      tpu.vector_store_idx %arg5[%sub3A_514], %get3A_452 masked %and3A_521 : memref<65536xf32, #tpu.memory_space<vmem>>[vector<16xi32>], vector<16xf32>, vector<16xi1>
      %sub3A_522 = vector.broadcast %mul3A_40 : i32 to vector<16xi32>
      %sub3A_523 = arith.subi %get3A_396, %sub3A_522 : vector<16xi32>
      %ge3A_524 = arith.constant 0 : i32
      %ge3A_525 = vector.broadcast %ge3A_524 : i32 to vector<16xi32>
      %ge3A_526 = arith.cmpi sge, %sub3A_523, %ge3A_525 : vector<16xi32>
      %lt3A_527 = arith.constant 65536 : i32
      %lt3A_528 = vector.broadcast %lt3A_527 : i32 to vector<16xi32>
      %lt3A_529 = arith.cmpi slt, %sub3A_523, %lt3A_528 : vector<16xi32>
      %and3A_530 = arith.andi %ge3A_526, %lt3A_529 : vector<16xi1>
      tpu.vector_store_idx %arg5[%sub3A_523], %get3A_460 masked %and3A_530 : memref<65536xf32, #tpu.memory_space<vmem>>[vector<16xi32>], vector<16xf32>, vector<16xi1>
      %sub3A_531 = vector.broadcast %mul3A_40 : i32 to vector<16xi32>
      %sub3A_532 = arith.subi %get3A_404, %sub3A_531 : vector<16xi32>
      %ge3A_533 = arith.constant 0 : i32
      %ge3A_534 = vector.broadcast %ge3A_533 : i32 to vector<16xi32>
      %ge3A_535 = arith.cmpi sge, %sub3A_532, %ge3A_534 : vector<16xi32>
      %lt3A_536 = arith.constant 65536 : i32
      %lt3A_537 = vector.broadcast %lt3A_536 : i32 to vector<16xi32>
      %lt3A_538 = arith.cmpi slt, %sub3A_532, %lt3A_537 : vector<16xi32>
      %and3A_539 = arith.andi %ge3A_535, %lt3A_538 : vector<16xi1>
      tpu.vector_store_idx %arg5[%sub3A_532], %get3A_468 masked %and3A_539 : memref<65536xf32, #tpu.memory_space<vmem>>[vector<16xi32>], vector<16xf32>, vector<16xi1>
      %scan3A_540 = arith.constant 0 : i32
      scf.yield %scan3A_540 : i32
    }
    %scan3A_171 = arith.constant 64 : i32
    %dma_wait3A_172 = tpu.memref_slice %arg2[%add3A_160] : memref<1048576xi32, #tpu.memory_space<hbm>> -> memref<8192xi32, #tpu.memory_space<hbm>>
    %dma_wait3A_173 = tpu.memref_slice %arg2[%add3A_160] : memref<1048576xi32, #tpu.memory_space<hbm>> -> memref<8192xi32, #tpu.memory_space<hbm>>
    tpu.wait_dma2 semaphore(%arg12 : memref<!tpu.dma_semaphore, #tpu.memory_space<semaphore_mem>>) src(%dma_wait3A_173 : memref<8192xi32, #tpu.memory_space<hbm>>) dst(%arg7 : memref<8192xi32, #tpu.memory_space<vmem>>)
    %dma_wait3A_174 = tpu.memref_slice %arg3[%add3A_160] : memref<1048576xf32, #tpu.memory_space<hbm>> -> memref<8192xf32, #tpu.memory_space<hbm>>
    %dma_wait3A_175 = tpu.memref_slice %arg3[%add3A_160] : memref<1048576xf32, #tpu.memory_space<hbm>> -> memref<8192xf32, #tpu.memory_space<hbm>>
    tpu.wait_dma2 semaphore(%arg14 : memref<!tpu.dma_semaphore, #tpu.memory_space<semaphore_mem>>) src(%dma_wait3A_175 : memref<8192xf32, #tpu.memory_space<hbm>>) dst(%arg9 : memref<8192xf32, #tpu.memory_space<vmem>>)
    %scan3A_176 = arith.constant 0 : i32
    %scan3A_177 = arith.constant 0 : i32
    %scan3A_178 = arith.constant 64 : i32
    %scan3A_179 = arith.addi %scan3A_177, %scan3A_178 : i32
    %scan3A_180 = arith.constant 1 : i32
    %scan3A_181 = scf.for %scan3A_340 = %scan3A_177 to %scan3A_179 step %scan3A_180 iter_args(%scan3A_341 = %scan3A_176) -> (i32)  : i32 {
      %mul3A_342 = arith.constant 8 : i32
      %mul3A_343 = arith.muli %scan3A_340, %mul3A_342 : i32
      %add3A_344 = arith.constant 0 : i32
      %add3A_345 = arith.addi %mul3A_343, %add3A_344 : i32
      %mul3A_346 = arith.constant 16 : i32
      %mul3A_347 = arith.muli %add3A_345, %mul3A_346 : i32
      %get3A = arith.index_cast %mul3A_347 : i32 to index
      %get3A_348 = tpu.vector_load %arg7[%get3A] {strides = array<i32>} : memref<8192xi32, #tpu.memory_space<vmem>>, vector<16xi32>,
      %mul3A_349 = arith.constant 8 : i32
      %mul3A_350 = arith.muli %scan3A_340, %mul3A_349 : i32
      %add3A_351 = arith.constant 1 : i32
      %add3A_352 = arith.addi %mul3A_350, %add3A_351 : i32
      %mul3A_353 = arith.constant 16 : i32
      %mul3A_354 = arith.muli %add3A_352, %mul3A_353 : i32
      %get3A_355 = arith.index_cast %mul3A_354 : i32 to index
      %get3A_356 = tpu.vector_load %arg7[%get3A_355] {strides = array<i32>} : memref<8192xi32, #tpu.memory_space<vmem>>, vector<16xi32>,
      %mul3A_357 = arith.constant 8 : i32
      %mul3A_358 = arith.muli %scan3A_340, %mul3A_357 : i32
      %add3A_359 = arith.constant 2 : i32
      %add3A_360 = arith.addi %mul3A_358, %add3A_359 : i32
      %mul3A_361 = arith.constant 16 : i32
      %mul3A_362 = arith.muli %add3A_360, %mul3A_361 : i32
      %get3A_363 = arith.index_cast %mul3A_362 : i32 to index
      %get3A_364 = tpu.vector_load %arg7[%get3A_363] {strides = array<i32>} : memref<8192xi32, #tpu.memory_space<vmem>>, vector<16xi32>,
      %mul3A_365 = arith.constant 8 : i32
      %mul3A_366 = arith.muli %scan3A_340, %mul3A_365 : i32
      %add3A_367 = arith.constant 3 : i32
      %add3A_368 = arith.addi %mul3A_366, %add3A_367 : i32
      %mul3A_369 = arith.constant 16 : i32
      %mul3A_370 = arith.muli %add3A_368, %mul3A_369 : i32
      %get3A_371 = arith.index_cast %mul3A_370 : i32 to index
      %get3A_372 = tpu.vector_load %arg7[%get3A_371] {strides = array<i32>} : memref<8192xi32, #tpu.memory_space<vmem>>, vector<16xi32>,
      %mul3A_373 = arith.constant 8 : i32
      %mul3A_374 = arith.muli %scan3A_340, %mul3A_373 : i32
      %add3A_375 = arith.constant 4 : i32
      %add3A_376 = arith.addi %mul3A_374, %add3A_375 : i32
      %mul3A_377 = arith.constant 16 : i32
      %mul3A_378 = arith.muli %add3A_376, %mul3A_377 : i32
      %get3A_379 = arith.index_cast %mul3A_378 : i32 to index
      %get3A_380 = tpu.vector_load %arg7[%get3A_379] {strides = array<i32>} : memref<8192xi32, #tpu.memory_space<vmem>>, vector<16xi32>,
      %mul3A_381 = arith.constant 8 : i32
      %mul3A_382 = arith.muli %scan3A_340, %mul3A_381 : i32
      %add3A_383 = arith.constant 5 : i32
      %add3A_384 = arith.addi %mul3A_382, %add3A_383 : i32
      %mul3A_385 = arith.constant 16 : i32
      %mul3A_386 = arith.muli %add3A_384, %mul3A_385 : i32
      %get3A_387 = arith.index_cast %mul3A_386 : i32 to index
      %get3A_388 = tpu.vector_load %arg7[%get3A_387] {strides = array<i32>} : memref<8192xi32, #tpu.memory_space<vmem>>, vector<16xi32>,
      %mul3A_389 = arith.constant 8 : i32
      %mul3A_390 = arith.muli %scan3A_340, %mul3A_389 : i32
      %add3A_391 = arith.constant 6 : i32
      %add3A_392 = arith.addi %mul3A_390, %add3A_391 : i32
      %mul3A_393 = arith.constant 16 : i32
      %mul3A_394 = arith.muli %add3A_392, %mul3A_393 : i32
      %get3A_395 = arith.index_cast %mul3A_394 : i32 to index
      %get3A_396 = tpu.vector_load %arg7[%get3A_395] {strides = array<i32>} : memref<8192xi32, #tpu.memory_space<vmem>>, vector<16xi32>,
      %mul3A_397 = arith.constant 8 : i32
      %mul3A_398 = arith.muli %scan3A_340, %mul3A_397 : i32
      %add3A_399 = arith.constant 7 : i32
      %add3A_400 = arith.addi %mul3A_398, %add3A_399 : i32
      %mul3A_401 = arith.constant 16 : i32
      %mul3A_402 = arith.muli %add3A_400, %mul3A_401 : i32
      %get3A_403 = arith.index_cast %mul3A_402 : i32 to index
      %get3A_404 = tpu.vector_load %arg7[%get3A_403] {strides = array<i32>} : memref<8192xi32, #tpu.memory_space<vmem>>, vector<16xi32>,
      %mul3A_405 = arith.constant 8 : i32
      %mul3A_406 = arith.muli %scan3A_340, %mul3A_405 : i32
      %add3A_407 = arith.constant 0 : i32
      %add3A_408 = arith.addi %mul3A_406, %add3A_407 : i32
      %mul3A_409 = arith.constant 16 : i32
      %mul3A_410 = arith.muli %add3A_408, %mul3A_409 : i32
      %get3A_411 = arith.index_cast %mul3A_410 : i32 to index
      %get3A_412 = tpu.vector_load %arg9[%get3A_411] {strides = array<i32>} : memref<8192xf32, #tpu.memory_space<vmem>>, vector<16xf32>,
      %mul3A_413 = arith.constant 8 : i32
      %mul3A_414 = arith.muli %scan3A_340, %mul3A_413 : i32
      %add3A_415 = arith.constant 1 : i32
      %add3A_416 = arith.addi %mul3A_414, %add3A_415 : i32
      %mul3A_417 = arith.constant 16 : i32
      %mul3A_418 = arith.muli %add3A_416, %mul3A_417 : i32
      %get3A_419 = arith.index_cast %mul3A_418 : i32 to index
      %get3A_420 = tpu.vector_load %arg9[%get3A_419] {strides = array<i32>} : memref<8192xf32, #tpu.memory_space<vmem>>, vector<16xf32>,
      %mul3A_421 = arith.constant 8 : i32
      %mul3A_422 = arith.muli %scan3A_340, %mul3A_421 : i32
      %add3A_423 = arith.constant 2 : i32
      %add3A_424 = arith.addi %mul3A_422, %add3A_423 : i32
      %mul3A_425 = arith.constant 16 : i32
      %mul3A_426 = arith.muli %add3A_424, %mul3A_425 : i32
      %get3A_427 = arith.index_cast %mul3A_426 : i32 to index
      %get3A_428 = tpu.vector_load %arg9[%get3A_427] {strides = array<i32>} : memref<8192xf32, #tpu.memory_space<vmem>>, vector<16xf32>,
      %mul3A_429 = arith.constant 8 : i32
      %mul3A_430 = arith.muli %scan3A_340, %mul3A_429 : i32
      %add3A_431 = arith.constant 3 : i32
      %add3A_432 = arith.addi %mul3A_430, %add3A_431 : i32
      %mul3A_433 = arith.constant 16 : i32
      %mul3A_434 = arith.muli %add3A_432, %mul3A_433 : i32
      %get3A_435 = arith.index_cast %mul3A_434 : i32 to index
      %get3A_436 = tpu.vector_load %arg9[%get3A_435] {strides = array<i32>} : memref<8192xf32, #tpu.memory_space<vmem>>, vector<16xf32>,
      %mul3A_437 = arith.constant 8 : i32
      %mul3A_438 = arith.muli %scan3A_340, %mul3A_437 : i32
      %add3A_439 = arith.constant 4 : i32
      %add3A_440 = arith.addi %mul3A_438, %add3A_439 : i32
      %mul3A_441 = arith.constant 16 : i32
      %mul3A_442 = arith.muli %add3A_440, %mul3A_441 : i32
      %get3A_443 = arith.index_cast %mul3A_442 : i32 to index
      %get3A_444 = tpu.vector_load %arg9[%get3A_443] {strides = array<i32>} : memref<8192xf32, #tpu.memory_space<vmem>>, vector<16xf32>,
      %mul3A_445 = arith.constant 8 : i32
      %mul3A_446 = arith.muli %scan3A_340, %mul3A_445 : i32
      %add3A_447 = arith.constant 5 : i32
      %add3A_448 = arith.addi %mul3A_446, %add3A_447 : i32
      %mul3A_449 = arith.constant 16 : i32
      %mul3A_450 = arith.muli %add3A_448, %mul3A_449 : i32
      %get3A_451 = arith.index_cast %mul3A_450 : i32 to index
      %get3A_452 = tpu.vector_load %arg9[%get3A_451] {strides = array<i32>} : memref<8192xf32, #tpu.memory_space<vmem>>, vector<16xf32>,
      %mul3A_453 = arith.constant 8 : i32
      %mul3A_454 = arith.muli %scan3A_340, %mul3A_453 : i32
      %add3A_455 = arith.constant 6 : i32
      %add3A_456 = arith.addi %mul3A_454, %add3A_455 : i32
      %mul3A_457 = arith.constant 16 : i32
      %mul3A_458 = arith.muli %add3A_456, %mul3A_457 : i32
      %get3A_459 = arith.index_cast %mul3A_458 : i32 to index
      %get3A_460 = tpu.vector_load %arg9[%get3A_459] {strides = array<i32>} : memref<8192xf32, #tpu.memory_space<vmem>>, vector<16xf32>,
      %mul3A_461 = arith.constant 8 : i32
      %mul3A_462 = arith.muli %scan3A_340, %mul3A_461 : i32
      %add3A_463 = arith.constant 7 : i32
      %add3A_464 = arith.addi %mul3A_462, %add3A_463 : i32
      %mul3A_465 = arith.constant 16 : i32
      %mul3A_466 = arith.muli %add3A_464, %mul3A_465 : i32
      %get3A_467 = arith.index_cast %mul3A_466 : i32 to index
      %get3A_468 = tpu.vector_load %arg9[%get3A_467] {strides = array<i32>} : memref<8192xf32, #tpu.memory_space<vmem>>, vector<16xf32>,
      %sub3A_469 = vector.broadcast %mul3A_40 : i32 to vector<16xi32>
      %sub3A_470 = arith.subi %get3A_348, %sub3A_469 : vector<16xi32>
      %ge3A = arith.constant 0 : i32
      %ge3A_471 = vector.broadcast %ge3A : i32 to vector<16xi32>
      %ge3A_472 = arith.cmpi sge, %sub3A_470, %ge3A_471 : vector<16xi32>
      %lt3A_473 = arith.constant 65536 : i32
      %lt3A_474 = vector.broadcast %lt3A_473 : i32 to vector<16xi32>
      %lt3A_475 = arith.cmpi slt, %sub3A_470, %lt3A_474 : vector<16xi32>
      %and3A_476 = arith.andi %ge3A_472, %lt3A_475 : vector<16xi1>
      tpu.vector_store_idx %arg5[%sub3A_470], %get3A_412 masked %and3A_476 : memref<65536xf32, #tpu.memory_space<vmem>>[vector<16xi32>], vector<16xf32>, vector<16xi1>
      %sub3A_477 = vector.broadcast %mul3A_40 : i32 to vector<16xi32>
      %sub3A_478 = arith.subi %get3A_356, %sub3A_477 : vector<16xi32>
      %ge3A_479 = arith.constant 0 : i32
      %ge3A_480 = vector.broadcast %ge3A_479 : i32 to vector<16xi32>
      %ge3A_481 = arith.cmpi sge, %sub3A_478, %ge3A_480 : vector<16xi32>
      %lt3A_482 = arith.constant 65536 : i32
      %lt3A_483 = vector.broadcast %lt3A_482 : i32 to vector<16xi32>
      %lt3A_484 = arith.cmpi slt, %sub3A_478, %lt3A_483 : vector<16xi32>
      %and3A_485 = arith.andi %ge3A_481, %lt3A_484 : vector<16xi1>
      tpu.vector_store_idx %arg5[%sub3A_478], %get3A_420 masked %and3A_485 : memref<65536xf32, #tpu.memory_space<vmem>>[vector<16xi32>], vector<16xf32>, vector<16xi1>
      %sub3A_486 = vector.broadcast %mul3A_40 : i32 to vector<16xi32>
      %sub3A_487 = arith.subi %get3A_364, %sub3A_486 : vector<16xi32>
      %ge3A_488 = arith.constant 0 : i32
      %ge3A_489 = vector.broadcast %ge3A_488 : i32 to vector<16xi32>
      %ge3A_490 = arith.cmpi sge, %sub3A_487, %ge3A_489 : vector<16xi32>
      %lt3A_491 = arith.constant 65536 : i32
      %lt3A_492 = vector.broadcast %lt3A_491 : i32 to vector<16xi32>
      %lt3A_493 = arith.cmpi slt, %sub3A_487, %lt3A_492 : vector<16xi32>
      %and3A_494 = arith.andi %ge3A_490, %lt3A_493 : vector<16xi1>
      tpu.vector_store_idx %arg5[%sub3A_487], %get3A_428 masked %and3A_494 : memref<65536xf32, #tpu.memory_space<vmem>>[vector<16xi32>], vector<16xf32>, vector<16xi1>
      %sub3A_495 = vector.broadcast %mul3A_40 : i32 to vector<16xi32>
      %sub3A_496 = arith.subi %get3A_372, %sub3A_495 : vector<16xi32>
      %ge3A_497 = arith.constant 0 : i32
      %ge3A_498 = vector.broadcast %ge3A_497 : i32 to vector<16xi32>
      %ge3A_499 = arith.cmpi sge, %sub3A_496, %ge3A_498 : vector<16xi32>
      %lt3A_500 = arith.constant 65536 : i32
      %lt3A_501 = vector.broadcast %lt3A_500 : i32 to vector<16xi32>
      %lt3A_502 = arith.cmpi slt, %sub3A_496, %lt3A_501 : vector<16xi32>
      %and3A_503 = arith.andi %ge3A_499, %lt3A_502 : vector<16xi1>
      tpu.vector_store_idx %arg5[%sub3A_496], %get3A_436 masked %and3A_503 : memref<65536xf32, #tpu.memory_space<vmem>>[vector<16xi32>], vector<16xf32>, vector<16xi1>
      %sub3A_504 = vector.broadcast %mul3A_40 : i32 to vector<16xi32>
      %sub3A_505 = arith.subi %get3A_380, %sub3A_504 : vector<16xi32>
      %ge3A_506 = arith.constant 0 : i32
      %ge3A_507 = vector.broadcast %ge3A_506 : i32 to vector<16xi32>
      %ge3A_508 = arith.cmpi sge, %sub3A_505, %ge3A_507 : vector<16xi32>
      %lt3A_509 = arith.constant 65536 : i32
      %lt3A_510 = vector.broadcast %lt3A_509 : i32 to vector<16xi32>
      %lt3A_511 = arith.cmpi slt, %sub3A_505, %lt3A_510 : vector<16xi32>
      %and3A_512 = arith.andi %ge3A_508, %lt3A_511 : vector<16xi1>
      tpu.vector_store_idx %arg5[%sub3A_505], %get3A_444 masked %and3A_512 : memref<65536xf32, #tpu.memory_space<vmem>>[vector<16xi32>], vector<16xf32>, vector<16xi1>
      %sub3A_513 = vector.broadcast %mul3A_40 : i32 to vector<16xi32>
      %sub3A_514 = arith.subi %get3A_388, %sub3A_513 : vector<16xi32>
      %ge3A_515 = arith.constant 0 : i32
      %ge3A_516 = vector.broadcast %ge3A_515 : i32 to vector<16xi32>
      %ge3A_517 = arith.cmpi sge, %sub3A_514, %ge3A_516 : vector<16xi32>
      %lt3A_518 = arith.constant 65536 : i32
      %lt3A_519 = vector.broadcast %lt3A_518 : i32 to vector<16xi32>
      %lt3A_520 = arith.cmpi slt, %sub3A_514, %lt3A_519 : vector<16xi32>
      %and3A_521 = arith.andi %ge3A_517, %lt3A_520 : vector<16xi1>
      tpu.vector_store_idx %arg5[%sub3A_514], %get3A_452 masked %and3A_521 : memref<65536xf32, #tpu.memory_space<vmem>>[vector<16xi32>], vector<16xf32>, vector<16xi1>
      %sub3A_522 = vector.broadcast %mul3A_40 : i32 to vector<16xi32>
      %sub3A_523 = arith.subi %get3A_396, %sub3A_522 : vector<16xi32>
      %ge3A_524 = arith.constant 0 : i32
      %ge3A_525 = vector.broadcast %ge3A_524 : i32 to vector<16xi32>
      %ge3A_526 = arith.cmpi sge, %sub3A_523, %ge3A_525 : vector<16xi32>
      %lt3A_527 = arith.constant 65536 : i32
      %lt3A_528 = vector.broadcast %lt3A_527 : i32 to vector<16xi32>
      %lt3A_529 = arith.cmpi slt, %sub3A_523, %lt3A_528 : vector<16xi32>
      %and3A_530 = arith.andi %ge3A_526, %lt3A_529 : vector<16xi1>
      tpu.vector_store_idx %arg5[%sub3A_523], %get3A_460 masked %and3A_530 : memref<65536xf32, #tpu.memory_space<vmem>>[vector<16xi32>], vector<16xf32>, vector<16xi1>
      %sub3A_531 = vector.broadcast %mul3A_40 : i32 to vector<16xi32>
      %sub3A_532 = arith.subi %get3A_404, %sub3A_531 : vector<16xi32>
      %ge3A_533 = arith.constant 0 : i32
      %ge3A_534 = vector.broadcast %ge3A_533 : i32 to vector<16xi32>
      %ge3A_535 = arith.cmpi sge, %sub3A_532, %ge3A_534 : vector<16xi32>
      %lt3A_536 = arith.constant 65536 : i32
      %lt3A_537 = vector.broadcast %lt3A_536 : i32 to vector<16xi32>
      %lt3A_538 = arith.cmpi slt, %sub3A_532, %lt3A_537 : vector<16xi32>
      %and3A_539 = arith.andi %ge3A_535, %lt3A_538 : vector<16xi1>
      tpu.vector_store_idx %arg5[%sub3A_532], %get3A_468 masked %and3A_539 : memref<65536xf32, #tpu.memory_space<vmem>>[vector<16xi32>], vector<16xf32>, vector<16xi1>
      %scan3A_540 = arith.constant 0 : i32
      scf.yield %scan3A_540 : i32
    }
    %scan3A_182 = arith.constant 64 : i32
    %mul3A_183 = arith.constant 262144 : i32
    %mul3A_184 = arith.muli %select_n3A, %mul3A_183 : i32
    %add3A_185 = arith.addi %mul3A_184, %mul3A_40 : i32
    "tpu.region"() ({
      %run_scoped3A = tpu.sem_alloc : memref<!tpu.dma_semaphore, #tpu.memory_space<semaphore_mem>>
      %dma_start3A_340 = tpu.memref_slice %arg4[%add3A_185] : memref<4194304xf32, #tpu.memory_space<hbm>> -> memref<65536xf32, #tpu.memory_space<hbm>>
      %dma_start3A_341 = tpu.memref_slice %arg4[%add3A_185] : memref<4194304xf32, #tpu.memory_space<hbm>> -> memref<65536xf32, #tpu.memory_space<hbm>>
      tpu.enqueue_dma source(%arg5 : memref<65536xf32, #tpu.memory_space<vmem>>) target(%dma_start3A_341 : memref<65536xf32, #tpu.memory_space<hbm>>) target_semaphore(%run_scoped3A : memref<!tpu.dma_semaphore, #tpu.memory_space<semaphore_mem>>)
      %dma_wait3A_342 = tpu.memref_slice %arg4[%add3A_185] : memref<4194304xf32, #tpu.memory_space<hbm>> -> memref<65536xf32, #tpu.memory_space<hbm>>
      %dma_wait3A_343 = tpu.memref_slice %arg4[%add3A_185] : memref<4194304xf32, #tpu.memory_space<hbm>> -> memref<65536xf32, #tpu.memory_space<hbm>>
      tpu.wait_dma2 semaphore(%run_scoped3A : memref<!tpu.dma_semaphore, #tpu.memory_space<semaphore_mem>>) src(%arg5 : memref<65536xf32, #tpu.memory_space<vmem>>) dst(%dma_wait3A_343 : memref<65536xf32, #tpu.memory_space<hbm>>)
      tpu.yield
    }) : () -> ()
    %mul3A_186 = arith.constant 2 : i32
    %mul3A_187 = arith.muli %select_n3A_30, %mul3A_186 : i32
    %add3A_188 = arith.constant 1 : i32
    %add3A_189 = arith.addi %mul3A_187, %add3A_188 : i32
    %mul3A_190 = arith.constant 65536 : i32
    %mul3A_191 = arith.muli %add3A_189, %mul3A_190 : i32
    %broadcast_in_dim3A_192 = arith.constant 0.000000e+00 : f32
    %broadcast_in_dim3A_193 = vector.broadcast %broadcast_in_dim3A_192 : f32 to vector<16xf32>
    %scan3A_194 = arith.constant 0 : i32
    %scan3A_195 = arith.constant 0 : i32
    %scan3A_196 = arith.constant 512 : i32
    %scan3A_197 = arith.addi %scan3A_195, %scan3A_196 : i32
    %scan3A_198 = arith.constant 1 : i32
    %scan3A_199 = scf.for %scan3A_340 = %scan3A_195 to %scan3A_197 step %scan3A_198 iter_args(%scan3A_341 = %scan3A_194) -> (i32)  : i32 {
      %mul3A_342 = arith.constant 8 : i32
      %mul3A_343 = arith.muli %scan3A_340, %mul3A_342 : i32
      %add3A_344 = arith.constant 0 : i32
      %add3A_345 = arith.addi %mul3A_343, %add3A_344 : i32
      %mul3A_346 = arith.constant 16 : i32
      %mul3A_347 = arith.muli %add3A_345, %mul3A_346 : i32
      %swap3A_348 = arith.index_cast %mul3A_347 : i32 to index
      %swap3A_349 = tpu.vector_load %arg5[%swap3A_348] {strides = array<i32>} : memref<65536xf32, #tpu.memory_space<vmem>>, vector<16xf32>,
      tpu.vector_store %arg5[%swap3A_348], %broadcast_in_dim3A_193 {strides = array<i32>} : memref<65536xf32, #tpu.memory_space<vmem>>, vector<16xf32>,
      %mul3A_350 = arith.constant 8 : i32
      %mul3A_351 = arith.muli %scan3A_340, %mul3A_350 : i32
      %add3A_352 = arith.constant 1 : i32
      %add3A_353 = arith.addi %mul3A_351, %add3A_352 : i32
      %mul3A_354 = arith.constant 16 : i32
      %mul3A_355 = arith.muli %add3A_353, %mul3A_354 : i32
      %swap3A_356 = arith.index_cast %mul3A_355 : i32 to index
      %swap3A_357 = tpu.vector_load %arg5[%swap3A_356] {strides = array<i32>} : memref<65536xf32, #tpu.memory_space<vmem>>, vector<16xf32>,
      tpu.vector_store %arg5[%swap3A_356], %broadcast_in_dim3A_193 {strides = array<i32>} : memref<65536xf32, #tpu.memory_space<vmem>>, vector<16xf32>,
      %mul3A_358 = arith.constant 8 : i32
      %mul3A_359 = arith.muli %scan3A_340, %mul3A_358 : i32
      %add3A_360 = arith.constant 2 : i32
      %add3A_361 = arith.addi %mul3A_359, %add3A_360 : i32
      %mul3A_362 = arith.constant 16 : i32
      %mul3A_363 = arith.muli %add3A_361, %mul3A_362 : i32
      %swap3A_364 = arith.index_cast %mul3A_363 : i32 to index
      %swap3A_365 = tpu.vector_load %arg5[%swap3A_364] {strides = array<i32>} : memref<65536xf32, #tpu.memory_space<vmem>>, vector<16xf32>,
      tpu.vector_store %arg5[%swap3A_364], %broadcast_in_dim3A_193 {strides = array<i32>} : memref<65536xf32, #tpu.memory_space<vmem>>, vector<16xf32>,
      %mul3A_366 = arith.constant 8 : i32
      %mul3A_367 = arith.muli %scan3A_340, %mul3A_366 : i32
      %add3A_368 = arith.constant 3 : i32
      %add3A_369 = arith.addi %mul3A_367, %add3A_368 : i32
      %mul3A_370 = arith.constant 16 : i32
      %mul3A_371 = arith.muli %add3A_369, %mul3A_370 : i32
      %swap3A_372 = arith.index_cast %mul3A_371 : i32 to index
      %swap3A_373 = tpu.vector_load %arg5[%swap3A_372] {strides = array<i32>} : memref<65536xf32, #tpu.memory_space<vmem>>, vector<16xf32>,
      tpu.vector_store %arg5[%swap3A_372], %broadcast_in_dim3A_193 {strides = array<i32>} : memref<65536xf32, #tpu.memory_space<vmem>>, vector<16xf32>,
      %mul3A_374 = arith.constant 8 : i32
      %mul3A_375 = arith.muli %scan3A_340, %mul3A_374 : i32
      %add3A_376 = arith.constant 4 : i32
      %add3A_377 = arith.addi %mul3A_375, %add3A_376 : i32
      %mul3A_378 = arith.constant 16 : i32
      %mul3A_379 = arith.muli %add3A_377, %mul3A_378 : i32
      %swap3A_380 = arith.index_cast %mul3A_379 : i32 to index
      %swap3A_381 = tpu.vector_load %arg5[%swap3A_380] {strides = array<i32>} : memref<65536xf32, #tpu.memory_space<vmem>>, vector<16xf32>,
      tpu.vector_store %arg5[%swap3A_380], %broadcast_in_dim3A_193 {strides = array<i32>} : memref<65536xf32, #tpu.memory_space<vmem>>, vector<16xf32>,
      %mul3A_382 = arith.constant 8 : i32
      %mul3A_383 = arith.muli %scan3A_340, %mul3A_382 : i32
      %add3A_384 = arith.constant 5 : i32
      %add3A_385 = arith.addi %mul3A_383, %add3A_384 : i32
      %mul3A_386 = arith.constant 16 : i32
      %mul3A_387 = arith.muli %add3A_385, %mul3A_386 : i32
      %swap3A_388 = arith.index_cast %mul3A_387 : i32 to index
      %swap3A_389 = tpu.vector_load %arg5[%swap3A_388] {strides = array<i32>} : memref<65536xf32, #tpu.memory_space<vmem>>, vector<16xf32>,
      tpu.vector_store %arg5[%swap3A_388], %broadcast_in_dim3A_193 {strides = array<i32>} : memref<65536xf32, #tpu.memory_space<vmem>>, vector<16xf32>,
      %mul3A_390 = arith.constant 8 : i32
      %mul3A_391 = arith.muli %scan3A_340, %mul3A_390 : i32
      %add3A_392 = arith.constant 6 : i32
      %add3A_393 = arith.addi %mul3A_391, %add3A_392 : i32
      %mul3A_394 = arith.constant 16 : i32
      %mul3A_395 = arith.muli %add3A_393, %mul3A_394 : i32
      %swap3A_396 = arith.index_cast %mul3A_395 : i32 to index
      %swap3A_397 = tpu.vector_load %arg5[%swap3A_396] {strides = array<i32>} : memref<65536xf32, #tpu.memory_space<vmem>>, vector<16xf32>,
      tpu.vector_store %arg5[%swap3A_396], %broadcast_in_dim3A_193 {strides = array<i32>} : memref<65536xf32, #tpu.memory_space<vmem>>, vector<16xf32>,
      %mul3A_398 = arith.constant 8 : i32
      %mul3A_399 = arith.muli %scan3A_340, %mul3A_398 : i32
      %add3A_400 = arith.constant 7 : i32
      %add3A_401 = arith.addi %mul3A_399, %add3A_400 : i32
      %mul3A_402 = arith.constant 16 : i32
      %mul3A_403 = arith.muli %add3A_401, %mul3A_402 : i32
      %swap3A_404 = arith.index_cast %mul3A_403 : i32 to index
      %swap3A_405 = tpu.vector_load %arg5[%swap3A_404] {strides = array<i32>} : memref<65536xf32, #tpu.memory_space<vmem>>, vector<16xf32>,
      tpu.vector_store %arg5[%swap3A_404], %broadcast_in_dim3A_193 {strides = array<i32>} : memref<65536xf32, #tpu.memory_space<vmem>>, vector<16xf32>,
      %scan3A_406 = arith.constant 0 : i32
      scf.yield %scan3A_406 : i32
    }
    %scan3A_200 = arith.constant 512 : i32
    %add3A_201 = arith.constant 0 : i32
    %add3A_202 = arith.addi %mul3A_34, %add3A_201 : i32
    %dma_start3A_203 = tpu.memref_slice %arg2[%add3A_202] : memref<1048576xi32, #tpu.memory_space<hbm>> -> memref<8192xi32, #tpu.memory_space<hbm>>
    %dma_start3A_204 = tpu.memref_slice %arg2[%add3A_202] : memref<1048576xi32, #tpu.memory_space<hbm>> -> memref<8192xi32, #tpu.memory_space<hbm>>
    tpu.enqueue_dma source(%dma_start3A_204 : memref<8192xi32, #tpu.memory_space<hbm>>) target(%arg6 : memref<8192xi32, #tpu.memory_space<vmem>>) target_semaphore(%arg11 : memref<!tpu.dma_semaphore, #tpu.memory_space<semaphore_mem>>)
    %dma_start3A_205 = tpu.memref_slice %arg3[%add3A_202] : memref<1048576xf32, #tpu.memory_space<hbm>> -> memref<8192xf32, #tpu.memory_space<hbm>>
    %dma_start3A_206 = tpu.memref_slice %arg3[%add3A_202] : memref<1048576xf32, #tpu.memory_space<hbm>> -> memref<8192xf32, #tpu.memory_space<hbm>>
    tpu.enqueue_dma source(%dma_start3A_206 : memref<8192xf32, #tpu.memory_space<hbm>>) target(%arg8 : memref<8192xf32, #tpu.memory_space<vmem>>) target_semaphore(%arg13 : memref<!tpu.dma_semaphore, #tpu.memory_space<semaphore_mem>>)
    %dma_wait3A_207 = tpu.memref_slice %arg2[%add3A_202] : memref<1048576xi32, #tpu.memory_space<hbm>> -> memref<8192xi32, #tpu.memory_space<hbm>>
    %dma_wait3A_208 = tpu.memref_slice %arg2[%add3A_202] : memref<1048576xi32, #tpu.memory_space<hbm>> -> memref<8192xi32, #tpu.memory_space<hbm>>
    tpu.wait_dma2 semaphore(%arg11 : memref<!tpu.dma_semaphore, #tpu.memory_space<semaphore_mem>>) src(%dma_wait3A_208 : memref<8192xi32, #tpu.memory_space<hbm>>) dst(%arg6 : memref<8192xi32, #tpu.memory_space<vmem>>)
    %dma_wait3A_209 = tpu.memref_slice %arg3[%add3A_202] : memref<1048576xf32, #tpu.memory_space<hbm>> -> memref<8192xf32, #tpu.memory_space<hbm>>
    %dma_wait3A_210 = tpu.memref_slice %arg3[%add3A_202] : memref<1048576xf32, #tpu.memory_space<hbm>> -> memref<8192xf32, #tpu.memory_space<hbm>>
    tpu.wait_dma2 semaphore(%arg13 : memref<!tpu.dma_semaphore, #tpu.memory_space<semaphore_mem>>) src(%dma_wait3A_210 : memref<8192xf32, #tpu.memory_space<hbm>>) dst(%arg8 : memref<8192xf32, #tpu.memory_space<vmem>>)
    %add3A_211 = arith.constant 8192 : i32
    %add3A_212 = arith.addi %mul3A_34, %add3A_211 : i32
    %dma_start3A_213 = tpu.memref_slice %arg2[%add3A_212] : memref<1048576xi32, #tpu.memory_space<hbm>> -> memref<8192xi32, #tpu.memory_space<hbm>>
    %dma_start3A_214 = tpu.memref_slice %arg2[%add3A_212] : memref<1048576xi32, #tpu.memory_space<hbm>> -> memref<8192xi32, #tpu.memory_space<hbm>>
    tpu.enqueue_dma source(%dma_start3A_214 : memref<8192xi32, #tpu.memory_space<hbm>>) target(%arg7 : memref<8192xi32, #tpu.memory_space<vmem>>) target_semaphore(%arg12 : memref<!tpu.dma_semaphore, #tpu.memory_space<semaphore_mem>>)
    %dma_start3A_215 = tpu.memref_slice %arg3[%add3A_212] : memref<1048576xf32, #tpu.memory_space<hbm>> -> memref<8192xf32, #tpu.memory_space<hbm>>
    %dma_start3A_216 = tpu.memref_slice %arg3[%add3A_212] : memref<1048576xf32, #tpu.memory_space<hbm>> -> memref<8192xf32, #tpu.memory_space<hbm>>
    tpu.enqueue_dma source(%dma_start3A_216 : memref<8192xf32, #tpu.memory_space<hbm>>) target(%arg9 : memref<8192xf32, #tpu.memory_space<vmem>>) target_semaphore(%arg14 : memref<!tpu.dma_semaphore, #tpu.memory_space<semaphore_mem>>)
    %scan3A_217 = arith.constant 0 : i32
    %scan3A_218 = arith.constant 0 : i32
    %scan3A_219 = arith.constant 64 : i32
    %scan3A_220 = arith.addi %scan3A_218, %scan3A_219 : i32
    %scan3A_221 = arith.constant 1 : i32
    %scan3A_222 = scf.for %scan3A_340 = %scan3A_218 to %scan3A_220 step %scan3A_221 iter_args(%scan3A_341 = %scan3A_217) -> (i32)  : i32 {
      %mul3A_342 = arith.constant 8 : i32
      %mul3A_343 = arith.muli %scan3A_340, %mul3A_342 : i32
      %add3A_344 = arith.constant 0 : i32
      %add3A_345 = arith.addi %mul3A_343, %add3A_344 : i32
      %mul3A_346 = arith.constant 16 : i32
      %mul3A_347 = arith.muli %add3A_345, %mul3A_346 : i32
      %get3A = arith.index_cast %mul3A_347 : i32 to index
      %get3A_348 = tpu.vector_load %arg6[%get3A] {strides = array<i32>} : memref<8192xi32, #tpu.memory_space<vmem>>, vector<16xi32>,
      %mul3A_349 = arith.constant 8 : i32
      %mul3A_350 = arith.muli %scan3A_340, %mul3A_349 : i32
      %add3A_351 = arith.constant 1 : i32
      %add3A_352 = arith.addi %mul3A_350, %add3A_351 : i32
      %mul3A_353 = arith.constant 16 : i32
      %mul3A_354 = arith.muli %add3A_352, %mul3A_353 : i32
      %get3A_355 = arith.index_cast %mul3A_354 : i32 to index
      %get3A_356 = tpu.vector_load %arg6[%get3A_355] {strides = array<i32>} : memref<8192xi32, #tpu.memory_space<vmem>>, vector<16xi32>,
      %mul3A_357 = arith.constant 8 : i32
      %mul3A_358 = arith.muli %scan3A_340, %mul3A_357 : i32
      %add3A_359 = arith.constant 2 : i32
      %add3A_360 = arith.addi %mul3A_358, %add3A_359 : i32
      %mul3A_361 = arith.constant 16 : i32
      %mul3A_362 = arith.muli %add3A_360, %mul3A_361 : i32
      %get3A_363 = arith.index_cast %mul3A_362 : i32 to index
      %get3A_364 = tpu.vector_load %arg6[%get3A_363] {strides = array<i32>} : memref<8192xi32, #tpu.memory_space<vmem>>, vector<16xi32>,
      %mul3A_365 = arith.constant 8 : i32
      %mul3A_366 = arith.muli %scan3A_340, %mul3A_365 : i32
      %add3A_367 = arith.constant 3 : i32
      %add3A_368 = arith.addi %mul3A_366, %add3A_367 : i32
      %mul3A_369 = arith.constant 16 : i32
      %mul3A_370 = arith.muli %add3A_368, %mul3A_369 : i32
      %get3A_371 = arith.index_cast %mul3A_370 : i32 to index
      %get3A_372 = tpu.vector_load %arg6[%get3A_371] {strides = array<i32>} : memref<8192xi32, #tpu.memory_space<vmem>>, vector<16xi32>,
      %mul3A_373 = arith.constant 8 : i32
      %mul3A_374 = arith.muli %scan3A_340, %mul3A_373 : i32
      %add3A_375 = arith.constant 4 : i32
      %add3A_376 = arith.addi %mul3A_374, %add3A_375 : i32
      %mul3A_377 = arith.constant 16 : i32
      %mul3A_378 = arith.muli %add3A_376, %mul3A_377 : i32
      %get3A_379 = arith.index_cast %mul3A_378 : i32 to index
      %get3A_380 = tpu.vector_load %arg6[%get3A_379] {strides = array<i32>} : memref<8192xi32, #tpu.memory_space<vmem>>, vector<16xi32>,
      %mul3A_381 = arith.constant 8 : i32
      %mul3A_382 = arith.muli %scan3A_340, %mul3A_381 : i32
      %add3A_383 = arith.constant 5 : i32
      %add3A_384 = arith.addi %mul3A_382, %add3A_383 : i32
      %mul3A_385 = arith.constant 16 : i32
      %mul3A_386 = arith.muli %add3A_384, %mul3A_385 : i32
      %get3A_387 = arith.index_cast %mul3A_386 : i32 to index
      %get3A_388 = tpu.vector_load %arg6[%get3A_387] {strides = array<i32>} : memref<8192xi32, #tpu.memory_space<vmem>>, vector<16xi32>,
      %mul3A_389 = arith.constant 8 : i32
      %mul3A_390 = arith.muli %scan3A_340, %mul3A_389 : i32
      %add3A_391 = arith.constant 6 : i32
      %add3A_392 = arith.addi %mul3A_390, %add3A_391 : i32
      %mul3A_393 = arith.constant 16 : i32
      %mul3A_394 = arith.muli %add3A_392, %mul3A_393 : i32
      %get3A_395 = arith.index_cast %mul3A_394 : i32 to index
      %get3A_396 = tpu.vector_load %arg6[%get3A_395] {strides = array<i32>} : memref<8192xi32, #tpu.memory_space<vmem>>, vector<16xi32>,
      %mul3A_397 = arith.constant 8 : i32
      %mul3A_398 = arith.muli %scan3A_340, %mul3A_397 : i32
      %add3A_399 = arith.constant 7 : i32
      %add3A_400 = arith.addi %mul3A_398, %add3A_399 : i32
      %mul3A_401 = arith.constant 16 : i32
      %mul3A_402 = arith.muli %add3A_400, %mul3A_401 : i32
      %get3A_403 = arith.index_cast %mul3A_402 : i32 to index
      %get3A_404 = tpu.vector_load %arg6[%get3A_403] {strides = array<i32>} : memref<8192xi32, #tpu.memory_space<vmem>>, vector<16xi32>,
      %mul3A_405 = arith.constant 8 : i32
      %mul3A_406 = arith.muli %scan3A_340, %mul3A_405 : i32
      %add3A_407 = arith.constant 0 : i32
      %add3A_408 = arith.addi %mul3A_406, %add3A_407 : i32
      %mul3A_409 = arith.constant 16 : i32
      %mul3A_410 = arith.muli %add3A_408, %mul3A_409 : i32
      %get3A_411 = arith.index_cast %mul3A_410 : i32 to index
      %get3A_412 = tpu.vector_load %arg8[%get3A_411] {strides = array<i32>} : memref<8192xf32, #tpu.memory_space<vmem>>, vector<16xf32>,
      %mul3A_413 = arith.constant 8 : i32
      %mul3A_414 = arith.muli %scan3A_340, %mul3A_413 : i32
      %add3A_415 = arith.constant 1 : i32
      %add3A_416 = arith.addi %mul3A_414, %add3A_415 : i32
      %mul3A_417 = arith.constant 16 : i32
      %mul3A_418 = arith.muli %add3A_416, %mul3A_417 : i32
      %get3A_419 = arith.index_cast %mul3A_418 : i32 to index
      %get3A_420 = tpu.vector_load %arg8[%get3A_419] {strides = array<i32>} : memref<8192xf32, #tpu.memory_space<vmem>>, vector<16xf32>,
      %mul3A_421 = arith.constant 8 : i32
      %mul3A_422 = arith.muli %scan3A_340, %mul3A_421 : i32
      %add3A_423 = arith.constant 2 : i32
      %add3A_424 = arith.addi %mul3A_422, %add3A_423 : i32
      %mul3A_425 = arith.constant 16 : i32
      %mul3A_426 = arith.muli %add3A_424, %mul3A_425 : i32
      %get3A_427 = arith.index_cast %mul3A_426 : i32 to index
      %get3A_428 = tpu.vector_load %arg8[%get3A_427] {strides = array<i32>} : memref<8192xf32, #tpu.memory_space<vmem>>, vector<16xf32>,
      %mul3A_429 = arith.constant 8 : i32
      %mul3A_430 = arith.muli %scan3A_340, %mul3A_429 : i32
      %add3A_431 = arith.constant 3 : i32
      %add3A_432 = arith.addi %mul3A_430, %add3A_431 : i32
      %mul3A_433 = arith.constant 16 : i32
      %mul3A_434 = arith.muli %add3A_432, %mul3A_433 : i32
      %get3A_435 = arith.index_cast %mul3A_434 : i32 to index
      %get3A_436 = tpu.vector_load %arg8[%get3A_435] {strides = array<i32>} : memref<8192xf32, #tpu.memory_space<vmem>>, vector<16xf32>,
      %mul3A_437 = arith.constant 8 : i32
      %mul3A_438 = arith.muli %scan3A_340, %mul3A_437 : i32
      %add3A_439 = arith.constant 4 : i32
      %add3A_440 = arith.addi %mul3A_438, %add3A_439 : i32
      %mul3A_441 = arith.constant 16 : i32
      %mul3A_442 = arith.muli %add3A_440, %mul3A_441 : i32
      %get3A_443 = arith.index_cast %mul3A_442 : i32 to index
      %get3A_444 = tpu.vector_load %arg8[%get3A_443] {strides = array<i32>} : memref<8192xf32, #tpu.memory_space<vmem>>, vector<16xf32>,
      %mul3A_445 = arith.constant 8 : i32
      %mul3A_446 = arith.muli %scan3A_340, %mul3A_445 : i32
      %add3A_447 = arith.constant 5 : i32
      %add3A_448 = arith.addi %mul3A_446, %add3A_447 : i32
      %mul3A_449 = arith.constant 16 : i32
      %mul3A_450 = arith.muli %add3A_448, %mul3A_449 : i32
      %get3A_451 = arith.index_cast %mul3A_450 : i32 to index
      %get3A_452 = tpu.vector_load %arg8[%get3A_451] {strides = array<i32>} : memref<8192xf32, #tpu.memory_space<vmem>>, vector<16xf32>,
      %mul3A_453 = arith.constant 8 : i32
      %mul3A_454 = arith.muli %scan3A_340, %mul3A_453 : i32
      %add3A_455 = arith.constant 6 : i32
      %add3A_456 = arith.addi %mul3A_454, %add3A_455 : i32
      %mul3A_457 = arith.constant 16 : i32
      %mul3A_458 = arith.muli %add3A_456, %mul3A_457 : i32
      %get3A_459 = arith.index_cast %mul3A_458 : i32 to index
      %get3A_460 = tpu.vector_load %arg8[%get3A_459] {strides = array<i32>} : memref<8192xf32, #tpu.memory_space<vmem>>, vector<16xf32>,
      %mul3A_461 = arith.constant 8 : i32
      %mul3A_462 = arith.muli %scan3A_340, %mul3A_461 : i32
      %add3A_463 = arith.constant 7 : i32
      %add3A_464 = arith.addi %mul3A_462, %add3A_463 : i32
      %mul3A_465 = arith.constant 16 : i32
      %mul3A_466 = arith.muli %add3A_464, %mul3A_465 : i32
      %get3A_467 = arith.index_cast %mul3A_466 : i32 to index
      %get3A_468 = tpu.vector_load %arg8[%get3A_467] {strides = array<i32>} : memref<8192xf32, #tpu.memory_space<vmem>>, vector<16xf32>,
      %sub3A_469 = vector.broadcast %mul3A_191 : i32 to vector<16xi32>
      %sub3A_470 = arith.subi %get3A_348, %sub3A_469 : vector<16xi32>
      %ge3A = arith.constant 0 : i32
      %ge3A_471 = vector.broadcast %ge3A : i32 to vector<16xi32>
      %ge3A_472 = arith.cmpi sge, %sub3A_470, %ge3A_471 : vector<16xi32>
      %lt3A_473 = arith.constant 65536 : i32
      %lt3A_474 = vector.broadcast %lt3A_473 : i32 to vector<16xi32>
      %lt3A_475 = arith.cmpi slt, %sub3A_470, %lt3A_474 : vector<16xi32>
      %and3A_476 = arith.andi %ge3A_472, %lt3A_475 : vector<16xi1>
      tpu.vector_store_idx %arg5[%sub3A_470], %get3A_412 masked %and3A_476 : memref<65536xf32, #tpu.memory_space<vmem>>[vector<16xi32>], vector<16xf32>, vector<16xi1>
      %sub3A_477 = vector.broadcast %mul3A_191 : i32 to vector<16xi32>
      %sub3A_478 = arith.subi %get3A_356, %sub3A_477 : vector<16xi32>
      %ge3A_479 = arith.constant 0 : i32
      %ge3A_480 = vector.broadcast %ge3A_479 : i32 to vector<16xi32>
      %ge3A_481 = arith.cmpi sge, %sub3A_478, %ge3A_480 : vector<16xi32>
      %lt3A_482 = arith.constant 65536 : i32
      %lt3A_483 = vector.broadcast %lt3A_482 : i32 to vector<16xi32>
      %lt3A_484 = arith.cmpi slt, %sub3A_478, %lt3A_483 : vector<16xi32>
      %and3A_485 = arith.andi %ge3A_481, %lt3A_484 : vector<16xi1>
      tpu.vector_store_idx %arg5[%sub3A_478], %get3A_420 masked %and3A_485 : memref<65536xf32, #tpu.memory_space<vmem>>[vector<16xi32>], vector<16xf32>, vector<16xi1>
      %sub3A_486 = vector.broadcast %mul3A_191 : i32 to vector<16xi32>
      %sub3A_487 = arith.subi %get3A_364, %sub3A_486 : vector<16xi32>
      %ge3A_488 = arith.constant 0 : i32
      %ge3A_489 = vector.broadcast %ge3A_488 : i32 to vector<16xi32>
      %ge3A_490 = arith.cmpi sge, %sub3A_487, %ge3A_489 : vector<16xi32>
      %lt3A_491 = arith.constant 65536 : i32
      %lt3A_492 = vector.broadcast %lt3A_491 : i32 to vector<16xi32>
      %lt3A_493 = arith.cmpi slt, %sub3A_487, %lt3A_492 : vector<16xi32>
      %and3A_494 = arith.andi %ge3A_490, %lt3A_493 : vector<16xi1>
      tpu.vector_store_idx %arg5[%sub3A_487], %get3A_428 masked %and3A_494 : memref<65536xf32, #tpu.memory_space<vmem>>[vector<16xi32>], vector<16xf32>, vector<16xi1>
      %sub3A_495 = vector.broadcast %mul3A_191 : i32 to vector<16xi32>
      %sub3A_496 = arith.subi %get3A_372, %sub3A_495 : vector<16xi32>
      %ge3A_497 = arith.constant 0 : i32
      %ge3A_498 = vector.broadcast %ge3A_497 : i32 to vector<16xi32>
      %ge3A_499 = arith.cmpi sge, %sub3A_496, %ge3A_498 : vector<16xi32>
      %lt3A_500 = arith.constant 65536 : i32
      %lt3A_501 = vector.broadcast %lt3A_500 : i32 to vector<16xi32>
      %lt3A_502 = arith.cmpi slt, %sub3A_496, %lt3A_501 : vector<16xi32>
      %and3A_503 = arith.andi %ge3A_499, %lt3A_502 : vector<16xi1>
      tpu.vector_store_idx %arg5[%sub3A_496], %get3A_436 masked %and3A_503 : memref<65536xf32, #tpu.memory_space<vmem>>[vector<16xi32>], vector<16xf32>, vector<16xi1>
      %sub3A_504 = vector.broadcast %mul3A_191 : i32 to vector<16xi32>
      %sub3A_505 = arith.subi %get3A_380, %sub3A_504 : vector<16xi32>
      %ge3A_506 = arith.constant 0 : i32
      %ge3A_507 = vector.broadcast %ge3A_506 : i32 to vector<16xi32>
      %ge3A_508 = arith.cmpi sge, %sub3A_505, %ge3A_507 : vector<16xi32>
      %lt3A_509 = arith.constant 65536 : i32
      %lt3A_510 = vector.broadcast %lt3A_509 : i32 to vector<16xi32>
      %lt3A_511 = arith.cmpi slt, %sub3A_505, %lt3A_510 : vector<16xi32>
      %and3A_512 = arith.andi %ge3A_508, %lt3A_511 : vector<16xi1>
      tpu.vector_store_idx %arg5[%sub3A_505], %get3A_444 masked %and3A_512 : memref<65536xf32, #tpu.memory_space<vmem>>[vector<16xi32>], vector<16xf32>, vector<16xi1>
      %sub3A_513 = vector.broadcast %mul3A_191 : i32 to vector<16xi32>
      %sub3A_514 = arith.subi %get3A_388, %sub3A_513 : vector<16xi32>
      %ge3A_515 = arith.constant 0 : i32
      %ge3A_516 = vector.broadcast %ge3A_515 : i32 to vector<16xi32>
      %ge3A_517 = arith.cmpi sge, %sub3A_514, %ge3A_516 : vector<16xi32>
      %lt3A_518 = arith.constant 65536 : i32
      %lt3A_519 = vector.broadcast %lt3A_518 : i32 to vector<16xi32>
      %lt3A_520 = arith.cmpi slt, %sub3A_514, %lt3A_519 : vector<16xi32>
      %and3A_521 = arith.andi %ge3A_517, %lt3A_520 : vector<16xi1>
      tpu.vector_store_idx %arg5[%sub3A_514], %get3A_452 masked %and3A_521 : memref<65536xf32, #tpu.memory_space<vmem>>[vector<16xi32>], vector<16xf32>, vector<16xi1>
      %sub3A_522 = vector.broadcast %mul3A_191 : i32 to vector<16xi32>
      %sub3A_523 = arith.subi %get3A_396, %sub3A_522 : vector<16xi32>
      %ge3A_524 = arith.constant 0 : i32
      %ge3A_525 = vector.broadcast %ge3A_524 : i32 to vector<16xi32>
      %ge3A_526 = arith.cmpi sge, %sub3A_523, %ge3A_525 : vector<16xi32>
      %lt3A_527 = arith.constant 65536 : i32
      %lt3A_528 = vector.broadcast %lt3A_527 : i32 to vector<16xi32>
      %lt3A_529 = arith.cmpi slt, %sub3A_523, %lt3A_528 : vector<16xi32>
      %and3A_530 = arith.andi %ge3A_526, %lt3A_529 : vector<16xi1>
      tpu.vector_store_idx %arg5[%sub3A_523], %get3A_460 masked %and3A_530 : memref<65536xf32, #tpu.memory_space<vmem>>[vector<16xi32>], vector<16xf32>, vector<16xi1>
      %sub3A_531 = vector.broadcast %mul3A_191 : i32 to vector<16xi32>
      %sub3A_532 = arith.subi %get3A_404, %sub3A_531 : vector<16xi32>
      %ge3A_533 = arith.constant 0 : i32
      %ge3A_534 = vector.broadcast %ge3A_533 : i32 to vector<16xi32>
      %ge3A_535 = arith.cmpi sge, %sub3A_532, %ge3A_534 : vector<16xi32>
      %lt3A_536 = arith.constant 65536 : i32
      %lt3A_537 = vector.broadcast %lt3A_536 : i32 to vector<16xi32>
      %lt3A_538 = arith.cmpi slt, %sub3A_532, %lt3A_537 : vector<16xi32>
      %and3A_539 = arith.andi %ge3A_535, %lt3A_538 : vector<16xi1>
      tpu.vector_store_idx %arg5[%sub3A_532], %get3A_468 masked %and3A_539 : memref<65536xf32, #tpu.memory_space<vmem>>[vector<16xi32>], vector<16xf32>, vector<16xi1>
      %scan3A_540 = arith.constant 0 : i32
      scf.yield %scan3A_540 : i32
    }
    %scan3A_223 = arith.constant 64 : i32
    %dma_wait3A_224 = tpu.memref_slice %arg2[%add3A_212] : memref<1048576xi32, #tpu.memory_space<hbm>> -> memref<8192xi32, #tpu.memory_space<hbm>>
    %dma_wait3A_225 = tpu.memref_slice %arg2[%add3A_212] : memref<1048576xi32, #tpu.memory_space<hbm>> -> memref<8192xi32, #tpu.memory_space<hbm>>
    tpu.wait_dma2 semaphore(%arg12 : memref<!tpu.dma_semaphore, #tpu.memory_space<semaphore_mem>>) src(%dma_wait3A_225 : memref<8192xi32, #tpu.memory_space<hbm>>) dst(%arg7 : memref<8192xi32, #tpu.memory_space<vmem>>)
    %dma_wait3A_226 = tpu.memref_slice %arg3[%add3A_212] : memref<1048576xf32, #tpu.memory_space<hbm>> -> memref<8192xf32, #tpu.memory_space<hbm>>
    %dma_wait3A_227 = tpu.memref_slice %arg3[%add3A_212] : memref<1048576xf32, #tpu.memory_space<hbm>> -> memref<8192xf32, #tpu.memory_space<hbm>>
    tpu.wait_dma2 semaphore(%arg14 : memref<!tpu.dma_semaphore, #tpu.memory_space<semaphore_mem>>) src(%dma_wait3A_227 : memref<8192xf32, #tpu.memory_space<hbm>>) dst(%arg9 : memref<8192xf32, #tpu.memory_space<vmem>>)
    %add3A_228 = arith.constant 16384 : i32
    %add3A_229 = arith.addi %mul3A_34, %add3A_228 : i32
    %dma_start3A_230 = tpu.memref_slice %arg2[%add3A_229] : memref<1048576xi32, #tpu.memory_space<hbm>> -> memref<8192xi32, #tpu.memory_space<hbm>>
    %dma_start3A_231 = tpu.memref_slice %arg2[%add3A_229] : memref<1048576xi32, #tpu.memory_space<hbm>> -> memref<8192xi32, #tpu.memory_space<hbm>>
    tpu.enqueue_dma source(%dma_start3A_231 : memref<8192xi32, #tpu.memory_space<hbm>>) target(%arg6 : memref<8192xi32, #tpu.memory_space<vmem>>) target_semaphore(%arg11 : memref<!tpu.dma_semaphore, #tpu.memory_space<semaphore_mem>>)
    %dma_start3A_232 = tpu.memref_slice %arg3[%add3A_229] : memref<1048576xf32, #tpu.memory_space<hbm>> -> memref<8192xf32, #tpu.memory_space<hbm>>
    %dma_start3A_233 = tpu.memref_slice %arg3[%add3A_229] : memref<1048576xf32, #tpu.memory_space<hbm>> -> memref<8192xf32, #tpu.memory_space<hbm>>
    tpu.enqueue_dma source(%dma_start3A_233 : memref<8192xf32, #tpu.memory_space<hbm>>) target(%arg8 : memref<8192xf32, #tpu.memory_space<vmem>>) target_semaphore(%arg13 : memref<!tpu.dma_semaphore, #tpu.memory_space<semaphore_mem>>)
    %scan3A_234 = arith.constant 0 : i32
    %scan3A_235 = arith.constant 0 : i32
    %scan3A_236 = arith.constant 64 : i32
    %scan3A_237 = arith.addi %scan3A_235, %scan3A_236 : i32
    %scan3A_238 = arith.constant 1 : i32
    %scan3A_239 = scf.for %scan3A_340 = %scan3A_235 to %scan3A_237 step %scan3A_238 iter_args(%scan3A_341 = %scan3A_234) -> (i32)  : i32 {
      %mul3A_342 = arith.constant 8 : i32
      %mul3A_343 = arith.muli %scan3A_340, %mul3A_342 : i32
      %add3A_344 = arith.constant 0 : i32
      %add3A_345 = arith.addi %mul3A_343, %add3A_344 : i32
      %mul3A_346 = arith.constant 16 : i32
      %mul3A_347 = arith.muli %add3A_345, %mul3A_346 : i32
      %get3A = arith.index_cast %mul3A_347 : i32 to index
      %get3A_348 = tpu.vector_load %arg7[%get3A] {strides = array<i32>} : memref<8192xi32, #tpu.memory_space<vmem>>, vector<16xi32>,
      %mul3A_349 = arith.constant 8 : i32
      %mul3A_350 = arith.muli %scan3A_340, %mul3A_349 : i32
      %add3A_351 = arith.constant 1 : i32
      %add3A_352 = arith.addi %mul3A_350, %add3A_351 : i32
      %mul3A_353 = arith.constant 16 : i32
      %mul3A_354 = arith.muli %add3A_352, %mul3A_353 : i32
      %get3A_355 = arith.index_cast %mul3A_354 : i32 to index
      %get3A_356 = tpu.vector_load %arg7[%get3A_355] {strides = array<i32>} : memref<8192xi32, #tpu.memory_space<vmem>>, vector<16xi32>,
      %mul3A_357 = arith.constant 8 : i32
      %mul3A_358 = arith.muli %scan3A_340, %mul3A_357 : i32
      %add3A_359 = arith.constant 2 : i32
      %add3A_360 = arith.addi %mul3A_358, %add3A_359 : i32
      %mul3A_361 = arith.constant 16 : i32
      %mul3A_362 = arith.muli %add3A_360, %mul3A_361 : i32
      %get3A_363 = arith.index_cast %mul3A_362 : i32 to index
      %get3A_364 = tpu.vector_load %arg7[%get3A_363] {strides = array<i32>} : memref<8192xi32, #tpu.memory_space<vmem>>, vector<16xi32>,
      %mul3A_365 = arith.constant 8 : i32
      %mul3A_366 = arith.muli %scan3A_340, %mul3A_365 : i32
      %add3A_367 = arith.constant 3 : i32
      %add3A_368 = arith.addi %mul3A_366, %add3A_367 : i32
      %mul3A_369 = arith.constant 16 : i32
      %mul3A_370 = arith.muli %add3A_368, %mul3A_369 : i32
      %get3A_371 = arith.index_cast %mul3A_370 : i32 to index
      %get3A_372 = tpu.vector_load %arg7[%get3A_371] {strides = array<i32>} : memref<8192xi32, #tpu.memory_space<vmem>>, vector<16xi32>,
      %mul3A_373 = arith.constant 8 : i32
      %mul3A_374 = arith.muli %scan3A_340, %mul3A_373 : i32
      %add3A_375 = arith.constant 4 : i32
      %add3A_376 = arith.addi %mul3A_374, %add3A_375 : i32
      %mul3A_377 = arith.constant 16 : i32
      %mul3A_378 = arith.muli %add3A_376, %mul3A_377 : i32
      %get3A_379 = arith.index_cast %mul3A_378 : i32 to index
      %get3A_380 = tpu.vector_load %arg7[%get3A_379] {strides = array<i32>} : memref<8192xi32, #tpu.memory_space<vmem>>, vector<16xi32>,
      %mul3A_381 = arith.constant 8 : i32
      %mul3A_382 = arith.muli %scan3A_340, %mul3A_381 : i32
      %add3A_383 = arith.constant 5 : i32
      %add3A_384 = arith.addi %mul3A_382, %add3A_383 : i32
      %mul3A_385 = arith.constant 16 : i32
      %mul3A_386 = arith.muli %add3A_384, %mul3A_385 : i32
      %get3A_387 = arith.index_cast %mul3A_386 : i32 to index
      %get3A_388 = tpu.vector_load %arg7[%get3A_387] {strides = array<i32>} : memref<8192xi32, #tpu.memory_space<vmem>>, vector<16xi32>,
      %mul3A_389 = arith.constant 8 : i32
      %mul3A_390 = arith.muli %scan3A_340, %mul3A_389 : i32
      %add3A_391 = arith.constant 6 : i32
      %add3A_392 = arith.addi %mul3A_390, %add3A_391 : i32
      %mul3A_393 = arith.constant 16 : i32
      %mul3A_394 = arith.muli %add3A_392, %mul3A_393 : i32
      %get3A_395 = arith.index_cast %mul3A_394 : i32 to index
      %get3A_396 = tpu.vector_load %arg7[%get3A_395] {strides = array<i32>} : memref<8192xi32, #tpu.memory_space<vmem>>, vector<16xi32>,
      %mul3A_397 = arith.constant 8 : i32
      %mul3A_398 = arith.muli %scan3A_340, %mul3A_397 : i32
      %add3A_399 = arith.constant 7 : i32
      %add3A_400 = arith.addi %mul3A_398, %add3A_399 : i32
      %mul3A_401 = arith.constant 16 : i32
      %mul3A_402 = arith.muli %add3A_400, %mul3A_401 : i32
      %get3A_403 = arith.index_cast %mul3A_402 : i32 to index
      %get3A_404 = tpu.vector_load %arg7[%get3A_403] {strides = array<i32>} : memref<8192xi32, #tpu.memory_space<vmem>>, vector<16xi32>,
      %mul3A_405 = arith.constant 8 : i32
      %mul3A_406 = arith.muli %scan3A_340, %mul3A_405 : i32
      %add3A_407 = arith.constant 0 : i32
      %add3A_408 = arith.addi %mul3A_406, %add3A_407 : i32
      %mul3A_409 = arith.constant 16 : i32
      %mul3A_410 = arith.muli %add3A_408, %mul3A_409 : i32
      %get3A_411 = arith.index_cast %mul3A_410 : i32 to index
      %get3A_412 = tpu.vector_load %arg9[%get3A_411] {strides = array<i32>} : memref<8192xf32, #tpu.memory_space<vmem>>, vector<16xf32>,
      %mul3A_413 = arith.constant 8 : i32
      %mul3A_414 = arith.muli %scan3A_340, %mul3A_413 : i32
      %add3A_415 = arith.constant 1 : i32
      %add3A_416 = arith.addi %mul3A_414, %add3A_415 : i32
      %mul3A_417 = arith.constant 16 : i32
      %mul3A_418 = arith.muli %add3A_416, %mul3A_417 : i32
      %get3A_419 = arith.index_cast %mul3A_418 : i32 to index
      %get3A_420 = tpu.vector_load %arg9[%get3A_419] {strides = array<i32>} : memref<8192xf32, #tpu.memory_space<vmem>>, vector<16xf32>,
      %mul3A_421 = arith.constant 8 : i32
      %mul3A_422 = arith.muli %scan3A_340, %mul3A_421 : i32
      %add3A_423 = arith.constant 2 : i32
      %add3A_424 = arith.addi %mul3A_422, %add3A_423 : i32
      %mul3A_425 = arith.constant 16 : i32
      %mul3A_426 = arith.muli %add3A_424, %mul3A_425 : i32
      %get3A_427 = arith.index_cast %mul3A_426 : i32 to index
      %get3A_428 = tpu.vector_load %arg9[%get3A_427] {strides = array<i32>} : memref<8192xf32, #tpu.memory_space<vmem>>, vector<16xf32>,
      %mul3A_429 = arith.constant 8 : i32
      %mul3A_430 = arith.muli %scan3A_340, %mul3A_429 : i32
      %add3A_431 = arith.constant 3 : i32
      %add3A_432 = arith.addi %mul3A_430, %add3A_431 : i32
      %mul3A_433 = arith.constant 16 : i32
      %mul3A_434 = arith.muli %add3A_432, %mul3A_433 : i32
      %get3A_435 = arith.index_cast %mul3A_434 : i32 to index
      %get3A_436 = tpu.vector_load %arg9[%get3A_435] {strides = array<i32>} : memref<8192xf32, #tpu.memory_space<vmem>>, vector<16xf32>,
      %mul3A_437 = arith.constant 8 : i32
      %mul3A_438 = arith.muli %scan3A_340, %mul3A_437 : i32
      %add3A_439 = arith.constant 4 : i32
      %add3A_440 = arith.addi %mul3A_438, %add3A_439 : i32
      %mul3A_441 = arith.constant 16 : i32
      %mul3A_442 = arith.muli %add3A_440, %mul3A_441 : i32
      %get3A_443 = arith.index_cast %mul3A_442 : i32 to index
      %get3A_444 = tpu.vector_load %arg9[%get3A_443] {strides = array<i32>} : memref<8192xf32, #tpu.memory_space<vmem>>, vector<16xf32>,
      %mul3A_445 = arith.constant 8 : i32
      %mul3A_446 = arith.muli %scan3A_340, %mul3A_445 : i32
      %add3A_447 = arith.constant 5 : i32
      %add3A_448 = arith.addi %mul3A_446, %add3A_447 : i32
      %mul3A_449 = arith.constant 16 : i32
      %mul3A_450 = arith.muli %add3A_448, %mul3A_449 : i32
      %get3A_451 = arith.index_cast %mul3A_450 : i32 to index
      %get3A_452 = tpu.vector_load %arg9[%get3A_451] {strides = array<i32>} : memref<8192xf32, #tpu.memory_space<vmem>>, vector<16xf32>,
      %mul3A_453 = arith.constant 8 : i32
      %mul3A_454 = arith.muli %scan3A_340, %mul3A_453 : i32
      %add3A_455 = arith.constant 6 : i32
      %add3A_456 = arith.addi %mul3A_454, %add3A_455 : i32
      %mul3A_457 = arith.constant 16 : i32
      %mul3A_458 = arith.muli %add3A_456, %mul3A_457 : i32
      %get3A_459 = arith.index_cast %mul3A_458 : i32 to index
      %get3A_460 = tpu.vector_load %arg9[%get3A_459] {strides = array<i32>} : memref<8192xf32, #tpu.memory_space<vmem>>, vector<16xf32>,
      %mul3A_461 = arith.constant 8 : i32
      %mul3A_462 = arith.muli %scan3A_340, %mul3A_461 : i32
      %add3A_463 = arith.constant 7 : i32
      %add3A_464 = arith.addi %mul3A_462, %add3A_463 : i32
      %mul3A_465 = arith.constant 16 : i32
      %mul3A_466 = arith.muli %add3A_464, %mul3A_465 : i32
      %get3A_467 = arith.index_cast %mul3A_466 : i32 to index
      %get3A_468 = tpu.vector_load %arg9[%get3A_467] {strides = array<i32>} : memref<8192xf32, #tpu.memory_space<vmem>>, vector<16xf32>,
      %sub3A_469 = vector.broadcast %mul3A_191 : i32 to vector<16xi32>
      %sub3A_470 = arith.subi %get3A_348, %sub3A_469 : vector<16xi32>
      %ge3A = arith.constant 0 : i32
      %ge3A_471 = vector.broadcast %ge3A : i32 to vector<16xi32>
      %ge3A_472 = arith.cmpi sge, %sub3A_470, %ge3A_471 : vector<16xi32>
      %lt3A_473 = arith.constant 65536 : i32
      %lt3A_474 = vector.broadcast %lt3A_473 : i32 to vector<16xi32>
      %lt3A_475 = arith.cmpi slt, %sub3A_470, %lt3A_474 : vector<16xi32>
      %and3A_476 = arith.andi %ge3A_472, %lt3A_475 : vector<16xi1>
      tpu.vector_store_idx %arg5[%sub3A_470], %get3A_412 masked %and3A_476 : memref<65536xf32, #tpu.memory_space<vmem>>[vector<16xi32>], vector<16xf32>, vector<16xi1>
      %sub3A_477 = vector.broadcast %mul3A_191 : i32 to vector<16xi32>
      %sub3A_478 = arith.subi %get3A_356, %sub3A_477 : vector<16xi32>
      %ge3A_479 = arith.constant 0 : i32
      %ge3A_480 = vector.broadcast %ge3A_479 : i32 to vector<16xi32>
      %ge3A_481 = arith.cmpi sge, %sub3A_478, %ge3A_480 : vector<16xi32>
      %lt3A_482 = arith.constant 65536 : i32
      %lt3A_483 = vector.broadcast %lt3A_482 : i32 to vector<16xi32>
      %lt3A_484 = arith.cmpi slt, %sub3A_478, %lt3A_483 : vector<16xi32>
      %and3A_485 = arith.andi %ge3A_481, %lt3A_484 : vector<16xi1>
      tpu.vector_store_idx %arg5[%sub3A_478], %get3A_420 masked %and3A_485 : memref<65536xf32, #tpu.memory_space<vmem>>[vector<16xi32>], vector<16xf32>, vector<16xi1>
      %sub3A_486 = vector.broadcast %mul3A_191 : i32 to vector<16xi32>
      %sub3A_487 = arith.subi %get3A_364, %sub3A_486 : vector<16xi32>
      %ge3A_488 = arith.constant 0 : i32
      %ge3A_489 = vector.broadcast %ge3A_488 : i32 to vector<16xi32>
      %ge3A_490 = arith.cmpi sge, %sub3A_487, %ge3A_489 : vector<16xi32>
      %lt3A_491 = arith.constant 65536 : i32
      %lt3A_492 = vector.broadcast %lt3A_491 : i32 to vector<16xi32>
      %lt3A_493 = arith.cmpi slt, %sub3A_487, %lt3A_492 : vector<16xi32>
      %and3A_494 = arith.andi %ge3A_490, %lt3A_493 : vector<16xi1>
      tpu.vector_store_idx %arg5[%sub3A_487], %get3A_428 masked %and3A_494 : memref<65536xf32, #tpu.memory_space<vmem>>[vector<16xi32>], vector<16xf32>, vector<16xi1>
      %sub3A_495 = vector.broadcast %mul3A_191 : i32 to vector<16xi32>
      %sub3A_496 = arith.subi %get3A_372, %sub3A_495 : vector<16xi32>
      %ge3A_497 = arith.constant 0 : i32
      %ge3A_498 = vector.broadcast %ge3A_497 : i32 to vector<16xi32>
      %ge3A_499 = arith.cmpi sge, %sub3A_496, %ge3A_498 : vector<16xi32>
      %lt3A_500 = arith.constant 65536 : i32
      %lt3A_501 = vector.broadcast %lt3A_500 : i32 to vector<16xi32>
      %lt3A_502 = arith.cmpi slt, %sub3A_496, %lt3A_501 : vector<16xi32>
      %and3A_503 = arith.andi %ge3A_499, %lt3A_502 : vector<16xi1>
      tpu.vector_store_idx %arg5[%sub3A_496], %get3A_436 masked %and3A_503 : memref<65536xf32, #tpu.memory_space<vmem>>[vector<16xi32>], vector<16xf32>, vector<16xi1>
      %sub3A_504 = vector.broadcast %mul3A_191 : i32 to vector<16xi32>
      %sub3A_505 = arith.subi %get3A_380, %sub3A_504 : vector<16xi32>
      %ge3A_506 = arith.constant 0 : i32
      %ge3A_507 = vector.broadcast %ge3A_506 : i32 to vector<16xi32>
      %ge3A_508 = arith.cmpi sge, %sub3A_505, %ge3A_507 : vector<16xi32>
      %lt3A_509 = arith.constant 65536 : i32
      %lt3A_510 = vector.broadcast %lt3A_509 : i32 to vector<16xi32>
      %lt3A_511 = arith.cmpi slt, %sub3A_505, %lt3A_510 : vector<16xi32>
      %and3A_512 = arith.andi %ge3A_508, %lt3A_511 : vector<16xi1>
      tpu.vector_store_idx %arg5[%sub3A_505], %get3A_444 masked %and3A_512 : memref<65536xf32, #tpu.memory_space<vmem>>[vector<16xi32>], vector<16xf32>, vector<16xi1>
      %sub3A_513 = vector.broadcast %mul3A_191 : i32 to vector<16xi32>
      %sub3A_514 = arith.subi %get3A_388, %sub3A_513 : vector<16xi32>
      %ge3A_515 = arith.constant 0 : i32
      %ge3A_516 = vector.broadcast %ge3A_515 : i32 to vector<16xi32>
      %ge3A_517 = arith.cmpi sge, %sub3A_514, %ge3A_516 : vector<16xi32>
      %lt3A_518 = arith.constant 65536 : i32
      %lt3A_519 = vector.broadcast %lt3A_518 : i32 to vector<16xi32>
      %lt3A_520 = arith.cmpi slt, %sub3A_514, %lt3A_519 : vector<16xi32>
      %and3A_521 = arith.andi %ge3A_517, %lt3A_520 : vector<16xi1>
      tpu.vector_store_idx %arg5[%sub3A_514], %get3A_452 masked %and3A_521 : memref<65536xf32, #tpu.memory_space<vmem>>[vector<16xi32>], vector<16xf32>, vector<16xi1>
      %sub3A_522 = vector.broadcast %mul3A_191 : i32 to vector<16xi32>
      %sub3A_523 = arith.subi %get3A_396, %sub3A_522 : vector<16xi32>
      %ge3A_524 = arith.constant 0 : i32
      %ge3A_525 = vector.broadcast %ge3A_524 : i32 to vector<16xi32>
      %ge3A_526 = arith.cmpi sge, %sub3A_523, %ge3A_525 : vector<16xi32>
      %lt3A_527 = arith.constant 65536 : i32
      %lt3A_528 = vector.broadcast %lt3A_527 : i32 to vector<16xi32>
      %lt3A_529 = arith.cmpi slt, %sub3A_523, %lt3A_528 : vector<16xi32>
      %and3A_530 = arith.andi %ge3A_526, %lt3A_529 : vector<16xi1>
      tpu.vector_store_idx %arg5[%sub3A_523], %get3A_460 masked %and3A_530 : memref<65536xf32, #tpu.memory_space<vmem>>[vector<16xi32>], vector<16xf32>, vector<16xi1>
      %sub3A_531 = vector.broadcast %mul3A_191 : i32 to vector<16xi32>
      %sub3A_532 = arith.subi %get3A_404, %sub3A_531 : vector<16xi32>
      %ge3A_533 = arith.constant 0 : i32
      %ge3A_534 = vector.broadcast %ge3A_533 : i32 to vector<16xi32>
      %ge3A_535 = arith.cmpi sge, %sub3A_532, %ge3A_534 : vector<16xi32>
      %lt3A_536 = arith.constant 65536 : i32
      %lt3A_537 = vector.broadcast %lt3A_536 : i32 to vector<16xi32>
      %lt3A_538 = arith.cmpi slt, %sub3A_532, %lt3A_537 : vector<16xi32>
      %and3A_539 = arith.andi %ge3A_535, %lt3A_538 : vector<16xi1>
      tpu.vector_store_idx %arg5[%sub3A_532], %get3A_468 masked %and3A_539 : memref<65536xf32, #tpu.memory_space<vmem>>[vector<16xi32>], vector<16xf32>, vector<16xi1>
      %scan3A_540 = arith.constant 0 : i32
      scf.yield %scan3A_540 : i32
    }
    %scan3A_240 = arith.constant 64 : i32
    %dma_wait3A_241 = tpu.memref_slice %arg2[%add3A_229] : memref<1048576xi32, #tpu.memory_space<hbm>> -> memref<8192xi32, #tpu.memory_space<hbm>>
    %dma_wait3A_242 = tpu.memref_slice %arg2[%add3A_229] : memref<1048576xi32, #tpu.memory_space<hbm>> -> memref<8192xi32, #tpu.memory_space<hbm>>
    tpu.wait_dma2 semaphore(%arg11 : memref<!tpu.dma_semaphore, #tpu.memory_space<semaphore_mem>>) src(%dma_wait3A_242 : memref<8192xi32, #tpu.memory_space<hbm>>) dst(%arg6 : memref<8192xi32, #tpu.memory_space<vmem>>)
    %dma_wait3A_243 = tpu.memref_slice %arg3[%add3A_229] : memref<1048576xf32, #tpu.memory_space<hbm>> -> memref<8192xf32, #tpu.memory_space<hbm>>
    %dma_wait3A_244 = tpu.memref_slice %arg3[%add3A_229] : memref<1048576xf32, #tpu.memory_space<hbm>> -> memref<8192xf32, #tpu.memory_space<hbm>>
    tpu.wait_dma2 semaphore(%arg13 : memref<!tpu.dma_semaphore, #tpu.memory_space<semaphore_mem>>) src(%dma_wait3A_244 : memref<8192xf32, #tpu.memory_space<hbm>>) dst(%arg8 : memref<8192xf32, #tpu.memory_space<vmem>>)
    %add3A_245 = arith.constant 24576 : i32
    %add3A_246 = arith.addi %mul3A_34, %add3A_245 : i32
    %dma_start3A_247 = tpu.memref_slice %arg2[%add3A_246] : memref<1048576xi32, #tpu.memory_space<hbm>> -> memref<8192xi32, #tpu.memory_space<hbm>>
    %dma_start3A_248 = tpu.memref_slice %arg2[%add3A_246] : memref<1048576xi32, #tpu.memory_space<hbm>> -> memref<8192xi32, #tpu.memory_space<hbm>>
    tpu.enqueue_dma source(%dma_start3A_248 : memref<8192xi32, #tpu.memory_space<hbm>>) target(%arg7 : memref<8192xi32, #tpu.memory_space<vmem>>) target_semaphore(%arg12 : memref<!tpu.dma_semaphore, #tpu.memory_space<semaphore_mem>>)
    %dma_start3A_249 = tpu.memref_slice %arg3[%add3A_246] : memref<1048576xf32, #tpu.memory_space<hbm>> -> memref<8192xf32, #tpu.memory_space<hbm>>
    %dma_start3A_250 = tpu.memref_slice %arg3[%add3A_246] : memref<1048576xf32, #tpu.memory_space<hbm>> -> memref<8192xf32, #tpu.memory_space<hbm>>
    tpu.enqueue_dma source(%dma_start3A_250 : memref<8192xf32, #tpu.memory_space<hbm>>) target(%arg9 : memref<8192xf32, #tpu.memory_space<vmem>>) target_semaphore(%arg14 : memref<!tpu.dma_semaphore, #tpu.memory_space<semaphore_mem>>)
    %scan3A_251 = arith.constant 0 : i32
    %scan3A_252 = arith.constant 0 : i32
    %scan3A_253 = arith.constant 64 : i32
    %scan3A_254 = arith.addi %scan3A_252, %scan3A_253 : i32
    %scan3A_255 = arith.constant 1 : i32
    %scan3A_256 = scf.for %scan3A_340 = %scan3A_252 to %scan3A_254 step %scan3A_255 iter_args(%scan3A_341 = %scan3A_251) -> (i32)  : i32 {
      %mul3A_342 = arith.constant 8 : i32
      %mul3A_343 = arith.muli %scan3A_340, %mul3A_342 : i32
      %add3A_344 = arith.constant 0 : i32
      %add3A_345 = arith.addi %mul3A_343, %add3A_344 : i32
      %mul3A_346 = arith.constant 16 : i32
      %mul3A_347 = arith.muli %add3A_345, %mul3A_346 : i32
      %get3A = arith.index_cast %mul3A_347 : i32 to index
      %get3A_348 = tpu.vector_load %arg6[%get3A] {strides = array<i32>} : memref<8192xi32, #tpu.memory_space<vmem>>, vector<16xi32>,
      %mul3A_349 = arith.constant 8 : i32
      %mul3A_350 = arith.muli %scan3A_340, %mul3A_349 : i32
      %add3A_351 = arith.constant 1 : i32
      %add3A_352 = arith.addi %mul3A_350, %add3A_351 : i32
      %mul3A_353 = arith.constant 16 : i32
      %mul3A_354 = arith.muli %add3A_352, %mul3A_353 : i32
      %get3A_355 = arith.index_cast %mul3A_354 : i32 to index
      %get3A_356 = tpu.vector_load %arg6[%get3A_355] {strides = array<i32>} : memref<8192xi32, #tpu.memory_space<vmem>>, vector<16xi32>,
      %mul3A_357 = arith.constant 8 : i32
      %mul3A_358 = arith.muli %scan3A_340, %mul3A_357 : i32
      %add3A_359 = arith.constant 2 : i32
      %add3A_360 = arith.addi %mul3A_358, %add3A_359 : i32
      %mul3A_361 = arith.constant 16 : i32
      %mul3A_362 = arith.muli %add3A_360, %mul3A_361 : i32
      %get3A_363 = arith.index_cast %mul3A_362 : i32 to index
      %get3A_364 = tpu.vector_load %arg6[%get3A_363] {strides = array<i32>} : memref<8192xi32, #tpu.memory_space<vmem>>, vector<16xi32>,
      %mul3A_365 = arith.constant 8 : i32
      %mul3A_366 = arith.muli %scan3A_340, %mul3A_365 : i32
      %add3A_367 = arith.constant 3 : i32
      %add3A_368 = arith.addi %mul3A_366, %add3A_367 : i32
      %mul3A_369 = arith.constant 16 : i32
      %mul3A_370 = arith.muli %add3A_368, %mul3A_369 : i32
      %get3A_371 = arith.index_cast %mul3A_370 : i32 to index
      %get3A_372 = tpu.vector_load %arg6[%get3A_371] {strides = array<i32>} : memref<8192xi32, #tpu.memory_space<vmem>>, vector<16xi32>,
      %mul3A_373 = arith.constant 8 : i32
      %mul3A_374 = arith.muli %scan3A_340, %mul3A_373 : i32
      %add3A_375 = arith.constant 4 : i32
      %add3A_376 = arith.addi %mul3A_374, %add3A_375 : i32
      %mul3A_377 = arith.constant 16 : i32
      %mul3A_378 = arith.muli %add3A_376, %mul3A_377 : i32
      %get3A_379 = arith.index_cast %mul3A_378 : i32 to index
      %get3A_380 = tpu.vector_load %arg6[%get3A_379] {strides = array<i32>} : memref<8192xi32, #tpu.memory_space<vmem>>, vector<16xi32>,
      %mul3A_381 = arith.constant 8 : i32
      %mul3A_382 = arith.muli %scan3A_340, %mul3A_381 : i32
      %add3A_383 = arith.constant 5 : i32
      %add3A_384 = arith.addi %mul3A_382, %add3A_383 : i32
      %mul3A_385 = arith.constant 16 : i32
      %mul3A_386 = arith.muli %add3A_384, %mul3A_385 : i32
      %get3A_387 = arith.index_cast %mul3A_386 : i32 to index
      %get3A_388 = tpu.vector_load %arg6[%get3A_387] {strides = array<i32>} : memref<8192xi32, #tpu.memory_space<vmem>>, vector<16xi32>,
      %mul3A_389 = arith.constant 8 : i32
      %mul3A_390 = arith.muli %scan3A_340, %mul3A_389 : i32
      %add3A_391 = arith.constant 6 : i32
      %add3A_392 = arith.addi %mul3A_390, %add3A_391 : i32
      %mul3A_393 = arith.constant 16 : i32
      %mul3A_394 = arith.muli %add3A_392, %mul3A_393 : i32
      %get3A_395 = arith.index_cast %mul3A_394 : i32 to index
      %get3A_396 = tpu.vector_load %arg6[%get3A_395] {strides = array<i32>} : memref<8192xi32, #tpu.memory_space<vmem>>, vector<16xi32>,
      %mul3A_397 = arith.constant 8 : i32
      %mul3A_398 = arith.muli %scan3A_340, %mul3A_397 : i32
      %add3A_399 = arith.constant 7 : i32
      %add3A_400 = arith.addi %mul3A_398, %add3A_399 : i32
      %mul3A_401 = arith.constant 16 : i32
      %mul3A_402 = arith.muli %add3A_400, %mul3A_401 : i32
      %get3A_403 = arith.index_cast %mul3A_402 : i32 to index
      %get3A_404 = tpu.vector_load %arg6[%get3A_403] {strides = array<i32>} : memref<8192xi32, #tpu.memory_space<vmem>>, vector<16xi32>,
      %mul3A_405 = arith.constant 8 : i32
      %mul3A_406 = arith.muli %scan3A_340, %mul3A_405 : i32
      %add3A_407 = arith.constant 0 : i32
      %add3A_408 = arith.addi %mul3A_406, %add3A_407 : i32
      %mul3A_409 = arith.constant 16 : i32
      %mul3A_410 = arith.muli %add3A_408, %mul3A_409 : i32
      %get3A_411 = arith.index_cast %mul3A_410 : i32 to index
      %get3A_412 = tpu.vector_load %arg8[%get3A_411] {strides = array<i32>} : memref<8192xf32, #tpu.memory_space<vmem>>, vector<16xf32>,
      %mul3A_413 = arith.constant 8 : i32
      %mul3A_414 = arith.muli %scan3A_340, %mul3A_413 : i32
      %add3A_415 = arith.constant 1 : i32
      %add3A_416 = arith.addi %mul3A_414, %add3A_415 : i32
      %mul3A_417 = arith.constant 16 : i32
      %mul3A_418 = arith.muli %add3A_416, %mul3A_417 : i32
      %get3A_419 = arith.index_cast %mul3A_418 : i32 to index
      %get3A_420 = tpu.vector_load %arg8[%get3A_419] {strides = array<i32>} : memref<8192xf32, #tpu.memory_space<vmem>>, vector<16xf32>,
      %mul3A_421 = arith.constant 8 : i32
      %mul3A_422 = arith.muli %scan3A_340, %mul3A_421 : i32
      %add3A_423 = arith.constant 2 : i32
      %add3A_424 = arith.addi %mul3A_422, %add3A_423 : i32
      %mul3A_425 = arith.constant 16 : i32
      %mul3A_426 = arith.muli %add3A_424, %mul3A_425 : i32
      %get3A_427 = arith.index_cast %mul3A_426 : i32 to index
      %get3A_428 = tpu.vector_load %arg8[%get3A_427] {strides = array<i32>} : memref<8192xf32, #tpu.memory_space<vmem>>, vector<16xf32>,
      %mul3A_429 = arith.constant 8 : i32
      %mul3A_430 = arith.muli %scan3A_340, %mul3A_429 : i32
      %add3A_431 = arith.constant 3 : i32
      %add3A_432 = arith.addi %mul3A_430, %add3A_431 : i32
      %mul3A_433 = arith.constant 16 : i32
      %mul3A_434 = arith.muli %add3A_432, %mul3A_433 : i32
      %get3A_435 = arith.index_cast %mul3A_434 : i32 to index
      %get3A_436 = tpu.vector_load %arg8[%get3A_435] {strides = array<i32>} : memref<8192xf32, #tpu.memory_space<vmem>>, vector<16xf32>,
      %mul3A_437 = arith.constant 8 : i32
      %mul3A_438 = arith.muli %scan3A_340, %mul3A_437 : i32
      %add3A_439 = arith.constant 4 : i32
      %add3A_440 = arith.addi %mul3A_438, %add3A_439 : i32
      %mul3A_441 = arith.constant 16 : i32
      %mul3A_442 = arith.muli %add3A_440, %mul3A_441 : i32
      %get3A_443 = arith.index_cast %mul3A_442 : i32 to index
      %get3A_444 = tpu.vector_load %arg8[%get3A_443] {strides = array<i32>} : memref<8192xf32, #tpu.memory_space<vmem>>, vector<16xf32>,
      %mul3A_445 = arith.constant 8 : i32
      %mul3A_446 = arith.muli %scan3A_340, %mul3A_445 : i32
      %add3A_447 = arith.constant 5 : i32
      %add3A_448 = arith.addi %mul3A_446, %add3A_447 : i32
      %mul3A_449 = arith.constant 16 : i32
      %mul3A_450 = arith.muli %add3A_448, %mul3A_449 : i32
      %get3A_451 = arith.index_cast %mul3A_450 : i32 to index
      %get3A_452 = tpu.vector_load %arg8[%get3A_451] {strides = array<i32>} : memref<8192xf32, #tpu.memory_space<vmem>>, vector<16xf32>,
      %mul3A_453 = arith.constant 8 : i32
      %mul3A_454 = arith.muli %scan3A_340, %mul3A_453 : i32
      %add3A_455 = arith.constant 6 : i32
      %add3A_456 = arith.addi %mul3A_454, %add3A_455 : i32
      %mul3A_457 = arith.constant 16 : i32
      %mul3A_458 = arith.muli %add3A_456, %mul3A_457 : i32
      %get3A_459 = arith.index_cast %mul3A_458 : i32 to index
      %get3A_460 = tpu.vector_load %arg8[%get3A_459] {strides = array<i32>} : memref<8192xf32, #tpu.memory_space<vmem>>, vector<16xf32>,
      %mul3A_461 = arith.constant 8 : i32
      %mul3A_462 = arith.muli %scan3A_340, %mul3A_461 : i32
      %add3A_463 = arith.constant 7 : i32
      %add3A_464 = arith.addi %mul3A_462, %add3A_463 : i32
      %mul3A_465 = arith.constant 16 : i32
      %mul3A_466 = arith.muli %add3A_464, %mul3A_465 : i32
      %get3A_467 = arith.index_cast %mul3A_466 : i32 to index
      %get3A_468 = tpu.vector_load %arg8[%get3A_467] {strides = array<i32>} : memref<8192xf32, #tpu.memory_space<vmem>>, vector<16xf32>,
      %sub3A_469 = vector.broadcast %mul3A_191 : i32 to vector<16xi32>
      %sub3A_470 = arith.subi %get3A_348, %sub3A_469 : vector<16xi32>
      %ge3A = arith.constant 0 : i32
      %ge3A_471 = vector.broadcast %ge3A : i32 to vector<16xi32>
      %ge3A_472 = arith.cmpi sge, %sub3A_470, %ge3A_471 : vector<16xi32>
      %lt3A_473 = arith.constant 65536 : i32
      %lt3A_474 = vector.broadcast %lt3A_473 : i32 to vector<16xi32>
      %lt3A_475 = arith.cmpi slt, %sub3A_470, %lt3A_474 : vector<16xi32>
      %and3A_476 = arith.andi %ge3A_472, %lt3A_475 : vector<16xi1>
      tpu.vector_store_idx %arg5[%sub3A_470], %get3A_412 masked %and3A_476 : memref<65536xf32, #tpu.memory_space<vmem>>[vector<16xi32>], vector<16xf32>, vector<16xi1>
      %sub3A_477 = vector.broadcast %mul3A_191 : i32 to vector<16xi32>
      %sub3A_478 = arith.subi %get3A_356, %sub3A_477 : vector<16xi32>
      %ge3A_479 = arith.constant 0 : i32
      %ge3A_480 = vector.broadcast %ge3A_479 : i32 to vector<16xi32>
      %ge3A_481 = arith.cmpi sge, %sub3A_478, %ge3A_480 : vector<16xi32>
      %lt3A_482 = arith.constant 65536 : i32
      %lt3A_483 = vector.broadcast %lt3A_482 : i32 to vector<16xi32>
      %lt3A_484 = arith.cmpi slt, %sub3A_478, %lt3A_483 : vector<16xi32>
      %and3A_485 = arith.andi %ge3A_481, %lt3A_484 : vector<16xi1>
      tpu.vector_store_idx %arg5[%sub3A_478], %get3A_420 masked %and3A_485 : memref<65536xf32, #tpu.memory_space<vmem>>[vector<16xi32>], vector<16xf32>, vector<16xi1>
      %sub3A_486 = vector.broadcast %mul3A_191 : i32 to vector<16xi32>
      %sub3A_487 = arith.subi %get3A_364, %sub3A_486 : vector<16xi32>
      %ge3A_488 = arith.constant 0 : i32
      %ge3A_489 = vector.broadcast %ge3A_488 : i32 to vector<16xi32>
      %ge3A_490 = arith.cmpi sge, %sub3A_487, %ge3A_489 : vector<16xi32>
      %lt3A_491 = arith.constant 65536 : i32
      %lt3A_492 = vector.broadcast %lt3A_491 : i32 to vector<16xi32>
      %lt3A_493 = arith.cmpi slt, %sub3A_487, %lt3A_492 : vector<16xi32>
      %and3A_494 = arith.andi %ge3A_490, %lt3A_493 : vector<16xi1>
      tpu.vector_store_idx %arg5[%sub3A_487], %get3A_428 masked %and3A_494 : memref<65536xf32, #tpu.memory_space<vmem>>[vector<16xi32>], vector<16xf32>, vector<16xi1>
      %sub3A_495 = vector.broadcast %mul3A_191 : i32 to vector<16xi32>
      %sub3A_496 = arith.subi %get3A_372, %sub3A_495 : vector<16xi32>
      %ge3A_497 = arith.constant 0 : i32
      %ge3A_498 = vector.broadcast %ge3A_497 : i32 to vector<16xi32>
      %ge3A_499 = arith.cmpi sge, %sub3A_496, %ge3A_498 : vector<16xi32>
      %lt3A_500 = arith.constant 65536 : i32
      %lt3A_501 = vector.broadcast %lt3A_500 : i32 to vector<16xi32>
      %lt3A_502 = arith.cmpi slt, %sub3A_496, %lt3A_501 : vector<16xi32>
      %and3A_503 = arith.andi %ge3A_499, %lt3A_502 : vector<16xi1>
      tpu.vector_store_idx %arg5[%sub3A_496], %get3A_436 masked %and3A_503 : memref<65536xf32, #tpu.memory_space<vmem>>[vector<16xi32>], vector<16xf32>, vector<16xi1>
      %sub3A_504 = vector.broadcast %mul3A_191 : i32 to vector<16xi32>
      %sub3A_505 = arith.subi %get3A_380, %sub3A_504 : vector<16xi32>
      %ge3A_506 = arith.constant 0 : i32
      %ge3A_507 = vector.broadcast %ge3A_506 : i32 to vector<16xi32>
      %ge3A_508 = arith.cmpi sge, %sub3A_505, %ge3A_507 : vector<16xi32>
      %lt3A_509 = arith.constant 65536 : i32
      %lt3A_510 = vector.broadcast %lt3A_509 : i32 to vector<16xi32>
      %lt3A_511 = arith.cmpi slt, %sub3A_505, %lt3A_510 : vector<16xi32>
      %and3A_512 = arith.andi %ge3A_508, %lt3A_511 : vector<16xi1>
      tpu.vector_store_idx %arg5[%sub3A_505], %get3A_444 masked %and3A_512 : memref<65536xf32, #tpu.memory_space<vmem>>[vector<16xi32>], vector<16xf32>, vector<16xi1>
      %sub3A_513 = vector.broadcast %mul3A_191 : i32 to vector<16xi32>
      %sub3A_514 = arith.subi %get3A_388, %sub3A_513 : vector<16xi32>
      %ge3A_515 = arith.constant 0 : i32
      %ge3A_516 = vector.broadcast %ge3A_515 : i32 to vector<16xi32>
      %ge3A_517 = arith.cmpi sge, %sub3A_514, %ge3A_516 : vector<16xi32>
      %lt3A_518 = arith.constant 65536 : i32
      %lt3A_519 = vector.broadcast %lt3A_518 : i32 to vector<16xi32>
      %lt3A_520 = arith.cmpi slt, %sub3A_514, %lt3A_519 : vector<16xi32>
      %and3A_521 = arith.andi %ge3A_517, %lt3A_520 : vector<16xi1>
      tpu.vector_store_idx %arg5[%sub3A_514], %get3A_452 masked %and3A_521 : memref<65536xf32, #tpu.memory_space<vmem>>[vector<16xi32>], vector<16xf32>, vector<16xi1>
      %sub3A_522 = vector.broadcast %mul3A_191 : i32 to vector<16xi32>
      %sub3A_523 = arith.subi %get3A_396, %sub3A_522 : vector<16xi32>
      %ge3A_524 = arith.constant 0 : i32
      %ge3A_525 = vector.broadcast %ge3A_524 : i32 to vector<16xi32>
      %ge3A_526 = arith.cmpi sge, %sub3A_523, %ge3A_525 : vector<16xi32>
      %lt3A_527 = arith.constant 65536 : i32
      %lt3A_528 = vector.broadcast %lt3A_527 : i32 to vector<16xi32>
      %lt3A_529 = arith.cmpi slt, %sub3A_523, %lt3A_528 : vector<16xi32>
      %and3A_530 = arith.andi %ge3A_526, %lt3A_529 : vector<16xi1>
      tpu.vector_store_idx %arg5[%sub3A_523], %get3A_460 masked %and3A_530 : memref<65536xf32, #tpu.memory_space<vmem>>[vector<16xi32>], vector<16xf32>, vector<16xi1>
      %sub3A_531 = vector.broadcast %mul3A_191 : i32 to vector<16xi32>
      %sub3A_532 = arith.subi %get3A_404, %sub3A_531 : vector<16xi32>
      %ge3A_533 = arith.constant 0 : i32
      %ge3A_534 = vector.broadcast %ge3A_533 : i32 to vector<16xi32>
      %ge3A_535 = arith.cmpi sge, %sub3A_532, %ge3A_534 : vector<16xi32>
      %lt3A_536 = arith.constant 65536 : i32
      %lt3A_537 = vector.broadcast %lt3A_536 : i32 to vector<16xi32>
      %lt3A_538 = arith.cmpi slt, %sub3A_532, %lt3A_537 : vector<16xi32>
      %and3A_539 = arith.andi %ge3A_535, %lt3A_538 : vector<16xi1>
      tpu.vector_store_idx %arg5[%sub3A_532], %get3A_468 masked %and3A_539 : memref<65536xf32, #tpu.memory_space<vmem>>[vector<16xi32>], vector<16xf32>, vector<16xi1>
      %scan3A_540 = arith.constant 0 : i32
      scf.yield %scan3A_540 : i32
    }
    %scan3A_257 = arith.constant 64 : i32
    %dma_wait3A_258 = tpu.memref_slice %arg2[%add3A_246] : memref<1048576xi32, #tpu.memory_space<hbm>> -> memref<8192xi32, #tpu.memory_space<hbm>>
    %dma_wait3A_259 = tpu.memref_slice %arg2[%add3A_246] : memref<1048576xi32, #tpu.memory_space<hbm>> -> memref<8192xi32, #tpu.memory_space<hbm>>
    tpu.wait_dma2 semaphore(%arg12 : memref<!tpu.dma_semaphore, #tpu.memory_space<semaphore_mem>>) src(%dma_wait3A_259 : memref<8192xi32, #tpu.memory_space<hbm>>) dst(%arg7 : memref<8192xi32, #tpu.memory_space<vmem>>)
    %dma_wait3A_260 = tpu.memref_slice %arg3[%add3A_246] : memref<1048576xf32, #tpu.memory_space<hbm>> -> memref<8192xf32, #tpu.memory_space<hbm>>
    %dma_wait3A_261 = tpu.memref_slice %arg3[%add3A_246] : memref<1048576xf32, #tpu.memory_space<hbm>> -> memref<8192xf32, #tpu.memory_space<hbm>>
    tpu.wait_dma2 semaphore(%arg14 : memref<!tpu.dma_semaphore, #tpu.memory_space<semaphore_mem>>) src(%dma_wait3A_261 : memref<8192xf32, #tpu.memory_space<hbm>>) dst(%arg9 : memref<8192xf32, #tpu.memory_space<vmem>>)
    %add3A_262 = arith.constant 32768 : i32
    %add3A_263 = arith.addi %mul3A_34, %add3A_262 : i32
    %dma_start3A_264 = tpu.memref_slice %arg2[%add3A_263] : memref<1048576xi32, #tpu.memory_space<hbm>> -> memref<8192xi32, #tpu.memory_space<hbm>>
    %dma_start3A_265 = tpu.memref_slice %arg2[%add3A_263] : memref<1048576xi32, #tpu.memory_space<hbm>> -> memref<8192xi32, #tpu.memory_space<hbm>>
    tpu.enqueue_dma source(%dma_start3A_265 : memref<8192xi32, #tpu.memory_space<hbm>>) target(%arg6 : memref<8192xi32, #tpu.memory_space<vmem>>) target_semaphore(%arg11 : memref<!tpu.dma_semaphore, #tpu.memory_space<semaphore_mem>>)
    %dma_start3A_266 = tpu.memref_slice %arg3[%add3A_263] : memref<1048576xf32, #tpu.memory_space<hbm>> -> memref<8192xf32, #tpu.memory_space<hbm>>
    %dma_start3A_267 = tpu.memref_slice %arg3[%add3A_263] : memref<1048576xf32, #tpu.memory_space<hbm>> -> memref<8192xf32, #tpu.memory_space<hbm>>
    tpu.enqueue_dma source(%dma_start3A_267 : memref<8192xf32, #tpu.memory_space<hbm>>) target(%arg8 : memref<8192xf32, #tpu.memory_space<vmem>>) target_semaphore(%arg13 : memref<!tpu.dma_semaphore, #tpu.memory_space<semaphore_mem>>)
    %scan3A_268 = arith.constant 0 : i32
    %scan3A_269 = arith.constant 0 : i32
    %scan3A_270 = arith.constant 64 : i32
    %scan3A_271 = arith.addi %scan3A_269, %scan3A_270 : i32
    %scan3A_272 = arith.constant 1 : i32
    %scan3A_273 = scf.for %scan3A_340 = %scan3A_269 to %scan3A_271 step %scan3A_272 iter_args(%scan3A_341 = %scan3A_268) -> (i32)  : i32 {
      %mul3A_342 = arith.constant 8 : i32
      %mul3A_343 = arith.muli %scan3A_340, %mul3A_342 : i32
      %add3A_344 = arith.constant 0 : i32
      %add3A_345 = arith.addi %mul3A_343, %add3A_344 : i32
      %mul3A_346 = arith.constant 16 : i32
      %mul3A_347 = arith.muli %add3A_345, %mul3A_346 : i32
      %get3A = arith.index_cast %mul3A_347 : i32 to index
      %get3A_348 = tpu.vector_load %arg7[%get3A] {strides = array<i32>} : memref<8192xi32, #tpu.memory_space<vmem>>, vector<16xi32>,
      %mul3A_349 = arith.constant 8 : i32
      %mul3A_350 = arith.muli %scan3A_340, %mul3A_349 : i32
      %add3A_351 = arith.constant 1 : i32
      %add3A_352 = arith.addi %mul3A_350, %add3A_351 : i32
      %mul3A_353 = arith.constant 16 : i32
      %mul3A_354 = arith.muli %add3A_352, %mul3A_353 : i32
      %get3A_355 = arith.index_cast %mul3A_354 : i32 to index
      %get3A_356 = tpu.vector_load %arg7[%get3A_355] {strides = array<i32>} : memref<8192xi32, #tpu.memory_space<vmem>>, vector<16xi32>,
      %mul3A_357 = arith.constant 8 : i32
      %mul3A_358 = arith.muli %scan3A_340, %mul3A_357 : i32
      %add3A_359 = arith.constant 2 : i32
      %add3A_360 = arith.addi %mul3A_358, %add3A_359 : i32
      %mul3A_361 = arith.constant 16 : i32
      %mul3A_362 = arith.muli %add3A_360, %mul3A_361 : i32
      %get3A_363 = arith.index_cast %mul3A_362 : i32 to index
      %get3A_364 = tpu.vector_load %arg7[%get3A_363] {strides = array<i32>} : memref<8192xi32, #tpu.memory_space<vmem>>, vector<16xi32>,
      %mul3A_365 = arith.constant 8 : i32
      %mul3A_366 = arith.muli %scan3A_340, %mul3A_365 : i32
      %add3A_367 = arith.constant 3 : i32
      %add3A_368 = arith.addi %mul3A_366, %add3A_367 : i32
      %mul3A_369 = arith.constant 16 : i32
      %mul3A_370 = arith.muli %add3A_368, %mul3A_369 : i32
      %get3A_371 = arith.index_cast %mul3A_370 : i32 to index
      %get3A_372 = tpu.vector_load %arg7[%get3A_371] {strides = array<i32>} : memref<8192xi32, #tpu.memory_space<vmem>>, vector<16xi32>,
      %mul3A_373 = arith.constant 8 : i32
      %mul3A_374 = arith.muli %scan3A_340, %mul3A_373 : i32
      %add3A_375 = arith.constant 4 : i32
      %add3A_376 = arith.addi %mul3A_374, %add3A_375 : i32
      %mul3A_377 = arith.constant 16 : i32
      %mul3A_378 = arith.muli %add3A_376, %mul3A_377 : i32
      %get3A_379 = arith.index_cast %mul3A_378 : i32 to index
      %get3A_380 = tpu.vector_load %arg7[%get3A_379] {strides = array<i32>} : memref<8192xi32, #tpu.memory_space<vmem>>, vector<16xi32>,
      %mul3A_381 = arith.constant 8 : i32
      %mul3A_382 = arith.muli %scan3A_340, %mul3A_381 : i32
      %add3A_383 = arith.constant 5 : i32
      %add3A_384 = arith.addi %mul3A_382, %add3A_383 : i32
      %mul3A_385 = arith.constant 16 : i32
      %mul3A_386 = arith.muli %add3A_384, %mul3A_385 : i32
      %get3A_387 = arith.index_cast %mul3A_386 : i32 to index
      %get3A_388 = tpu.vector_load %arg7[%get3A_387] {strides = array<i32>} : memref<8192xi32, #tpu.memory_space<vmem>>, vector<16xi32>,
      %mul3A_389 = arith.constant 8 : i32
      %mul3A_390 = arith.muli %scan3A_340, %mul3A_389 : i32
      %add3A_391 = arith.constant 6 : i32
      %add3A_392 = arith.addi %mul3A_390, %add3A_391 : i32
      %mul3A_393 = arith.constant 16 : i32
      %mul3A_394 = arith.muli %add3A_392, %mul3A_393 : i32
      %get3A_395 = arith.index_cast %mul3A_394 : i32 to index
      %get3A_396 = tpu.vector_load %arg7[%get3A_395] {strides = array<i32>} : memref<8192xi32, #tpu.memory_space<vmem>>, vector<16xi32>,
      %mul3A_397 = arith.constant 8 : i32
      %mul3A_398 = arith.muli %scan3A_340, %mul3A_397 : i32
      %add3A_399 = arith.constant 7 : i32
      %add3A_400 = arith.addi %mul3A_398, %add3A_399 : i32
      %mul3A_401 = arith.constant 16 : i32
      %mul3A_402 = arith.muli %add3A_400, %mul3A_401 : i32
      %get3A_403 = arith.index_cast %mul3A_402 : i32 to index
      %get3A_404 = tpu.vector_load %arg7[%get3A_403] {strides = array<i32>} : memref<8192xi32, #tpu.memory_space<vmem>>, vector<16xi32>,
      %mul3A_405 = arith.constant 8 : i32
      %mul3A_406 = arith.muli %scan3A_340, %mul3A_405 : i32
      %add3A_407 = arith.constant 0 : i32
      %add3A_408 = arith.addi %mul3A_406, %add3A_407 : i32
      %mul3A_409 = arith.constant 16 : i32
      %mul3A_410 = arith.muli %add3A_408, %mul3A_409 : i32
      %get3A_411 = arith.index_cast %mul3A_410 : i32 to index
      %get3A_412 = tpu.vector_load %arg9[%get3A_411] {strides = array<i32>} : memref<8192xf32, #tpu.memory_space<vmem>>, vector<16xf32>,
      %mul3A_413 = arith.constant 8 : i32
      %mul3A_414 = arith.muli %scan3A_340, %mul3A_413 : i32
      %add3A_415 = arith.constant 1 : i32
      %add3A_416 = arith.addi %mul3A_414, %add3A_415 : i32
      %mul3A_417 = arith.constant 16 : i32
      %mul3A_418 = arith.muli %add3A_416, %mul3A_417 : i32
      %get3A_419 = arith.index_cast %mul3A_418 : i32 to index
      %get3A_420 = tpu.vector_load %arg9[%get3A_419] {strides = array<i32>} : memref<8192xf32, #tpu.memory_space<vmem>>, vector<16xf32>,
      %mul3A_421 = arith.constant 8 : i32
      %mul3A_422 = arith.muli %scan3A_340, %mul3A_421 : i32
      %add3A_423 = arith.constant 2 : i32
      %add3A_424 = arith.addi %mul3A_422, %add3A_423 : i32
      %mul3A_425 = arith.constant 16 : i32
      %mul3A_426 = arith.muli %add3A_424, %mul3A_425 : i32
      %get3A_427 = arith.index_cast %mul3A_426 : i32 to index
      %get3A_428 = tpu.vector_load %arg9[%get3A_427] {strides = array<i32>} : memref<8192xf32, #tpu.memory_space<vmem>>, vector<16xf32>,
      %mul3A_429 = arith.constant 8 : i32
      %mul3A_430 = arith.muli %scan3A_340, %mul3A_429 : i32
      %add3A_431 = arith.constant 3 : i32
      %add3A_432 = arith.addi %mul3A_430, %add3A_431 : i32
      %mul3A_433 = arith.constant 16 : i32
      %mul3A_434 = arith.muli %add3A_432, %mul3A_433 : i32
      %get3A_435 = arith.index_cast %mul3A_434 : i32 to index
      %get3A_436 = tpu.vector_load %arg9[%get3A_435] {strides = array<i32>} : memref<8192xf32, #tpu.memory_space<vmem>>, vector<16xf32>,
      %mul3A_437 = arith.constant 8 : i32
      %mul3A_438 = arith.muli %scan3A_340, %mul3A_437 : i32
      %add3A_439 = arith.constant 4 : i32
      %add3A_440 = arith.addi %mul3A_438, %add3A_439 : i32
      %mul3A_441 = arith.constant 16 : i32
      %mul3A_442 = arith.muli %add3A_440, %mul3A_441 : i32
      %get3A_443 = arith.index_cast %mul3A_442 : i32 to index
      %get3A_444 = tpu.vector_load %arg9[%get3A_443] {strides = array<i32>} : memref<8192xf32, #tpu.memory_space<vmem>>, vector<16xf32>,
      %mul3A_445 = arith.constant 8 : i32
      %mul3A_446 = arith.muli %scan3A_340, %mul3A_445 : i32
      %add3A_447 = arith.constant 5 : i32
      %add3A_448 = arith.addi %mul3A_446, %add3A_447 : i32
      %mul3A_449 = arith.constant 16 : i32
      %mul3A_450 = arith.muli %add3A_448, %mul3A_449 : i32
      %get3A_451 = arith.index_cast %mul3A_450 : i32 to index
      %get3A_452 = tpu.vector_load %arg9[%get3A_451] {strides = array<i32>} : memref<8192xf32, #tpu.memory_space<vmem>>, vector<16xf32>,
      %mul3A_453 = arith.constant 8 : i32
      %mul3A_454 = arith.muli %scan3A_340, %mul3A_453 : i32
      %add3A_455 = arith.constant 6 : i32
      %add3A_456 = arith.addi %mul3A_454, %add3A_455 : i32
      %mul3A_457 = arith.constant 16 : i32
      %mul3A_458 = arith.muli %add3A_456, %mul3A_457 : i32
      %get3A_459 = arith.index_cast %mul3A_458 : i32 to index
      %get3A_460 = tpu.vector_load %arg9[%get3A_459] {strides = array<i32>} : memref<8192xf32, #tpu.memory_space<vmem>>, vector<16xf32>,
      %mul3A_461 = arith.constant 8 : i32
      %mul3A_462 = arith.muli %scan3A_340, %mul3A_461 : i32
      %add3A_463 = arith.constant 7 : i32
      %add3A_464 = arith.addi %mul3A_462, %add3A_463 : i32
      %mul3A_465 = arith.constant 16 : i32
      %mul3A_466 = arith.muli %add3A_464, %mul3A_465 : i32
      %get3A_467 = arith.index_cast %mul3A_466 : i32 to index
      %get3A_468 = tpu.vector_load %arg9[%get3A_467] {strides = array<i32>} : memref<8192xf32, #tpu.memory_space<vmem>>, vector<16xf32>,
      %sub3A_469 = vector.broadcast %mul3A_191 : i32 to vector<16xi32>
      %sub3A_470 = arith.subi %get3A_348, %sub3A_469 : vector<16xi32>
      %ge3A = arith.constant 0 : i32
      %ge3A_471 = vector.broadcast %ge3A : i32 to vector<16xi32>
      %ge3A_472 = arith.cmpi sge, %sub3A_470, %ge3A_471 : vector<16xi32>
      %lt3A_473 = arith.constant 65536 : i32
      %lt3A_474 = vector.broadcast %lt3A_473 : i32 to vector<16xi32>
      %lt3A_475 = arith.cmpi slt, %sub3A_470, %lt3A_474 : vector<16xi32>
      %and3A_476 = arith.andi %ge3A_472, %lt3A_475 : vector<16xi1>
      tpu.vector_store_idx %arg5[%sub3A_470], %get3A_412 masked %and3A_476 : memref<65536xf32, #tpu.memory_space<vmem>>[vector<16xi32>], vector<16xf32>, vector<16xi1>
      %sub3A_477 = vector.broadcast %mul3A_191 : i32 to vector<16xi32>
      %sub3A_478 = arith.subi %get3A_356, %sub3A_477 : vector<16xi32>
      %ge3A_479 = arith.constant 0 : i32
      %ge3A_480 = vector.broadcast %ge3A_479 : i32 to vector<16xi32>
      %ge3A_481 = arith.cmpi sge, %sub3A_478, %ge3A_480 : vector<16xi32>
      %lt3A_482 = arith.constant 65536 : i32
      %lt3A_483 = vector.broadcast %lt3A_482 : i32 to vector<16xi32>
      %lt3A_484 = arith.cmpi slt, %sub3A_478, %lt3A_483 : vector<16xi32>
      %and3A_485 = arith.andi %ge3A_481, %lt3A_484 : vector<16xi1>
      tpu.vector_store_idx %arg5[%sub3A_478], %get3A_420 masked %and3A_485 : memref<65536xf32, #tpu.memory_space<vmem>>[vector<16xi32>], vector<16xf32>, vector<16xi1>
      %sub3A_486 = vector.broadcast %mul3A_191 : i32 to vector<16xi32>
      %sub3A_487 = arith.subi %get3A_364, %sub3A_486 : vector<16xi32>
      %ge3A_488 = arith.constant 0 : i32
      %ge3A_489 = vector.broadcast %ge3A_488 : i32 to vector<16xi32>
      %ge3A_490 = arith.cmpi sge, %sub3A_487, %ge3A_489 : vector<16xi32>
      %lt3A_491 = arith.constant 65536 : i32
      %lt3A_492 = vector.broadcast %lt3A_491 : i32 to vector<16xi32>
      %lt3A_493 = arith.cmpi slt, %sub3A_487, %lt3A_492 : vector<16xi32>
      %and3A_494 = arith.andi %ge3A_490, %lt3A_493 : vector<16xi1>
      tpu.vector_store_idx %arg5[%sub3A_487], %get3A_428 masked %and3A_494 : memref<65536xf32, #tpu.memory_space<vmem>>[vector<16xi32>], vector<16xf32>, vector<16xi1>
      %sub3A_495 = vector.broadcast %mul3A_191 : i32 to vector<16xi32>
      %sub3A_496 = arith.subi %get3A_372, %sub3A_495 : vector<16xi32>
      %ge3A_497 = arith.constant 0 : i32
      %ge3A_498 = vector.broadcast %ge3A_497 : i32 to vector<16xi32>
      %ge3A_499 = arith.cmpi sge, %sub3A_496, %ge3A_498 : vector<16xi32>
      %lt3A_500 = arith.constant 65536 : i32
      %lt3A_501 = vector.broadcast %lt3A_500 : i32 to vector<16xi32>
      %lt3A_502 = arith.cmpi slt, %sub3A_496, %lt3A_501 : vector<16xi32>
      %and3A_503 = arith.andi %ge3A_499, %lt3A_502 : vector<16xi1>
      tpu.vector_store_idx %arg5[%sub3A_496], %get3A_436 masked %and3A_503 : memref<65536xf32, #tpu.memory_space<vmem>>[vector<16xi32>], vector<16xf32>, vector<16xi1>
      %sub3A_504 = vector.broadcast %mul3A_191 : i32 to vector<16xi32>
      %sub3A_505 = arith.subi %get3A_380, %sub3A_504 : vector<16xi32>
      %ge3A_506 = arith.constant 0 : i32
      %ge3A_507 = vector.broadcast %ge3A_506 : i32 to vector<16xi32>
      %ge3A_508 = arith.cmpi sge, %sub3A_505, %ge3A_507 : vector<16xi32>
      %lt3A_509 = arith.constant 65536 : i32
      %lt3A_510 = vector.broadcast %lt3A_509 : i32 to vector<16xi32>
      %lt3A_511 = arith.cmpi slt, %sub3A_505, %lt3A_510 : vector<16xi32>
      %and3A_512 = arith.andi %ge3A_508, %lt3A_511 : vector<16xi1>
      tpu.vector_store_idx %arg5[%sub3A_505], %get3A_444 masked %and3A_512 : memref<65536xf32, #tpu.memory_space<vmem>>[vector<16xi32>], vector<16xf32>, vector<16xi1>
      %sub3A_513 = vector.broadcast %mul3A_191 : i32 to vector<16xi32>
      %sub3A_514 = arith.subi %get3A_388, %sub3A_513 : vector<16xi32>
      %ge3A_515 = arith.constant 0 : i32
      %ge3A_516 = vector.broadcast %ge3A_515 : i32 to vector<16xi32>
      %ge3A_517 = arith.cmpi sge, %sub3A_514, %ge3A_516 : vector<16xi32>
      %lt3A_518 = arith.constant 65536 : i32
      %lt3A_519 = vector.broadcast %lt3A_518 : i32 to vector<16xi32>
      %lt3A_520 = arith.cmpi slt, %sub3A_514, %lt3A_519 : vector<16xi32>
      %and3A_521 = arith.andi %ge3A_517, %lt3A_520 : vector<16xi1>
      tpu.vector_store_idx %arg5[%sub3A_514], %get3A_452 masked %and3A_521 : memref<65536xf32, #tpu.memory_space<vmem>>[vector<16xi32>], vector<16xf32>, vector<16xi1>
      %sub3A_522 = vector.broadcast %mul3A_191 : i32 to vector<16xi32>
      %sub3A_523 = arith.subi %get3A_396, %sub3A_522 : vector<16xi32>
      %ge3A_524 = arith.constant 0 : i32
      %ge3A_525 = vector.broadcast %ge3A_524 : i32 to vector<16xi32>
      %ge3A_526 = arith.cmpi sge, %sub3A_523, %ge3A_525 : vector<16xi32>
      %lt3A_527 = arith.constant 65536 : i32
      %lt3A_528 = vector.broadcast %lt3A_527 : i32 to vector<16xi32>
      %lt3A_529 = arith.cmpi slt, %sub3A_523, %lt3A_528 : vector<16xi32>
      %and3A_530 = arith.andi %ge3A_526, %lt3A_529 : vector<16xi1>
      tpu.vector_store_idx %arg5[%sub3A_523], %get3A_460 masked %and3A_530 : memref<65536xf32, #tpu.memory_space<vmem>>[vector<16xi32>], vector<16xf32>, vector<16xi1>
      %sub3A_531 = vector.broadcast %mul3A_191 : i32 to vector<16xi32>
      %sub3A_532 = arith.subi %get3A_404, %sub3A_531 : vector<16xi32>
      %ge3A_533 = arith.constant 0 : i32
      %ge3A_534 = vector.broadcast %ge3A_533 : i32 to vector<16xi32>
      %ge3A_535 = arith.cmpi sge, %sub3A_532, %ge3A_534 : vector<16xi32>
      %lt3A_536 = arith.constant 65536 : i32
      %lt3A_537 = vector.broadcast %lt3A_536 : i32 to vector<16xi32>
      %lt3A_538 = arith.cmpi slt, %sub3A_532, %lt3A_537 : vector<16xi32>
      %and3A_539 = arith.andi %ge3A_535, %lt3A_538 : vector<16xi1>
      tpu.vector_store_idx %arg5[%sub3A_532], %get3A_468 masked %and3A_539 : memref<65536xf32, #tpu.memory_space<vmem>>[vector<16xi32>], vector<16xf32>, vector<16xi1>
      %scan3A_540 = arith.constant 0 : i32
      scf.yield %scan3A_540 : i32
    }
    %scan3A_274 = arith.constant 64 : i32
    %dma_wait3A_275 = tpu.memref_slice %arg2[%add3A_263] : memref<1048576xi32, #tpu.memory_space<hbm>> -> memref<8192xi32, #tpu.memory_space<hbm>>
    %dma_wait3A_276 = tpu.memref_slice %arg2[%add3A_263] : memref<1048576xi32, #tpu.memory_space<hbm>> -> memref<8192xi32, #tpu.memory_space<hbm>>
    tpu.wait_dma2 semaphore(%arg11 : memref<!tpu.dma_semaphore, #tpu.memory_space<semaphore_mem>>) src(%dma_wait3A_276 : memref<8192xi32, #tpu.memory_space<hbm>>) dst(%arg6 : memref<8192xi32, #tpu.memory_space<vmem>>)
    %dma_wait3A_277 = tpu.memref_slice %arg3[%add3A_263] : memref<1048576xf32, #tpu.memory_space<hbm>> -> memref<8192xf32, #tpu.memory_space<hbm>>
    %dma_wait3A_278 = tpu.memref_slice %arg3[%add3A_263] : memref<1048576xf32, #tpu.memory_space<hbm>> -> memref<8192xf32, #tpu.memory_space<hbm>>
    tpu.wait_dma2 semaphore(%arg13 : memref<!tpu.dma_semaphore, #tpu.memory_space<semaphore_mem>>) src(%dma_wait3A_278 : memref<8192xf32, #tpu.memory_space<hbm>>) dst(%arg8 : memref<8192xf32, #tpu.memory_space<vmem>>)
    %add3A_279 = arith.constant 40960 : i32
    %add3A_280 = arith.addi %mul3A_34, %add3A_279 : i32
    %dma_start3A_281 = tpu.memref_slice %arg2[%add3A_280] : memref<1048576xi32, #tpu.memory_space<hbm>> -> memref<8192xi32, #tpu.memory_space<hbm>>
    %dma_start3A_282 = tpu.memref_slice %arg2[%add3A_280] : memref<1048576xi32, #tpu.memory_space<hbm>> -> memref<8192xi32, #tpu.memory_space<hbm>>
    tpu.enqueue_dma source(%dma_start3A_282 : memref<8192xi32, #tpu.memory_space<hbm>>) target(%arg7 : memref<8192xi32, #tpu.memory_space<vmem>>) target_semaphore(%arg12 : memref<!tpu.dma_semaphore, #tpu.memory_space<semaphore_mem>>)
    %dma_start3A_283 = tpu.memref_slice %arg3[%add3A_280] : memref<1048576xf32, #tpu.memory_space<hbm>> -> memref<8192xf32, #tpu.memory_space<hbm>>
    %dma_start3A_284 = tpu.memref_slice %arg3[%add3A_280] : memref<1048576xf32, #tpu.memory_space<hbm>> -> memref<8192xf32, #tpu.memory_space<hbm>>
    tpu.enqueue_dma source(%dma_start3A_284 : memref<8192xf32, #tpu.memory_space<hbm>>) target(%arg9 : memref<8192xf32, #tpu.memory_space<vmem>>) target_semaphore(%arg14 : memref<!tpu.dma_semaphore, #tpu.memory_space<semaphore_mem>>)
    %scan3A_285 = arith.constant 0 : i32
    %scan3A_286 = arith.constant 0 : i32
    %scan3A_287 = arith.constant 64 : i32
    %scan3A_288 = arith.addi %scan3A_286, %scan3A_287 : i32
    %scan3A_289 = arith.constant 1 : i32
    %scan3A_290 = scf.for %scan3A_340 = %scan3A_286 to %scan3A_288 step %scan3A_289 iter_args(%scan3A_341 = %scan3A_285) -> (i32)  : i32 {
      %mul3A_342 = arith.constant 8 : i32
      %mul3A_343 = arith.muli %scan3A_340, %mul3A_342 : i32
      %add3A_344 = arith.constant 0 : i32
      %add3A_345 = arith.addi %mul3A_343, %add3A_344 : i32
      %mul3A_346 = arith.constant 16 : i32
      %mul3A_347 = arith.muli %add3A_345, %mul3A_346 : i32
      %get3A = arith.index_cast %mul3A_347 : i32 to index
      %get3A_348 = tpu.vector_load %arg6[%get3A] {strides = array<i32>} : memref<8192xi32, #tpu.memory_space<vmem>>, vector<16xi32>,
      %mul3A_349 = arith.constant 8 : i32
      %mul3A_350 = arith.muli %scan3A_340, %mul3A_349 : i32
      %add3A_351 = arith.constant 1 : i32
      %add3A_352 = arith.addi %mul3A_350, %add3A_351 : i32
      %mul3A_353 = arith.constant 16 : i32
      %mul3A_354 = arith.muli %add3A_352, %mul3A_353 : i32
      %get3A_355 = arith.index_cast %mul3A_354 : i32 to index
      %get3A_356 = tpu.vector_load %arg6[%get3A_355] {strides = array<i32>} : memref<8192xi32, #tpu.memory_space<vmem>>, vector<16xi32>,
      %mul3A_357 = arith.constant 8 : i32
      %mul3A_358 = arith.muli %scan3A_340, %mul3A_357 : i32
      %add3A_359 = arith.constant 2 : i32
      %add3A_360 = arith.addi %mul3A_358, %add3A_359 : i32
      %mul3A_361 = arith.constant 16 : i32
      %mul3A_362 = arith.muli %add3A_360, %mul3A_361 : i32
      %get3A_363 = arith.index_cast %mul3A_362 : i32 to index
      %get3A_364 = tpu.vector_load %arg6[%get3A_363] {strides = array<i32>} : memref<8192xi32, #tpu.memory_space<vmem>>, vector<16xi32>,
      %mul3A_365 = arith.constant 8 : i32
      %mul3A_366 = arith.muli %scan3A_340, %mul3A_365 : i32
      %add3A_367 = arith.constant 3 : i32
      %add3A_368 = arith.addi %mul3A_366, %add3A_367 : i32
      %mul3A_369 = arith.constant 16 : i32
      %mul3A_370 = arith.muli %add3A_368, %mul3A_369 : i32
      %get3A_371 = arith.index_cast %mul3A_370 : i32 to index
      %get3A_372 = tpu.vector_load %arg6[%get3A_371] {strides = array<i32>} : memref<8192xi32, #tpu.memory_space<vmem>>, vector<16xi32>,
      %mul3A_373 = arith.constant 8 : i32
      %mul3A_374 = arith.muli %scan3A_340, %mul3A_373 : i32
      %add3A_375 = arith.constant 4 : i32
      %add3A_376 = arith.addi %mul3A_374, %add3A_375 : i32
      %mul3A_377 = arith.constant 16 : i32
      %mul3A_378 = arith.muli %add3A_376, %mul3A_377 : i32
      %get3A_379 = arith.index_cast %mul3A_378 : i32 to index
      %get3A_380 = tpu.vector_load %arg6[%get3A_379] {strides = array<i32>} : memref<8192xi32, #tpu.memory_space<vmem>>, vector<16xi32>,
      %mul3A_381 = arith.constant 8 : i32
      %mul3A_382 = arith.muli %scan3A_340, %mul3A_381 : i32
      %add3A_383 = arith.constant 5 : i32
      %add3A_384 = arith.addi %mul3A_382, %add3A_383 : i32
      %mul3A_385 = arith.constant 16 : i32
      %mul3A_386 = arith.muli %add3A_384, %mul3A_385 : i32
      %get3A_387 = arith.index_cast %mul3A_386 : i32 to index
      %get3A_388 = tpu.vector_load %arg6[%get3A_387] {strides = array<i32>} : memref<8192xi32, #tpu.memory_space<vmem>>, vector<16xi32>,
      %mul3A_389 = arith.constant 8 : i32
      %mul3A_390 = arith.muli %scan3A_340, %mul3A_389 : i32
      %add3A_391 = arith.constant 6 : i32
      %add3A_392 = arith.addi %mul3A_390, %add3A_391 : i32
      %mul3A_393 = arith.constant 16 : i32
      %mul3A_394 = arith.muli %add3A_392, %mul3A_393 : i32
      %get3A_395 = arith.index_cast %mul3A_394 : i32 to index
      %get3A_396 = tpu.vector_load %arg6[%get3A_395] {strides = array<i32>} : memref<8192xi32, #tpu.memory_space<vmem>>, vector<16xi32>,
      %mul3A_397 = arith.constant 8 : i32
      %mul3A_398 = arith.muli %scan3A_340, %mul3A_397 : i32
      %add3A_399 = arith.constant 7 : i32
      %add3A_400 = arith.addi %mul3A_398, %add3A_399 : i32
      %mul3A_401 = arith.constant 16 : i32
      %mul3A_402 = arith.muli %add3A_400, %mul3A_401 : i32
      %get3A_403 = arith.index_cast %mul3A_402 : i32 to index
      %get3A_404 = tpu.vector_load %arg6[%get3A_403] {strides = array<i32>} : memref<8192xi32, #tpu.memory_space<vmem>>, vector<16xi32>,
      %mul3A_405 = arith.constant 8 : i32
      %mul3A_406 = arith.muli %scan3A_340, %mul3A_405 : i32
      %add3A_407 = arith.constant 0 : i32
      %add3A_408 = arith.addi %mul3A_406, %add3A_407 : i32
      %mul3A_409 = arith.constant 16 : i32
      %mul3A_410 = arith.muli %add3A_408, %mul3A_409 : i32
      %get3A_411 = arith.index_cast %mul3A_410 : i32 to index
      %get3A_412 = tpu.vector_load %arg8[%get3A_411] {strides = array<i32>} : memref<8192xf32, #tpu.memory_space<vmem>>, vector<16xf32>,
      %mul3A_413 = arith.constant 8 : i32
      %mul3A_414 = arith.muli %scan3A_340, %mul3A_413 : i32
      %add3A_415 = arith.constant 1 : i32
      %add3A_416 = arith.addi %mul3A_414, %add3A_415 : i32
      %mul3A_417 = arith.constant 16 : i32
      %mul3A_418 = arith.muli %add3A_416, %mul3A_417 : i32
      %get3A_419 = arith.index_cast %mul3A_418 : i32 to index
      %get3A_420 = tpu.vector_load %arg8[%get3A_419] {strides = array<i32>} : memref<8192xf32, #tpu.memory_space<vmem>>, vector<16xf32>,
      %mul3A_421 = arith.constant 8 : i32
      %mul3A_422 = arith.muli %scan3A_340, %mul3A_421 : i32
      %add3A_423 = arith.constant 2 : i32
      %add3A_424 = arith.addi %mul3A_422, %add3A_423 : i32
      %mul3A_425 = arith.constant 16 : i32
      %mul3A_426 = arith.muli %add3A_424, %mul3A_425 : i32
      %get3A_427 = arith.index_cast %mul3A_426 : i32 to index
      %get3A_428 = tpu.vector_load %arg8[%get3A_427] {strides = array<i32>} : memref<8192xf32, #tpu.memory_space<vmem>>, vector<16xf32>,
      %mul3A_429 = arith.constant 8 : i32
      %mul3A_430 = arith.muli %scan3A_340, %mul3A_429 : i32
      %add3A_431 = arith.constant 3 : i32
      %add3A_432 = arith.addi %mul3A_430, %add3A_431 : i32
      %mul3A_433 = arith.constant 16 : i32
      %mul3A_434 = arith.muli %add3A_432, %mul3A_433 : i32
      %get3A_435 = arith.index_cast %mul3A_434 : i32 to index
      %get3A_436 = tpu.vector_load %arg8[%get3A_435] {strides = array<i32>} : memref<8192xf32, #tpu.memory_space<vmem>>, vector<16xf32>,
      %mul3A_437 = arith.constant 8 : i32
      %mul3A_438 = arith.muli %scan3A_340, %mul3A_437 : i32
      %add3A_439 = arith.constant 4 : i32
      %add3A_440 = arith.addi %mul3A_438, %add3A_439 : i32
      %mul3A_441 = arith.constant 16 : i32
      %mul3A_442 = arith.muli %add3A_440, %mul3A_441 : i32
      %get3A_443 = arith.index_cast %mul3A_442 : i32 to index
      %get3A_444 = tpu.vector_load %arg8[%get3A_443] {strides = array<i32>} : memref<8192xf32, #tpu.memory_space<vmem>>, vector<16xf32>,
      %mul3A_445 = arith.constant 8 : i32
      %mul3A_446 = arith.muli %scan3A_340, %mul3A_445 : i32
      %add3A_447 = arith.constant 5 : i32
      %add3A_448 = arith.addi %mul3A_446, %add3A_447 : i32
      %mul3A_449 = arith.constant 16 : i32
      %mul3A_450 = arith.muli %add3A_448, %mul3A_449 : i32
      %get3A_451 = arith.index_cast %mul3A_450 : i32 to index
      %get3A_452 = tpu.vector_load %arg8[%get3A_451] {strides = array<i32>} : memref<8192xf32, #tpu.memory_space<vmem>>, vector<16xf32>,
      %mul3A_453 = arith.constant 8 : i32
      %mul3A_454 = arith.muli %scan3A_340, %mul3A_453 : i32
      %add3A_455 = arith.constant 6 : i32
      %add3A_456 = arith.addi %mul3A_454, %add3A_455 : i32
      %mul3A_457 = arith.constant 16 : i32
      %mul3A_458 = arith.muli %add3A_456, %mul3A_457 : i32
      %get3A_459 = arith.index_cast %mul3A_458 : i32 to index
      %get3A_460 = tpu.vector_load %arg8[%get3A_459] {strides = array<i32>} : memref<8192xf32, #tpu.memory_space<vmem>>, vector<16xf32>,
      %mul3A_461 = arith.constant 8 : i32
      %mul3A_462 = arith.muli %scan3A_340, %mul3A_461 : i32
      %add3A_463 = arith.constant 7 : i32
      %add3A_464 = arith.addi %mul3A_462, %add3A_463 : i32
      %mul3A_465 = arith.constant 16 : i32
      %mul3A_466 = arith.muli %add3A_464, %mul3A_465 : i32
      %get3A_467 = arith.index_cast %mul3A_466 : i32 to index
      %get3A_468 = tpu.vector_load %arg8[%get3A_467] {strides = array<i32>} : memref<8192xf32, #tpu.memory_space<vmem>>, vector<16xf32>,
      %sub3A_469 = vector.broadcast %mul3A_191 : i32 to vector<16xi32>
      %sub3A_470 = arith.subi %get3A_348, %sub3A_469 : vector<16xi32>
      %ge3A = arith.constant 0 : i32
      %ge3A_471 = vector.broadcast %ge3A : i32 to vector<16xi32>
      %ge3A_472 = arith.cmpi sge, %sub3A_470, %ge3A_471 : vector<16xi32>
      %lt3A_473 = arith.constant 65536 : i32
      %lt3A_474 = vector.broadcast %lt3A_473 : i32 to vector<16xi32>
      %lt3A_475 = arith.cmpi slt, %sub3A_470, %lt3A_474 : vector<16xi32>
      %and3A_476 = arith.andi %ge3A_472, %lt3A_475 : vector<16xi1>
      tpu.vector_store_idx %arg5[%sub3A_470], %get3A_412 masked %and3A_476 : memref<65536xf32, #tpu.memory_space<vmem>>[vector<16xi32>], vector<16xf32>, vector<16xi1>
      %sub3A_477 = vector.broadcast %mul3A_191 : i32 to vector<16xi32>
      %sub3A_478 = arith.subi %get3A_356, %sub3A_477 : vector<16xi32>
      %ge3A_479 = arith.constant 0 : i32
      %ge3A_480 = vector.broadcast %ge3A_479 : i32 to vector<16xi32>
      %ge3A_481 = arith.cmpi sge, %sub3A_478, %ge3A_480 : vector<16xi32>
      %lt3A_482 = arith.constant 65536 : i32
      %lt3A_483 = vector.broadcast %lt3A_482 : i32 to vector<16xi32>
      %lt3A_484 = arith.cmpi slt, %sub3A_478, %lt3A_483 : vector<16xi32>
      %and3A_485 = arith.andi %ge3A_481, %lt3A_484 : vector<16xi1>
      tpu.vector_store_idx %arg5[%sub3A_478], %get3A_420 masked %and3A_485 : memref<65536xf32, #tpu.memory_space<vmem>>[vector<16xi32>], vector<16xf32>, vector<16xi1>
      %sub3A_486 = vector.broadcast %mul3A_191 : i32 to vector<16xi32>
      %sub3A_487 = arith.subi %get3A_364, %sub3A_486 : vector<16xi32>
      %ge3A_488 = arith.constant 0 : i32
      %ge3A_489 = vector.broadcast %ge3A_488 : i32 to vector<16xi32>
      %ge3A_490 = arith.cmpi sge, %sub3A_487, %ge3A_489 : vector<16xi32>
      %lt3A_491 = arith.constant 65536 : i32
      %lt3A_492 = vector.broadcast %lt3A_491 : i32 to vector<16xi32>
      %lt3A_493 = arith.cmpi slt, %sub3A_487, %lt3A_492 : vector<16xi32>
      %and3A_494 = arith.andi %ge3A_490, %lt3A_493 : vector<16xi1>
      tpu.vector_store_idx %arg5[%sub3A_487], %get3A_428 masked %and3A_494 : memref<65536xf32, #tpu.memory_space<vmem>>[vector<16xi32>], vector<16xf32>, vector<16xi1>
      %sub3A_495 = vector.broadcast %mul3A_191 : i32 to vector<16xi32>
      %sub3A_496 = arith.subi %get3A_372, %sub3A_495 : vector<16xi32>
      %ge3A_497 = arith.constant 0 : i32
      %ge3A_498 = vector.broadcast %ge3A_497 : i32 to vector<16xi32>
      %ge3A_499 = arith.cmpi sge, %sub3A_496, %ge3A_498 : vector<16xi32>
      %lt3A_500 = arith.constant 65536 : i32
      %lt3A_501 = vector.broadcast %lt3A_500 : i32 to vector<16xi32>
      %lt3A_502 = arith.cmpi slt, %sub3A_496, %lt3A_501 : vector<16xi32>
      %and3A_503 = arith.andi %ge3A_499, %lt3A_502 : vector<16xi1>
      tpu.vector_store_idx %arg5[%sub3A_496], %get3A_436 masked %and3A_503 : memref<65536xf32, #tpu.memory_space<vmem>>[vector<16xi32>], vector<16xf32>, vector<16xi1>
      %sub3A_504 = vector.broadcast %mul3A_191 : i32 to vector<16xi32>
      %sub3A_505 = arith.subi %get3A_380, %sub3A_504 : vector<16xi32>
      %ge3A_506 = arith.constant 0 : i32
      %ge3A_507 = vector.broadcast %ge3A_506 : i32 to vector<16xi32>
      %ge3A_508 = arith.cmpi sge, %sub3A_505, %ge3A_507 : vector<16xi32>
      %lt3A_509 = arith.constant 65536 : i32
      %lt3A_510 = vector.broadcast %lt3A_509 : i32 to vector<16xi32>
      %lt3A_511 = arith.cmpi slt, %sub3A_505, %lt3A_510 : vector<16xi32>
      %and3A_512 = arith.andi %ge3A_508, %lt3A_511 : vector<16xi1>
      tpu.vector_store_idx %arg5[%sub3A_505], %get3A_444 masked %and3A_512 : memref<65536xf32, #tpu.memory_space<vmem>>[vector<16xi32>], vector<16xf32>, vector<16xi1>
      %sub3A_513 = vector.broadcast %mul3A_191 : i32 to vector<16xi32>
      %sub3A_514 = arith.subi %get3A_388, %sub3A_513 : vector<16xi32>
      %ge3A_515 = arith.constant 0 : i32
      %ge3A_516 = vector.broadcast %ge3A_515 : i32 to vector<16xi32>
      %ge3A_517 = arith.cmpi sge, %sub3A_514, %ge3A_516 : vector<16xi32>
      %lt3A_518 = arith.constant 65536 : i32
      %lt3A_519 = vector.broadcast %lt3A_518 : i32 to vector<16xi32>
      %lt3A_520 = arith.cmpi slt, %sub3A_514, %lt3A_519 : vector<16xi32>
      %and3A_521 = arith.andi %ge3A_517, %lt3A_520 : vector<16xi1>
      tpu.vector_store_idx %arg5[%sub3A_514], %get3A_452 masked %and3A_521 : memref<65536xf32, #tpu.memory_space<vmem>>[vector<16xi32>], vector<16xf32>, vector<16xi1>
      %sub3A_522 = vector.broadcast %mul3A_191 : i32 to vector<16xi32>
      %sub3A_523 = arith.subi %get3A_396, %sub3A_522 : vector<16xi32>
      %ge3A_524 = arith.constant 0 : i32
      %ge3A_525 = vector.broadcast %ge3A_524 : i32 to vector<16xi32>
      %ge3A_526 = arith.cmpi sge, %sub3A_523, %ge3A_525 : vector<16xi32>
      %lt3A_527 = arith.constant 65536 : i32
      %lt3A_528 = vector.broadcast %lt3A_527 : i32 to vector<16xi32>
      %lt3A_529 = arith.cmpi slt, %sub3A_523, %lt3A_528 : vector<16xi32>
      %and3A_530 = arith.andi %ge3A_526, %lt3A_529 : vector<16xi1>
      tpu.vector_store_idx %arg5[%sub3A_523], %get3A_460 masked %and3A_530 : memref<65536xf32, #tpu.memory_space<vmem>>[vector<16xi32>], vector<16xf32>, vector<16xi1>
      %sub3A_531 = vector.broadcast %mul3A_191 : i32 to vector<16xi32>
      %sub3A_532 = arith.subi %get3A_404, %sub3A_531 : vector<16xi32>
      %ge3A_533 = arith.constant 0 : i32
      %ge3A_534 = vector.broadcast %ge3A_533 : i32 to vector<16xi32>
      %ge3A_535 = arith.cmpi sge, %sub3A_532, %ge3A_534 : vector<16xi32>
      %lt3A_536 = arith.constant 65536 : i32
      %lt3A_537 = vector.broadcast %lt3A_536 : i32 to vector<16xi32>
      %lt3A_538 = arith.cmpi slt, %sub3A_532, %lt3A_537 : vector<16xi32>
      %and3A_539 = arith.andi %ge3A_535, %lt3A_538 : vector<16xi1>
      tpu.vector_store_idx %arg5[%sub3A_532], %get3A_468 masked %and3A_539 : memref<65536xf32, #tpu.memory_space<vmem>>[vector<16xi32>], vector<16xf32>, vector<16xi1>
      %scan3A_540 = arith.constant 0 : i32
      scf.yield %scan3A_540 : i32
    }
    %scan3A_291 = arith.constant 64 : i32
    %dma_wait3A_292 = tpu.memref_slice %arg2[%add3A_280] : memref<1048576xi32, #tpu.memory_space<hbm>> -> memref<8192xi32, #tpu.memory_space<hbm>>
    %dma_wait3A_293 = tpu.memref_slice %arg2[%add3A_280] : memref<1048576xi32, #tpu.memory_space<hbm>> -> memref<8192xi32, #tpu.memory_space<hbm>>
    tpu.wait_dma2 semaphore(%arg12 : memref<!tpu.dma_semaphore, #tpu.memory_space<semaphore_mem>>) src(%dma_wait3A_293 : memref<8192xi32, #tpu.memory_space<hbm>>) dst(%arg7 : memref<8192xi32, #tpu.memory_space<vmem>>)
    %dma_wait3A_294 = tpu.memref_slice %arg3[%add3A_280] : memref<1048576xf32, #tpu.memory_space<hbm>> -> memref<8192xf32, #tpu.memory_space<hbm>>
    %dma_wait3A_295 = tpu.memref_slice %arg3[%add3A_280] : memref<1048576xf32, #tpu.memory_space<hbm>> -> memref<8192xf32, #tpu.memory_space<hbm>>
    tpu.wait_dma2 semaphore(%arg14 : memref<!tpu.dma_semaphore, #tpu.memory_space<semaphore_mem>>) src(%dma_wait3A_295 : memref<8192xf32, #tpu.memory_space<hbm>>) dst(%arg9 : memref<8192xf32, #tpu.memory_space<vmem>>)
    %add3A_296 = arith.constant 49152 : i32
    %add3A_297 = arith.addi %mul3A_34, %add3A_296 : i32
    %dma_start3A_298 = tpu.memref_slice %arg2[%add3A_297] : memref<1048576xi32, #tpu.memory_space<hbm>> -> memref<8192xi32, #tpu.memory_space<hbm>>
    %dma_start3A_299 = tpu.memref_slice %arg2[%add3A_297] : memref<1048576xi32, #tpu.memory_space<hbm>> -> memref<8192xi32, #tpu.memory_space<hbm>>
    tpu.enqueue_dma source(%dma_start3A_299 : memref<8192xi32, #tpu.memory_space<hbm>>) target(%arg6 : memref<8192xi32, #tpu.memory_space<vmem>>) target_semaphore(%arg11 : memref<!tpu.dma_semaphore, #tpu.memory_space<semaphore_mem>>)
    %dma_start3A_300 = tpu.memref_slice %arg3[%add3A_297] : memref<1048576xf32, #tpu.memory_space<hbm>> -> memref<8192xf32, #tpu.memory_space<hbm>>
    %dma_start3A_301 = tpu.memref_slice %arg3[%add3A_297] : memref<1048576xf32, #tpu.memory_space<hbm>> -> memref<8192xf32, #tpu.memory_space<hbm>>
    tpu.enqueue_dma source(%dma_start3A_301 : memref<8192xf32, #tpu.memory_space<hbm>>) target(%arg8 : memref<8192xf32, #tpu.memory_space<vmem>>) target_semaphore(%arg13 : memref<!tpu.dma_semaphore, #tpu.memory_space<semaphore_mem>>)
    %scan3A_302 = arith.constant 0 : i32
    %scan3A_303 = arith.constant 0 : i32
    %scan3A_304 = arith.constant 64 : i32
    %scan3A_305 = arith.addi %scan3A_303, %scan3A_304 : i32
    %scan3A_306 = arith.constant 1 : i32
    %scan3A_307 = scf.for %scan3A_340 = %scan3A_303 to %scan3A_305 step %scan3A_306 iter_args(%scan3A_341 = %scan3A_302) -> (i32)  : i32 {
      %mul3A_342 = arith.constant 8 : i32
      %mul3A_343 = arith.muli %scan3A_340, %mul3A_342 : i32
      %add3A_344 = arith.constant 0 : i32
      %add3A_345 = arith.addi %mul3A_343, %add3A_344 : i32
      %mul3A_346 = arith.constant 16 : i32
      %mul3A_347 = arith.muli %add3A_345, %mul3A_346 : i32
      %get3A = arith.index_cast %mul3A_347 : i32 to index
      %get3A_348 = tpu.vector_load %arg7[%get3A] {strides = array<i32>} : memref<8192xi32, #tpu.memory_space<vmem>>, vector<16xi32>,
      %mul3A_349 = arith.constant 8 : i32
      %mul3A_350 = arith.muli %scan3A_340, %mul3A_349 : i32
      %add3A_351 = arith.constant 1 : i32
      %add3A_352 = arith.addi %mul3A_350, %add3A_351 : i32
      %mul3A_353 = arith.constant 16 : i32
      %mul3A_354 = arith.muli %add3A_352, %mul3A_353 : i32
      %get3A_355 = arith.index_cast %mul3A_354 : i32 to index
      %get3A_356 = tpu.vector_load %arg7[%get3A_355] {strides = array<i32>} : memref<8192xi32, #tpu.memory_space<vmem>>, vector<16xi32>,
      %mul3A_357 = arith.constant 8 : i32
      %mul3A_358 = arith.muli %scan3A_340, %mul3A_357 : i32
      %add3A_359 = arith.constant 2 : i32
      %add3A_360 = arith.addi %mul3A_358, %add3A_359 : i32
      %mul3A_361 = arith.constant 16 : i32
      %mul3A_362 = arith.muli %add3A_360, %mul3A_361 : i32
      %get3A_363 = arith.index_cast %mul3A_362 : i32 to index
      %get3A_364 = tpu.vector_load %arg7[%get3A_363] {strides = array<i32>} : memref<8192xi32, #tpu.memory_space<vmem>>, vector<16xi32>,
      %mul3A_365 = arith.constant 8 : i32
      %mul3A_366 = arith.muli %scan3A_340, %mul3A_365 : i32
      %add3A_367 = arith.constant 3 : i32
      %add3A_368 = arith.addi %mul3A_366, %add3A_367 : i32
      %mul3A_369 = arith.constant 16 : i32
      %mul3A_370 = arith.muli %add3A_368, %mul3A_369 : i32
      %get3A_371 = arith.index_cast %mul3A_370 : i32 to index
      %get3A_372 = tpu.vector_load %arg7[%get3A_371] {strides = array<i32>} : memref<8192xi32, #tpu.memory_space<vmem>>, vector<16xi32>,
      %mul3A_373 = arith.constant 8 : i32
      %mul3A_374 = arith.muli %scan3A_340, %mul3A_373 : i32
      %add3A_375 = arith.constant 4 : i32
      %add3A_376 = arith.addi %mul3A_374, %add3A_375 : i32
      %mul3A_377 = arith.constant 16 : i32
      %mul3A_378 = arith.muli %add3A_376, %mul3A_377 : i32
      %get3A_379 = arith.index_cast %mul3A_378 : i32 to index
      %get3A_380 = tpu.vector_load %arg7[%get3A_379] {strides = array<i32>} : memref<8192xi32, #tpu.memory_space<vmem>>, vector<16xi32>,
      %mul3A_381 = arith.constant 8 : i32
      %mul3A_382 = arith.muli %scan3A_340, %mul3A_381 : i32
      %add3A_383 = arith.constant 5 : i32
      %add3A_384 = arith.addi %mul3A_382, %add3A_383 : i32
      %mul3A_385 = arith.constant 16 : i32
      %mul3A_386 = arith.muli %add3A_384, %mul3A_385 : i32
      %get3A_387 = arith.index_cast %mul3A_386 : i32 to index
      %get3A_388 = tpu.vector_load %arg7[%get3A_387] {strides = array<i32>} : memref<8192xi32, #tpu.memory_space<vmem>>, vector<16xi32>,
      %mul3A_389 = arith.constant 8 : i32
      %mul3A_390 = arith.muli %scan3A_340, %mul3A_389 : i32
      %add3A_391 = arith.constant 6 : i32
      %add3A_392 = arith.addi %mul3A_390, %add3A_391 : i32
      %mul3A_393 = arith.constant 16 : i32
      %mul3A_394 = arith.muli %add3A_392, %mul3A_393 : i32
      %get3A_395 = arith.index_cast %mul3A_394 : i32 to index
      %get3A_396 = tpu.vector_load %arg7[%get3A_395] {strides = array<i32>} : memref<8192xi32, #tpu.memory_space<vmem>>, vector<16xi32>,
      %mul3A_397 = arith.constant 8 : i32
      %mul3A_398 = arith.muli %scan3A_340, %mul3A_397 : i32
      %add3A_399 = arith.constant 7 : i32
      %add3A_400 = arith.addi %mul3A_398, %add3A_399 : i32
      %mul3A_401 = arith.constant 16 : i32
      %mul3A_402 = arith.muli %add3A_400, %mul3A_401 : i32
      %get3A_403 = arith.index_cast %mul3A_402 : i32 to index
      %get3A_404 = tpu.vector_load %arg7[%get3A_403] {strides = array<i32>} : memref<8192xi32, #tpu.memory_space<vmem>>, vector<16xi32>,
      %mul3A_405 = arith.constant 8 : i32
      %mul3A_406 = arith.muli %scan3A_340, %mul3A_405 : i32
      %add3A_407 = arith.constant 0 : i32
      %add3A_408 = arith.addi %mul3A_406, %add3A_407 : i32
      %mul3A_409 = arith.constant 16 : i32
      %mul3A_410 = arith.muli %add3A_408, %mul3A_409 : i32
      %get3A_411 = arith.index_cast %mul3A_410 : i32 to index
      %get3A_412 = tpu.vector_load %arg9[%get3A_411] {strides = array<i32>} : memref<8192xf32, #tpu.memory_space<vmem>>, vector<16xf32>,
      %mul3A_413 = arith.constant 8 : i32
      %mul3A_414 = arith.muli %scan3A_340, %mul3A_413 : i32
      %add3A_415 = arith.constant 1 : i32
      %add3A_416 = arith.addi %mul3A_414, %add3A_415 : i32
      %mul3A_417 = arith.constant 16 : i32
      %mul3A_418 = arith.muli %add3A_416, %mul3A_417 : i32
      %get3A_419 = arith.index_cast %mul3A_418 : i32 to index
      %get3A_420 = tpu.vector_load %arg9[%get3A_419] {strides = array<i32>} : memref<8192xf32, #tpu.memory_space<vmem>>, vector<16xf32>,
      %mul3A_421 = arith.constant 8 : i32
      %mul3A_422 = arith.muli %scan3A_340, %mul3A_421 : i32
      %add3A_423 = arith.constant 2 : i32
      %add3A_424 = arith.addi %mul3A_422, %add3A_423 : i32
      %mul3A_425 = arith.constant 16 : i32
      %mul3A_426 = arith.muli %add3A_424, %mul3A_425 : i32
      %get3A_427 = arith.index_cast %mul3A_426 : i32 to index
      %get3A_428 = tpu.vector_load %arg9[%get3A_427] {strides = array<i32>} : memref<8192xf32, #tpu.memory_space<vmem>>, vector<16xf32>,
      %mul3A_429 = arith.constant 8 : i32
      %mul3A_430 = arith.muli %scan3A_340, %mul3A_429 : i32
      %add3A_431 = arith.constant 3 : i32
      %add3A_432 = arith.addi %mul3A_430, %add3A_431 : i32
      %mul3A_433 = arith.constant 16 : i32
      %mul3A_434 = arith.muli %add3A_432, %mul3A_433 : i32
      %get3A_435 = arith.index_cast %mul3A_434 : i32 to index
      %get3A_436 = tpu.vector_load %arg9[%get3A_435] {strides = array<i32>} : memref<8192xf32, #tpu.memory_space<vmem>>, vector<16xf32>,
      %mul3A_437 = arith.constant 8 : i32
      %mul3A_438 = arith.muli %scan3A_340, %mul3A_437 : i32
      %add3A_439 = arith.constant 4 : i32
      %add3A_440 = arith.addi %mul3A_438, %add3A_439 : i32
      %mul3A_441 = arith.constant 16 : i32
      %mul3A_442 = arith.muli %add3A_440, %mul3A_441 : i32
      %get3A_443 = arith.index_cast %mul3A_442 : i32 to index
      %get3A_444 = tpu.vector_load %arg9[%get3A_443] {strides = array<i32>} : memref<8192xf32, #tpu.memory_space<vmem>>, vector<16xf32>,
      %mul3A_445 = arith.constant 8 : i32
      %mul3A_446 = arith.muli %scan3A_340, %mul3A_445 : i32
      %add3A_447 = arith.constant 5 : i32
      %add3A_448 = arith.addi %mul3A_446, %add3A_447 : i32
      %mul3A_449 = arith.constant 16 : i32
      %mul3A_450 = arith.muli %add3A_448, %mul3A_449 : i32
      %get3A_451 = arith.index_cast %mul3A_450 : i32 to index
      %get3A_452 = tpu.vector_load %arg9[%get3A_451] {strides = array<i32>} : memref<8192xf32, #tpu.memory_space<vmem>>, vector<16xf32>,
      %mul3A_453 = arith.constant 8 : i32
      %mul3A_454 = arith.muli %scan3A_340, %mul3A_453 : i32
      %add3A_455 = arith.constant 6 : i32
      %add3A_456 = arith.addi %mul3A_454, %add3A_455 : i32
      %mul3A_457 = arith.constant 16 : i32
      %mul3A_458 = arith.muli %add3A_456, %mul3A_457 : i32
      %get3A_459 = arith.index_cast %mul3A_458 : i32 to index
      %get3A_460 = tpu.vector_load %arg9[%get3A_459] {strides = array<i32>} : memref<8192xf32, #tpu.memory_space<vmem>>, vector<16xf32>,
      %mul3A_461 = arith.constant 8 : i32
      %mul3A_462 = arith.muli %scan3A_340, %mul3A_461 : i32
      %add3A_463 = arith.constant 7 : i32
      %add3A_464 = arith.addi %mul3A_462, %add3A_463 : i32
      %mul3A_465 = arith.constant 16 : i32
      %mul3A_466 = arith.muli %add3A_464, %mul3A_465 : i32
      %get3A_467 = arith.index_cast %mul3A_466 : i32 to index
      %get3A_468 = tpu.vector_load %arg9[%get3A_467] {strides = array<i32>} : memref<8192xf32, #tpu.memory_space<vmem>>, vector<16xf32>,
      %sub3A_469 = vector.broadcast %mul3A_191 : i32 to vector<16xi32>
      %sub3A_470 = arith.subi %get3A_348, %sub3A_469 : vector<16xi32>
      %ge3A = arith.constant 0 : i32
      %ge3A_471 = vector.broadcast %ge3A : i32 to vector<16xi32>
      %ge3A_472 = arith.cmpi sge, %sub3A_470, %ge3A_471 : vector<16xi32>
      %lt3A_473 = arith.constant 65536 : i32
      %lt3A_474 = vector.broadcast %lt3A_473 : i32 to vector<16xi32>
      %lt3A_475 = arith.cmpi slt, %sub3A_470, %lt3A_474 : vector<16xi32>
      %and3A_476 = arith.andi %ge3A_472, %lt3A_475 : vector<16xi1>
      tpu.vector_store_idx %arg5[%sub3A_470], %get3A_412 masked %and3A_476 : memref<65536xf32, #tpu.memory_space<vmem>>[vector<16xi32>], vector<16xf32>, vector<16xi1>
      %sub3A_477 = vector.broadcast %mul3A_191 : i32 to vector<16xi32>
      %sub3A_478 = arith.subi %get3A_356, %sub3A_477 : vector<16xi32>
      %ge3A_479 = arith.constant 0 : i32
      %ge3A_480 = vector.broadcast %ge3A_479 : i32 to vector<16xi32>
      %ge3A_481 = arith.cmpi sge, %sub3A_478, %ge3A_480 : vector<16xi32>
      %lt3A_482 = arith.constant 65536 : i32
      %lt3A_483 = vector.broadcast %lt3A_482 : i32 to vector<16xi32>
      %lt3A_484 = arith.cmpi slt, %sub3A_478, %lt3A_483 : vector<16xi32>
      %and3A_485 = arith.andi %ge3A_481, %lt3A_484 : vector<16xi1>
      tpu.vector_store_idx %arg5[%sub3A_478], %get3A_420 masked %and3A_485 : memref<65536xf32, #tpu.memory_space<vmem>>[vector<16xi32>], vector<16xf32>, vector<16xi1>
      %sub3A_486 = vector.broadcast %mul3A_191 : i32 to vector<16xi32>
      %sub3A_487 = arith.subi %get3A_364, %sub3A_486 : vector<16xi32>
      %ge3A_488 = arith.constant 0 : i32
      %ge3A_489 = vector.broadcast %ge3A_488 : i32 to vector<16xi32>
      %ge3A_490 = arith.cmpi sge, %sub3A_487, %ge3A_489 : vector<16xi32>
      %lt3A_491 = arith.constant 65536 : i32
      %lt3A_492 = vector.broadcast %lt3A_491 : i32 to vector<16xi32>
      %lt3A_493 = arith.cmpi slt, %sub3A_487, %lt3A_492 : vector<16xi32>
      %and3A_494 = arith.andi %ge3A_490, %lt3A_493 : vector<16xi1>
      tpu.vector_store_idx %arg5[%sub3A_487], %get3A_428 masked %and3A_494 : memref<65536xf32, #tpu.memory_space<vmem>>[vector<16xi32>], vector<16xf32>, vector<16xi1>
      %sub3A_495 = vector.broadcast %mul3A_191 : i32 to vector<16xi32>
      %sub3A_496 = arith.subi %get3A_372, %sub3A_495 : vector<16xi32>
      %ge3A_497 = arith.constant 0 : i32
      %ge3A_498 = vector.broadcast %ge3A_497 : i32 to vector<16xi32>
      %ge3A_499 = arith.cmpi sge, %sub3A_496, %ge3A_498 : vector<16xi32>
      %lt3A_500 = arith.constant 65536 : i32
      %lt3A_501 = vector.broadcast %lt3A_500 : i32 to vector<16xi32>
      %lt3A_502 = arith.cmpi slt, %sub3A_496, %lt3A_501 : vector<16xi32>
      %and3A_503 = arith.andi %ge3A_499, %lt3A_502 : vector<16xi1>
      tpu.vector_store_idx %arg5[%sub3A_496], %get3A_436 masked %and3A_503 : memref<65536xf32, #tpu.memory_space<vmem>>[vector<16xi32>], vector<16xf32>, vector<16xi1>
      %sub3A_504 = vector.broadcast %mul3A_191 : i32 to vector<16xi32>
      %sub3A_505 = arith.subi %get3A_380, %sub3A_504 : vector<16xi32>
      %ge3A_506 = arith.constant 0 : i32
      %ge3A_507 = vector.broadcast %ge3A_506 : i32 to vector<16xi32>
      %ge3A_508 = arith.cmpi sge, %sub3A_505, %ge3A_507 : vector<16xi32>
      %lt3A_509 = arith.constant 65536 : i32
      %lt3A_510 = vector.broadcast %lt3A_509 : i32 to vector<16xi32>
      %lt3A_511 = arith.cmpi slt, %sub3A_505, %lt3A_510 : vector<16xi32>
      %and3A_512 = arith.andi %ge3A_508, %lt3A_511 : vector<16xi1>
      tpu.vector_store_idx %arg5[%sub3A_505], %get3A_444 masked %and3A_512 : memref<65536xf32, #tpu.memory_space<vmem>>[vector<16xi32>], vector<16xf32>, vector<16xi1>
      %sub3A_513 = vector.broadcast %mul3A_191 : i32 to vector<16xi32>
      %sub3A_514 = arith.subi %get3A_388, %sub3A_513 : vector<16xi32>
      %ge3A_515 = arith.constant 0 : i32
      %ge3A_516 = vector.broadcast %ge3A_515 : i32 to vector<16xi32>
      %ge3A_517 = arith.cmpi sge, %sub3A_514, %ge3A_516 : vector<16xi32>
      %lt3A_518 = arith.constant 65536 : i32
      %lt3A_519 = vector.broadcast %lt3A_518 : i32 to vector<16xi32>
      %lt3A_520 = arith.cmpi slt, %sub3A_514, %lt3A_519 : vector<16xi32>
      %and3A_521 = arith.andi %ge3A_517, %lt3A_520 : vector<16xi1>
      tpu.vector_store_idx %arg5[%sub3A_514], %get3A_452 masked %and3A_521 : memref<65536xf32, #tpu.memory_space<vmem>>[vector<16xi32>], vector<16xf32>, vector<16xi1>
      %sub3A_522 = vector.broadcast %mul3A_191 : i32 to vector<16xi32>
      %sub3A_523 = arith.subi %get3A_396, %sub3A_522 : vector<16xi32>
      %ge3A_524 = arith.constant 0 : i32
      %ge3A_525 = vector.broadcast %ge3A_524 : i32 to vector<16xi32>
      %ge3A_526 = arith.cmpi sge, %sub3A_523, %ge3A_525 : vector<16xi32>
      %lt3A_527 = arith.constant 65536 : i32
      %lt3A_528 = vector.broadcast %lt3A_527 : i32 to vector<16xi32>
      %lt3A_529 = arith.cmpi slt, %sub3A_523, %lt3A_528 : vector<16xi32>
      %and3A_530 = arith.andi %ge3A_526, %lt3A_529 : vector<16xi1>
      tpu.vector_store_idx %arg5[%sub3A_523], %get3A_460 masked %and3A_530 : memref<65536xf32, #tpu.memory_space<vmem>>[vector<16xi32>], vector<16xf32>, vector<16xi1>
      %sub3A_531 = vector.broadcast %mul3A_191 : i32 to vector<16xi32>
      %sub3A_532 = arith.subi %get3A_404, %sub3A_531 : vector<16xi32>
      %ge3A_533 = arith.constant 0 : i32
      %ge3A_534 = vector.broadcast %ge3A_533 : i32 to vector<16xi32>
      %ge3A_535 = arith.cmpi sge, %sub3A_532, %ge3A_534 : vector<16xi32>
      %lt3A_536 = arith.constant 65536 : i32
      %lt3A_537 = vector.broadcast %lt3A_536 : i32 to vector<16xi32>
      %lt3A_538 = arith.cmpi slt, %sub3A_532, %lt3A_537 : vector<16xi32>
      %and3A_539 = arith.andi %ge3A_535, %lt3A_538 : vector<16xi1>
      tpu.vector_store_idx %arg5[%sub3A_532], %get3A_468 masked %and3A_539 : memref<65536xf32, #tpu.memory_space<vmem>>[vector<16xi32>], vector<16xf32>, vector<16xi1>
      %scan3A_540 = arith.constant 0 : i32
      scf.yield %scan3A_540 : i32
    }
    %scan3A_308 = arith.constant 64 : i32
    %dma_wait3A_309 = tpu.memref_slice %arg2[%add3A_297] : memref<1048576xi32, #tpu.memory_space<hbm>> -> memref<8192xi32, #tpu.memory_space<hbm>>
    %dma_wait3A_310 = tpu.memref_slice %arg2[%add3A_297] : memref<1048576xi32, #tpu.memory_space<hbm>> -> memref<8192xi32, #tpu.memory_space<hbm>>
    tpu.wait_dma2 semaphore(%arg11 : memref<!tpu.dma_semaphore, #tpu.memory_space<semaphore_mem>>) src(%dma_wait3A_310 : memref<8192xi32, #tpu.memory_space<hbm>>) dst(%arg6 : memref<8192xi32, #tpu.memory_space<vmem>>)
    %dma_wait3A_311 = tpu.memref_slice %arg3[%add3A_297] : memref<1048576xf32, #tpu.memory_space<hbm>> -> memref<8192xf32, #tpu.memory_space<hbm>>
    %dma_wait3A_312 = tpu.memref_slice %arg3[%add3A_297] : memref<1048576xf32, #tpu.memory_space<hbm>> -> memref<8192xf32, #tpu.memory_space<hbm>>
    tpu.wait_dma2 semaphore(%arg13 : memref<!tpu.dma_semaphore, #tpu.memory_space<semaphore_mem>>) src(%dma_wait3A_312 : memref<8192xf32, #tpu.memory_space<hbm>>) dst(%arg8 : memref<8192xf32, #tpu.memory_space<vmem>>)
    %add3A_313 = arith.constant 57344 : i32
    %add3A_314 = arith.addi %mul3A_34, %add3A_313 : i32
    %dma_start3A_315 = tpu.memref_slice %arg2[%add3A_314] : memref<1048576xi32, #tpu.memory_space<hbm>> -> memref<8192xi32, #tpu.memory_space<hbm>>
    %dma_start3A_316 = tpu.memref_slice %arg2[%add3A_314] : memref<1048576xi32, #tpu.memory_space<hbm>> -> memref<8192xi32, #tpu.memory_space<hbm>>
    tpu.enqueue_dma source(%dma_start3A_316 : memref<8192xi32, #tpu.memory_space<hbm>>) target(%arg7 : memref<8192xi32, #tpu.memory_space<vmem>>) target_semaphore(%arg12 : memref<!tpu.dma_semaphore, #tpu.memory_space<semaphore_mem>>)
    %dma_start3A_317 = tpu.memref_slice %arg3[%add3A_314] : memref<1048576xf32, #tpu.memory_space<hbm>> -> memref<8192xf32, #tpu.memory_space<hbm>>
    %dma_start3A_318 = tpu.memref_slice %arg3[%add3A_314] : memref<1048576xf32, #tpu.memory_space<hbm>> -> memref<8192xf32, #tpu.memory_space<hbm>>
    tpu.enqueue_dma source(%dma_start3A_318 : memref<8192xf32, #tpu.memory_space<hbm>>) target(%arg9 : memref<8192xf32, #tpu.memory_space<vmem>>) target_semaphore(%arg14 : memref<!tpu.dma_semaphore, #tpu.memory_space<semaphore_mem>>)
    %scan3A_319 = arith.constant 0 : i32
    %scan3A_320 = arith.constant 0 : i32
    %scan3A_321 = arith.constant 64 : i32
    %scan3A_322 = arith.addi %scan3A_320, %scan3A_321 : i32
    %scan3A_323 = arith.constant 1 : i32
    %scan3A_324 = scf.for %scan3A_340 = %scan3A_320 to %scan3A_322 step %scan3A_323 iter_args(%scan3A_341 = %scan3A_319) -> (i32)  : i32 {
      %mul3A_342 = arith.constant 8 : i32
      %mul3A_343 = arith.muli %scan3A_340, %mul3A_342 : i32
      %add3A_344 = arith.constant 0 : i32
      %add3A_345 = arith.addi %mul3A_343, %add3A_344 : i32
      %mul3A_346 = arith.constant 16 : i32
      %mul3A_347 = arith.muli %add3A_345, %mul3A_346 : i32
      %get3A = arith.index_cast %mul3A_347 : i32 to index
      %get3A_348 = tpu.vector_load %arg6[%get3A] {strides = array<i32>} : memref<8192xi32, #tpu.memory_space<vmem>>, vector<16xi32>,
      %mul3A_349 = arith.constant 8 : i32
      %mul3A_350 = arith.muli %scan3A_340, %mul3A_349 : i32
      %add3A_351 = arith.constant 1 : i32
      %add3A_352 = arith.addi %mul3A_350, %add3A_351 : i32
      %mul3A_353 = arith.constant 16 : i32
      %mul3A_354 = arith.muli %add3A_352, %mul3A_353 : i32
      %get3A_355 = arith.index_cast %mul3A_354 : i32 to index
      %get3A_356 = tpu.vector_load %arg6[%get3A_355] {strides = array<i32>} : memref<8192xi32, #tpu.memory_space<vmem>>, vector<16xi32>,
      %mul3A_357 = arith.constant 8 : i32
      %mul3A_358 = arith.muli %scan3A_340, %mul3A_357 : i32
      %add3A_359 = arith.constant 2 : i32
      %add3A_360 = arith.addi %mul3A_358, %add3A_359 : i32
      %mul3A_361 = arith.constant 16 : i32
      %mul3A_362 = arith.muli %add3A_360, %mul3A_361 : i32
      %get3A_363 = arith.index_cast %mul3A_362 : i32 to index
      %get3A_364 = tpu.vector_load %arg6[%get3A_363] {strides = array<i32>} : memref<8192xi32, #tpu.memory_space<vmem>>, vector<16xi32>,
      %mul3A_365 = arith.constant 8 : i32
      %mul3A_366 = arith.muli %scan3A_340, %mul3A_365 : i32
      %add3A_367 = arith.constant 3 : i32
      %add3A_368 = arith.addi %mul3A_366, %add3A_367 : i32
      %mul3A_369 = arith.constant 16 : i32
      %mul3A_370 = arith.muli %add3A_368, %mul3A_369 : i32
      %get3A_371 = arith.index_cast %mul3A_370 : i32 to index
      %get3A_372 = tpu.vector_load %arg6[%get3A_371] {strides = array<i32>} : memref<8192xi32, #tpu.memory_space<vmem>>, vector<16xi32>,
      %mul3A_373 = arith.constant 8 : i32
      %mul3A_374 = arith.muli %scan3A_340, %mul3A_373 : i32
      %add3A_375 = arith.constant 4 : i32
      %add3A_376 = arith.addi %mul3A_374, %add3A_375 : i32
      %mul3A_377 = arith.constant 16 : i32
      %mul3A_378 = arith.muli %add3A_376, %mul3A_377 : i32
      %get3A_379 = arith.index_cast %mul3A_378 : i32 to index
      %get3A_380 = tpu.vector_load %arg6[%get3A_379] {strides = array<i32>} : memref<8192xi32, #tpu.memory_space<vmem>>, vector<16xi32>,
      %mul3A_381 = arith.constant 8 : i32
      %mul3A_382 = arith.muli %scan3A_340, %mul3A_381 : i32
      %add3A_383 = arith.constant 5 : i32
      %add3A_384 = arith.addi %mul3A_382, %add3A_383 : i32
      %mul3A_385 = arith.constant 16 : i32
      %mul3A_386 = arith.muli %add3A_384, %mul3A_385 : i32
      %get3A_387 = arith.index_cast %mul3A_386 : i32 to index
      %get3A_388 = tpu.vector_load %arg6[%get3A_387] {strides = array<i32>} : memref<8192xi32, #tpu.memory_space<vmem>>, vector<16xi32>,
      %mul3A_389 = arith.constant 8 : i32
      %mul3A_390 = arith.muli %scan3A_340, %mul3A_389 : i32
      %add3A_391 = arith.constant 6 : i32
      %add3A_392 = arith.addi %mul3A_390, %add3A_391 : i32
      %mul3A_393 = arith.constant 16 : i32
      %mul3A_394 = arith.muli %add3A_392, %mul3A_393 : i32
      %get3A_395 = arith.index_cast %mul3A_394 : i32 to index
      %get3A_396 = tpu.vector_load %arg6[%get3A_395] {strides = array<i32>} : memref<8192xi32, #tpu.memory_space<vmem>>, vector<16xi32>,
      %mul3A_397 = arith.constant 8 : i32
      %mul3A_398 = arith.muli %scan3A_340, %mul3A_397 : i32
      %add3A_399 = arith.constant 7 : i32
      %add3A_400 = arith.addi %mul3A_398, %add3A_399 : i32
      %mul3A_401 = arith.constant 16 : i32
      %mul3A_402 = arith.muli %add3A_400, %mul3A_401 : i32
      %get3A_403 = arith.index_cast %mul3A_402 : i32 to index
      %get3A_404 = tpu.vector_load %arg6[%get3A_403] {strides = array<i32>} : memref<8192xi32, #tpu.memory_space<vmem>>, vector<16xi32>,
      %mul3A_405 = arith.constant 8 : i32
      %mul3A_406 = arith.muli %scan3A_340, %mul3A_405 : i32
      %add3A_407 = arith.constant 0 : i32
      %add3A_408 = arith.addi %mul3A_406, %add3A_407 : i32
      %mul3A_409 = arith.constant 16 : i32
      %mul3A_410 = arith.muli %add3A_408, %mul3A_409 : i32
      %get3A_411 = arith.index_cast %mul3A_410 : i32 to index
      %get3A_412 = tpu.vector_load %arg8[%get3A_411] {strides = array<i32>} : memref<8192xf32, #tpu.memory_space<vmem>>, vector<16xf32>,
      %mul3A_413 = arith.constant 8 : i32
      %mul3A_414 = arith.muli %scan3A_340, %mul3A_413 : i32
      %add3A_415 = arith.constant 1 : i32
      %add3A_416 = arith.addi %mul3A_414, %add3A_415 : i32
      %mul3A_417 = arith.constant 16 : i32
      %mul3A_418 = arith.muli %add3A_416, %mul3A_417 : i32
      %get3A_419 = arith.index_cast %mul3A_418 : i32 to index
      %get3A_420 = tpu.vector_load %arg8[%get3A_419] {strides = array<i32>} : memref<8192xf32, #tpu.memory_space<vmem>>, vector<16xf32>,
      %mul3A_421 = arith.constant 8 : i32
      %mul3A_422 = arith.muli %scan3A_340, %mul3A_421 : i32
      %add3A_423 = arith.constant 2 : i32
      %add3A_424 = arith.addi %mul3A_422, %add3A_423 : i32
      %mul3A_425 = arith.constant 16 : i32
      %mul3A_426 = arith.muli %add3A_424, %mul3A_425 : i32
      %get3A_427 = arith.index_cast %mul3A_426 : i32 to index
      %get3A_428 = tpu.vector_load %arg8[%get3A_427] {strides = array<i32>} : memref<8192xf32, #tpu.memory_space<vmem>>, vector<16xf32>,
      %mul3A_429 = arith.constant 8 : i32
      %mul3A_430 = arith.muli %scan3A_340, %mul3A_429 : i32
      %add3A_431 = arith.constant 3 : i32
      %add3A_432 = arith.addi %mul3A_430, %add3A_431 : i32
      %mul3A_433 = arith.constant 16 : i32
      %mul3A_434 = arith.muli %add3A_432, %mul3A_433 : i32
      %get3A_435 = arith.index_cast %mul3A_434 : i32 to index
      %get3A_436 = tpu.vector_load %arg8[%get3A_435] {strides = array<i32>} : memref<8192xf32, #tpu.memory_space<vmem>>, vector<16xf32>,
      %mul3A_437 = arith.constant 8 : i32
      %mul3A_438 = arith.muli %scan3A_340, %mul3A_437 : i32
      %add3A_439 = arith.constant 4 : i32
      %add3A_440 = arith.addi %mul3A_438, %add3A_439 : i32
      %mul3A_441 = arith.constant 16 : i32
      %mul3A_442 = arith.muli %add3A_440, %mul3A_441 : i32
      %get3A_443 = arith.index_cast %mul3A_442 : i32 to index
      %get3A_444 = tpu.vector_load %arg8[%get3A_443] {strides = array<i32>} : memref<8192xf32, #tpu.memory_space<vmem>>, vector<16xf32>,
      %mul3A_445 = arith.constant 8 : i32
      %mul3A_446 = arith.muli %scan3A_340, %mul3A_445 : i32
      %add3A_447 = arith.constant 5 : i32
      %add3A_448 = arith.addi %mul3A_446, %add3A_447 : i32
      %mul3A_449 = arith.constant 16 : i32
      %mul3A_450 = arith.muli %add3A_448, %mul3A_449 : i32
      %get3A_451 = arith.index_cast %mul3A_450 : i32 to index
      %get3A_452 = tpu.vector_load %arg8[%get3A_451] {strides = array<i32>} : memref<8192xf32, #tpu.memory_space<vmem>>, vector<16xf32>,
      %mul3A_453 = arith.constant 8 : i32
      %mul3A_454 = arith.muli %scan3A_340, %mul3A_453 : i32
      %add3A_455 = arith.constant 6 : i32
      %add3A_456 = arith.addi %mul3A_454, %add3A_455 : i32
      %mul3A_457 = arith.constant 16 : i32
      %mul3A_458 = arith.muli %add3A_456, %mul3A_457 : i32
      %get3A_459 = arith.index_cast %mul3A_458 : i32 to index
      %get3A_460 = tpu.vector_load %arg8[%get3A_459] {strides = array<i32>} : memref<8192xf32, #tpu.memory_space<vmem>>, vector<16xf32>,
      %mul3A_461 = arith.constant 8 : i32
      %mul3A_462 = arith.muli %scan3A_340, %mul3A_461 : i32
      %add3A_463 = arith.constant 7 : i32
      %add3A_464 = arith.addi %mul3A_462, %add3A_463 : i32
      %mul3A_465 = arith.constant 16 : i32
      %mul3A_466 = arith.muli %add3A_464, %mul3A_465 : i32
      %get3A_467 = arith.index_cast %mul3A_466 : i32 to index
      %get3A_468 = tpu.vector_load %arg8[%get3A_467] {strides = array<i32>} : memref<8192xf32, #tpu.memory_space<vmem>>, vector<16xf32>,
      %sub3A_469 = vector.broadcast %mul3A_191 : i32 to vector<16xi32>
      %sub3A_470 = arith.subi %get3A_348, %sub3A_469 : vector<16xi32>
      %ge3A = arith.constant 0 : i32
      %ge3A_471 = vector.broadcast %ge3A : i32 to vector<16xi32>
      %ge3A_472 = arith.cmpi sge, %sub3A_470, %ge3A_471 : vector<16xi32>
      %lt3A_473 = arith.constant 65536 : i32
      %lt3A_474 = vector.broadcast %lt3A_473 : i32 to vector<16xi32>
      %lt3A_475 = arith.cmpi slt, %sub3A_470, %lt3A_474 : vector<16xi32>
      %and3A_476 = arith.andi %ge3A_472, %lt3A_475 : vector<16xi1>
      tpu.vector_store_idx %arg5[%sub3A_470], %get3A_412 masked %and3A_476 : memref<65536xf32, #tpu.memory_space<vmem>>[vector<16xi32>], vector<16xf32>, vector<16xi1>
      %sub3A_477 = vector.broadcast %mul3A_191 : i32 to vector<16xi32>
      %sub3A_478 = arith.subi %get3A_356, %sub3A_477 : vector<16xi32>
      %ge3A_479 = arith.constant 0 : i32
      %ge3A_480 = vector.broadcast %ge3A_479 : i32 to vector<16xi32>
      %ge3A_481 = arith.cmpi sge, %sub3A_478, %ge3A_480 : vector<16xi32>
      %lt3A_482 = arith.constant 65536 : i32
      %lt3A_483 = vector.broadcast %lt3A_482 : i32 to vector<16xi32>
      %lt3A_484 = arith.cmpi slt, %sub3A_478, %lt3A_483 : vector<16xi32>
      %and3A_485 = arith.andi %ge3A_481, %lt3A_484 : vector<16xi1>
      tpu.vector_store_idx %arg5[%sub3A_478], %get3A_420 masked %and3A_485 : memref<65536xf32, #tpu.memory_space<vmem>>[vector<16xi32>], vector<16xf32>, vector<16xi1>
      %sub3A_486 = vector.broadcast %mul3A_191 : i32 to vector<16xi32>
      %sub3A_487 = arith.subi %get3A_364, %sub3A_486 : vector<16xi32>
      %ge3A_488 = arith.constant 0 : i32
      %ge3A_489 = vector.broadcast %ge3A_488 : i32 to vector<16xi32>
      %ge3A_490 = arith.cmpi sge, %sub3A_487, %ge3A_489 : vector<16xi32>
      %lt3A_491 = arith.constant 65536 : i32
      %lt3A_492 = vector.broadcast %lt3A_491 : i32 to vector<16xi32>
      %lt3A_493 = arith.cmpi slt, %sub3A_487, %lt3A_492 : vector<16xi32>
      %and3A_494 = arith.andi %ge3A_490, %lt3A_493 : vector<16xi1>
      tpu.vector_store_idx %arg5[%sub3A_487], %get3A_428 masked %and3A_494 : memref<65536xf32, #tpu.memory_space<vmem>>[vector<16xi32>], vector<16xf32>, vector<16xi1>
      %sub3A_495 = vector.broadcast %mul3A_191 : i32 to vector<16xi32>
      %sub3A_496 = arith.subi %get3A_372, %sub3A_495 : vector<16xi32>
      %ge3A_497 = arith.constant 0 : i32
      %ge3A_498 = vector.broadcast %ge3A_497 : i32 to vector<16xi32>
      %ge3A_499 = arith.cmpi sge, %sub3A_496, %ge3A_498 : vector<16xi32>
      %lt3A_500 = arith.constant 65536 : i32
      %lt3A_501 = vector.broadcast %lt3A_500 : i32 to vector<16xi32>
      %lt3A_502 = arith.cmpi slt, %sub3A_496, %lt3A_501 : vector<16xi32>
      %and3A_503 = arith.andi %ge3A_499, %lt3A_502 : vector<16xi1>
      tpu.vector_store_idx %arg5[%sub3A_496], %get3A_436 masked %and3A_503 : memref<65536xf32, #tpu.memory_space<vmem>>[vector<16xi32>], vector<16xf32>, vector<16xi1>
      %sub3A_504 = vector.broadcast %mul3A_191 : i32 to vector<16xi32>
      %sub3A_505 = arith.subi %get3A_380, %sub3A_504 : vector<16xi32>
      %ge3A_506 = arith.constant 0 : i32
      %ge3A_507 = vector.broadcast %ge3A_506 : i32 to vector<16xi32>
      %ge3A_508 = arith.cmpi sge, %sub3A_505, %ge3A_507 : vector<16xi32>
      %lt3A_509 = arith.constant 65536 : i32
      %lt3A_510 = vector.broadcast %lt3A_509 : i32 to vector<16xi32>
      %lt3A_511 = arith.cmpi slt, %sub3A_505, %lt3A_510 : vector<16xi32>
      %and3A_512 = arith.andi %ge3A_508, %lt3A_511 : vector<16xi1>
      tpu.vector_store_idx %arg5[%sub3A_505], %get3A_444 masked %and3A_512 : memref<65536xf32, #tpu.memory_space<vmem>>[vector<16xi32>], vector<16xf32>, vector<16xi1>
      %sub3A_513 = vector.broadcast %mul3A_191 : i32 to vector<16xi32>
      %sub3A_514 = arith.subi %get3A_388, %sub3A_513 : vector<16xi32>
      %ge3A_515 = arith.constant 0 : i32
      %ge3A_516 = vector.broadcast %ge3A_515 : i32 to vector<16xi32>
      %ge3A_517 = arith.cmpi sge, %sub3A_514, %ge3A_516 : vector<16xi32>
      %lt3A_518 = arith.constant 65536 : i32
      %lt3A_519 = vector.broadcast %lt3A_518 : i32 to vector<16xi32>
      %lt3A_520 = arith.cmpi slt, %sub3A_514, %lt3A_519 : vector<16xi32>
      %and3A_521 = arith.andi %ge3A_517, %lt3A_520 : vector<16xi1>
      tpu.vector_store_idx %arg5[%sub3A_514], %get3A_452 masked %and3A_521 : memref<65536xf32, #tpu.memory_space<vmem>>[vector<16xi32>], vector<16xf32>, vector<16xi1>
      %sub3A_522 = vector.broadcast %mul3A_191 : i32 to vector<16xi32>
      %sub3A_523 = arith.subi %get3A_396, %sub3A_522 : vector<16xi32>
      %ge3A_524 = arith.constant 0 : i32
      %ge3A_525 = vector.broadcast %ge3A_524 : i32 to vector<16xi32>
      %ge3A_526 = arith.cmpi sge, %sub3A_523, %ge3A_525 : vector<16xi32>
      %lt3A_527 = arith.constant 65536 : i32
      %lt3A_528 = vector.broadcast %lt3A_527 : i32 to vector<16xi32>
      %lt3A_529 = arith.cmpi slt, %sub3A_523, %lt3A_528 : vector<16xi32>
      %and3A_530 = arith.andi %ge3A_526, %lt3A_529 : vector<16xi1>
      tpu.vector_store_idx %arg5[%sub3A_523], %get3A_460 masked %and3A_530 : memref<65536xf32, #tpu.memory_space<vmem>>[vector<16xi32>], vector<16xf32>, vector<16xi1>
      %sub3A_531 = vector.broadcast %mul3A_191 : i32 to vector<16xi32>
      %sub3A_532 = arith.subi %get3A_404, %sub3A_531 : vector<16xi32>
      %ge3A_533 = arith.constant 0 : i32
      %ge3A_534 = vector.broadcast %ge3A_533 : i32 to vector<16xi32>
      %ge3A_535 = arith.cmpi sge, %sub3A_532, %ge3A_534 : vector<16xi32>
      %lt3A_536 = arith.constant 65536 : i32
      %lt3A_537 = vector.broadcast %lt3A_536 : i32 to vector<16xi32>
      %lt3A_538 = arith.cmpi slt, %sub3A_532, %lt3A_537 : vector<16xi32>
      %and3A_539 = arith.andi %ge3A_535, %lt3A_538 : vector<16xi1>
      tpu.vector_store_idx %arg5[%sub3A_532], %get3A_468 masked %and3A_539 : memref<65536xf32, #tpu.memory_space<vmem>>[vector<16xi32>], vector<16xf32>, vector<16xi1>
      %scan3A_540 = arith.constant 0 : i32
      scf.yield %scan3A_540 : i32
    }
    %scan3A_325 = arith.constant 64 : i32
    %dma_wait3A_326 = tpu.memref_slice %arg2[%add3A_314] : memref<1048576xi32, #tpu.memory_space<hbm>> -> memref<8192xi32, #tpu.memory_space<hbm>>
    %dma_wait3A_327 = tpu.memref_slice %arg2[%add3A_314] : memref<1048576xi32, #tpu.memory_space<hbm>> -> memref<8192xi32, #tpu.memory_space<hbm>>
    tpu.wait_dma2 semaphore(%arg12 : memref<!tpu.dma_semaphore, #tpu.memory_space<semaphore_mem>>) src(%dma_wait3A_327 : memref<8192xi32, #tpu.memory_space<hbm>>) dst(%arg7 : memref<8192xi32, #tpu.memory_space<vmem>>)
    %dma_wait3A_328 = tpu.memref_slice %arg3[%add3A_314] : memref<1048576xf32, #tpu.memory_space<hbm>> -> memref<8192xf32, #tpu.memory_space<hbm>>
    %dma_wait3A_329 = tpu.memref_slice %arg3[%add3A_314] : memref<1048576xf32, #tpu.memory_space<hbm>> -> memref<8192xf32, #tpu.memory_space<hbm>>
    tpu.wait_dma2 semaphore(%arg14 : memref<!tpu.dma_semaphore, #tpu.memory_space<semaphore_mem>>) src(%dma_wait3A_329 : memref<8192xf32, #tpu.memory_space<hbm>>) dst(%arg9 : memref<8192xf32, #tpu.memory_space<vmem>>)
    %scan3A_330 = arith.constant 0 : i32
    %scan3A_331 = arith.constant 0 : i32
    %scan3A_332 = arith.constant 64 : i32
    %scan3A_333 = arith.addi %scan3A_331, %scan3A_332 : i32
    %scan3A_334 = arith.constant 1 : i32
    %scan3A_335 = scf.for %scan3A_340 = %scan3A_331 to %scan3A_333 step %scan3A_334 iter_args(%scan3A_341 = %scan3A_330) -> (i32)  : i32 {
      %mul3A_342 = arith.constant 8 : i32
      %mul3A_343 = arith.muli %scan3A_340, %mul3A_342 : i32
      %add3A_344 = arith.constant 0 : i32
      %add3A_345 = arith.addi %mul3A_343, %add3A_344 : i32
      %mul3A_346 = arith.constant 16 : i32
      %mul3A_347 = arith.muli %add3A_345, %mul3A_346 : i32
      %get3A = arith.index_cast %mul3A_347 : i32 to index
      %get3A_348 = tpu.vector_load %arg7[%get3A] {strides = array<i32>} : memref<8192xi32, #tpu.memory_space<vmem>>, vector<16xi32>,
      %mul3A_349 = arith.constant 8 : i32
      %mul3A_350 = arith.muli %scan3A_340, %mul3A_349 : i32
      %add3A_351 = arith.constant 1 : i32
      %add3A_352 = arith.addi %mul3A_350, %add3A_351 : i32
      %mul3A_353 = arith.constant 16 : i32
      %mul3A_354 = arith.muli %add3A_352, %mul3A_353 : i32
      %get3A_355 = arith.index_cast %mul3A_354 : i32 to index
      %get3A_356 = tpu.vector_load %arg7[%get3A_355] {strides = array<i32>} : memref<8192xi32, #tpu.memory_space<vmem>>, vector<16xi32>,
      %mul3A_357 = arith.constant 8 : i32
      %mul3A_358 = arith.muli %scan3A_340, %mul3A_357 : i32
      %add3A_359 = arith.constant 2 : i32
      %add3A_360 = arith.addi %mul3A_358, %add3A_359 : i32
      %mul3A_361 = arith.constant 16 : i32
      %mul3A_362 = arith.muli %add3A_360, %mul3A_361 : i32
      %get3A_363 = arith.index_cast %mul3A_362 : i32 to index
      %get3A_364 = tpu.vector_load %arg7[%get3A_363] {strides = array<i32>} : memref<8192xi32, #tpu.memory_space<vmem>>, vector<16xi32>,
      %mul3A_365 = arith.constant 8 : i32
      %mul3A_366 = arith.muli %scan3A_340, %mul3A_365 : i32
      %add3A_367 = arith.constant 3 : i32
      %add3A_368 = arith.addi %mul3A_366, %add3A_367 : i32
      %mul3A_369 = arith.constant 16 : i32
      %mul3A_370 = arith.muli %add3A_368, %mul3A_369 : i32
      %get3A_371 = arith.index_cast %mul3A_370 : i32 to index
      %get3A_372 = tpu.vector_load %arg7[%get3A_371] {strides = array<i32>} : memref<8192xi32, #tpu.memory_space<vmem>>, vector<16xi32>,
      %mul3A_373 = arith.constant 8 : i32
      %mul3A_374 = arith.muli %scan3A_340, %mul3A_373 : i32
      %add3A_375 = arith.constant 4 : i32
      %add3A_376 = arith.addi %mul3A_374, %add3A_375 : i32
      %mul3A_377 = arith.constant 16 : i32
      %mul3A_378 = arith.muli %add3A_376, %mul3A_377 : i32
      %get3A_379 = arith.index_cast %mul3A_378 : i32 to index
      %get3A_380 = tpu.vector_load %arg7[%get3A_379] {strides = array<i32>} : memref<8192xi32, #tpu.memory_space<vmem>>, vector<16xi32>,
      %mul3A_381 = arith.constant 8 : i32
      %mul3A_382 = arith.muli %scan3A_340, %mul3A_381 : i32
      %add3A_383 = arith.constant 5 : i32
      %add3A_384 = arith.addi %mul3A_382, %add3A_383 : i32
      %mul3A_385 = arith.constant 16 : i32
      %mul3A_386 = arith.muli %add3A_384, %mul3A_385 : i32
      %get3A_387 = arith.index_cast %mul3A_386 : i32 to index
      %get3A_388 = tpu.vector_load %arg7[%get3A_387] {strides = array<i32>} : memref<8192xi32, #tpu.memory_space<vmem>>, vector<16xi32>,
      %mul3A_389 = arith.constant 8 : i32
      %mul3A_390 = arith.muli %scan3A_340, %mul3A_389 : i32
      %add3A_391 = arith.constant 6 : i32
      %add3A_392 = arith.addi %mul3A_390, %add3A_391 : i32
      %mul3A_393 = arith.constant 16 : i32
      %mul3A_394 = arith.muli %add3A_392, %mul3A_393 : i32
      %get3A_395 = arith.index_cast %mul3A_394 : i32 to index
      %get3A_396 = tpu.vector_load %arg7[%get3A_395] {strides = array<i32>} : memref<8192xi32, #tpu.memory_space<vmem>>, vector<16xi32>,
      %mul3A_397 = arith.constant 8 : i32
      %mul3A_398 = arith.muli %scan3A_340, %mul3A_397 : i32
      %add3A_399 = arith.constant 7 : i32
      %add3A_400 = arith.addi %mul3A_398, %add3A_399 : i32
      %mul3A_401 = arith.constant 16 : i32
      %mul3A_402 = arith.muli %add3A_400, %mul3A_401 : i32
      %get3A_403 = arith.index_cast %mul3A_402 : i32 to index
      %get3A_404 = tpu.vector_load %arg7[%get3A_403] {strides = array<i32>} : memref<8192xi32, #tpu.memory_space<vmem>>, vector<16xi32>,
      %mul3A_405 = arith.constant 8 : i32
      %mul3A_406 = arith.muli %scan3A_340, %mul3A_405 : i32
      %add3A_407 = arith.constant 0 : i32
      %add3A_408 = arith.addi %mul3A_406, %add3A_407 : i32
      %mul3A_409 = arith.constant 16 : i32
      %mul3A_410 = arith.muli %add3A_408, %mul3A_409 : i32
      %get3A_411 = arith.index_cast %mul3A_410 : i32 to index
      %get3A_412 = tpu.vector_load %arg9[%get3A_411] {strides = array<i32>} : memref<8192xf32, #tpu.memory_space<vmem>>, vector<16xf32>,
      %mul3A_413 = arith.constant 8 : i32
      %mul3A_414 = arith.muli %scan3A_340, %mul3A_413 : i32
      %add3A_415 = arith.constant 1 : i32
      %add3A_416 = arith.addi %mul3A_414, %add3A_415 : i32
      %mul3A_417 = arith.constant 16 : i32
      %mul3A_418 = arith.muli %add3A_416, %mul3A_417 : i32
      %get3A_419 = arith.index_cast %mul3A_418 : i32 to index
      %get3A_420 = tpu.vector_load %arg9[%get3A_419] {strides = array<i32>} : memref<8192xf32, #tpu.memory_space<vmem>>, vector<16xf32>,
      %mul3A_421 = arith.constant 8 : i32
      %mul3A_422 = arith.muli %scan3A_340, %mul3A_421 : i32
      %add3A_423 = arith.constant 2 : i32
      %add3A_424 = arith.addi %mul3A_422, %add3A_423 : i32
      %mul3A_425 = arith.constant 16 : i32
      %mul3A_426 = arith.muli %add3A_424, %mul3A_425 : i32
      %get3A_427 = arith.index_cast %mul3A_426 : i32 to index
      %get3A_428 = tpu.vector_load %arg9[%get3A_427] {strides = array<i32>} : memref<8192xf32, #tpu.memory_space<vmem>>, vector<16xf32>,
      %mul3A_429 = arith.constant 8 : i32
      %mul3A_430 = arith.muli %scan3A_340, %mul3A_429 : i32
      %add3A_431 = arith.constant 3 : i32
      %add3A_432 = arith.addi %mul3A_430, %add3A_431 : i32
      %mul3A_433 = arith.constant 16 : i32
      %mul3A_434 = arith.muli %add3A_432, %mul3A_433 : i32
      %get3A_435 = arith.index_cast %mul3A_434 : i32 to index
      %get3A_436 = tpu.vector_load %arg9[%get3A_435] {strides = array<i32>} : memref<8192xf32, #tpu.memory_space<vmem>>, vector<16xf32>,
      %mul3A_437 = arith.constant 8 : i32
      %mul3A_438 = arith.muli %scan3A_340, %mul3A_437 : i32
      %add3A_439 = arith.constant 4 : i32
      %add3A_440 = arith.addi %mul3A_438, %add3A_439 : i32
      %mul3A_441 = arith.constant 16 : i32
      %mul3A_442 = arith.muli %add3A_440, %mul3A_441 : i32
      %get3A_443 = arith.index_cast %mul3A_442 : i32 to index
      %get3A_444 = tpu.vector_load %arg9[%get3A_443] {strides = array<i32>} : memref<8192xf32, #tpu.memory_space<vmem>>, vector<16xf32>,
      %mul3A_445 = arith.constant 8 : i32
      %mul3A_446 = arith.muli %scan3A_340, %mul3A_445 : i32
      %add3A_447 = arith.constant 5 : i32
      %add3A_448 = arith.addi %mul3A_446, %add3A_447 : i32
      %mul3A_449 = arith.constant 16 : i32
      %mul3A_450 = arith.muli %add3A_448, %mul3A_449 : i32
      %get3A_451 = arith.index_cast %mul3A_450 : i32 to index
      %get3A_452 = tpu.vector_load %arg9[%get3A_451] {strides = array<i32>} : memref<8192xf32, #tpu.memory_space<vmem>>, vector<16xf32>,
      %mul3A_453 = arith.constant 8 : i32
      %mul3A_454 = arith.muli %scan3A_340, %mul3A_453 : i32
      %add3A_455 = arith.constant 6 : i32
      %add3A_456 = arith.addi %mul3A_454, %add3A_455 : i32
      %mul3A_457 = arith.constant 16 : i32
      %mul3A_458 = arith.muli %add3A_456, %mul3A_457 : i32
      %get3A_459 = arith.index_cast %mul3A_458 : i32 to index
      %get3A_460 = tpu.vector_load %arg9[%get3A_459] {strides = array<i32>} : memref<8192xf32, #tpu.memory_space<vmem>>, vector<16xf32>,
      %mul3A_461 = arith.constant 8 : i32
      %mul3A_462 = arith.muli %scan3A_340, %mul3A_461 : i32
      %add3A_463 = arith.constant 7 : i32
      %add3A_464 = arith.addi %mul3A_462, %add3A_463 : i32
      %mul3A_465 = arith.constant 16 : i32
      %mul3A_466 = arith.muli %add3A_464, %mul3A_465 : i32
      %get3A_467 = arith.index_cast %mul3A_466 : i32 to index
      %get3A_468 = tpu.vector_load %arg9[%get3A_467] {strides = array<i32>} : memref<8192xf32, #tpu.memory_space<vmem>>, vector<16xf32>,
      %sub3A_469 = vector.broadcast %mul3A_191 : i32 to vector<16xi32>
      %sub3A_470 = arith.subi %get3A_348, %sub3A_469 : vector<16xi32>
      %ge3A = arith.constant 0 : i32
      %ge3A_471 = vector.broadcast %ge3A : i32 to vector<16xi32>
      %ge3A_472 = arith.cmpi sge, %sub3A_470, %ge3A_471 : vector<16xi32>
      %lt3A_473 = arith.constant 65536 : i32
      %lt3A_474 = vector.broadcast %lt3A_473 : i32 to vector<16xi32>
      %lt3A_475 = arith.cmpi slt, %sub3A_470, %lt3A_474 : vector<16xi32>
      %and3A_476 = arith.andi %ge3A_472, %lt3A_475 : vector<16xi1>
      tpu.vector_store_idx %arg5[%sub3A_470], %get3A_412 masked %and3A_476 : memref<65536xf32, #tpu.memory_space<vmem>>[vector<16xi32>], vector<16xf32>, vector<16xi1>
      %sub3A_477 = vector.broadcast %mul3A_191 : i32 to vector<16xi32>
      %sub3A_478 = arith.subi %get3A_356, %sub3A_477 : vector<16xi32>
      %ge3A_479 = arith.constant 0 : i32
      %ge3A_480 = vector.broadcast %ge3A_479 : i32 to vector<16xi32>
      %ge3A_481 = arith.cmpi sge, %sub3A_478, %ge3A_480 : vector<16xi32>
      %lt3A_482 = arith.constant 65536 : i32
      %lt3A_483 = vector.broadcast %lt3A_482 : i32 to vector<16xi32>
      %lt3A_484 = arith.cmpi slt, %sub3A_478, %lt3A_483 : vector<16xi32>
      %and3A_485 = arith.andi %ge3A_481, %lt3A_484 : vector<16xi1>
      tpu.vector_store_idx %arg5[%sub3A_478], %get3A_420 masked %and3A_485 : memref<65536xf32, #tpu.memory_space<vmem>>[vector<16xi32>], vector<16xf32>, vector<16xi1>
      %sub3A_486 = vector.broadcast %mul3A_191 : i32 to vector<16xi32>
      %sub3A_487 = arith.subi %get3A_364, %sub3A_486 : vector<16xi32>
      %ge3A_488 = arith.constant 0 : i32
      %ge3A_489 = vector.broadcast %ge3A_488 : i32 to vector<16xi32>
      %ge3A_490 = arith.cmpi sge, %sub3A_487, %ge3A_489 : vector<16xi32>
      %lt3A_491 = arith.constant 65536 : i32
      %lt3A_492 = vector.broadcast %lt3A_491 : i32 to vector<16xi32>
      %lt3A_493 = arith.cmpi slt, %sub3A_487, %lt3A_492 : vector<16xi32>
      %and3A_494 = arith.andi %ge3A_490, %lt3A_493 : vector<16xi1>
      tpu.vector_store_idx %arg5[%sub3A_487], %get3A_428 masked %and3A_494 : memref<65536xf32, #tpu.memory_space<vmem>>[vector<16xi32>], vector<16xf32>, vector<16xi1>
      %sub3A_495 = vector.broadcast %mul3A_191 : i32 to vector<16xi32>
      %sub3A_496 = arith.subi %get3A_372, %sub3A_495 : vector<16xi32>
      %ge3A_497 = arith.constant 0 : i32
      %ge3A_498 = vector.broadcast %ge3A_497 : i32 to vector<16xi32>
      %ge3A_499 = arith.cmpi sge, %sub3A_496, %ge3A_498 : vector<16xi32>
      %lt3A_500 = arith.constant 65536 : i32
      %lt3A_501 = vector.broadcast %lt3A_500 : i32 to vector<16xi32>
      %lt3A_502 = arith.cmpi slt, %sub3A_496, %lt3A_501 : vector<16xi32>
      %and3A_503 = arith.andi %ge3A_499, %lt3A_502 : vector<16xi1>
      tpu.vector_store_idx %arg5[%sub3A_496], %get3A_436 masked %and3A_503 : memref<65536xf32, #tpu.memory_space<vmem>>[vector<16xi32>], vector<16xf32>, vector<16xi1>
      %sub3A_504 = vector.broadcast %mul3A_191 : i32 to vector<16xi32>
      %sub3A_505 = arith.subi %get3A_380, %sub3A_504 : vector<16xi32>
      %ge3A_506 = arith.constant 0 : i32
      %ge3A_507 = vector.broadcast %ge3A_506 : i32 to vector<16xi32>
      %ge3A_508 = arith.cmpi sge, %sub3A_505, %ge3A_507 : vector<16xi32>
      %lt3A_509 = arith.constant 65536 : i32
      %lt3A_510 = vector.broadcast %lt3A_509 : i32 to vector<16xi32>
      %lt3A_511 = arith.cmpi slt, %sub3A_505, %lt3A_510 : vector<16xi32>
      %and3A_512 = arith.andi %ge3A_508, %lt3A_511 : vector<16xi1>
      tpu.vector_store_idx %arg5[%sub3A_505], %get3A_444 masked %and3A_512 : memref<65536xf32, #tpu.memory_space<vmem>>[vector<16xi32>], vector<16xf32>, vector<16xi1>
      %sub3A_513 = vector.broadcast %mul3A_191 : i32 to vector<16xi32>
      %sub3A_514 = arith.subi %get3A_388, %sub3A_513 : vector<16xi32>
      %ge3A_515 = arith.constant 0 : i32
      %ge3A_516 = vector.broadcast %ge3A_515 : i32 to vector<16xi32>
      %ge3A_517 = arith.cmpi sge, %sub3A_514, %ge3A_516 : vector<16xi32>
      %lt3A_518 = arith.constant 65536 : i32
      %lt3A_519 = vector.broadcast %lt3A_518 : i32 to vector<16xi32>
      %lt3A_520 = arith.cmpi slt, %sub3A_514, %lt3A_519 : vector<16xi32>
      %and3A_521 = arith.andi %ge3A_517, %lt3A_520 : vector<16xi1>
      tpu.vector_store_idx %arg5[%sub3A_514], %get3A_452 masked %and3A_521 : memref<65536xf32, #tpu.memory_space<vmem>>[vector<16xi32>], vector<16xf32>, vector<16xi1>
      %sub3A_522 = vector.broadcast %mul3A_191 : i32 to vector<16xi32>
      %sub3A_523 = arith.subi %get3A_396, %sub3A_522 : vector<16xi32>
      %ge3A_524 = arith.constant 0 : i32
      %ge3A_525 = vector.broadcast %ge3A_524 : i32 to vector<16xi32>
      %ge3A_526 = arith.cmpi sge, %sub3A_523, %ge3A_525 : vector<16xi32>
      %lt3A_527 = arith.constant 65536 : i32
      %lt3A_528 = vector.broadcast %lt3A_527 : i32 to vector<16xi32>
      %lt3A_529 = arith.cmpi slt, %sub3A_523, %lt3A_528 : vector<16xi32>
      %and3A_530 = arith.andi %ge3A_526, %lt3A_529 : vector<16xi1>
      tpu.vector_store_idx %arg5[%sub3A_523], %get3A_460 masked %and3A_530 : memref<65536xf32, #tpu.memory_space<vmem>>[vector<16xi32>], vector<16xf32>, vector<16xi1>
      %sub3A_531 = vector.broadcast %mul3A_191 : i32 to vector<16xi32>
      %sub3A_532 = arith.subi %get3A_404, %sub3A_531 : vector<16xi32>
      %ge3A_533 = arith.constant 0 : i32
      %ge3A_534 = vector.broadcast %ge3A_533 : i32 to vector<16xi32>
      %ge3A_535 = arith.cmpi sge, %sub3A_532, %ge3A_534 : vector<16xi32>
      %lt3A_536 = arith.constant 65536 : i32
      %lt3A_537 = vector.broadcast %lt3A_536 : i32 to vector<16xi32>
      %lt3A_538 = arith.cmpi slt, %sub3A_532, %lt3A_537 : vector<16xi32>
      %and3A_539 = arith.andi %ge3A_535, %lt3A_538 : vector<16xi1>
      tpu.vector_store_idx %arg5[%sub3A_532], %get3A_468 masked %and3A_539 : memref<65536xf32, #tpu.memory_space<vmem>>[vector<16xi32>], vector<16xf32>, vector<16xi1>
      %scan3A_540 = arith.constant 0 : i32
      scf.yield %scan3A_540 : i32
    }
    %scan3A_336 = arith.constant 64 : i32
    %mul3A_337 = arith.constant 262144 : i32
    %mul3A_338 = arith.muli %select_n3A, %mul3A_337 : i32
    %add3A_339 = arith.addi %mul3A_338, %mul3A_191 : i32
    "tpu.region"() ({
      %run_scoped3A = tpu.sem_alloc : memref<!tpu.dma_semaphore, #tpu.memory_space<semaphore_mem>>
      %dma_start3A_340 = tpu.memref_slice %arg4[%add3A_339] : memref<4194304xf32, #tpu.memory_space<hbm>> -> memref<65536xf32, #tpu.memory_space<hbm>>
      %dma_start3A_341 = tpu.memref_slice %arg4[%add3A_339] : memref<4194304xf32, #tpu.memory_space<hbm>> -> memref<65536xf32, #tpu.memory_space<hbm>>
      tpu.enqueue_dma source(%arg5 : memref<65536xf32, #tpu.memory_space<vmem>>) target(%dma_start3A_341 : memref<65536xf32, #tpu.memory_space<hbm>>) target_semaphore(%run_scoped3A : memref<!tpu.dma_semaphore, #tpu.memory_space<semaphore_mem>>)
      %dma_wait3A_342 = tpu.memref_slice %arg4[%add3A_339] : memref<4194304xf32, #tpu.memory_space<hbm>> -> memref<65536xf32, #tpu.memory_space<hbm>>
      %dma_wait3A_343 = tpu.memref_slice %arg4[%add3A_339] : memref<4194304xf32, #tpu.memory_space<hbm>> -> memref<65536xf32, #tpu.memory_space<hbm>>
      tpu.wait_dma2 semaphore(%run_scoped3A : memref<!tpu.dma_semaphore, #tpu.memory_space<semaphore_mem>>) src(%arg5 : memref<65536xf32, #tpu.memory_space<vmem>>) dst(%dma_wait3A_343 : memref<65536xf32, #tpu.memory_space<hbm>>)
      tpu.yield
    }) : () -> ()
    return
  }
}

module attributes {stable_mosaic.version = 14 : i64} {
  func.func @_project_kernel(%arg0: i32, %arg1: i32, %arg2: memref<1x1x12xf32, #tpu.memory_space<smem>>, %arg3: memref<1x8x1024xf32, #tpu.memory_space<vmem>>, %arg4: memref<1x8x1024xf32, #tpu.memory_space<vmem>>, %arg5: memref<1x8x1024xf32, #tpu.memory_space<vmem>>, %arg6: memref<1x8x1024xi32, #tpu.memory_space<vmem>>, %arg7: memref<1x8x1024xf32, #tpu.memory_space<vmem>>) attributes {dimension_semantics = [#tpu.dimension_semantics<arbitrary>, #tpu.dimension_semantics<arbitrary>], iteration_bounds = array<i64: 16, 8>, scalar_prefetch = 0 : i64, scratch_operands = 0 : i64, tpu.core_type = #tpu.core_type<tc>, window_params = [{transform_indices = @transform_0, window_bounds = array<i64: 1, 1, 12>}, {transform_indices = @transform_1, window_bounds = array<i64: 1, 8, 1024>}, {transform_indices = @transform_2, window_bounds = array<i64: 1, 8, 1024>}, {transform_indices = @transform_3, window_bounds = array<i64: 1, 8, 1024>}, {transform_indices = @transform_4, window_bounds = array<i64: 1, 8, 1024>}, {transform_indices = @transform_5, window_bounds = array<i64: 1, 8, 1024>}]} {
    %get3A = arith.constant 0 : index
    %get3A_0 = arith.constant 0 : index
    %get3A_1 = arith.constant 0 : index
    %get3A_2 = vector.load %arg3[%get3A, %get3A_0, %get3A_1] : memref<1x8x1024xf32, #tpu.memory_space<vmem>>, vector<1x8x1024xf32>
    %convert_element_type3A = arith.truncf %get3A_2 : vector<1x8x1024xf32> to vector<1x8x1024xbf16>
    %convert_element_type3A_3 = arith.extf %convert_element_type3A : vector<1x8x1024xbf16> to vector<1x8x1024xf32>
    %get3A_4 = arith.constant 0 : index
    %get3A_5 = arith.constant 0 : index
    %get3A_6 = arith.constant 0 : index
    %get3A_7 = vector.load %arg4[%get3A_4, %get3A_5, %get3A_6] : memref<1x8x1024xf32, #tpu.memory_space<vmem>>, vector<1x8x1024xf32>
    %convert_element_type3A_8 = arith.truncf %get3A_7 : vector<1x8x1024xf32> to vector<1x8x1024xbf16>
    %convert_element_type3A_9 = arith.extf %convert_element_type3A_8 : vector<1x8x1024xbf16> to vector<1x8x1024xf32>
    %get3A_10 = arith.constant 0 : index
    %get3A_11 = arith.constant 0 : index
    %get3A_12 = arith.constant 0 : index
    %get3A_13 = vector.load %arg5[%get3A_10, %get3A_11, %get3A_12] : memref<1x8x1024xf32, #tpu.memory_space<vmem>>, vector<1x8x1024xf32>
    %convert_element_type3A_14 = arith.truncf %get3A_13 : vector<1x8x1024xf32> to vector<1x8x1024xbf16>
    %convert_element_type3A_15 = arith.extf %convert_element_type3A_14 : vector<1x8x1024xbf16> to vector<1x8x1024xf32>
    %get3A_16 = arith.constant 0 : index
    %get3A_17 = arith.constant 0 : index
    %get3A_18 = arith.constant 0 : index
    %get3A_19 = memref.load %arg2[%get3A_16, %get3A_17, %get3A_18] : memref<1x1x12xf32, #tpu.memory_space<smem>>
    %convert_element_type3A_20 = arith.truncf %get3A_19 : f32 to bf16
    %convert_element_type3A_21 = arith.extf %convert_element_type3A_20 : bf16 to f32
    %get3A_22 = arith.constant 0 : index
    %get3A_23 = arith.constant 0 : index
    %get3A_24 = arith.constant 1 : index
    %get3A_25 = memref.load %arg2[%get3A_22, %get3A_23, %get3A_24] : memref<1x1x12xf32, #tpu.memory_space<smem>>
    %convert_element_type3A_26 = arith.truncf %get3A_25 : f32 to bf16
    %convert_element_type3A_27 = arith.extf %convert_element_type3A_26 : bf16 to f32
    %get3A_28 = arith.constant 0 : index
    %get3A_29 = arith.constant 0 : index
    %get3A_30 = arith.constant 2 : index
    %get3A_31 = memref.load %arg2[%get3A_28, %get3A_29, %get3A_30] : memref<1x1x12xf32, #tpu.memory_space<smem>>
    %convert_element_type3A_32 = arith.truncf %get3A_31 : f32 to bf16
    %convert_element_type3A_33 = arith.extf %convert_element_type3A_32 : bf16 to f32
    %get3A_34 = arith.constant 0 : index
    %get3A_35 = arith.constant 0 : index
    %get3A_36 = arith.constant 3 : index
    %get3A_37 = memref.load %arg2[%get3A_34, %get3A_35, %get3A_36] : memref<1x1x12xf32, #tpu.memory_space<smem>>
    %convert_element_type3A_38 = arith.truncf %get3A_37 : f32 to bf16
    %convert_element_type3A_39 = arith.extf %convert_element_type3A_38 : bf16 to f32
    %get3A_40 = arith.constant 0 : index
    %get3A_41 = arith.constant 0 : index
    %get3A_42 = arith.constant 4 : index
    %get3A_43 = memref.load %arg2[%get3A_40, %get3A_41, %get3A_42] : memref<1x1x12xf32, #tpu.memory_space<smem>>
    %convert_element_type3A_44 = arith.truncf %get3A_43 : f32 to bf16
    %convert_element_type3A_45 = arith.extf %convert_element_type3A_44 : bf16 to f32
    %get3A_46 = arith.constant 0 : index
    %get3A_47 = arith.constant 0 : index
    %get3A_48 = arith.constant 5 : index
    %get3A_49 = memref.load %arg2[%get3A_46, %get3A_47, %get3A_48] : memref<1x1x12xf32, #tpu.memory_space<smem>>
    %convert_element_type3A_50 = arith.truncf %get3A_49 : f32 to bf16
    %convert_element_type3A_51 = arith.extf %convert_element_type3A_50 : bf16 to f32
    %get3A_52 = arith.constant 0 : index
    %get3A_53 = arith.constant 0 : index
    %get3A_54 = arith.constant 6 : index
    %get3A_55 = memref.load %arg2[%get3A_52, %get3A_53, %get3A_54] : memref<1x1x12xf32, #tpu.memory_space<smem>>
    %convert_element_type3A_56 = arith.truncf %get3A_55 : f32 to bf16
    %convert_element_type3A_57 = arith.extf %convert_element_type3A_56 : bf16 to f32
    %get3A_58 = arith.constant 0 : index
    %get3A_59 = arith.constant 0 : index
    %get3A_60 = arith.constant 7 : index
    %get3A_61 = memref.load %arg2[%get3A_58, %get3A_59, %get3A_60] : memref<1x1x12xf32, #tpu.memory_space<smem>>
    %convert_element_type3A_62 = arith.truncf %get3A_61 : f32 to bf16
    %convert_element_type3A_63 = arith.extf %convert_element_type3A_62 : bf16 to f32
    %get3A_64 = arith.constant 0 : index
    %get3A_65 = arith.constant 0 : index
    %get3A_66 = arith.constant 8 : index
    %get3A_67 = memref.load %arg2[%get3A_64, %get3A_65, %get3A_66] : memref<1x1x12xf32, #tpu.memory_space<smem>>
    %convert_element_type3A_68 = arith.truncf %get3A_67 : f32 to bf16
    %convert_element_type3A_69 = arith.extf %convert_element_type3A_68 : bf16 to f32
    %get3A_70 = arith.constant 0 : index
    %get3A_71 = arith.constant 0 : index
    %get3A_72 = arith.constant 9 : index
    %get3A_73 = memref.load %arg2[%get3A_70, %get3A_71, %get3A_72] : memref<1x1x12xf32, #tpu.memory_space<smem>>
    %convert_element_type3A_74 = arith.truncf %get3A_73 : f32 to bf16
    %convert_element_type3A_75 = arith.extf %convert_element_type3A_74 : bf16 to f32
    %get3A_76 = arith.constant 0 : index
    %get3A_77 = arith.constant 0 : index
    %get3A_78 = arith.constant 10 : index
    %get3A_79 = memref.load %arg2[%get3A_76, %get3A_77, %get3A_78] : memref<1x1x12xf32, #tpu.memory_space<smem>>
    %convert_element_type3A_80 = arith.truncf %get3A_79 : f32 to bf16
    %convert_element_type3A_81 = arith.extf %convert_element_type3A_80 : bf16 to f32
    %get3A_82 = arith.constant 0 : index
    %get3A_83 = arith.constant 0 : index
    %get3A_84 = arith.constant 11 : index
    %get3A_85 = memref.load %arg2[%get3A_82, %get3A_83, %get3A_84] : memref<1x1x12xf32, #tpu.memory_space<smem>>
    %convert_element_type3A_86 = arith.truncf %get3A_85 : f32 to bf16
    %convert_element_type3A_87 = arith.extf %convert_element_type3A_86 : bf16 to f32
    %mul3A = vector.broadcast %convert_element_type3A_21 : f32 to vector<1x8x1024xf32>
    %mul3A_88 = arith.mulf %convert_element_type3A_3, %mul3A : vector<1x8x1024xf32>
    %mul3A_89 = vector.broadcast %convert_element_type3A_27 : f32 to vector<1x8x1024xf32>
    %mul3A_90 = arith.mulf %convert_element_type3A_9, %mul3A_89 : vector<1x8x1024xf32>
    %add3A = arith.addf %mul3A_88, %mul3A_90 : vector<1x8x1024xf32>
    %mul3A_91 = vector.broadcast %convert_element_type3A_33 : f32 to vector<1x8x1024xf32>
    %mul3A_92 = arith.mulf %convert_element_type3A_15, %mul3A_91 : vector<1x8x1024xf32>
    %add3A_93 = vector.broadcast %convert_element_type3A_39 : f32 to vector<1x8x1024xf32>
    %add3A_94 = arith.addf %mul3A_92, %add3A_93 : vector<1x8x1024xf32>
    %add3A_95 = arith.addf %add3A, %add3A_94 : vector<1x8x1024xf32>
    %mul3A_96 = vector.broadcast %convert_element_type3A_45 : f32 to vector<1x8x1024xf32>
    %mul3A_97 = arith.mulf %convert_element_type3A_3, %mul3A_96 : vector<1x8x1024xf32>
    %mul3A_98 = vector.broadcast %convert_element_type3A_51 : f32 to vector<1x8x1024xf32>
    %mul3A_99 = arith.mulf %convert_element_type3A_9, %mul3A_98 : vector<1x8x1024xf32>
    %add3A_100 = arith.addf %mul3A_97, %mul3A_99 : vector<1x8x1024xf32>
    %mul3A_101 = vector.broadcast %convert_element_type3A_57 : f32 to vector<1x8x1024xf32>
    %mul3A_102 = arith.mulf %convert_element_type3A_15, %mul3A_101 : vector<1x8x1024xf32>
    %add3A_103 = vector.broadcast %convert_element_type3A_63 : f32 to vector<1x8x1024xf32>
    %add3A_104 = arith.addf %mul3A_102, %add3A_103 : vector<1x8x1024xf32>
    %add3A_105 = arith.addf %add3A_100, %add3A_104 : vector<1x8x1024xf32>
    %mul3A_106 = vector.broadcast %convert_element_type3A_69 : f32 to vector<1x8x1024xf32>
    %mul3A_107 = arith.mulf %convert_element_type3A_3, %mul3A_106 : vector<1x8x1024xf32>
    %mul3A_108 = vector.broadcast %convert_element_type3A_75 : f32 to vector<1x8x1024xf32>
    %mul3A_109 = arith.mulf %convert_element_type3A_9, %mul3A_108 : vector<1x8x1024xf32>
    %add3A_110 = arith.addf %mul3A_107, %mul3A_109 : vector<1x8x1024xf32>
    %mul3A_111 = vector.broadcast %convert_element_type3A_81 : f32 to vector<1x8x1024xf32>
    %mul3A_112 = arith.mulf %convert_element_type3A_15, %mul3A_111 : vector<1x8x1024xf32>
    %add3A_113 = vector.broadcast %convert_element_type3A_87 : f32 to vector<1x8x1024xf32>
    %add3A_114 = arith.addf %mul3A_112, %add3A_113 : vector<1x8x1024xf32>
    %add3A_115 = arith.addf %add3A_110, %add3A_114 : vector<1x8x1024xf32>
    %div3A = arith.constant 1.000000e+01 : f32
    %div3A_116 = vector.broadcast %div3A : f32 to vector<1x8x1024xf32>
    %div3A_117 = arith.divf %add3A_95, %div3A_116 : vector<1x8x1024xf32>
    %div3A_118 = arith.constant 1.000000e+01 : f32
    %div3A_119 = vector.broadcast %div3A_118 : f32 to vector<1x8x1024xf32>
    %div3A_120 = arith.divf %add3A_105, %div3A_119 : vector<1x8x1024xf32>
    %div3A_121 = arith.constant 1.000000e+01 : f32
    %div3A_122 = vector.broadcast %div3A_121 : f32 to vector<1x8x1024xf32>
    %div3A_123 = arith.divf %add3A_115, %div3A_122 : vector<1x8x1024xf32>
    %add3A_124 = arith.constant 1.000000e+00 : f32
    %add3A_125 = vector.broadcast %add3A_124 : f32 to vector<1x8x1024xf32>
    %add3A_126 = arith.addf %div3A_117, %add3A_125 : vector<1x8x1024xf32>
    %div3A_127 = arith.constant 2.000000e+00 : f32
    %div3A_128 = vector.broadcast %div3A_127 : f32 to vector<1x8x1024xf32>
    %div3A_129 = arith.divf %add3A_126, %div3A_128 : vector<1x8x1024xf32>
    %mul3A_130 = arith.constant 5.120000e+02 : f32
    %mul3A_131 = vector.broadcast %mul3A_130 : f32 to vector<1x8x1024xf32>
    %mul3A_132 = arith.mulf %div3A_129, %mul3A_131 : vector<1x8x1024xf32>
    %jit3A = arith.constant 0.000000e+00 : f32
    %jit3A_133 = arith.constant 511 : i32
    %max3A = vector.broadcast %jit3A : f32 to vector<1x8x1024xf32>
    %max3A_134 = arith.maximumf %max3A, %mul3A_132 : vector<1x8x1024xf32>
    %convert_element_type3A_135 = arith.sitofp %jit3A_133 : i32 to f32
    %min3A = vector.broadcast %convert_element_type3A_135 : f32 to vector<1x8x1024xf32>
    %min3A_136 = arith.minimumf %min3A, %max3A_134 : vector<1x8x1024xf32>
    %sub3A = arith.constant 1.000000e+00 : f32
    %sub3A_137 = vector.broadcast %sub3A : f32 to vector<1x8x1024xf32>
    %sub3A_138 = arith.subf %sub3A_137, %div3A_120 : vector<1x8x1024xf32>
    %div3A_139 = arith.constant 2.000000e+00 : f32
    %div3A_140 = vector.broadcast %div3A_139 : f32 to vector<1x8x1024xf32>
    %div3A_141 = arith.divf %sub3A_138, %div3A_140 : vector<1x8x1024xf32>
    %mul3A_142 = arith.constant 5.120000e+02 : f32
    %mul3A_143 = vector.broadcast %mul3A_142 : f32 to vector<1x8x1024xf32>
    %mul3A_144 = arith.mulf %div3A_141, %mul3A_143 : vector<1x8x1024xf32>
    %jit3A_145 = arith.constant 0.000000e+00 : f32
    %jit3A_146 = arith.constant 511 : i32
    %max3A_147 = vector.broadcast %jit3A_145 : f32 to vector<1x8x1024xf32>
    %max3A_148 = arith.maximumf %max3A_147, %mul3A_144 : vector<1x8x1024xf32>
    %convert_element_type3A_149 = arith.sitofp %jit3A_146 : i32 to f32
    %min3A_150 = vector.broadcast %convert_element_type3A_149 : f32 to vector<1x8x1024xf32>
    %min3A_151 = arith.minimumf %min3A_150, %max3A_148 : vector<1x8x1024xf32>
    %convert_element_type3A_152 = arith.fptosi %min3A_136 : vector<1x8x1024xf32> to vector<1x8x1024xi32>
    %convert_element_type3A_153 = arith.fptosi %min3A_151 : vector<1x8x1024xf32> to vector<1x8x1024xi32>
    %mul3A_154 = arith.constant 512 : i32
    %mul3A_155 = vector.broadcast %mul3A_154 : i32 to vector<1x8x1024xi32>
    %mul3A_156 = arith.muli %convert_element_type3A_153, %mul3A_155 : vector<1x8x1024xi32>
    %add3A_157 = arith.addi %mul3A_156, %convert_element_type3A_152 : vector<1x8x1024xi32>
    %swap3A = arith.constant 0 : index
    %swap3A_158 = arith.constant 0 : index
    %swap3A_159 = arith.constant 0 : index
    %swap3A_160 = vector.load %arg6[%swap3A, %swap3A_158, %swap3A_159] : memref<1x8x1024xi32, #tpu.memory_space<vmem>>, vector<1x8x1024xi32>
    tpu.vector_store %arg6[%swap3A, %swap3A_158, %swap3A_159], %add3A_157 {strides = array<i32>} : memref<1x8x1024xi32, #tpu.memory_space<vmem>>, vector<1x8x1024xi32>,
    %swap3A_161 = arith.constant 0 : index
    %swap3A_162 = arith.constant 0 : index
    %swap3A_163 = arith.constant 0 : index
    %swap3A_164 = vector.load %arg7[%swap3A_161, %swap3A_162, %swap3A_163] : memref<1x8x1024xf32, #tpu.memory_space<vmem>>, vector<1x8x1024xf32>
    tpu.vector_store %arg7[%swap3A_161, %swap3A_162, %swap3A_163], %div3A_123 {strides = array<i32>} : memref<1x8x1024xf32, #tpu.memory_space<vmem>>, vector<1x8x1024xf32>,
    return
  }
  func.func @transform_0(%arg0: i32, %arg1: i32) -> (i32, i32, i32) {
    %c0_i32 = arith.constant 0 : i32
    %c0_i32_0 = arith.constant 0 : i32
    %c0_i32_1 = arith.constant 0 : i32
    return %arg0, %c0_i32, %c0_i32_0 : i32, i32, i32
  }
  func.func @transform_1(%arg0: i32, %arg1: i32) -> (i32, i32, i32) {
    %c0_i32 = arith.constant 0 : i32
    %c0_i32_0 = arith.constant 0 : i32
    return %arg0, %arg1, %c0_i32 : i32, i32, i32
  }
  func.func @transform_2(%arg0: i32, %arg1: i32) -> (i32, i32, i32) {
    %c0_i32 = arith.constant 0 : i32
    %c0_i32_0 = arith.constant 0 : i32
    return %arg0, %arg1, %c0_i32 : i32, i32, i32
  }
  func.func @transform_3(%arg0: i32, %arg1: i32) -> (i32, i32, i32) {
    %c0_i32 = arith.constant 0 : i32
    %c0_i32_0 = arith.constant 0 : i32
    return %arg0, %arg1, %c0_i32 : i32, i32, i32
  }
  func.func @transform_4(%arg0: i32, %arg1: i32) -> (i32, i32, i32) {
    %c0_i32 = arith.constant 0 : i32
    %c0_i32_0 = arith.constant 0 : i32
    return %arg0, %arg1, %c0_i32 : i32, i32, i32
  }
  func.func @transform_5(%arg0: i32, %arg1: i32) -> (i32, i32, i32) {
    %c0_i32 = arith.constant 0 : i32
    %c0_i32_0 = arith.constant 0 : i32
    return %arg0, %arg1, %c0_i32 : i32, i32, i32
  }
}

</mosaic_0001>

<sc_bundles>
// kernel: kernel.4.cloned.1.call-start
scs
__scs_entry_jumppad:
0x0: {  	(pc) =	sbr.rel $0x88, $3  }
0x1: {  	(tag) =	ssettag $0x0;
	lr =	simm.s32 $0x1  }
0x2: {  	[smem:$0x3F9F] =	sst lr;
	_ =	strace $0xD0000000  }
0x3: {  	_ = 	snop  }
0x4: {  	_ = 	snop  }
0x5: {  	_ = 	snop  }
0x6: {  	_ = 	snop  }
0x7: {  	_ = 	snop  }
__scs_overlays_trampoline_lowered:
0x8: {  	[smem:$0x3FAE] =	sst s0  }
0x9: {  	[smem:$0x3FAF] =	sst s1  }
0xa: {  	[smem:$0x3FB0] =	sst s2  }
0xb: {  	[smem:$0x3FB1] =	sst s3  }
0xc: {  	[smem:$0x3FB2] =	sst s4  }
0xd: {  	[smem:$0x3FB3] =	sst s5  }
0xe: {  	[smem:$0x3FB4] =	sst s6  }
0xf: {  	[smem:$0x3FB5] =	sst s7  }
0x10: {  	[smem:$0x3FB6] =	sst s8  }
0x11: {  	[smem:$0x3FB7] =	sst s9;
	s0 =	simm.s32 @!p0 $0x0  }
0x12: {  	s1 =	sld [smem:$0x3F9D];
	s0 =	simm.s32 @p0 $0x1  }
0x13: {  	[smem:$0x3FB8] =	sst s0;
	s0 =	simm.s32 @!p1 $0x0  }
0x14: {  	s2 =	sld [smem:$0x3F9C];
	s0 =	simm.s32 @p1 $0x1  }
0x15: {  	[smem:$0x3FB9] =	sst s0;
	s0 =	simm.s32 @!p2 $0x0  }
0x16: {  	s3 =	sld [smem:$0x3FDB];
	s0 =	simm.s32 @p2 $0x1  }
0x17: {  	s4 =	simm.s32 $0x1BF5;
	[smem:$0x3FBB] =	sst s0  }
0x18: {  	s0 =	sld [smem:$0x3F9E];
	_ =	swait.ge [sflag:s4], $0x0  }
0x19: {  	s7 =	sld [smem:$0x3F9F]  }
0x1a: {  	s8 =	sadd.s32 $0xFFFFE003, lr  }
0x1b: {  	s9 =	sadd.s32 $0xFFFFFEF7, lr;
	s5 =	simm.s32 $0xFFFFFFFF;
	p2 =	slt.u32 s8, $0xFFFFF086  }
0x1c: {  	p1 =	slt.u32 s9, $0xF7A;
	s5 =	simm.s32 @!p2 $0x0  }
0x1d: {  	s5 =	simm.s32 @p1 $0x1;
	p0 =	seq.s32 s7, s2  }
0x1e: {  	s7 =	smul.u32 @!p0 $0xF7A, s2;
	p2 =	seq.s32 @!p0 s5, $0x0  }
0x1f: {  	s9 =	smul.u32 $0xF7A, s1;
	s8 =	simm.s32 @!p0 $0x1BF5;
	p2 =	por !p2, p0  }
0x20: {  	[sflag:s8] =	ssyncset.s32 @!p0 $0xFFFFF086;
	s6 =	sadd.s32 @!p0 s3, s7;
	s7 =	simm.s32 @!p0 $0x108  }
0x21: {  	s3 =	sadd.s32 s3, s9;
	s6 =	sadd.s32 @!p0 $0x88, s6;
	s7 =	simm.s32 @p2 $0x1082  }
0x22: {  	[simem:s7], [sflag:s8] =	dma.local @!p0 [hbm:s6], $0xF7A  }
0x23: {  	s9 =	sor.u32 $0xD0000000, s2;
	s6 =	simm.s32 $0x108;
	_ =	swait.ge @!p0 [sflag:s8], $0x0  }
0x24: {  	s3 =	sadd.s32 $0x88, s3;
	s6 =	simm.s32 @!p1 $0x1082;
	[sflag:s4] =	ssyncset.s32 $0xFFFFF086  }
0x25: {  	[simem:s6], [sflag:s4] =	dma.local [hbm:s3], $0xF7A  }
0x26: {  	[smem:$0x3F9F] =	sst s1;
	(tag) =	ssettag s2;
	_ =	strace s9  }
0x27: {  	s1 =	sld [smem:$0x3FAF]  }
0x28: {  	s2 =	sld [smem:$0x3FB0]  }
0x29: {  	s4 =	sld [smem:$0x3FB2]  }
0x2a: {  	p0 =	seq.s32 s5, $0x0;
	s5 =	sld [smem:$0x3FB3]  }
0x2b: {  	s6 =	sld [smem:$0x3FB4]  }
0x2c: {  	s7 =	sld [smem:$0x3FB5]  }
0x2d: {  	s3 =	simm.s32 $0x108;
	s8 =	sld [smem:$0x3FB6]  }
0x2e: {  	s3 =	simm.s32 @!p0 $0x1082;
	s9 =	sld [smem:$0x3FB7]  }
0x2f: {  	lr =	sadd.s32 s0, s3;
	s0 =	sld [smem:$0x3FAE]  }
0x30: {  	s3 =	sld [smem:$0x3FB1]  }
0x31: {  	[smem:$0x3FBA] =	sst s10  }
0x32: {  	s10 =	sld [smem:$0x3FB8];
	_ =	sdelay $0x3  }
0x33: {  	p0 =	seq.s32 s10, $0x1;
	s10 =	sld [smem:$0x3FBA];
	_ =	sdelay $0x3  }
0x34: {  	[smem:$0x3FBA] =	sst s10  }
0x35: {  	s10 =	sld [smem:$0x3FB9];
	_ =	sdelay $0x3  }
0x36: {  	p1 =	seq.s32 s10, $0x1;
	s10 =	sld [smem:$0x3FBA];
	_ =	sdelay $0x3  }
0x37: {  	[smem:$0x3FBA] =	sst s10  }
0x38: {  	s10 =	sld [smem:$0x3FBB]  }
0x39: {  	_ = 	snop;
	(pc) =	sbr.ind lr, $3  }
0x3a: {  	_ = 	snop  }
0x3b: {  	_ = 	snop  }
0x3c: {  	p2 =	seq.s32 s10, $0x1;
	s10 =	sld [smem:$0x3FBA]  }
0x3d: {  	_ =	shalt  }
0x3e: {  	_ =	shalt  }
0x3f: {  	_ =	shalt  }
0x40: {  	_ =	shalt  }
0x41: {  	_ =	shalt  }
0x42: {  	_ =	shalt  }
0x43: {  	_ =	shalt  }
0x44: {  	_ =	shalt  }
0x45: {  	_ =	shalt  }
0x46: {  	_ =	shalt  }
0x47: {  	_ =	shalt  }
0x48: {  	_ =	shalt  }
0x49: {  	_ =	shalt  }
0x4a: {  	_ =	shalt  }
0x4b: {  	_ =	shalt  }
0x4c: {  	_ =	shalt  }
0x4d: {  	_ =	shalt  }
0x4e: {  	_ =	shalt  }
0x4f: {  	_ =	shalt  }
0x50: {  	_ =	shalt  }
0x51: {  	_ =	shalt  }
0x52: {  	_ =	shalt  }
0x53: {  	_ =	shalt  }
0x54: {  	_ =	shalt  }
0x55: {  	_ =	shalt  }
0x56: {  	_ =	shalt  }
0x57: {  	_ =	shalt  }
0x58: {  	_ =	shalt  }
0x59: {  	_ =	shalt  }
0x5a: {  	_ =	shalt  }
0x5b: {  	_ =	shalt  }
0x5c: {  	_ =	shalt  }
0x5d: {  	_ =	shalt  }
0x5e: {  	_ =	shalt  }
0x5f: {  	_ =	shalt  }
0x60: {  	_ =	shalt  }
0x61: {  	_ =	shalt  }
0x62: {  	_ =	shalt  }
0x63: {  	_ =	shalt  }
0x64: {  	_ =	shalt  }
0x65: {  	_ =	shalt  }
0x66: {  	_ =	shalt  }
0x67: {  	_ =	shalt  }
0x68: {  	_ =	shalt  }
0x69: {  	_ =	shalt  }
0x6a: {  	_ =	shalt  }
0x6b: {  	_ =	shalt  }
0x6c: {  	_ =	shalt  }
0x6d: {  	_ =	shalt  }
0x6e: {  	_ =	shalt  }
0x6f: {  	_ =	shalt  }
0x70: {  	_ =	shalt  }
0x71: {  	_ =	shalt  }
0x72: {  	_ =	shalt  }
0x73: {  	_ =	shalt  }
0x74: {  	_ =	shalt  }
0x75: {  	_ =	shalt  }
0x76: {  	_ =	shalt  }
0x77: {  	_ =	shalt  }
0x78: {  	_ =	shalt  }
0x79: {  	_ =	shalt  }
0x7a: {  	_ =	shalt  }
0x7b: {  	_ =	shalt  }
0x7c: {  	_ =	shalt  }
0x7d: {  	_ =	shalt  }
0x7e: {  	_ =	shalt  }
0x7f: {  	_ =	shalt  }
0x80: {  	_ =	shalt  }
0x81: {  	_ =	shalt  }
0x82: {  	_ =	shalt  }
0x83: {  	_ =	shalt  }
0x84: {  	_ =	shalt  }
0x85: {  	_ =	shalt  }
0x86: {  	_ =	shalt  }
0x87: {  	_ =	shalt  }
.Lfunc_end0:
.L_simem_size_0:
called_computation_lowered:
.L_overlay_start_0:
0x88: {  	s2 =	sld [smem:$0x3FD9]  }
0x89: {  	s3 =	sld [smem:$0x3FFE];
	_ =	sdelay $0x1  }
0x8a: {  	s1 =	srdreg.scid  }
0x8b: {  	s0 =	sand.u32 $0x1, s1  }
0x8c: {  	s17 =	sshll.u32 s0, $0xA;
	s2 =	sadd.s32 s3, s2  }
0x8d: {  	s2 =	sadd.s32 s2, s17  }
0x8e: {  	[smem:$0x3FC6] =	sst s2  }
0x8f: {  	_ = 	snop  }
0x90: {  	s2 =	sld [smem:$0x3FD0];
	(tm) =	ssettm $0x1  }
0x91: {  	s18 =	sld [smem:$0x3FFB];
	_ =	sdelay $0x3  }
0x92: {  	_ =	strace s18  }
0x93: {  	s3 =	sld [smem:$0x3FFC];
	_ =	sdelay $0x3  }
0x94: {  	_ =	strace s3  }
0x95: {  	s3 =	sld [smem:$0x3FFD];
	_ =	sdelay $0x3  }
0x96: {  	_ =	strace s3  }
0x97: {  	_ =	strace $0x8FFFFFFF  }
0x98: {  	s19 =	sld [smem:$0x3FDB];
	_ =	sdelay $0x1  }
0x99: {  	s4 =	simm.s32 $_scs_section_size  }
0x9a: {  	s5 =	simm.s32 $_size__tile_overlayer_lowered;
	s6 =	simm.s32 $_tile_overlayer_lowered  }
0x9b: {  	s22 =	simm.s32 $0x1BFF;
	s21 =	sshll.u32 s6, $0x1;
	s3 =	sadd.s32 s4, s19  }
0x9c: {  	s7 =	simm.s32 $0x0;
	s20 =	sshll.u32 s5, $0x1;
	s5 =	sadd.s32 s21, s3  }
0x9d: {  	[timem:s7], [sflag:s22] =	dma.local [hbm:s5], s20  }
0x9e: {  	_ =	swait.ge [sflag:s22], s20  }
0x9f: {  	s4 =	ssub.s32 $0x0, s20;
	[sflag:s22] =	ssyncset.done $0x0  }
0xa0: {  	[sflag:s22] =	ssyncadd.s32 s4;
	_ =	sdelay $0x1  }
0xa1: {  	s23 =	simm.s32 $0x1B8B  }
0xa2: {  	_ =	swait.ge [sflag:s23], $0x1  }
0xa3: {  	[sflag:s23] =	ssyncset.done $0x0  }
0xa4: {  	s25 =	simm.s32 $0x1B8E;
	s24 =	sld [smem:$0x3FFE];
	[sflag:s23] =	ssyncadd.s32 $0xFFFFFFFF  }
0xa5: {  	s26 =	simm.s32 $execute0_lowered;
	[smem:$0x3FD2] =	sst s25  }
0xa6: {  	s5 =	sshll.u32 s26, $0x1;
	_ =	strace $0x80000046;
	[dreg:$0x1] =	wrdreg $0xFFFFFFFF  }
0xa7: {  	s28 =	simm.s32 $_size_execute0_lowered;
	s3 =	sadd.s32 s3, s5;
	[dreg:$0x0] =	wrdreg $0x0  }
0xa8: {  	s5 =	sshll.u32 s28, $0x1;
	[dreg:$0x2] =	wrdreg s3  }
0xa9: {  	[dreg:$0x3] =	wrdreg s5  }
0xaa: {  	[dreg:$0x4] =	wrdreg $0xC0  }
0xab: {  	_ =	task [dreg:s7], $0x5FFFF  }
0xac: {  	[dreg:$0x1] =	wrdreg $0xFFFFFFFF  }
0xad: {  	[dreg:$0x0] =	wrdreg $0x60  }
0xae: {  	[dreg:$0x2] =	wrdreg s2  }
0xaf: {  	[dreg:$0x3] =	wrdreg s24  }
0xb0: {  	[dreg:$0x4] =	wrdreg $0x9  }
0xb1: {  	_ =	task.clear_ibuf [dreg:s7], $0x5FFFF;
	_ =	strace $0x90000046  }
0xb2: {  	s29 =	simm.s32 $0x9;
	_ =	strace $0x80000048  }
0xb3: {  	_ =	swait.ge [sflag:s29], $0x1  }
0xb4: {  	[sflag:s29] =	ssyncadd.s32 $0xFFFFFFFF  }
0xb5: {  	_ =	strace $0x90000048  }
0xb6: {  	_ =	sfence  }
0xb7: {  	s30 =	sld [smem:$0x0];
	_ =	sdelay $0x2  }
0xb8: {  	s31 =	sshll.u32 s1, $0xD;
	s1 =	sshrl.u32 s1, $0x2  }
0xb9: {  	s3 =	sand.u32 $0x4000, s31;
	s1 =	sadd.s32 s1, s30  }
0xba: {  	s0 =	sor.u32 s3, s0;
	s1 =	sshll.u32 s1, $0x11  }
0xbb: {  	s0 =	sor.u32 s1, s0  }
0xbc: {  	s0 =	sadd.s32 $0x8F2B, s0  }
0xbd: {  	[sflag:s0] =	ssyncadd.remote.s32 $0x1  }
0xbe: {  	_ =	sfence.sel $0xFFFF  }
0xbf: {  	[dreg:$0x0] =	wrdreg $0xFFFFFFFF;
	(pc) =	sbr.abs _section_cstart, $3  }
0xc0: {  	[dreg:$0x1] =	wrdreg $0xFFFFFFFF  }
0xc1: {  	_ =	task.clear_ibuf [dreg:s7], $0x2FFFF;
	_ =	strace $0x9FFFFFFF  }
0xc2: {  	(tm) =	ssettm $0x7FFFFFFF  }
0xc3: {  	_ =	shalt  }
tec
execute0_lowered:
.L_overlay_start_1:
0x0: {  	(tag) =	ssettag $0x1  }
0x1: {  	s0 =	srdreg.scid;
	s1 =	rddreg [dreg:$0x0]  }
0x2: {  	s6 =	stileid.u32;
	s3 =	rddreg [dreg:$0x1];
	s4 =	simm.s32 $0x1  }
0x3: {  	s28 =	simm.s32 $0x16000;
	s29 =	simm.s32 $0x2;
	s0 =	sand.u32 $0x1, s0  }
0x4: {  	s31 =	simm.s32 $0x5;
	s18 =	sadd.s32 $0x800, s3;
	s2 =	sor.u32 s0, s6  }
0x5: {  	s20 =	sadd.s32 $0x20800, s3;
	p1 =	seq.s32 s0, $0x1;
	p0 =	seq.s32 s2, $0x0  }
0x6: {  	s5 =	ssub.s32 $0x2, s0;
	s0 =	sshll.u32 s0, $0x11;
	p0 =	por !p0, !p1  }
0x7: {  	s2 =	simm.s32 $0x0;
	s23 =	sshrl.u32 s5, $0x1;
	p0 =	por !p0, !p0  }
0x8: {  	s30 =	sor.u32 $0x10000, s0;
	[smem:$0x7FF] =	sst s2;
	s4 =	simm.s32 @!p0 $0x0  }
0x9: {  	s22 =	ssub.s32 s5, s23;
	s23 =	simm.s32 $0x10000;
	s19 =	ssub.s32 s6, s4  }
0xa: {  	_ =	strace $0x80000047;
	s22 =	smax.u32 s22, $0x1;
	s4 =	sshll.u32 s19, $0xD  }
0xb: {  	s25 =	sshll.u32 s19, $0x12;
	s19 =	simm.s32 $0x1;
	s17 =	sand.u32 $0x1FFFE000, s4  }
0xc: {  	s26 =	sor.u32 s0, s25;
	s3 =	sadd.s32 s1, s17;
	s4 =	sadd.s32 s18, s17  }
0xd: {  	s24 =	sor.u32 $0x400, s17;
	s8 =	sor.u32 $0x800, s17;
	s10 =	sor.u32 $0xC00, s17  }
0xe: {  	s12 =	sor.u32 $0x1000, s17;
	s14 =	sor.u32 $0x1400, s17;
	s16 =	sor.u32 $0x1800, s17  }
0xf: {  	s21 =	sor.u32 $0x1C00, s17;
	s5 =	sadd.s32 s1, s24;
	s6 =	sadd.s32 s18, s24  }
0x10: {  	s7 =	sadd.s32 s1, s8;
	s8 =	sadd.s32 s18, s8;
	s9 =	sadd.s32 s1, s10  }
0x11: {  	s10 =	sadd.s32 s18, s10;
	s11 =	sadd.s32 s1, s12;
	s12 =	sadd.s32 s18, s12  }
0x12: {  	s13 =	sadd.s32 s1, s14;
	s14 =	sadd.s32 s18, s14;
	s15 =	sadd.s32 s1, s16  }
0x13: {  	s16 =	sadd.s32 s18, s16;
	s17 =	sadd.s32 s1, s21;
	s18 =	sadd.s32 s18, s21  }
0x14: {  	s1 =	sor.u32 s30, s25;
	s21 =	sshrl.u32 s26, $0x3;
	s24 =	simm.s32 $0x14000  }
0x15: {  	s25 =	simm.s32 $0x3;
	s1 =	sshrl.u32 s1, $0x3;
	s21 =	sadd.s32 s20, s21  }
0x16: {  	v2 =	vimm.s32 $0xFFFFFFFF;
	s26 =	simm.s32 $0x12000;
	[dreg:$0x3] =	wrdreg s21;
	s1 =	sadd.s32 s20, s1  }
0x17: {  	v3 =	vimm.f32 $0.0e+00;
	v0 =	vmov s0;
	v1 =	vmov s30;
	s30 =	simm.s32 $0x4;
	[dreg:$0x4] =	wrdreg s1;
	s1 =	simm.s32 $0x0  }
.LBB2_1:
0x18: {  	[tilespmem:$0x18010] =	vst v2;
	s0 =	simm.s32 $0x0;
	s20 =	simm.s32 $0x200  }
.LBB2_2:
0x19: {  	p0 =	sne.s32 s20, $0x3FE00;
	[tilespmem:s0+$0x70] =	vst v3  }
0x1a: {  	[tilespmem:s0+$0x0] =	vst v3  }
0x1b: {  	[tilespmem:s0+$0x10] =	vst v3  }
.Ltmp0:
0x1c: {  	[tilespmem:s0+$0x20] =	vst v3;
	(pc) =	sbr.rel @p0 .LBB2_2-.Ltmp0, $4  }
0x1d: {  	[tilespmem:s0+$0x30] =	vst v3  }
0x1e: {  	[tilespmem:s0+$0x40] =	vst v3  }
0x1f: {  	[tilespmem:s0+$0x50] =	vst v3  }
0x20: {  	[tilespmem:s0+$0x60] =	vst v3;
	s0 =	sshra.s32 s20, $0x2;
	s20 =	sadd.s32 $0x200, s20  }
0x21: {  	[tilespmem:s0+$0x70] =	vst v3  }
0x22: {  	[tilespmem:s0+$0x0] =	vst v3  }
0x23: {  	[tilespmem:s0+$0x10] =	vst v3  }
0x24: {  	[tilespmem:s0+$0x20] =	vst v3  }
0x25: {  	[tilespmem:s0+$0x30] =	vst v3  }
0x26: {  	[tilespmem:s0+$0x40] =	vst v3  }
0x27: {  	[tilespmem:s0+$0x50] =	vst v3  }
0x28: {  	[tilespmem:s0+$0x60] =	vst v3;
	s21 =	simm.s32 $0x0  }
0x29: {  	[tilespmem:s23], [sflag:$0x1] =	stream.linear.gather [hbm4b:s3+s21], $0x2000, $0x38;
	[tilespmem:$0x18080] =	vst v63  }
0x2a: {  	_ = 	snop  }
0x2b: {  	[tilespmem:s24], [sflag:$0x3] =	stream.linear.gather [hbm4b:s4+s21], $0x2000, $0x38;
	[tilespmem:$0x18080] =	vst v63  }
0x2c: {  	_ =	swait.ge [sflag:s19], $0x2000  }
0x2d: {  	[sflag:s19] =	ssyncset.done $0x0  }
0x2e: {  	[sflag:s19] =	ssyncadd.s32 $0xFFFFE000  }
0x2f: {  	_ =	swait.ge [sflag:s25], $0x2000  }
0x30: {  	[sflag:s25] =	ssyncset.done $0x0  }
0x31: {  	[sflag:s25] =	ssyncadd.s32 $0xFFFFE000  }
0x32: {  	[tilespmem:s26], [sflag:$0x2] =	stream.linear.gather [hbm4b:s5+s21], $0x2000, $0x38;
	[tilespmem:$0x18080] =	vst v63  }
0x33: {  	s0 =	simm.s32 $0x0  }
0x34: {  	[tilespmem:s28], [sflag:$0x4] =	stream.linear.gather [hbm4b:s6+s21], $0x2000, $0x38;
	[tilespmem:$0x18080] =	vst v63  }
0x35: {  	v5 =	vld [tilespmem:s0+$0x10030]  }
0x36: {  	v7 =	vld [tilespmem:s0+$0x10020]  }
0x37: {  	v12 =	vld [tilespmem:s0+$0x10010]  }
0x38: {  	v8 =	vld [tilespmem:s0+$0x10000]  }
0x39: {  	v6 =	vld [tilespmem:s0+$0x10050]  }
0x3a: {  	v20 =	vld [tilespmem:s0+$0x10040];
	_ =	sdelay $0x1  }
0x3b: {  	v9 =	vsub.s32 v5, v0  }
0x3c: {  	v13 =	vsub.s32 v7, v0;
	v11 =	vand.u32 $0x7F, v5;
	v17 =	vsub.s32 v12, v0  }
0x3d: {  	v4 =	vld [tilespmem:s0+$0x10060];
	v19 =	vand.u32 $0x7F, v7;
	v14 =	vand.u32 $0x7F, v8;
	v16 =	vsub.s32 v6, v0  }
0x3e: {  	v5 =	vld [tilespmem:s0+$0x10070];
	v22 =	vand.u32 $0x7F, v12;
	v23 =	vand.u32 $0x7F, v20;
	v10 =	vand.u32 $0xFFFFFF80, v9  }
0x3f: {  	v7 =	vld [tilespmem:s0+$0x14010];
	v18 =	vand.u32 $0xFFFFFF80, v13;
	vm0 =	vlt.u32 v9, $0x10000;
	v9 =	vsub.s32 v8, v0  }
0x40: {  	v12 =	vld [tilespmem:s0+$0x14060];
	v21 =	vand.u32 $0xFFFFFF80, v17;
	vm1 =	vlt.u32 v13, $0x10000;
	vm3 =	vlt.u32 v17, $0x10000  }
0x41: {  	v8 =	vld [tilespmem:s0+$0x14030];
	vm2 =	vlt.u32 v9, $0x10000;
	v9 =	vand.u32 $0xFFFFFF80, v9;
	v13 =	vor.u32 v19, v18  }
0x42: {  	v18 =	vand.u32 $0xFFFFFF80, v16;
	v19 =	vld [tilespmem:s0+$0x14000];
	v21 =	vor.u32 v22, v21;
	v15 =	vor.u32 v14, v9  }
0x43: {  	v22 =	vsub.s32 v20, v0;
	v20 =	vld [tilespmem:s0+$0x14020];
	v14 =	vsub.s32 v4, v0;
	v17 =	vsub.s32 v5, v0  }
0x44: {  	s20 =	simm.s32 $0x200;
	v9 =	vld [tilespmem:s0+$0x14070];
	vm4 =	vlt.u32 v22, $0x10000;
	v24 =	vand.u32 $0xFFFFFF80, v22;
	v22 =	vand.u32 $0xFFFFFF80, v17  }
.LBB2_4:
0x45: {  	p0 =	sne.s32 s20, $0x7E00;
	v25 =	vld [tilespmem:s0+$0x14050];
	v10 =	vor.u32 v11, v10;
	v11 =	vand.u32 $0xFFFFFF80, v14;
	s21 =	smov.u32 s20;
	s20 =	sadd.s32 $0x200, s20  }
0x46: {  	v23 =	vor.u32 v23, v24;
	vm5 =	vlt.u32 v16, $0x10000;
	v6 =	vand.u32 $0x7F, v6;
	v26 =	vld [tilespmem:s0+$0x14040]  }
0x47: {  	v4 =	vand.u32 $0x7F, v4;
	v6 =	vor.u32 v6, v18;
	[tilespmem:v15+s2+$0x0] =	vst.idx.msk vm2, v19;
	vm2 =	vlt.u32 v14, $0x10000  }
0x48: {  	v5 =	vand.u32 $0x7F, v5;
	v4 =	vor.u32 v4, v11;
	[tilespmem:v21+s2+$0x0] =	vst.idx.msk vm3, v7;
	vm3 =	vlt.u32 v17, $0x10000  }
0x49: {  	v5 =	vor.u32 v5, v22;
	[tilespmem:v13+s2+$0x0] =	vst.idx.msk vm1, v20  }
0x4a: {  	s0 =	sshra.s32 s21, $0x2;
	[tilespmem:v10+s2+$0x0] =	vst.idx.msk vm0, v8  }
0x4b: {  	[tilespmem:v23+s2+$0x0] =	vst.idx.msk vm4, v26  }
0x4c: {  	[tilespmem:v6+s2+$0x0] =	vst.idx.msk vm5, v25  }
0x4d: {  	[tilespmem:v4+s2+$0x0] =	vst.idx.msk vm2, v12  }
0x4e: {  	[tilespmem:v5+s2+$0x0] =	vst.idx.msk vm3, v9  }
0x4f: {  	v5 =	vld [tilespmem:s0+$0x10030]  }
0x50: {  	v8 =	vld [tilespmem:s0+$0x10020]  }
0x51: {  	v12 =	vld [tilespmem:s0+$0x10010]  }
0x52: {  	v9 =	vld [tilespmem:s0+$0x10000]  }
0x53: {  	v6 =	vld [tilespmem:s0+$0x10050]  }
0x54: {  	v4 =	vld [tilespmem:s0+$0x10060];
	v13 =	vsub.s32 v5, v0  }
0x55: {  	v11 =	vand.u32 $0x7F, v5;
	v7 =	vld [tilespmem:s0+$0x14010];
	v17 =	vsub.s32 v8, v0;
	v10 =	vand.u32 $0xFFFFFF80, v13  }
0x56: {  	vm0 =	vlt.u32 v13, $0x10000;
	v5 =	vld [tilespmem:s0+$0x10070];
	v20 =	vsub.s32 v12, v0;
	v18 =	vand.u32 $0xFFFFFF80, v17  }
0x57: {  	v19 =	vand.u32 $0x7F, v8;
	v22 =	vld [tilespmem:s0+$0x10040];
	v13 =	vsub.s32 v9, v0;
	v21 =	vand.u32 $0xFFFFFF80, v20  }
0x58: {  	v9 =	vand.u32 $0x7F, v9;
	v8 =	vld [tilespmem:s0+$0x14030];
	vm2 =	vlt.u32 v13, $0x10000;
	v13 =	vand.u32 $0xFFFFFF80, v13  }
.Ltmp1:
0x59: {  	v16 =	vsub.s32 v6, v0;
	v15 =	vor.u32 v9, v13;
	v14 =	vsub.s32 v4, v0;
	(pc) =	sbr.rel @p0 .LBB2_4-.Ltmp1, $4  }
0x5a: {  	vm1 =	vlt.u32 v17, $0x10000;
	v13 =	vor.u32 v19, v18;
	v18 =	vand.u32 $0xFFFFFF80, v16;
	v9 =	vld [tilespmem:s0+$0x14070]  }
0x5b: {  	vm3 =	vlt.u32 v20, $0x10000;
	v20 =	vand.u32 $0x7F, v12;
	v19 =	vld [tilespmem:s0+$0x14000];
	v17 =	vsub.s32 v5, v0  }
0x5c: {  	v21 =	vor.u32 v20, v21;
	v12 =	vld [tilespmem:s0+$0x14060];
	v24 =	vsub.s32 v22, v0;
	v23 =	vand.u32 $0x7F, v22  }
0x5d: {  	v22 =	vand.u32 $0xFFFFFF80, v17;
	v20 =	vld [tilespmem:s0+$0x14020];
	vm4 =	vlt.u32 v24, $0x10000;
	v24 =	vand.u32 $0xFFFFFF80, v24  }
0x5e: {  	_ =	sdelay $0x2  }
0x5f: {  	v10 =	vor.u32 v11, v10;
	v11 =	vand.u32 $0xFFFFFF80, v14  }
0x60: {  	v26 =	vld [tilespmem:s0+$0x14040];
	v23 =	vor.u32 v23, v24;
	vm5 =	vlt.u32 v16, $0x10000;
	v6 =	vand.u32 $0x7F, v6  }
0x61: {  	v25 =	vld [tilespmem:s0+$0x14050];
	v4 =	vand.u32 $0x7F, v4;
	v6 =	vor.u32 v6, v18;
	[tilespmem:v15+s2+$0x0] =	vst.idx.msk vm2, v19;
	vm2 =	vlt.u32 v14, $0x10000  }
0x62: {  	v5 =	vand.u32 $0x7F, v5;
	v4 =	vor.u32 v4, v11;
	[tilespmem:v21+s2+$0x0] =	vst.idx.msk vm3, v7;
	vm3 =	vlt.u32 v17, $0x10000  }
0x63: {  	v5 =	vor.u32 v5, v22;
	[tilespmem:v13+s2+$0x0] =	vst.idx.msk vm1, v20  }
0x64: {  	[tilespmem:v10+s2+$0x0] =	vst.idx.msk vm0, v8  }
0x65: {  	[tilespmem:v23+s2+$0x0] =	vst.idx.msk vm4, v26  }
0x66: {  	[tilespmem:v6+s2+$0x0] =	vst.idx.msk vm5, v25  }
0x67: {  	[tilespmem:v4+s2+$0x0] =	vst.idx.msk vm2, v12  }
0x68: {  	[tilespmem:v5+s2+$0x0] =	vst.idx.msk vm3, v9  }
0x69: {  	_ =	swait.ge [sflag:s29], $0x2000  }
0x6a: {  	[sflag:s29] =	ssyncset.done $0x0  }
0x6b: {  	[sflag:s29] =	ssyncadd.s32 $0xFFFFE000  }
0x6c: {  	_ =	swait.ge [sflag:s30], $0x2000  }
0x6d: {  	[sflag:s30] =	ssyncset.done $0x0  }
0x6e: {  	s21 =	simm.s32 $0x0;
	[sflag:s30] =	ssyncadd.s32 $0xFFFFE000  }
0x6f: {  	[tilespmem:s23], [sflag:$0x1] =	stream.linear.gather [hbm4b:s7+s21], $0x2000, $0x38;
	[tilespmem:$0x18080] =	vst v63  }
0x70: {  	s0 =	simm.s32 $0x0  }
0x71: {  	[tilespmem:s24], [sflag:$0x3] =	stream.linear.gather [hbm4b:s8+s21], $0x2000, $0x38;
	[tilespmem:$0x18080] =	vst v63  }
0x72: {  	v5 =	vld [tilespmem:s0+$0x12030]  }
0x73: {  	v7 =	vld [tilespmem:s0+$0x12020]  }
0x74: {  	v12 =	vld [tilespmem:s0+$0x12010]  }
0x75: {  	v8 =	vld [tilespmem:s0+$0x12000]  }
0x76: {  	v6 =	vld [tilespmem:s0+$0x12050]  }
0x77: {  	v20 =	vld [tilespmem:s0+$0x12040];
	_ =	sdelay $0x1  }
0x78: {  	v9 =	vsub.s32 v5, v0  }
0x79: {  	v13 =	vsub.s32 v7, v0;
	v11 =	vand.u32 $0x7F, v5;
	v17 =	vsub.s32 v12, v0  }
0x7a: {  	v4 =	vld [tilespmem:s0+$0x12060];
	v19 =	vand.u32 $0x7F, v7;
	v14 =	vand.u32 $0x7F, v8;
	v16 =	vsub.s32 v6, v0  }
0x7b: {  	v5 =	vld [tilespmem:s0+$0x12070];
	v22 =	vand.u32 $0x7F, v12;
	v23 =	vand.u32 $0x7F, v20;
	v10 =	vand.u32 $0xFFFFFF80, v9  }
0x7c: {  	v7 =	vld [tilespmem:s0+$0x16010];
	v18 =	vand.u32 $0xFFFFFF80, v13;
	vm0 =	vlt.u32 v9, $0x10000;
	v9 =	vsub.s32 v8, v0  }
0x7d: {  	v12 =	vld [tilespmem:s0+$0x16060];
	v21 =	vand.u32 $0xFFFFFF80, v17;
	vm1 =	vlt.u32 v13, $0x10000;
	vm3 =	vlt.u32 v17, $0x10000  }
0x7e: {  	v8 =	vld [tilespmem:s0+$0x16030];
	vm2 =	vlt.u32 v9, $0x10000;
	v9 =	vand.u32 $0xFFFFFF80, v9;
	v13 =	vor.u32 v19, v18  }
0x7f: {  	v18 =	vand.u32 $0xFFFFFF80, v16;
	v19 =	vld [tilespmem:s0+$0x16000];
	v21 =	vor.u32 v22, v21;
	v15 =	vor.u32 v14, v9  }
0x80: {  	v22 =	vsub.s32 v20, v0;
	v20 =	vld [tilespmem:s0+$0x16020];
	v14 =	vsub.s32 v4, v0;
	v17 =	vsub.s32 v5, v0  }
0x81: {  	s20 =	simm.s32 $0x200;
	v9 =	vld [tilespmem:s0+$0x16070];
	vm4 =	vlt.u32 v22, $0x10000;
	v24 =	vand.u32 $0xFFFFFF80, v22;
	v22 =	vand.u32 $0xFFFFFF80, v17  }
.LBB2_6:
0x82: {  	p0 =	sne.s32 s20, $0x7E00;
	v25 =	vld [tilespmem:s0+$0x16050];
	v10 =	vor.u32 v11, v10;
	v11 =	vand.u32 $0xFFFFFF80, v14;
	s21 =	smov.u32 s20;
	s20 =	sadd.s32 $0x200, s20  }
0x83: {  	v23 =	vor.u32 v23, v24;
	vm5 =	vlt.u32 v16, $0x10000;
	v6 =	vand.u32 $0x7F, v6;
	v26 =	vld [tilespmem:s0+$0x16040]  }
0x84: {  	v4 =	vand.u32 $0x7F, v4;
	v6 =	vor.u32 v6, v18;
	[tilespmem:v15+s2+$0x0] =	vst.idx.msk vm2, v19;
	vm2 =	vlt.u32 v14, $0x10000  }
0x85: {  	v5 =	vand.u32 $0x7F, v5;
	v4 =	vor.u32 v4, v11;
	[tilespmem:v21+s2+$0x0] =	vst.idx.msk vm3, v7;
	vm3 =	vlt.u32 v17, $0x10000  }
0x86: {  	v5 =	vor.u32 v5, v22;
	[tilespmem:v13+s2+$0x0] =	vst.idx.msk vm1, v20  }
0x87: {  	s0 =	sshra.s32 s21, $0x2;
	[tilespmem:v10+s2+$0x0] =	vst.idx.msk vm0, v8  }
0x88: {  	[tilespmem:v23+s2+$0x0] =	vst.idx.msk vm4, v26  }
0x89: {  	[tilespmem:v6+s2+$0x0] =	vst.idx.msk vm5, v25  }
0x8a: {  	[tilespmem:v4+s2+$0x0] =	vst.idx.msk vm2, v12  }
0x8b: {  	[tilespmem:v5+s2+$0x0] =	vst.idx.msk vm3, v9  }
0x8c: {  	v5 =	vld [tilespmem:s0+$0x12030]  }
0x8d: {  	v8 =	vld [tilespmem:s0+$0x12020]  }
0x8e: {  	v12 =	vld [tilespmem:s0+$0x12010]  }
0x8f: {  	v9 =	vld [tilespmem:s0+$0x12000]  }
0x90: {  	v6 =	vld [tilespmem:s0+$0x12050]  }
0x91: {  	v4 =	vld [tilespmem:s0+$0x12060];
	v13 =	vsub.s32 v5, v0  }
0x92: {  	v11 =	vand.u32 $0x7F, v5;
	v7 =	vld [tilespmem:s0+$0x16010];
	v17 =	vsub.s32 v8, v0;
	v10 =	vand.u32 $0xFFFFFF80, v13  }
0x93: {  	vm0 =	vlt.u32 v13, $0x10000;
	v5 =	vld [tilespmem:s0+$0x12070];
	v20 =	vsub.s32 v12, v0;
	v18 =	vand.u32 $0xFFFFFF80, v17  }
0x94: {  	v19 =	vand.u32 $0x7F, v8;
	v22 =	vld [tilespmem:s0+$0x12040];
	v13 =	vsub.s32 v9, v0;
	v21 =	vand.u32 $0xFFFFFF80, v20  }
0x95: {  	v9 =	vand.u32 $0x7F, v9;
	v8 =	vld [tilespmem:s0+$0x16030];
	vm2 =	vlt.u32 v13, $0x10000;
	v13 =	vand.u32 $0xFFFFFF80, v13  }
.Ltmp2:
0x96: {  	v16 =	vsub.s32 v6, v0;
	v15 =	vor.u32 v9, v13;
	v14 =	vsub.s32 v4, v0;
	(pc) =	sbr.rel @p0 .LBB2_6-.Ltmp2, $4  }
0x97: {  	vm1 =	vlt.u32 v17, $0x10000;
	v13 =	vor.u32 v19, v18;
	v18 =	vand.u32 $0xFFFFFF80, v16;
	v9 =	vld [tilespmem:s0+$0x16070]  }
0x98: {  	vm3 =	vlt.u32 v20, $0x10000;
	v20 =	vand.u32 $0x7F, v12;
	v19 =	vld [tilespmem:s0+$0x16000];
	v17 =	vsub.s32 v5, v0  }
0x99: {  	v21 =	vor.u32 v20, v21;
	v12 =	vld [tilespmem:s0+$0x16060];
	v24 =	vsub.s32 v22, v0;
	v23 =	vand.u32 $0x7F, v22  }
0x9a: {  	v22 =	vand.u32 $0xFFFFFF80, v17;
	v20 =	vld [tilespmem:s0+$0x16020];
	vm4 =	vlt.u32 v24, $0x10000;
	v24 =	vand.u32 $0xFFFFFF80, v24  }
0x9b: {  	_ =	sdelay $0x2  }
0x9c: {  	v10 =	vor.u32 v11, v10;
	v11 =	vand.u32 $0xFFFFFF80, v14  }
0x9d: {  	v26 =	vld [tilespmem:s0+$0x16040];
	v23 =	vor.u32 v23, v24;
	vm5 =	vlt.u32 v16, $0x10000;
	v6 =	vand.u32 $0x7F, v6  }
0x9e: {  	v25 =	vld [tilespmem:s0+$0x16050];
	v4 =	vand.u32 $0x7F, v4;
	v6 =	vor.u32 v6, v18;
	[tilespmem:v15+s2+$0x0] =	vst.idx.msk vm2, v19;
	vm2 =	vlt.u32 v14, $0x10000  }
0x9f: {  	v5 =	vand.u32 $0x7F, v5;
	v4 =	vor.u32 v4, v11;
	[tilespmem:v21+s2+$0x0] =	vst.idx.msk vm3, v7;
	vm3 =	vlt.u32 v17, $0x10000  }
0xa0: {  	v5 =	vor.u32 v5, v22;
	[tilespmem:v13+s2+$0x0] =	vst.idx.msk vm1, v20  }
0xa1: {  	[tilespmem:v10+s2+$0x0] =	vst.idx.msk vm0, v8  }
0xa2: {  	[tilespmem:v23+s2+$0x0] =	vst.idx.msk vm4, v26  }
0xa3: {  	[tilespmem:v6+s2+$0x0] =	vst.idx.msk vm5, v25  }
0xa4: {  	[tilespmem:v4+s2+$0x0] =	vst.idx.msk vm2, v12  }
0xa5: {  	[tilespmem:v5+s2+$0x0] =	vst.idx.msk vm3, v9  }
0xa6: {  	_ =	swait.ge [sflag:s19], $0x2000  }
0xa7: {  	[sflag:s19] =	ssyncset.done $0x0  }
0xa8: {  	[sflag:s19] =	ssyncadd.s32 $0xFFFFE000  }
0xa9: {  	_ =	swait.ge [sflag:s25], $0x2000  }
0xaa: {  	[sflag:s25] =	ssyncset.done $0x0  }
0xab: {  	s21 =	simm.s32 $0x0;
	[sflag:s25] =	ssyncadd.s32 $0xFFFFE000  }
0xac: {  	[tilespmem:s26], [sflag:$0x2] =	stream.linear.gather [hbm4b:s9+s21], $0x2000, $0x38;
	[tilespmem:$0x18080] =	vst v63  }
0xad: {  	s0 =	simm.s32 $0x0  }
0xae: {  	[tilespmem:s28], [sflag:$0x4] =	stream.linear.gather [hbm4b:s10+s21], $0x2000, $0x38;
	[tilespmem:$0x18080] =	vst v63  }
0xaf: {  	v5 =	vld [tilespmem:s0+$0x10030]  }
0xb0: {  	v7 =	vld [tilespmem:s0+$0x10020]  }
0xb1: {  	v12 =	vld [tilespmem:s0+$0x10010]  }
0xb2: {  	v8 =	vld [tilespmem:s0+$0x10000]  }
0xb3: {  	v6 =	vld [tilespmem:s0+$0x10050]  }
0xb4: {  	v20 =	vld [tilespmem:s0+$0x10040];
	_ =	sdelay $0x1  }
0xb5: {  	v9 =	vsub.s32 v5, v0  }
0xb6: {  	v13 =	vsub.s32 v7, v0;
	v11 =	vand.u32 $0x7F, v5;
	v17 =	vsub.s32 v12, v0  }
0xb7: {  	v4 =	vld [tilespmem:s0+$0x10060];
	v19 =	vand.u32 $0x7F, v7;
	v14 =	vand.u32 $0x7F, v8;
	v16 =	vsub.s32 v6, v0  }
0xb8: {  	v5 =	vld [tilespmem:s0+$0x10070];
	v22 =	vand.u32 $0x7F, v12;
	v23 =	vand.u32 $0x7F, v20;
	v10 =	vand.u32 $0xFFFFFF80, v9  }
0xb9: {  	v7 =	vld [tilespmem:s0+$0x14010];
	v18 =	vand.u32 $0xFFFFFF80, v13;
	vm0 =	vlt.u32 v9, $0x10000;
	v9 =	vsub.s32 v8, v0  }
0xba: {  	v12 =	vld [tilespmem:s0+$0x14060];
	v21 =	vand.u32 $0xFFFFFF80, v17;
	vm1 =	vlt.u32 v13, $0x10000;
	vm3 =	vlt.u32 v17, $0x10000  }
0xbb: {  	v8 =	vld [tilespmem:s0+$0x14030];
	vm2 =	vlt.u32 v9, $0x10000;
	v9 =	vand.u32 $0xFFFFFF80, v9;
	v13 =	vor.u32 v19, v18  }
0xbc: {  	v18 =	vand.u32 $0xFFFFFF80, v16;
	v19 =	vld [tilespmem:s0+$0x14000];
	v21 =	vor.u32 v22, v21;
	v15 =	vor.u32 v14, v9  }
0xbd: {  	v22 =	vsub.s32 v20, v0;
	v20 =	vld [tilespmem:s0+$0x14020];
	v14 =	vsub.s32 v4, v0;
	v17 =	vsub.s32 v5, v0  }
0xbe: {  	s20 =	simm.s32 $0x200;
	v9 =	vld [tilespmem:s0+$0x14070];
	vm4 =	vlt.u32 v22, $0x10000;
	v24 =	vand.u32 $0xFFFFFF80, v22;
	v22 =	vand.u32 $0xFFFFFF80, v17  }
.LBB2_8:
0xbf: {  	p0 =	sne.s32 s20, $0x7E00;
	v25 =	vld [tilespmem:s0+$0x14050];
	v10 =	vor.u32 v11, v10;
	v11 =	vand.u32 $0xFFFFFF80, v14;
	s21 =	smov.u32 s20;
	s20 =	sadd.s32 $0x200, s20  }
0xc0: {  	v23 =	vor.u32 v23, v24;
	vm5 =	vlt.u32 v16, $0x10000;
	v6 =	vand.u32 $0x7F, v6;
	v26 =	vld [tilespmem:s0+$0x14040]  }
0xc1: {  	v4 =	vand.u32 $0x7F, v4;
	v6 =	vor.u32 v6, v18;
	[tilespmem:v15+s2+$0x0] =	vst.idx.msk vm2, v19;
	vm2 =	vlt.u32 v14, $0x10000  }
0xc2: {  	v5 =	vand.u32 $0x7F, v5;
	v4 =	vor.u32 v4, v11;
	[tilespmem:v21+s2+$0x0] =	vst.idx.msk vm3, v7;
	vm3 =	vlt.u32 v17, $0x10000  }
0xc3: {  	v5 =	vor.u32 v5, v22;
	[tilespmem:v13+s2+$0x0] =	vst.idx.msk vm1, v20  }
0xc4: {  	s0 =	sshra.s32 s21, $0x2;
	[tilespmem:v10+s2+$0x0] =	vst.idx.msk vm0, v8  }
0xc5: {  	[tilespmem:v23+s2+$0x0] =	vst.idx.msk vm4, v26  }
0xc6: {  	[tilespmem:v6+s2+$0x0] =	vst.idx.msk vm5, v25  }
0xc7: {  	[tilespmem:v4+s2+$0x0] =	vst.idx.msk vm2, v12  }
0xc8: {  	[tilespmem:v5+s2+$0x0] =	vst.idx.msk vm3, v9  }
0xc9: {  	v5 =	vld [tilespmem:s0+$0x10030]  }
0xca: {  	v8 =	vld [tilespmem:s0+$0x10020]  }
0xcb: {  	v12 =	vld [tilespmem:s0+$0x10010]  }
0xcc: {  	v9 =	vld [tilespmem:s0+$0x10000]  }
0xcd: {  	v6 =	vld [tilespmem:s0+$0x10050]  }
0xce: {  	v4 =	vld [tilespmem:s0+$0x10060];
	v13 =	vsub.s32 v5, v0  }
0xcf: {  	v11 =	vand.u32 $0x7F, v5;
	v7 =	vld [tilespmem:s0+$0x14010];
	v17 =	vsub.s32 v8, v0;
	v10 =	vand.u32 $0xFFFFFF80, v13  }
0xd0: {  	vm0 =	vlt.u32 v13, $0x10000;
	v5 =	vld [tilespmem:s0+$0x10070];
	v20 =	vsub.s32 v12, v0;
	v18 =	vand.u32 $0xFFFFFF80, v17  }
0xd1: {  	v19 =	vand.u32 $0x7F, v8;
	v22 =	vld [tilespmem:s0+$0x10040];
	v13 =	vsub.s32 v9, v0;
	v21 =	vand.u32 $0xFFFFFF80, v20  }
0xd2: {  	v9 =	vand.u32 $0x7F, v9;
	v8 =	vld [tilespmem:s0+$0x14030];
	vm2 =	vlt.u32 v13, $0x10000;
	v13 =	vand.u32 $0xFFFFFF80, v13  }
.Ltmp3:
0xd3: {  	v16 =	vsub.s32 v6, v0;
	v15 =	vor.u32 v9, v13;
	v14 =	vsub.s32 v4, v0;
	(pc) =	sbr.rel @p0 .LBB2_8-.Ltmp3, $4  }
0xd4: {  	vm1 =	vlt.u32 v17, $0x10000;
	v13 =	vor.u32 v19, v18;
	v18 =	vand.u32 $0xFFFFFF80, v16;
	v9 =	vld [tilespmem:s0+$0x14070]  }
0xd5: {  	vm3 =	vlt.u32 v20, $0x10000;
	v20 =	vand.u32 $0x7F, v12;
	v19 =	vld [tilespmem:s0+$0x14000];
	v17 =	vsub.s32 v5, v0  }
0xd6: {  	v21 =	vor.u32 v20, v21;
	v12 =	vld [tilespmem:s0+$0x14060];
	v24 =	vsub.s32 v22, v0;
	v23 =	vand.u32 $0x7F, v22  }
0xd7: {  	v22 =	vand.u32 $0xFFFFFF80, v17;
	v20 =	vld [tilespmem:s0+$0x14020];
	vm4 =	vlt.u32 v24, $0x10000;
	v24 =	vand.u32 $0xFFFFFF80, v24  }
0xd8: {  	_ =	sdelay $0x2  }
0xd9: {  	v10 =	vor.u32 v11, v10;
	v11 =	vand.u32 $0xFFFFFF80, v14  }
0xda: {  	v26 =	vld [tilespmem:s0+$0x14040];
	v23 =	vor.u32 v23, v24;
	vm5 =	vlt.u32 v16, $0x10000;
	v6 =	vand.u32 $0x7F, v6  }
0xdb: {  	v25 =	vld [tilespmem:s0+$0x14050];
	v4 =	vand.u32 $0x7F, v4;
	v6 =	vor.u32 v6, v18;
	[tilespmem:v15+s2+$0x0] =	vst.idx.msk vm2, v19;
	vm2 =	vlt.u32 v14, $0x10000  }
0xdc: {  	v5 =	vand.u32 $0x7F, v5;
	v4 =	vor.u32 v4, v11;
	[tilespmem:v21+s2+$0x0] =	vst.idx.msk vm3, v7;
	vm3 =	vlt.u32 v17, $0x10000  }
0xdd: {  	v5 =	vor.u32 v5, v22;
	[tilespmem:v13+s2+$0x0] =	vst.idx.msk vm1, v20  }
0xde: {  	[tilespmem:v10+s2+$0x0] =	vst.idx.msk vm0, v8  }
0xdf: {  	[tilespmem:v23+s2+$0x0] =	vst.idx.msk vm4, v26  }
0xe0: {  	[tilespmem:v6+s2+$0x0] =	vst.idx.msk vm5, v25  }
0xe1: {  	[tilespmem:v4+s2+$0x0] =	vst.idx.msk vm2, v12  }
0xe2: {  	[tilespmem:v5+s2+$0x0] =	vst.idx.msk vm3, v9  }
0xe3: {  	_ =	swait.ge [sflag:s29], $0x2000  }
0xe4: {  	[sflag:s29] =	ssyncset.done $0x0  }
0xe5: {  	[sflag:s29] =	ssyncadd.s32 $0xFFFFE000  }
0xe6: {  	_ =	swait.ge [sflag:s30], $0x2000  }
0xe7: {  	[sflag:s30] =	ssyncset.done $0x0  }
0xe8: {  	s21 =	simm.s32 $0x0;
	[sflag:s30] =	ssyncadd.s32 $0xFFFFE000  }
0xe9: {  	[tilespmem:s23], [sflag:$0x1] =	stream.linear.gather [hbm4b:s11+s21], $0x2000, $0x38;
	[tilespmem:$0x18080] =	vst v63  }
0xea: {  	s0 =	simm.s32 $0x0  }
0xeb: {  	[tilespmem:s24], [sflag:$0x3] =	stream.linear.gather [hbm4b:s12+s21], $0x2000, $0x38;
	[tilespmem:$0x18080] =	vst v63  }
0xec: {  	v5 =	vld [tilespmem:s0+$0x12030]  }
0xed: {  	v7 =	vld [tilespmem:s0+$0x12020]  }
0xee: {  	v12 =	vld [tilespmem:s0+$0x12010]  }
0xef: {  	v8 =	vld [tilespmem:s0+$0x12000]  }
0xf0: {  	v6 =	vld [tilespmem:s0+$0x12050]  }
0xf1: {  	v20 =	vld [tilespmem:s0+$0x12040];
	_ =	sdelay $0x1  }
0xf2: {  	v9 =	vsub.s32 v5, v0  }
0xf3: {  	v13 =	vsub.s32 v7, v0;
	v11 =	vand.u32 $0x7F, v5;
	v17 =	vsub.s32 v12, v0  }
0xf4: {  	v4 =	vld [tilespmem:s0+$0x12060];
	v19 =	vand.u32 $0x7F, v7;
	v14 =	vand.u32 $0x7F, v8;
	v16 =	vsub.s32 v6, v0  }
0xf5: {  	v5 =	vld [tilespmem:s0+$0x12070];
	v22 =	vand.u32 $0x7F, v12;
	v23 =	vand.u32 $0x7F, v20;
	v10 =	vand.u32 $0xFFFFFF80, v9  }
0xf6: {  	v7 =	vld [tilespmem:s0+$0x16010];
	v18 =	vand.u32 $0xFFFFFF80, v13;
	vm0 =	vlt.u32 v9, $0x10000;
	v9 =	vsub.s32 v8, v0  }
0xf7: {  	v12 =	vld [tilespmem:s0+$0x16060];
	v21 =	vand.u32 $0xFFFFFF80, v17;
	vm1 =	vlt.u32 v13, $0x10000;
	vm3 =	vlt.u32 v17, $0x10000  }
0xf8: {  	v8 =	vld [tilespmem:s0+$0x16030];
	vm2 =	vlt.u32 v9, $0x10000;
	v9 =	vand.u32 $0xFFFFFF80, v9;
	v13 =	vor.u32 v19, v18  }
0xf9: {  	v18 =	vand.u32 $0xFFFFFF80, v16;
	v19 =	vld [tilespmem:s0+$0x16000];
	v21 =	vor.u32 v22, v21;
	v15 =	vor.u32 v14, v9  }
0xfa: {  	v22 =	vsub.s32 v20, v0;
	v20 =	vld [tilespmem:s0+$0x16020];
	v14 =	vsub.s32 v4, v0;
	v17 =	vsub.s32 v5, v0  }
0xfb: {  	s20 =	simm.s32 $0x200;
	v9 =	vld [tilespmem:s0+$0x16070];
	vm4 =	vlt.u32 v22, $0x10000;
	v24 =	vand.u32 $0xFFFFFF80, v22;
	v22 =	vand.u32 $0xFFFFFF80, v17  }
.LBB2_10:
0xfc: {  	p0 =	sne.s32 s20, $0x7E00;
	v25 =	vld [tilespmem:s0+$0x16050];
	v10 =	vor.u32 v11, v10;
	v11 =	vand.u32 $0xFFFFFF80, v14;
	s21 =	smov.u32 s20;
	s20 =	sadd.s32 $0x200, s20  }
0xfd: {  	v23 =	vor.u32 v23, v24;
	vm5 =	vlt.u32 v16, $0x10000;
	v6 =	vand.u32 $0x7F, v6;
	v26 =	vld [tilespmem:s0+$0x16040]  }
0xfe: {  	v4 =	vand.u32 $0x7F, v4;
	v6 =	vor.u32 v6, v18;
	[tilespmem:v15+s2+$0x0] =	vst.idx.msk vm2, v19;
	vm2 =	vlt.u32 v14, $0x10000  }
0xff: {  	v5 =	vand.u32 $0x7F, v5;
	v4 =	vor.u32 v4, v11;
	[tilespmem:v21+s2+$0x0] =	vst.idx.msk vm3, v7;
	vm3 =	vlt.u32 v17, $0x10000  }
0x100: {  	v5 =	vor.u32 v5, v22;
	[tilespmem:v13+s2+$0x0] =	vst.idx.msk vm1, v20  }
0x101: {  	s0 =	sshra.s32 s21, $0x2;
	[tilespmem:v10+s2+$0x0] =	vst.idx.msk vm0, v8  }
0x102: {  	[tilespmem:v23+s2+$0x0] =	vst.idx.msk vm4, v26  }
0x103: {  	[tilespmem:v6+s2+$0x0] =	vst.idx.msk vm5, v25  }
0x104: {  	[tilespmem:v4+s2+$0x0] =	vst.idx.msk vm2, v12  }
0x105: {  	[tilespmem:v5+s2+$0x0] =	vst.idx.msk vm3, v9  }
0x106: {  	v5 =	vld [tilespmem:s0+$0x12030]  }
0x107: {  	v8 =	vld [tilespmem:s0+$0x12020]  }
0x108: {  	v12 =	vld [tilespmem:s0+$0x12010]  }
0x109: {  	v9 =	vld [tilespmem:s0+$0x12000]  }
0x10a: {  	v6 =	vld [tilespmem:s0+$0x12050]  }
0x10b: {  	v4 =	vld [tilespmem:s0+$0x12060];
	v13 =	vsub.s32 v5, v0  }
0x10c: {  	v11 =	vand.u32 $0x7F, v5;
	v7 =	vld [tilespmem:s0+$0x16010];
	v17 =	vsub.s32 v8, v0;
	v10 =	vand.u32 $0xFFFFFF80, v13  }
0x10d: {  	vm0 =	vlt.u32 v13, $0x10000;
	v5 =	vld [tilespmem:s0+$0x12070];
	v20 =	vsub.s32 v12, v0;
	v18 =	vand.u32 $0xFFFFFF80, v17  }
0x10e: {  	v19 =	vand.u32 $0x7F, v8;
	v22 =	vld [tilespmem:s0+$0x12040];
	v13 =	vsub.s32 v9, v0;
	v21 =	vand.u32 $0xFFFFFF80, v20  }
0x10f: {  	v9 =	vand.u32 $0x7F, v9;
	v8 =	vld [tilespmem:s0+$0x16030];
	vm2 =	vlt.u32 v13, $0x10000;
	v13 =	vand.u32 $0xFFFFFF80, v13  }
.Ltmp4:
0x110: {  	v16 =	vsub.s32 v6, v0;
	v15 =	vor.u32 v9, v13;
	v14 =	vsub.s32 v4, v0;
	(pc) =	sbr.rel @p0 .LBB2_10-.Ltmp4, $4  }
0x111: {  	vm1 =	vlt.u32 v17, $0x10000;
	v13 =	vor.u32 v19, v18;
	v18 =	vand.u32 $0xFFFFFF80, v16;
	v9 =	vld [tilespmem:s0+$0x16070]  }
0x112: {  	vm3 =	vlt.u32 v20, $0x10000;
	v20 =	vand.u32 $0x7F, v12;
	v19 =	vld [tilespmem:s0+$0x16000];
	v17 =	vsub.s32 v5, v0  }
0x113: {  	v21 =	vor.u32 v20, v21;
	v12 =	vld [tilespmem:s0+$0x16060];
	v24 =	vsub.s32 v22, v0;
	v23 =	vand.u32 $0x7F, v22  }
0x114: {  	v22 =	vand.u32 $0xFFFFFF80, v17;
	v20 =	vld [tilespmem:s0+$0x16020];
	vm4 =	vlt.u32 v24, $0x10000;
	v24 =	vand.u32 $0xFFFFFF80, v24  }
0x115: {  	_ =	sdelay $0x2  }
0x116: {  	v10 =	vor.u32 v11, v10;
	v11 =	vand.u32 $0xFFFFFF80, v14  }
0x117: {  	v26 =	vld [tilespmem:s0+$0x16040];
	v23 =	vor.u32 v23, v24;
	vm5 =	vlt.u32 v16, $0x10000;
	v6 =	vand.u32 $0x7F, v6  }
0x118: {  	v25 =	vld [tilespmem:s0+$0x16050];
	v4 =	vand.u32 $0x7F, v4;
	v6 =	vor.u32 v6, v18;
	[tilespmem:v15+s2+$0x0] =	vst.idx.msk vm2, v19;
	vm2 =	vlt.u32 v14, $0x10000  }
0x119: {  	v5 =	vand.u32 $0x7F, v5;
	v4 =	vor.u32 v4, v11;
	[tilespmem:v21+s2+$0x0] =	vst.idx.msk vm3, v7;
	vm3 =	vlt.u32 v17, $0x10000  }
0x11a: {  	v5 =	vor.u32 v5, v22;
	[tilespmem:v13+s2+$0x0] =	vst.idx.msk vm1, v20  }
0x11b: {  	[tilespmem:v10+s2+$0x0] =	vst.idx.msk vm0, v8  }
0x11c: {  	[tilespmem:v23+s2+$0x0] =	vst.idx.msk vm4, v26  }
0x11d: {  	[tilespmem:v6+s2+$0x0] =	vst.idx.msk vm5, v25  }
0x11e: {  	[tilespmem:v4+s2+$0x0] =	vst.idx.msk vm2, v12  }
0x11f: {  	[tilespmem:v5+s2+$0x0] =	vst.idx.msk vm3, v9  }
0x120: {  	_ =	swait.ge [sflag:s19], $0x2000  }
0x121: {  	[sflag:s19] =	ssyncset.done $0x0  }
0x122: {  	[sflag:s19] =	ssyncadd.s32 $0xFFFFE000  }
0x123: {  	_ =	swait.ge [sflag:s25], $0x2000  }
0x124: {  	[sflag:s25] =	ssyncset.done $0x0  }
0x125: {  	s21 =	simm.s32 $0x0;
	[sflag:s25] =	ssyncadd.s32 $0xFFFFE000  }
0x126: {  	[tilespmem:s26], [sflag:$0x2] =	stream.linear.gather [hbm4b:s13+s21], $0x2000, $0x38;
	[tilespmem:$0x18080] =	vst v63  }
0x127: {  	s0 =	simm.s32 $0x0  }
0x128: {  	[tilespmem:s28], [sflag:$0x4] =	stream.linear.gather [hbm4b:s14+s21], $0x2000, $0x38;
	[tilespmem:$0x18080] =	vst v63  }
0x129: {  	v5 =	vld [tilespmem:s0+$0x10030]  }
0x12a: {  	v7 =	vld [tilespmem:s0+$0x10020]  }
0x12b: {  	v12 =	vld [tilespmem:s0+$0x10010]  }
0x12c: {  	v8 =	vld [tilespmem:s0+$0x10000]  }
0x12d: {  	v6 =	vld [tilespmem:s0+$0x10050]  }
0x12e: {  	v20 =	vld [tilespmem:s0+$0x10040];
	_ =	sdelay $0x1  }
0x12f: {  	v9 =	vsub.s32 v5, v0  }
0x130: {  	v13 =	vsub.s32 v7, v0;
	v11 =	vand.u32 $0x7F, v5;
	v17 =	vsub.s32 v12, v0  }
0x131: {  	v4 =	vld [tilespmem:s0+$0x10060];
	v19 =	vand.u32 $0x7F, v7;
	v14 =	vand.u32 $0x7F, v8;
	v16 =	vsub.s32 v6, v0  }
0x132: {  	v5 =	vld [tilespmem:s0+$0x10070];
	v22 =	vand.u32 $0x7F, v12;
	v23 =	vand.u32 $0x7F, v20;
	v10 =	vand.u32 $0xFFFFFF80, v9  }
0x133: {  	v7 =	vld [tilespmem:s0+$0x14010];
	v18 =	vand.u32 $0xFFFFFF80, v13;
	vm0 =	vlt.u32 v9, $0x10000;
	v9 =	vsub.s32 v8, v0  }
0x134: {  	v12 =	vld [tilespmem:s0+$0x14060];
	v21 =	vand.u32 $0xFFFFFF80, v17;
	vm1 =	vlt.u32 v13, $0x10000;
	vm3 =	vlt.u32 v17, $0x10000  }
0x135: {  	v8 =	vld [tilespmem:s0+$0x14030];
	vm2 =	vlt.u32 v9, $0x10000;
	v9 =	vand.u32 $0xFFFFFF80, v9;
	v13 =	vor.u32 v19, v18  }
0x136: {  	v18 =	vand.u32 $0xFFFFFF80, v16;
	v19 =	vld [tilespmem:s0+$0x14000];
	v21 =	vor.u32 v22, v21;
	v15 =	vor.u32 v14, v9  }
0x137: {  	v22 =	vsub.s32 v20, v0;
	v20 =	vld [tilespmem:s0+$0x14020];
	v14 =	vsub.s32 v4, v0;
	v17 =	vsub.s32 v5, v0  }
0x138: {  	s20 =	simm.s32 $0x200;
	v9 =	vld [tilespmem:s0+$0x14070];
	vm4 =	vlt.u32 v22, $0x10000;
	v24 =	vand.u32 $0xFFFFFF80, v22;
	v22 =	vand.u32 $0xFFFFFF80, v17  }
.LBB2_12:
0x139: {  	p0 =	sne.s32 s20, $0x7E00;
	v25 =	vld [tilespmem:s0+$0x14050];
	v10 =	vor.u32 v11, v10;
	v11 =	vand.u32 $0xFFFFFF80, v14;
	s21 =	smov.u32 s20;
	s20 =	sadd.s32 $0x200, s20  }
0x13a: {  	v23 =	vor.u32 v23, v24;
	vm5 =	vlt.u32 v16, $0x10000;
	v6 =	vand.u32 $0x7F, v6;
	v26 =	vld [tilespmem:s0+$0x14040]  }
0x13b: {  	v4 =	vand.u32 $0x7F, v4;
	v6 =	vor.u32 v6, v18;
	[tilespmem:v15+s2+$0x0] =	vst.idx.msk vm2, v19;
	vm2 =	vlt.u32 v14, $0x10000  }
0x13c: {  	v5 =	vand.u32 $0x7F, v5;
	v4 =	vor.u32 v4, v11;
	[tilespmem:v21+s2+$0x0] =	vst.idx.msk vm3, v7;
	vm3 =	vlt.u32 v17, $0x10000  }
0x13d: {  	v5 =	vor.u32 v5, v22;
	[tilespmem:v13+s2+$0x0] =	vst.idx.msk vm1, v20  }
0x13e: {  	s0 =	sshra.s32 s21, $0x2;
	[tilespmem:v10+s2+$0x0] =	vst.idx.msk vm0, v8  }
0x13f: {  	[tilespmem:v23+s2+$0x0] =	vst.idx.msk vm4, v26  }
0x140: {  	[tilespmem:v6+s2+$0x0] =	vst.idx.msk vm5, v25  }
0x141: {  	[tilespmem:v4+s2+$0x0] =	vst.idx.msk vm2, v12  }
0x142: {  	[tilespmem:v5+s2+$0x0] =	vst.idx.msk vm3, v9  }
0x143: {  	v5 =	vld [tilespmem:s0+$0x10030]  }
0x144: {  	v8 =	vld [tilespmem:s0+$0x10020]  }
0x145: {  	v12 =	vld [tilespmem:s0+$0x10010]  }
0x146: {  	v9 =	vld [tilespmem:s0+$0x10000]  }
0x147: {  	v6 =	vld [tilespmem:s0+$0x10050]  }
0x148: {  	v4 =	vld [tilespmem:s0+$0x10060];
	v13 =	vsub.s32 v5, v0  }
0x149: {  	v11 =	vand.u32 $0x7F, v5;
	v7 =	vld [tilespmem:s0+$0x14010];
	v17 =	vsub.s32 v8, v0;
	v10 =	vand.u32 $0xFFFFFF80, v13  }
0x14a: {  	vm0 =	vlt.u32 v13, $0x10000;
	v5 =	vld [tilespmem:s0+$0x10070];
	v20 =	vsub.s32 v12, v0;
	v18 =	vand.u32 $0xFFFFFF80, v17  }
0x14b: {  	v19 =	vand.u32 $0x7F, v8;
	v22 =	vld [tilespmem:s0+$0x10040];
	v13 =	vsub.s32 v9, v0;
	v21 =	vand.u32 $0xFFFFFF80, v20  }
0x14c: {  	v9 =	vand.u32 $0x7F, v9;
	v8 =	vld [tilespmem:s0+$0x14030];
	vm2 =	vlt.u32 v13, $0x10000;
	v13 =	vand.u32 $0xFFFFFF80, v13  }
.Ltmp5:
0x14d: {  	v16 =	vsub.s32 v6, v0;
	v15 =	vor.u32 v9, v13;
	v14 =	vsub.s32 v4, v0;
	(pc) =	sbr.rel @p0 .LBB2_12-.Ltmp5, $4  }
0x14e: {  	vm1 =	vlt.u32 v17, $0x10000;
	v13 =	vor.u32 v19, v18;
	v18 =	vand.u32 $0xFFFFFF80, v16;
	v9 =	vld [tilespmem:s0+$0x14070]  }
0x14f: {  	vm3 =	vlt.u32 v20, $0x10000;
	v20 =	vand.u32 $0x7F, v12;
	v19 =	vld [tilespmem:s0+$0x14000];
	v17 =	vsub.s32 v5, v0  }
0x150: {  	v21 =	vor.u32 v20, v21;
	v12 =	vld [tilespmem:s0+$0x14060];
	v24 =	vsub.s32 v22, v0;
	v23 =	vand.u32 $0x7F, v22  }
0x151: {  	v22 =	vand.u32 $0xFFFFFF80, v17;
	v20 =	vld [tilespmem:s0+$0x14020];
	vm4 =	vlt.u32 v24, $0x10000;
	v24 =	vand.u32 $0xFFFFFF80, v24  }
0x152: {  	_ =	sdelay $0x2  }
0x153: {  	v10 =	vor.u32 v11, v10;
	v11 =	vand.u32 $0xFFFFFF80, v14  }
0x154: {  	v26 =	vld [tilespmem:s0+$0x14040];
	v23 =	vor.u32 v23, v24;
	vm5 =	vlt.u32 v16, $0x10000;
	v6 =	vand.u32 $0x7F, v6  }
0x155: {  	v25 =	vld [tilespmem:s0+$0x14050];
	v4 =	vand.u32 $0x7F, v4;
	v6 =	vor.u32 v6, v18;
	[tilespmem:v15+s2+$0x0] =	vst.idx.msk vm2, v19;
	vm2 =	vlt.u32 v14, $0x10000  }
0x156: {  	v5 =	vand.u32 $0x7F, v5;
	v4 =	vor.u32 v4, v11;
	[tilespmem:v21+s2+$0x0] =	vst.idx.msk vm3, v7;
	vm3 =	vlt.u32 v17, $0x10000  }
0x157: {  	v5 =	vor.u32 v5, v22;
	[tilespmem:v13+s2+$0x0] =	vst.idx.msk vm1, v20  }
0x158: {  	[tilespmem:v10+s2+$0x0] =	vst.idx.msk vm0, v8  }
0x159: {  	[tilespmem:v23+s2+$0x0] =	vst.idx.msk vm4, v26  }
0x15a: {  	[tilespmem:v6+s2+$0x0] =	vst.idx.msk vm5, v25  }
0x15b: {  	[tilespmem:v4+s2+$0x0] =	vst.idx.msk vm2, v12  }
0x15c: {  	[tilespmem:v5+s2+$0x0] =	vst.idx.msk vm3, v9  }
0x15d: {  	_ =	swait.ge [sflag:s29], $0x2000  }
0x15e: {  	[sflag:s29] =	ssyncset.done $0x0  }
0x15f: {  	[sflag:s29] =	ssyncadd.s32 $0xFFFFE000  }
0x160: {  	_ =	swait.ge [sflag:s30], $0x2000  }
0x161: {  	[sflag:s30] =	ssyncset.done $0x0  }
0x162: {  	s21 =	simm.s32 $0x0;
	[sflag:s30] =	ssyncadd.s32 $0xFFFFE000  }
0x163: {  	[tilespmem:s23], [sflag:$0x1] =	stream.linear.gather [hbm4b:s15+s21], $0x2000, $0x38;
	[tilespmem:$0x18080] =	vst v63  }
0x164: {  	s0 =	simm.s32 $0x0  }
0x165: {  	[tilespmem:s24], [sflag:$0x3] =	stream.linear.gather [hbm4b:s16+s21], $0x2000, $0x38;
	[tilespmem:$0x18080] =	vst v63  }
0x166: {  	v5 =	vld [tilespmem:s0+$0x12030]  }
0x167: {  	v7 =	vld [tilespmem:s0+$0x12020]  }
0x168: {  	v12 =	vld [tilespmem:s0+$0x12010]  }
0x169: {  	v8 =	vld [tilespmem:s0+$0x12000]  }
0x16a: {  	v6 =	vld [tilespmem:s0+$0x12050]  }
0x16b: {  	v20 =	vld [tilespmem:s0+$0x12040];
	_ =	sdelay $0x1  }
0x16c: {  	v9 =	vsub.s32 v5, v0  }
0x16d: {  	v13 =	vsub.s32 v7, v0;
	v11 =	vand.u32 $0x7F, v5;
	v17 =	vsub.s32 v12, v0  }
0x16e: {  	v4 =	vld [tilespmem:s0+$0x12060];
	v19 =	vand.u32 $0x7F, v7;
	v14 =	vand.u32 $0x7F, v8;
	v16 =	vsub.s32 v6, v0  }
0x16f: {  	v5 =	vld [tilespmem:s0+$0x12070];
	v22 =	vand.u32 $0x7F, v12;
	v23 =	vand.u32 $0x7F, v20;
	v10 =	vand.u32 $0xFFFFFF80, v9  }
0x170: {  	v7 =	vld [tilespmem:s0+$0x16010];
	v18 =	vand.u32 $0xFFFFFF80, v13;
	vm0 =	vlt.u32 v9, $0x10000;
	v9 =	vsub.s32 v8, v0  }
0x171: {  	v12 =	vld [tilespmem:s0+$0x16060];
	v21 =	vand.u32 $0xFFFFFF80, v17;
	vm1 =	vlt.u32 v13, $0x10000;
	vm3 =	vlt.u32 v17, $0x10000  }
0x172: {  	v8 =	vld [tilespmem:s0+$0x16030];
	vm2 =	vlt.u32 v9, $0x10000;
	v9 =	vand.u32 $0xFFFFFF80, v9;
	v13 =	vor.u32 v19, v18  }
0x173: {  	v18 =	vand.u32 $0xFFFFFF80, v16;
	v19 =	vld [tilespmem:s0+$0x16000];
	v21 =	vor.u32 v22, v21;
	v15 =	vor.u32 v14, v9  }
0x174: {  	v22 =	vsub.s32 v20, v0;
	v20 =	vld [tilespmem:s0+$0x16020];
	v14 =	vsub.s32 v4, v0;
	v17 =	vsub.s32 v5, v0  }
0x175: {  	s20 =	simm.s32 $0x200;
	v9 =	vld [tilespmem:s0+$0x16070];
	vm4 =	vlt.u32 v22, $0x10000;
	v24 =	vand.u32 $0xFFFFFF80, v22;
	v22 =	vand.u32 $0xFFFFFF80, v17  }
.LBB2_14:
0x176: {  	p0 =	sne.s32 s20, $0x7E00;
	v25 =	vld [tilespmem:s0+$0x16050];
	v10 =	vor.u32 v11, v10;
	v11 =	vand.u32 $0xFFFFFF80, v14;
	s21 =	smov.u32 s20;
	s20 =	sadd.s32 $0x200, s20  }
0x177: {  	v23 =	vor.u32 v23, v24;
	vm5 =	vlt.u32 v16, $0x10000;
	v6 =	vand.u32 $0x7F, v6;
	v26 =	vld [tilespmem:s0+$0x16040]  }
0x178: {  	v4 =	vand.u32 $0x7F, v4;
	v6 =	vor.u32 v6, v18;
	[tilespmem:v15+s2+$0x0] =	vst.idx.msk vm2, v19;
	vm2 =	vlt.u32 v14, $0x10000  }
0x179: {  	v5 =	vand.u32 $0x7F, v5;
	v4 =	vor.u32 v4, v11;
	[tilespmem:v21+s2+$0x0] =	vst.idx.msk vm3, v7;
	vm3 =	vlt.u32 v17, $0x10000  }
0x17a: {  	v5 =	vor.u32 v5, v22;
	[tilespmem:v13+s2+$0x0] =	vst.idx.msk vm1, v20  }
0x17b: {  	s0 =	sshra.s32 s21, $0x2;
	[tilespmem:v10+s2+$0x0] =	vst.idx.msk vm0, v8  }
0x17c: {  	[tilespmem:v23+s2+$0x0] =	vst.idx.msk vm4, v26  }
0x17d: {  	[tilespmem:v6+s2+$0x0] =	vst.idx.msk vm5, v25  }
0x17e: {  	[tilespmem:v4+s2+$0x0] =	vst.idx.msk vm2, v12  }
0x17f: {  	[tilespmem:v5+s2+$0x0] =	vst.idx.msk vm3, v9  }
0x180: {  	v5 =	vld [tilespmem:s0+$0x12030]  }
0x181: {  	v8 =	vld [tilespmem:s0+$0x12020]  }
0x182: {  	v12 =	vld [tilespmem:s0+$0x12010]  }
0x183: {  	v9 =	vld [tilespmem:s0+$0x12000]  }
0x184: {  	v6 =	vld [tilespmem:s0+$0x12050]  }
0x185: {  	v4 =	vld [tilespmem:s0+$0x12060];
	v13 =	vsub.s32 v5, v0  }
0x186: {  	v11 =	vand.u32 $0x7F, v5;
	v7 =	vld [tilespmem:s0+$0x16010];
	v17 =	vsub.s32 v8, v0;
	v10 =	vand.u32 $0xFFFFFF80, v13  }
0x187: {  	vm0 =	vlt.u32 v13, $0x10000;
	v5 =	vld [tilespmem:s0+$0x12070];
	v20 =	vsub.s32 v12, v0;
	v18 =	vand.u32 $0xFFFFFF80, v17  }
0x188: {  	v19 =	vand.u32 $0x7F, v8;
	v22 =	vld [tilespmem:s0+$0x12040];
	v13 =	vsub.s32 v9, v0;
	v21 =	vand.u32 $0xFFFFFF80, v20  }
0x189: {  	v9 =	vand.u32 $0x7F, v9;
	v8 =	vld [tilespmem:s0+$0x16030];
	vm2 =	vlt.u32 v13, $0x10000;
	v13 =	vand.u32 $0xFFFFFF80, v13  }
.Ltmp6:
0x18a: {  	v16 =	vsub.s32 v6, v0;
	v15 =	vor.u32 v9, v13;
	v14 =	vsub.s32 v4, v0;
	(pc) =	sbr.rel @p0 .LBB2_14-.Ltmp6, $4  }
0x18b: {  	vm1 =	vlt.u32 v17, $0x10000;
	v13 =	vor.u32 v19, v18;
	v18 =	vand.u32 $0xFFFFFF80, v16;
	v9 =	vld [tilespmem:s0+$0x16070]  }
0x18c: {  	vm3 =	vlt.u32 v20, $0x10000;
	v20 =	vand.u32 $0x7F, v12;
	v19 =	vld [tilespmem:s0+$0x16000];
	v17 =	vsub.s32 v5, v0  }
0x18d: {  	v21 =	vor.u32 v20, v21;
	v12 =	vld [tilespmem:s0+$0x16060];
	v24 =	vsub.s32 v22, v0;
	v23 =	vand.u32 $0x7F, v22  }
0x18e: {  	v22 =	vand.u32 $0xFFFFFF80, v17;
	v20 =	vld [tilespmem:s0+$0x16020];
	vm4 =	vlt.u32 v24, $0x10000;
	v24 =	vand.u32 $0xFFFFFF80, v24  }
0x18f: {  	_ =	sdelay $0x2  }
0x190: {  	v10 =	vor.u32 v11, v10;
	v11 =	vand.u32 $0xFFFFFF80, v14  }
0x191: {  	v26 =	vld [tilespmem:s0+$0x16040];
	v23 =	vor.u32 v23, v24;
	vm5 =	vlt.u32 v16, $0x10000;
	v6 =	vand.u32 $0x7F, v6  }
0x192: {  	v25 =	vld [tilespmem:s0+$0x16050];
	v4 =	vand.u32 $0x7F, v4;
	v6 =	vor.u32 v6, v18;
	[tilespmem:v15+s2+$0x0] =	vst.idx.msk vm2, v19;
	vm2 =	vlt.u32 v14, $0x10000  }
0x193: {  	v5 =	vand.u32 $0x7F, v5;
	v4 =	vor.u32 v4, v11;
	[tilespmem:v21+s2+$0x0] =	vst.idx.msk vm3, v7;
	vm3 =	vlt.u32 v17, $0x10000  }
0x194: {  	v5 =	vor.u32 v5, v22;
	[tilespmem:v13+s2+$0x0] =	vst.idx.msk vm1, v20  }
0x195: {  	[tilespmem:v10+s2+$0x0] =	vst.idx.msk vm0, v8  }
0x196: {  	[tilespmem:v23+s2+$0x0] =	vst.idx.msk vm4, v26  }
0x197: {  	[tilespmem:v6+s2+$0x0] =	vst.idx.msk vm5, v25  }
0x198: {  	[tilespmem:v4+s2+$0x0] =	vst.idx.msk vm2, v12  }
0x199: {  	[tilespmem:v5+s2+$0x0] =	vst.idx.msk vm3, v9  }
0x19a: {  	_ =	swait.ge [sflag:s19], $0x2000  }
0x19b: {  	[sflag:s19] =	ssyncset.done $0x0  }
0x19c: {  	[sflag:s19] =	ssyncadd.s32 $0xFFFFE000  }
0x19d: {  	_ =	swait.ge [sflag:s25], $0x2000  }
0x19e: {  	[sflag:s25] =	ssyncset.done $0x0  }
0x19f: {  	s21 =	simm.s32 $0x0;
	[sflag:s25] =	ssyncadd.s32 $0xFFFFE000  }
0x1a0: {  	[tilespmem:s26], [sflag:$0x2] =	stream.linear.gather [hbm4b:s17+s21], $0x2000, $0x38;
	[tilespmem:$0x18080] =	vst v63  }
0x1a1: {  	s0 =	simm.s32 $0x0  }
0x1a2: {  	[tilespmem:s28], [sflag:$0x4] =	stream.linear.gather [hbm4b:s18+s21], $0x2000, $0x38;
	[tilespmem:$0x18080] =	vst v63  }
0x1a3: {  	v5 =	vld [tilespmem:s0+$0x10030]  }
0x1a4: {  	v7 =	vld [tilespmem:s0+$0x10020]  }
0x1a5: {  	v12 =	vld [tilespmem:s0+$0x10010]  }
0x1a6: {  	v8 =	vld [tilespmem:s0+$0x10000]  }
0x1a7: {  	v6 =	vld [tilespmem:s0+$0x10050]  }
0x1a8: {  	v20 =	vld [tilespmem:s0+$0x10040];
	_ =	sdelay $0x1  }
0x1a9: {  	v9 =	vsub.s32 v5, v0  }
0x1aa: {  	v13 =	vsub.s32 v7, v0;
	v11 =	vand.u32 $0x7F, v5;
	v17 =	vsub.s32 v12, v0  }
0x1ab: {  	v4 =	vld [tilespmem:s0+$0x10060];
	v19 =	vand.u32 $0x7F, v7;
	v14 =	vand.u32 $0x7F, v8;
	v16 =	vsub.s32 v6, v0  }
0x1ac: {  	v5 =	vld [tilespmem:s0+$0x10070];
	v22 =	vand.u32 $0x7F, v12;
	v23 =	vand.u32 $0x7F, v20;
	v10 =	vand.u32 $0xFFFFFF80, v9  }
0x1ad: {  	v7 =	vld [tilespmem:s0+$0x14010];
	v18 =	vand.u32 $0xFFFFFF80, v13;
	vm0 =	vlt.u32 v9, $0x10000;
	v9 =	vsub.s32 v8, v0  }
0x1ae: {  	v12 =	vld [tilespmem:s0+$0x14060];
	v21 =	vand.u32 $0xFFFFFF80, v17;
	vm1 =	vlt.u32 v13, $0x10000;
	vm3 =	vlt.u32 v17, $0x10000  }
0x1af: {  	v8 =	vld [tilespmem:s0+$0x14030];
	vm2 =	vlt.u32 v9, $0x10000;
	v9 =	vand.u32 $0xFFFFFF80, v9;
	v13 =	vor.u32 v19, v18  }
0x1b0: {  	v18 =	vand.u32 $0xFFFFFF80, v16;
	v19 =	vld [tilespmem:s0+$0x14000];
	v21 =	vor.u32 v22, v21;
	v15 =	vor.u32 v14, v9  }
0x1b1: {  	v22 =	vsub.s32 v20, v0;
	v20 =	vld [tilespmem:s0+$0x14020];
	v14 =	vsub.s32 v4, v0;
	v17 =	vsub.s32 v5, v0  }
0x1b2: {  	s20 =	simm.s32 $0x200;
	v9 =	vld [tilespmem:s0+$0x14070];
	vm4 =	vlt.u32 v22, $0x10000;
	v24 =	vand.u32 $0xFFFFFF80, v22;
	v22 =	vand.u32 $0xFFFFFF80, v17  }
.LBB2_16:
0x1b3: {  	p0 =	sne.s32 s20, $0x7E00;
	v25 =	vld [tilespmem:s0+$0x14050];
	v10 =	vor.u32 v11, v10;
	v11 =	vand.u32 $0xFFFFFF80, v14;
	s21 =	smov.u32 s20;
	s20 =	sadd.s32 $0x200, s20  }
0x1b4: {  	v23 =	vor.u32 v23, v24;
	vm5 =	vlt.u32 v16, $0x10000;
	v6 =	vand.u32 $0x7F, v6;
	v26 =	vld [tilespmem:s0+$0x14040]  }
0x1b5: {  	v4 =	vand.u32 $0x7F, v4;
	v6 =	vor.u32 v6, v18;
	[tilespmem:v15+s2+$0x0] =	vst.idx.msk vm2, v19;
	vm2 =	vlt.u32 v14, $0x10000  }
0x1b6: {  	v5 =	vand.u32 $0x7F, v5;
	v4 =	vor.u32 v4, v11;
	[tilespmem:v21+s2+$0x0] =	vst.idx.msk vm3, v7;
	vm3 =	vlt.u32 v17, $0x10000  }
0x1b7: {  	v5 =	vor.u32 v5, v22;
	[tilespmem:v13+s2+$0x0] =	vst.idx.msk vm1, v20  }
0x1b8: {  	s0 =	sshra.s32 s21, $0x2;
	[tilespmem:v10+s2+$0x0] =	vst.idx.msk vm0, v8  }
0x1b9: {  	[tilespmem:v23+s2+$0x0] =	vst.idx.msk vm4, v26  }
0x1ba: {  	[tilespmem:v6+s2+$0x0] =	vst.idx.msk vm5, v25  }
0x1bb: {  	[tilespmem:v4+s2+$0x0] =	vst.idx.msk vm2, v12  }
0x1bc: {  	[tilespmem:v5+s2+$0x0] =	vst.idx.msk vm3, v9  }
0x1bd: {  	v5 =	vld [tilespmem:s0+$0x10030]  }
0x1be: {  	v8 =	vld [tilespmem:s0+$0x10020]  }
0x1bf: {  	v12 =	vld [tilespmem:s0+$0x10010]  }
0x1c0: {  	v9 =	vld [tilespmem:s0+$0x10000]  }
0x1c1: {  	v6 =	vld [tilespmem:s0+$0x10050]  }
0x1c2: {  	v4 =	vld [tilespmem:s0+$0x10060];
	v13 =	vsub.s32 v5, v0  }
0x1c3: {  	v11 =	vand.u32 $0x7F, v5;
	v7 =	vld [tilespmem:s0+$0x14010];
	v17 =	vsub.s32 v8, v0;
	v10 =	vand.u32 $0xFFFFFF80, v13  }
0x1c4: {  	vm0 =	vlt.u32 v13, $0x10000;
	v5 =	vld [tilespmem:s0+$0x10070];
	v20 =	vsub.s32 v12, v0;
	v18 =	vand.u32 $0xFFFFFF80, v17  }
0x1c5: {  	v19 =	vand.u32 $0x7F, v8;
	v22 =	vld [tilespmem:s0+$0x10040];
	v13 =	vsub.s32 v9, v0;
	v21 =	vand.u32 $0xFFFFFF80, v20  }
0x1c6: {  	v9 =	vand.u32 $0x7F, v9;
	v8 =	vld [tilespmem:s0+$0x14030];
	vm2 =	vlt.u32 v13, $0x10000;
	v13 =	vand.u32 $0xFFFFFF80, v13  }
.Ltmp7:
0x1c7: {  	v16 =	vsub.s32 v6, v0;
	v15 =	vor.u32 v9, v13;
	v14 =	vsub.s32 v4, v0;
	(pc) =	sbr.rel @p0 .LBB2_16-.Ltmp7, $4  }
0x1c8: {  	vm1 =	vlt.u32 v17, $0x10000;
	v13 =	vor.u32 v19, v18;
	v18 =	vand.u32 $0xFFFFFF80, v16;
	v9 =	vld [tilespmem:s0+$0x14070]  }
0x1c9: {  	vm3 =	vlt.u32 v20, $0x10000;
	v20 =	vand.u32 $0x7F, v12;
	v19 =	vld [tilespmem:s0+$0x14000];
	v17 =	vsub.s32 v5, v0  }
0x1ca: {  	v21 =	vor.u32 v20, v21;
	v12 =	vld [tilespmem:s0+$0x14060];
	v24 =	vsub.s32 v22, v0;
	v23 =	vand.u32 $0x7F, v22  }
0x1cb: {  	v22 =	vand.u32 $0xFFFFFF80, v17;
	v20 =	vld [tilespmem:s0+$0x14020];
	vm4 =	vlt.u32 v24, $0x10000;
	v24 =	vand.u32 $0xFFFFFF80, v24  }
0x1cc: {  	_ =	sdelay $0x2  }
0x1cd: {  	v10 =	vor.u32 v11, v10;
	v11 =	vand.u32 $0xFFFFFF80, v14  }
0x1ce: {  	v26 =	vld [tilespmem:s0+$0x14040];
	v23 =	vor.u32 v23, v24;
	vm5 =	vlt.u32 v16, $0x10000;
	v6 =	vand.u32 $0x7F, v6  }
0x1cf: {  	v25 =	vld [tilespmem:s0+$0x14050];
	v4 =	vand.u32 $0x7F, v4;
	v6 =	vor.u32 v6, v18;
	[tilespmem:v15+s2+$0x0] =	vst.idx.msk vm2, v19;
	vm2 =	vlt.u32 v14, $0x10000  }
0x1d0: {  	v5 =	vand.u32 $0x7F, v5;
	v4 =	vor.u32 v4, v11;
	[tilespmem:v21+s2+$0x0] =	vst.idx.msk vm3, v7;
	vm3 =	vlt.u32 v17, $0x10000  }
0x1d1: {  	v5 =	vor.u32 v5, v22;
	[tilespmem:v13+s2+$0x0] =	vst.idx.msk vm1, v20  }
0x1d2: {  	[tilespmem:v10+s2+$0x0] =	vst.idx.msk vm0, v8  }
0x1d3: {  	[tilespmem:v23+s2+$0x0] =	vst.idx.msk vm4, v26  }
0x1d4: {  	[tilespmem:v6+s2+$0x0] =	vst.idx.msk vm5, v25  }
0x1d5: {  	[tilespmem:v4+s2+$0x0] =	vst.idx.msk vm2, v12  }
0x1d6: {  	[tilespmem:v5+s2+$0x0] =	vst.idx.msk vm3, v9  }
0x1d7: {  	_ =	swait.ge [sflag:s29], $0x2000  }
0x1d8: {  	[sflag:s29] =	ssyncset.done $0x0  }
0x1d9: {  	[sflag:s29] =	ssyncadd.s32 $0xFFFFE000  }
0x1da: {  	_ =	swait.ge [sflag:s30], $0x2000  }
0x1db: {  	[sflag:s30] =	ssyncset.done $0x0  }
0x1dc: {  	s0 =	simm.s32 $0x0;
	[sflag:s30] =	ssyncadd.s32 $0xFFFFE000  }
0x1dd: {  	v5 =	vld [tilespmem:s0+$0x12030]  }
0x1de: {  	v7 =	vld [tilespmem:s0+$0x12020]  }
0x1df: {  	v12 =	vld [tilespmem:s0+$0x12010]  }
0x1e0: {  	v8 =	vld [tilespmem:s0+$0x12000]  }
0x1e1: {  	v6 =	vld [tilespmem:s0+$0x12050]  }
0x1e2: {  	v20 =	vld [tilespmem:s0+$0x12040];
	_ =	sdelay $0x1  }
0x1e3: {  	v9 =	vsub.s32 v5, v0  }
0x1e4: {  	v13 =	vsub.s32 v7, v0;
	v11 =	vand.u32 $0x7F, v5;
	v17 =	vsub.s32 v12, v0  }
0x1e5: {  	v4 =	vld [tilespmem:s0+$0x12060];
	v19 =	vand.u32 $0x7F, v7;
	v14 =	vand.u32 $0x7F, v8;
	v16 =	vsub.s32 v6, v0  }
0x1e6: {  	v5 =	vld [tilespmem:s0+$0x12070];
	v22 =	vand.u32 $0x7F, v12;
	v23 =	vand.u32 $0x7F, v20;
	v10 =	vand.u32 $0xFFFFFF80, v9  }
0x1e7: {  	v7 =	vld [tilespmem:s0+$0x16010];
	v18 =	vand.u32 $0xFFFFFF80, v13;
	vm0 =	vlt.u32 v9, $0x10000;
	v9 =	vsub.s32 v8, v0  }
0x1e8: {  	v12 =	vld [tilespmem:s0+$0x16060];
	v21 =	vand.u32 $0xFFFFFF80, v17;
	vm1 =	vlt.u32 v13, $0x10000;
	vm3 =	vlt.u32 v17, $0x10000  }
0x1e9: {  	v8 =	vld [tilespmem:s0+$0x16030];
	vm2 =	vlt.u32 v9, $0x10000;
	v9 =	vand.u32 $0xFFFFFF80, v9;
	v13 =	vor.u32 v19, v18  }
0x1ea: {  	v18 =	vand.u32 $0xFFFFFF80, v16;
	v19 =	vld [tilespmem:s0+$0x16000];
	v21 =	vor.u32 v22, v21;
	v15 =	vor.u32 v14, v9  }
0x1eb: {  	v22 =	vsub.s32 v20, v0;
	v20 =	vld [tilespmem:s0+$0x16020];
	v14 =	vsub.s32 v4, v0;
	v17 =	vsub.s32 v5, v0  }
0x1ec: {  	s20 =	simm.s32 $0x200;
	v9 =	vld [tilespmem:s0+$0x16070];
	vm4 =	vlt.u32 v22, $0x10000;
	v24 =	vand.u32 $0xFFFFFF80, v22;
	v22 =	vand.u32 $0xFFFFFF80, v17  }
.LBB2_18:
0x1ed: {  	p0 =	sne.s32 s20, $0x7E00;
	v25 =	vld [tilespmem:s0+$0x16050];
	v10 =	vor.u32 v11, v10;
	v11 =	vand.u32 $0xFFFFFF80, v14;
	s21 =	smov.u32 s20;
	s20 =	sadd.s32 $0x200, s20  }
0x1ee: {  	v23 =	vor.u32 v23, v24;
	vm5 =	vlt.u32 v16, $0x10000;
	v6 =	vand.u32 $0x7F, v6;
	v26 =	vld [tilespmem:s0+$0x16040]  }
0x1ef: {  	v4 =	vand.u32 $0x7F, v4;
	v6 =	vor.u32 v6, v18;
	[tilespmem:v15+s2+$0x0] =	vst.idx.msk vm2, v19;
	vm2 =	vlt.u32 v14, $0x10000  }
0x1f0: {  	v5 =	vand.u32 $0x7F, v5;
	v4 =	vor.u32 v4, v11;
	[tilespmem:v21+s2+$0x0] =	vst.idx.msk vm3, v7;
	vm3 =	vlt.u32 v17, $0x10000  }
0x1f1: {  	v5 =	vor.u32 v5, v22;
	[tilespmem:v13+s2+$0x0] =	vst.idx.msk vm1, v20  }
0x1f2: {  	s0 =	sshra.s32 s21, $0x2;
	[tilespmem:v10+s2+$0x0] =	vst.idx.msk vm0, v8  }
0x1f3: {  	[tilespmem:v23+s2+$0x0] =	vst.idx.msk vm4, v26  }
0x1f4: {  	[tilespmem:v6+s2+$0x0] =	vst.idx.msk vm5, v25  }
0x1f5: {  	[tilespmem:v4+s2+$0x0] =	vst.idx.msk vm2, v12  }
0x1f6: {  	[tilespmem:v5+s2+$0x0] =	vst.idx.msk vm3, v9  }
0x1f7: {  	v5 =	vld [tilespmem:s0+$0x12030]  }
0x1f8: {  	v8 =	vld [tilespmem:s0+$0x12020]  }
0x1f9: {  	v12 =	vld [tilespmem:s0+$0x12010]  }
0x1fa: {  	v9 =	vld [tilespmem:s0+$0x12000]  }
0x1fb: {  	v6 =	vld [tilespmem:s0+$0x12050]  }
0x1fc: {  	v4 =	vld [tilespmem:s0+$0x12060];
	v13 =	vsub.s32 v5, v0  }
0x1fd: {  	v11 =	vand.u32 $0x7F, v5;
	v7 =	vld [tilespmem:s0+$0x16010];
	v17 =	vsub.s32 v8, v0;
	v10 =	vand.u32 $0xFFFFFF80, v13  }
0x1fe: {  	vm0 =	vlt.u32 v13, $0x10000;
	v5 =	vld [tilespmem:s0+$0x12070];
	v20 =	vsub.s32 v12, v0;
	v18 =	vand.u32 $0xFFFFFF80, v17  }
0x1ff: {  	v19 =	vand.u32 $0x7F, v8;
	v22 =	vld [tilespmem:s0+$0x12040];
	v13 =	vsub.s32 v9, v0;
	v21 =	vand.u32 $0xFFFFFF80, v20  }
0x200: {  	v9 =	vand.u32 $0x7F, v9;
	v8 =	vld [tilespmem:s0+$0x16030];
	vm2 =	vlt.u32 v13, $0x10000;
	v13 =	vand.u32 $0xFFFFFF80, v13  }
.Ltmp8:
0x201: {  	v16 =	vsub.s32 v6, v0;
	v15 =	vor.u32 v9, v13;
	v14 =	vsub.s32 v4, v0;
	(pc) =	sbr.rel @p0 .LBB2_18-.Ltmp8, $4  }
0x202: {  	vm1 =	vlt.u32 v17, $0x10000;
	v13 =	vor.u32 v19, v18;
	v18 =	vand.u32 $0xFFFFFF80, v16;
	v9 =	vld [tilespmem:s0+$0x16070]  }
0x203: {  	vm3 =	vlt.u32 v20, $0x10000;
	v20 =	vand.u32 $0x7F, v12;
	v19 =	vld [tilespmem:s0+$0x16000];
	v17 =	vsub.s32 v5, v0  }
0x204: {  	v21 =	vor.u32 v20, v21;
	v12 =	vld [tilespmem:s0+$0x16060];
	v24 =	vsub.s32 v22, v0;
	v23 =	vand.u32 $0x7F, v22  }
0x205: {  	v22 =	vand.u32 $0xFFFFFF80, v17;
	v20 =	vld [tilespmem:s0+$0x16020];
	vm4 =	vlt.u32 v24, $0x10000;
	v24 =	vand.u32 $0xFFFFFF80, v24  }
0x206: {  	_ =	sdelay $0x2  }
0x207: {  	v10 =	vor.u32 v11, v10;
	v63 =	vand.u32 $0xFFFFFF80, v14  }
0x208: {  	v26 =	vld [tilespmem:s0+$0x16040];
	v23 =	vor.u32 v23, v24;
	vm5 =	vlt.u32 v16, $0x10000;
	v6 =	vand.u32 $0x7F, v6  }
0x209: {  	v25 =	vld [tilespmem:s0+$0x16050];
	vm14 =	vlt.u32 v14, $0x10000;
	v4 =	vand.u32 $0x7F, v4;
	v6 =	vor.u32 v6, v18;
	[tilespmem:v15+s2+$0x0] =	vst.idx.msk vm2, v19  }
0x20a: {  	vm15 =	vlt.u32 v17, $0x10000;
	v5 =	vand.u32 $0x7F, v5;
	v4 =	vor.u32 v4, v63;
	[tilespmem:v21+s2+$0x0] =	vst.idx.msk vm3, v7  }
0x20b: {  	v5 =	vor.u32 v5, v22;
	[tilespmem:v13+s2+$0x0] =	vst.idx.msk vm1, v20  }
0x20c: {  	[tilespmem:v10+s2+$0x0] =	vst.idx.msk vm0, v8  }
0x20d: {  	[tilespmem:v23+s2+$0x0] =	vst.idx.msk vm4, v26  }
0x20e: {  	[tilespmem:v6+s2+$0x0] =	vst.idx.msk vm5, v25  }
0x20f: {  	[tilespmem:v4+s2+$0x0] =	vst.idx.msk vm14, v12  }
0x210: {  	s21 =	simm.s32 $0x0;
	s20 =	rddreg [dreg:$0x3];
	[tilespmem:v5+s2+$0x0] =	vst.idx.msk vm15, v9  }
0x211: {  	[hbm4b:s20+s21] =	stream.linear.scatter [tilespmem:s21], [sflag:$0x5], $0x10000, $0x38;
	[tilespmem:$0x18080] =	vst v63  }
0x212: {  	_ =	swait.ge [sflag:s31], $0x10000  }
0x213: {  	[sflag:s31] =	ssyncset.done $0x0  }
0x214: {  	s0 =	simm.s32 $0x0;
	s20 =	simm.s32 $0x200;
	[sflag:s31] =	ssyncadd.s32 $0xFFFF0000  }
.LBB2_20:
0x215: {  	p0 =	sne.s32 s20, $0x3FE00;
	[tilespmem:s0+$0x70] =	vst v3  }
0x216: {  	[tilespmem:s0+$0x0] =	vst v3  }
0x217: {  	[tilespmem:s0+$0x10] =	vst v3  }
.Ltmp9:
0x218: {  	[tilespmem:s0+$0x20] =	vst v3;
	(pc) =	sbr.rel @p0 .LBB2_20-.Ltmp9, $4  }
0x219: {  	[tilespmem:s0+$0x30] =	vst v3  }
0x21a: {  	[tilespmem:s0+$0x40] =	vst v3  }
0x21b: {  	[tilespmem:s0+$0x50] =	vst v3  }
0x21c: {  	[tilespmem:s0+$0x60] =	vst v3;
	s0 =	sshra.s32 s20, $0x2;
	s20 =	sadd.s32 $0x200, s20  }
0x21d: {  	[tilespmem:s0+$0x70] =	vst v3  }
0x21e: {  	[tilespmem:s0+$0x0] =	vst v3  }
0x21f: {  	[tilespmem:s0+$0x10] =	vst v3  }
0x220: {  	[tilespmem:s0+$0x20] =	vst v3  }
0x221: {  	[tilespmem:s0+$0x30] =	vst v3  }
0x222: {  	[tilespmem:s0+$0x40] =	vst v3  }
0x223: {  	[tilespmem:s0+$0x50] =	vst v3  }
0x224: {  	[tilespmem:s0+$0x60] =	vst v3;
	s21 =	simm.s32 $0x0  }
0x225: {  	[tilespmem:s23], [sflag:$0x1] =	stream.linear.gather [hbm4b:s3+s21], $0x2000, $0x38;
	[tilespmem:$0x18080] =	vst v63  }
0x226: {  	_ = 	snop  }
0x227: {  	[tilespmem:s24], [sflag:$0x3] =	stream.linear.gather [hbm4b:s4+s21], $0x2000, $0x38;
	[tilespmem:$0x18080] =	vst v63  }
0x228: {  	_ =	swait.ge [sflag:s19], $0x2000  }
0x229: {  	[sflag:s19] =	ssyncset.done $0x0  }
0x22a: {  	[sflag:s19] =	ssyncadd.s32 $0xFFFFE000  }
0x22b: {  	_ =	swait.ge [sflag:s25], $0x2000  }
0x22c: {  	[sflag:s25] =	ssyncset.done $0x0  }
0x22d: {  	[sflag:s25] =	ssyncadd.s32 $0xFFFFE000  }
0x22e: {  	[tilespmem:s26], [sflag:$0x2] =	stream.linear.gather [hbm4b:s5+s21], $0x2000, $0x38;
	[tilespmem:$0x18080] =	vst v63  }
0x22f: {  	s0 =	simm.s32 $0x0  }
0x230: {  	[tilespmem:s28], [sflag:$0x4] =	stream.linear.gather [hbm4b:s6+s21], $0x2000, $0x38;
	[tilespmem:$0x18080] =	vst v63  }
0x231: {  	v5 =	vld [tilespmem:s0+$0x10030]  }
0x232: {  	v7 =	vld [tilespmem:s0+$0x10020]  }
0x233: {  	v12 =	vld [tilespmem:s0+$0x10010]  }
0x234: {  	v8 =	vld [tilespmem:s0+$0x10000]  }
0x235: {  	v6 =	vld [tilespmem:s0+$0x10050]  }
0x236: {  	v20 =	vld [tilespmem:s0+$0x10040];
	_ =	sdelay $0x1  }
0x237: {  	v9 =	vsub.s32 v5, v1  }
0x238: {  	v13 =	vsub.s32 v7, v1;
	v11 =	vand.u32 $0x7F, v5;
	v17 =	vsub.s32 v12, v1  }
0x239: {  	v4 =	vld [tilespmem:s0+$0x10060];
	v19 =	vand.u32 $0x7F, v7;
	v14 =	vand.u32 $0x7F, v8;
	v16 =	vsub.s32 v6, v1  }
0x23a: {  	v5 =	vld [tilespmem:s0+$0x10070];
	v22 =	vand.u32 $0x7F, v12;
	v23 =	vand.u32 $0x7F, v20;
	v10 =	vand.u32 $0xFFFFFF80, v9  }
0x23b: {  	v7 =	vld [tilespmem:s0+$0x14010];
	v18 =	vand.u32 $0xFFFFFF80, v13;
	vm0 =	vlt.u32 v9, $0x10000;
	v9 =	vsub.s32 v8, v1  }
0x23c: {  	v12 =	vld [tilespmem:s0+$0x14060];
	v21 =	vand.u32 $0xFFFFFF80, v17;
	vm1 =	vlt.u32 v13, $0x10000;
	vm3 =	vlt.u32 v17, $0x10000  }
0x23d: {  	v8 =	vld [tilespmem:s0+$0x14030];
	vm2 =	vlt.u32 v9, $0x10000;
	v9 =	vand.u32 $0xFFFFFF80, v9;
	v13 =	vor.u32 v19, v18  }
0x23e: {  	v18 =	vand.u32 $0xFFFFFF80, v16;
	v19 =	vld [tilespmem:s0+$0x14000];
	v21 =	vor.u32 v22, v21;
	v15 =	vor.u32 v14, v9  }
0x23f: {  	v22 =	vsub.s32 v20, v1;
	v20 =	vld [tilespmem:s0+$0x14020];
	v14 =	vsub.s32 v4, v1;
	v17 =	vsub.s32 v5, v1  }
0x240: {  	s20 =	simm.s32 $0x200;
	v9 =	vld [tilespmem:s0+$0x14070];
	vm4 =	vlt.u32 v22, $0x10000;
	v24 =	vand.u32 $0xFFFFFF80, v22;
	v22 =	vand.u32 $0xFFFFFF80, v17  }
.LBB2_22:
0x241: {  	p0 =	sne.s32 s20, $0x7E00;
	v25 =	vld [tilespmem:s0+$0x14050];
	v10 =	vor.u32 v11, v10;
	v11 =	vand.u32 $0xFFFFFF80, v14;
	s21 =	smov.u32 s20;
	s20 =	sadd.s32 $0x200, s20  }
0x242: {  	v23 =	vor.u32 v23, v24;
	vm5 =	vlt.u32 v16, $0x10000;
	v6 =	vand.u32 $0x7F, v6;
	v26 =	vld [tilespmem:s0+$0x14040]  }
0x243: {  	v4 =	vand.u32 $0x7F, v4;
	v6 =	vor.u32 v6, v18;
	[tilespmem:v15+s2+$0x0] =	vst.idx.msk vm2, v19;
	vm2 =	vlt.u32 v14, $0x10000  }
0x244: {  	v5 =	vand.u32 $0x7F, v5;
	v4 =	vor.u32 v4, v11;
	[tilespmem:v21+s2+$0x0] =	vst.idx.msk vm3, v7;
	vm3 =	vlt.u32 v17, $0x10000  }
0x245: {  	v5 =	vor.u32 v5, v22;
	[tilespmem:v13+s2+$0x0] =	vst.idx.msk vm1, v20  }
0x246: {  	s0 =	sshra.s32 s21, $0x2;
	[tilespmem:v10+s2+$0x0] =	vst.idx.msk vm0, v8  }
0x247: {  	[tilespmem:v23+s2+$0x0] =	vst.idx.msk vm4, v26  }
0x248: {  	[tilespmem:v6+s2+$0x0] =	vst.idx.msk vm5, v25  }
0x249: {  	[tilespmem:v4+s2+$0x0] =	vst.idx.msk vm2, v12  }
0x24a: {  	[tilespmem:v5+s2+$0x0] =	vst.idx.msk vm3, v9  }
0x24b: {  	v5 =	vld [tilespmem:s0+$0x10030]  }
0x24c: {  	v8 =	vld [tilespmem:s0+$0x10020]  }
0x24d: {  	v12 =	vld [tilespmem:s0+$0x10010]  }
0x24e: {  	v9 =	vld [tilespmem:s0+$0x10000]  }
0x24f: {  	v6 =	vld [tilespmem:s0+$0x10050]  }
0x250: {  	v4 =	vld [tilespmem:s0+$0x10060];
	v13 =	vsub.s32 v5, v1  }
0x251: {  	v11 =	vand.u32 $0x7F, v5;
	v7 =	vld [tilespmem:s0+$0x14010];
	v17 =	vsub.s32 v8, v1;
	v10 =	vand.u32 $0xFFFFFF80, v13  }
0x252: {  	vm0 =	vlt.u32 v13, $0x10000;
	v5 =	vld [tilespmem:s0+$0x10070];
	v20 =	vsub.s32 v12, v1;
	v18 =	vand.u32 $0xFFFFFF80, v17  }
0x253: {  	v19 =	vand.u32 $0x7F, v8;
	v22 =	vld [tilespmem:s0+$0x10040];
	v13 =	vsub.s32 v9, v1;
	v21 =	vand.u32 $0xFFFFFF80, v20  }
0x254: {  	v9 =	vand.u32 $0x7F, v9;
	v8 =	vld [tilespmem:s0+$0x14030];
	vm2 =	vlt.u32 v13, $0x10000;
	v13 =	vand.u32 $0xFFFFFF80, v13  }
.Ltmp10:
0x255: {  	v16 =	vsub.s32 v6, v1;
	v15 =	vor.u32 v9, v13;
	v14 =	vsub.s32 v4, v1;
	(pc) =	sbr.rel @p0 .LBB2_22-.Ltmp10, $4  }
0x256: {  	vm1 =	vlt.u32 v17, $0x10000;
	v13 =	vor.u32 v19, v18;
	v18 =	vand.u32 $0xFFFFFF80, v16;
	v9 =	vld [tilespmem:s0+$0x14070]  }
0x257: {  	vm3 =	vlt.u32 v20, $0x10000;
	v20 =	vand.u32 $0x7F, v12;
	v19 =	vld [tilespmem:s0+$0x14000];
	v17 =	vsub.s32 v5, v1  }
0x258: {  	v21 =	vor.u32 v20, v21;
	v12 =	vld [tilespmem:s0+$0x14060];
	v24 =	vsub.s32 v22, v1;
	v23 =	vand.u32 $0x7F, v22  }
0x259: {  	v22 =	vand.u32 $0xFFFFFF80, v17;
	v20 =	vld [tilespmem:s0+$0x14020];
	vm4 =	vlt.u32 v24, $0x10000;
	v24 =	vand.u32 $0xFFFFFF80, v24  }
0x25a: {  	_ =	sdelay $0x2  }
0x25b: {  	v10 =	vor.u32 v11, v10;
	v11 =	vand.u32 $0xFFFFFF80, v14  }
0x25c: {  	v26 =	vld [tilespmem:s0+$0x14040];
	v23 =	vor.u32 v23, v24;
	vm5 =	vlt.u32 v16, $0x10000;
	v6 =	vand.u32 $0x7F, v6  }
0x25d: {  	v25 =	vld [tilespmem:s0+$0x14050];
	v4 =	vand.u32 $0x7F, v4;
	v6 =	vor.u32 v6, v18;
	[tilespmem:v15+s2+$0x0] =	vst.idx.msk vm2, v19;
	vm2 =	vlt.u32 v14, $0x10000  }
0x25e: {  	v5 =	vand.u32 $0x7F, v5;
	v4 =	vor.u32 v4, v11;
	[tilespmem:v21+s2+$0x0] =	vst.idx.msk vm3, v7;
	vm3 =	vlt.u32 v17, $0x10000  }
0x25f: {  	v5 =	vor.u32 v5, v22;
	[tilespmem:v13+s2+$0x0] =	vst.idx.msk vm1, v20  }
0x260: {  	[tilespmem:v10+s2+$0x0] =	vst.idx.msk vm0, v8  }
0x261: {  	[tilespmem:v23+s2+$0x0] =	vst.idx.msk vm4, v26  }
0x262: {  	[tilespmem:v6+s2+$0x0] =	vst.idx.msk vm5, v25  }
0x263: {  	[tilespmem:v4+s2+$0x0] =	vst.idx.msk vm2, v12  }
0x264: {  	[tilespmem:v5+s2+$0x0] =	vst.idx.msk vm3, v9  }
0x265: {  	_ =	swait.ge [sflag:s29], $0x2000  }
0x266: {  	[sflag:s29] =	ssyncset.done $0x0  }
0x267: {  	[sflag:s29] =	ssyncadd.s32 $0xFFFFE000  }
0x268: {  	_ =	swait.ge [sflag:s30], $0x2000  }
0x269: {  	[sflag:s30] =	ssyncset.done $0x0  }
0x26a: {  	s21 =	simm.s32 $0x0;
	[sflag:s30] =	ssyncadd.s32 $0xFFFFE000  }
0x26b: {  	[tilespmem:s23], [sflag:$0x1] =	stream.linear.gather [hbm4b:s7+s21], $0x2000, $0x38;
	[tilespmem:$0x18080] =	vst v63  }
0x26c: {  	s0 =	simm.s32 $0x0  }
0x26d: {  	[tilespmem:s24], [sflag:$0x3] =	stream.linear.gather [hbm4b:s8+s21], $0x2000, $0x38;
	[tilespmem:$0x18080] =	vst v63  }
0x26e: {  	v5 =	vld [tilespmem:s0+$0x12030]  }
0x26f: {  	v7 =	vld [tilespmem:s0+$0x12020]  }
0x270: {  	v12 =	vld [tilespmem:s0+$0x12010]  }
0x271: {  	v8 =	vld [tilespmem:s0+$0x12000]  }
0x272: {  	v6 =	vld [tilespmem:s0+$0x12050]  }
0x273: {  	v20 =	vld [tilespmem:s0+$0x12040];
	_ =	sdelay $0x1  }
0x274: {  	v9 =	vsub.s32 v5, v1  }
0x275: {  	v13 =	vsub.s32 v7, v1;
	v11 =	vand.u32 $0x7F, v5;
	v17 =	vsub.s32 v12, v1  }
0x276: {  	v4 =	vld [tilespmem:s0+$0x12060];
	v19 =	vand.u32 $0x7F, v7;
	v14 =	vand.u32 $0x7F, v8;
	v16 =	vsub.s32 v6, v1  }
0x277: {  	v5 =	vld [tilespmem:s0+$0x12070];
	v22 =	vand.u32 $0x7F, v12;
	v23 =	vand.u32 $0x7F, v20;
	v10 =	vand.u32 $0xFFFFFF80, v9  }
0x278: {  	v7 =	vld [tilespmem:s0+$0x16010];
	v18 =	vand.u32 $0xFFFFFF80, v13;
	vm0 =	vlt.u32 v9, $0x10000;
	v9 =	vsub.s32 v8, v1  }
0x279: {  	v12 =	vld [tilespmem:s0+$0x16060];
	v21 =	vand.u32 $0xFFFFFF80, v17;
	vm1 =	vlt.u32 v13, $0x10000;
	vm3 =	vlt.u32 v17, $0x10000  }
0x27a: {  	v8 =	vld [tilespmem:s0+$0x16030];
	vm2 =	vlt.u32 v9, $0x10000;
	v9 =	vand.u32 $0xFFFFFF80, v9;
	v13 =	vor.u32 v19, v18  }
0x27b: {  	v18 =	vand.u32 $0xFFFFFF80, v16;
	v19 =	vld [tilespmem:s0+$0x16000];
	v21 =	vor.u32 v22, v21;
	v15 =	vor.u32 v14, v9  }
0x27c: {  	v22 =	vsub.s32 v20, v1;
	v20 =	vld [tilespmem:s0+$0x16020];
	v14 =	vsub.s32 v4, v1;
	v17 =	vsub.s32 v5, v1  }
0x27d: {  	s20 =	simm.s32 $0x200;
	v9 =	vld [tilespmem:s0+$0x16070];
	vm4 =	vlt.u32 v22, $0x10000;
	v24 =	vand.u32 $0xFFFFFF80, v22;
	v22 =	vand.u32 $0xFFFFFF80, v17  }
.LBB2_24:
0x27e: {  	p0 =	sne.s32 s20, $0x7E00;
	v25 =	vld [tilespmem:s0+$0x16050];
	v10 =	vor.u32 v11, v10;
	v11 =	vand.u32 $0xFFFFFF80, v14;
	s21 =	smov.u32 s20;
	s20 =	sadd.s32 $0x200, s20  }
0x27f: {  	v23 =	vor.u32 v23, v24;
	vm5 =	vlt.u32 v16, $0x10000;
	v6 =	vand.u32 $0x7F, v6;
	v26 =	vld [tilespmem:s0+$0x16040]  }
0x280: {  	v4 =	vand.u32 $0x7F, v4;
	v6 =	vor.u32 v6, v18;
	[tilespmem:v15+s2+$0x0] =	vst.idx.msk vm2, v19;
	vm2 =	vlt.u32 v14, $0x10000  }
0x281: {  	v5 =	vand.u32 $0x7F, v5;
	v4 =	vor.u32 v4, v11;
	[tilespmem:v21+s2+$0x0] =	vst.idx.msk vm3, v7;
	vm3 =	vlt.u32 v17, $0x10000  }
0x282: {  	v5 =	vor.u32 v5, v22;
	[tilespmem:v13+s2+$0x0] =	vst.idx.msk vm1, v20  }
0x283: {  	s0 =	sshra.s32 s21, $0x2;
	[tilespmem:v10+s2+$0x0] =	vst.idx.msk vm0, v8  }
0x284: {  	[tilespmem:v23+s2+$0x0] =	vst.idx.msk vm4, v26  }
0x285: {  	[tilespmem:v6+s2+$0x0] =	vst.idx.msk vm5, v25  }
0x286: {  	[tilespmem:v4+s2+$0x0] =	vst.idx.msk vm2, v12  }
0x287: {  	[tilespmem:v5+s2+$0x0] =	vst.idx.msk vm3, v9  }
0x288: {  	v5 =	vld [tilespmem:s0+$0x12030]  }
0x289: {  	v8 =	vld [tilespmem:s0+$0x12020]  }
0x28a: {  	v12 =	vld [tilespmem:s0+$0x12010]  }
0x28b: {  	v9 =	vld [tilespmem:s0+$0x12000]  }
0x28c: {  	v6 =	vld [tilespmem:s0+$0x12050]  }
0x28d: {  	v4 =	vld [tilespmem:s0+$0x12060];
	v13 =	vsub.s32 v5, v1  }
0x28e: {  	v11 =	vand.u32 $0x7F, v5;
	v7 =	vld [tilespmem:s0+$0x16010];
	v17 =	vsub.s32 v8, v1;
	v10 =	vand.u32 $0xFFFFFF80, v13  }
0x28f: {  	vm0 =	vlt.u32 v13, $0x10000;
	v5 =	vld [tilespmem:s0+$0x12070];
	v20 =	vsub.s32 v12, v1;
	v18 =	vand.u32 $0xFFFFFF80, v17  }
0x290: {  	v19 =	vand.u32 $0x7F, v8;
	v22 =	vld [tilespmem:s0+$0x12040];
	v13 =	vsub.s32 v9, v1;
	v21 =	vand.u32 $0xFFFFFF80, v20  }
0x291: {  	v9 =	vand.u32 $0x7F, v9;
	v8 =	vld [tilespmem:s0+$0x16030];
	vm2 =	vlt.u32 v13, $0x10000;
	v13 =	vand.u32 $0xFFFFFF80, v13  }
.Ltmp11:
0x292: {  	v16 =	vsub.s32 v6, v1;
	v15 =	vor.u32 v9, v13;
	v14 =	vsub.s32 v4, v1;
	(pc) =	sbr.rel @p0 .LBB2_24-.Ltmp11, $4  }
0x293: {  	vm1 =	vlt.u32 v17, $0x10000;
	v13 =	vor.u32 v19, v18;
	v18 =	vand.u32 $0xFFFFFF80, v16;
	v9 =	vld [tilespmem:s0+$0x16070]  }
0x294: {  	vm3 =	vlt.u32 v20, $0x10000;
	v20 =	vand.u32 $0x7F, v12;
	v19 =	vld [tilespmem:s0+$0x16000];
	v17 =	vsub.s32 v5, v1  }
0x295: {  	v21 =	vor.u32 v20, v21;
	v12 =	vld [tilespmem:s0+$0x16060];
	v24 =	vsub.s32 v22, v1;
	v23 =	vand.u32 $0x7F, v22  }
0x296: {  	v22 =	vand.u32 $0xFFFFFF80, v17;
	v20 =	vld [tilespmem:s0+$0x16020];
	vm4 =	vlt.u32 v24, $0x10000;
	v24 =	vand.u32 $0xFFFFFF80, v24  }
0x297: {  	_ =	sdelay $0x2  }
0x298: {  	v10 =	vor.u32 v11, v10;
	v11 =	vand.u32 $0xFFFFFF80, v14  }
0x299: {  	v26 =	vld [tilespmem:s0+$0x16040];
	v23 =	vor.u32 v23, v24;
	vm5 =	vlt.u32 v16, $0x10000;
	v6 =	vand.u32 $0x7F, v6  }
0x29a: {  	v25 =	vld [tilespmem:s0+$0x16050];
	v4 =	vand.u32 $0x7F, v4;
	v6 =	vor.u32 v6, v18;
	[tilespmem:v15+s2+$0x0] =	vst.idx.msk vm2, v19;
	vm2 =	vlt.u32 v14, $0x10000  }
0x29b: {  	v5 =	vand.u32 $0x7F, v5;
	v4 =	vor.u32 v4, v11;
	[tilespmem:v21+s2+$0x0] =	vst.idx.msk vm3, v7;
	vm3 =	vlt.u32 v17, $0x10000  }
0x29c: {  	v5 =	vor.u32 v5, v22;
	[tilespmem:v13+s2+$0x0] =	vst.idx.msk vm1, v20  }
0x29d: {  	[tilespmem:v10+s2+$0x0] =	vst.idx.msk vm0, v8  }
0x29e: {  	[tilespmem:v23+s2+$0x0] =	vst.idx.msk vm4, v26  }
0x29f: {  	[tilespmem:v6+s2+$0x0] =	vst.idx.msk vm5, v25  }
0x2a0: {  	[tilespmem:v4+s2+$0x0] =	vst.idx.msk vm2, v12  }
0x2a1: {  	[tilespmem:v5+s2+$0x0] =	vst.idx.msk vm3, v9  }
0x2a2: {  	_ =	swait.ge [sflag:s19], $0x2000  }
0x2a3: {  	[sflag:s19] =	ssyncset.done $0x0  }
0x2a4: {  	[sflag:s19] =	ssyncadd.s32 $0xFFFFE000  }
0x2a5: {  	_ =	swait.ge [sflag:s25], $0x2000  }
0x2a6: {  	[sflag:s25] =	ssyncset.done $0x0  }
0x2a7: {  	s21 =	simm.s32 $0x0;
	[sflag:s25] =	ssyncadd.s32 $0xFFFFE000  }
0x2a8: {  	[tilespmem:s26], [sflag:$0x2] =	stream.linear.gather [hbm4b:s9+s21], $0x2000, $0x38;
	[tilespmem:$0x18080] =	vst v63  }
0x2a9: {  	s0 =	simm.s32 $0x0  }
0x2aa: {  	[tilespmem:s28], [sflag:$0x4] =	stream.linear.gather [hbm4b:s10+s21], $0x2000, $0x38;
	[tilespmem:$0x18080] =	vst v63  }
0x2ab: {  	v5 =	vld [tilespmem:s0+$0x10030]  }
0x2ac: {  	v7 =	vld [tilespmem:s0+$0x10020]  }
0x2ad: {  	v12 =	vld [tilespmem:s0+$0x10010]  }
0x2ae: {  	v8 =	vld [tilespmem:s0+$0x10000]  }
0x2af: {  	v6 =	vld [tilespmem:s0+$0x10050]  }
0x2b0: {  	v20 =	vld [tilespmem:s0+$0x10040];
	_ =	sdelay $0x1  }
0x2b1: {  	v9 =	vsub.s32 v5, v1  }
0x2b2: {  	v13 =	vsub.s32 v7, v1;
	v11 =	vand.u32 $0x7F, v5;
	v17 =	vsub.s32 v12, v1  }
0x2b3: {  	v4 =	vld [tilespmem:s0+$0x10060];
	v19 =	vand.u32 $0x7F, v7;
	v14 =	vand.u32 $0x7F, v8;
	v16 =	vsub.s32 v6, v1  }
0x2b4: {  	v5 =	vld [tilespmem:s0+$0x10070];
	v22 =	vand.u32 $0x7F, v12;
	v23 =	vand.u32 $0x7F, v20;
	v10 =	vand.u32 $0xFFFFFF80, v9  }
0x2b5: {  	v7 =	vld [tilespmem:s0+$0x14010];
	v18 =	vand.u32 $0xFFFFFF80, v13;
	vm0 =	vlt.u32 v9, $0x10000;
	v9 =	vsub.s32 v8, v1  }
0x2b6: {  	v12 =	vld [tilespmem:s0+$0x14060];
	v21 =	vand.u32 $0xFFFFFF80, v17;
	vm1 =	vlt.u32 v13, $0x10000;
	vm3 =	vlt.u32 v17, $0x10000  }
0x2b7: {  	v8 =	vld [tilespmem:s0+$0x14030];
	vm2 =	vlt.u32 v9, $0x10000;
	v9 =	vand.u32 $0xFFFFFF80, v9;
	v13 =	vor.u32 v19, v18  }
0x2b8: {  	v18 =	vand.u32 $0xFFFFFF80, v16;
	v19 =	vld [tilespmem:s0+$0x14000];
	v21 =	vor.u32 v22, v21;
	v15 =	vor.u32 v14, v9  }
0x2b9: {  	v22 =	vsub.s32 v20, v1;
	v20 =	vld [tilespmem:s0+$0x14020];
	v14 =	vsub.s32 v4, v1;
	v17 =	vsub.s32 v5, v1  }
0x2ba: {  	s20 =	simm.s32 $0x200;
	v9 =	vld [tilespmem:s0+$0x14070];
	vm4 =	vlt.u32 v22, $0x10000;
	v24 =	vand.u32 $0xFFFFFF80, v22;
	v22 =	vand.u32 $0xFFFFFF80, v17  }
.LBB2_26:
0x2bb: {  	p0 =	sne.s32 s20, $0x7E00;
	v25 =	vld [tilespmem:s0+$0x14050];
	v10 =	vor.u32 v11, v10;
	v11 =	vand.u32 $0xFFFFFF80, v14;
	s21 =	smov.u32 s20;
	s20 =	sadd.s32 $0x200, s20  }
0x2bc: {  	v23 =	vor.u32 v23, v24;
	vm5 =	vlt.u32 v16, $0x10000;
	v6 =	vand.u32 $0x7F, v6;
	v26 =	vld [tilespmem:s0+$0x14040]  }
0x2bd: {  	v4 =	vand.u32 $0x7F, v4;
	v6 =	vor.u32 v6, v18;
	[tilespmem:v15+s2+$0x0] =	vst.idx.msk vm2, v19;
	vm2 =	vlt.u32 v14, $0x10000  }
0x2be: {  	v5 =	vand.u32 $0x7F, v5;
	v4 =	vor.u32 v4, v11;
	[tilespmem:v21+s2+$0x0] =	vst.idx.msk vm3, v7;
	vm3 =	vlt.u32 v17, $0x10000  }
0x2bf: {  	v5 =	vor.u32 v5, v22;
	[tilespmem:v13+s2+$0x0] =	vst.idx.msk vm1, v20  }
0x2c0: {  	s0 =	sshra.s32 s21, $0x2;
	[tilespmem:v10+s2+$0x0] =	vst.idx.msk vm0, v8  }
0x2c1: {  	[tilespmem:v23+s2+$0x0] =	vst.idx.msk vm4, v26  }
0x2c2: {  	[tilespmem:v6+s2+$0x0] =	vst.idx.msk vm5, v25  }
0x2c3: {  	[tilespmem:v4+s2+$0x0] =	vst.idx.msk vm2, v12  }
0x2c4: {  	[tilespmem:v5+s2+$0x0] =	vst.idx.msk vm3, v9  }
0x2c5: {  	v5 =	vld [tilespmem:s0+$0x10030]  }
0x2c6: {  	v8 =	vld [tilespmem:s0+$0x10020]  }
0x2c7: {  	v12 =	vld [tilespmem:s0+$0x10010]  }
0x2c8: {  	v9 =	vld [tilespmem:s0+$0x10000]  }
0x2c9: {  	v6 =	vld [tilespmem:s0+$0x10050]  }
0x2ca: {  	v4 =	vld [tilespmem:s0+$0x10060];
	v13 =	vsub.s32 v5, v1  }
0x2cb: {  	v11 =	vand.u32 $0x7F, v5;
	v7 =	vld [tilespmem:s0+$0x14010];
	v17 =	vsub.s32 v8, v1;
	v10 =	vand.u32 $0xFFFFFF80, v13  }
0x2cc: {  	vm0 =	vlt.u32 v13, $0x10000;
	v5 =	vld [tilespmem:s0+$0x10070];
	v20 =	vsub.s32 v12, v1;
	v18 =	vand.u32 $0xFFFFFF80, v17  }
0x2cd: {  	v19 =	vand.u32 $0x7F, v8;
	v22 =	vld [tilespmem:s0+$0x10040];
	v13 =	vsub.s32 v9, v1;
	v21 =	vand.u32 $0xFFFFFF80, v20  }
0x2ce: {  	v9 =	vand.u32 $0x7F, v9;
	v8 =	vld [tilespmem:s0+$0x14030];
	vm2 =	vlt.u32 v13, $0x10000;
	v13 =	vand.u32 $0xFFFFFF80, v13  }
.Ltmp12:
0x2cf: {  	v16 =	vsub.s32 v6, v1;
	v15 =	vor.u32 v9, v13;
	v14 =	vsub.s32 v4, v1;
	(pc) =	sbr.rel @p0 .LBB2_26-.Ltmp12, $4  }
0x2d0: {  	vm1 =	vlt.u32 v17, $0x10000;
	v13 =	vor.u32 v19, v18;
	v18 =	vand.u32 $0xFFFFFF80, v16;
	v9 =	vld [tilespmem:s0+$0x14070]  }
0x2d1: {  	vm3 =	vlt.u32 v20, $0x10000;
	v20 =	vand.u32 $0x7F, v12;
	v19 =	vld [tilespmem:s0+$0x14000];
	v17 =	vsub.s32 v5, v1  }
0x2d2: {  	v21 =	vor.u32 v20, v21;
	v12 =	vld [tilespmem:s0+$0x14060];
	v24 =	vsub.s32 v22, v1;
	v23 =	vand.u32 $0x7F, v22  }
0x2d3: {  	v22 =	vand.u32 $0xFFFFFF80, v17;
	v20 =	vld [tilespmem:s0+$0x14020];
	vm4 =	vlt.u32 v24, $0x10000;
	v24 =	vand.u32 $0xFFFFFF80, v24  }
0x2d4: {  	_ =	sdelay $0x2  }
0x2d5: {  	v10 =	vor.u32 v11, v10;
	v11 =	vand.u32 $0xFFFFFF80, v14  }
0x2d6: {  	v26 =	vld [tilespmem:s0+$0x14040];
	v23 =	vor.u32 v23, v24;
	vm5 =	vlt.u32 v16, $0x10000;
	v6 =	vand.u32 $0x7F, v6  }
0x2d7: {  	v25 =	vld [tilespmem:s0+$0x14050];
	v4 =	vand.u32 $0x7F, v4;
	v6 =	vor.u32 v6, v18;
	[tilespmem:v15+s2+$0x0] =	vst.idx.msk vm2, v19;
	vm2 =	vlt.u32 v14, $0x10000  }
0x2d8: {  	v5 =	vand.u32 $0x7F, v5;
	v4 =	vor.u32 v4, v11;
	[tilespmem:v21+s2+$0x0] =	vst.idx.msk vm3, v7;
	vm3 =	vlt.u32 v17, $0x10000  }
0x2d9: {  	v5 =	vor.u32 v5, v22;
	[tilespmem:v13+s2+$0x0] =	vst.idx.msk vm1, v20  }
0x2da: {  	[tilespmem:v10+s2+$0x0] =	vst.idx.msk vm0, v8  }
0x2db: {  	[tilespmem:v23+s2+$0x0] =	vst.idx.msk vm4, v26  }
0x2dc: {  	[tilespmem:v6+s2+$0x0] =	vst.idx.msk vm5, v25  }
0x2dd: {  	[tilespmem:v4+s2+$0x0] =	vst.idx.msk vm2, v12  }
0x2de: {  	[tilespmem:v5+s2+$0x0] =	vst.idx.msk vm3, v9  }
0x2df: {  	_ =	swait.ge [sflag:s29], $0x2000  }
0x2e0: {  	[sflag:s29] =	ssyncset.done $0x0  }
0x2e1: {  	[sflag:s29] =	ssyncadd.s32 $0xFFFFE000  }
0x2e2: {  	_ =	swait.ge [sflag:s30], $0x2000  }
0x2e3: {  	[sflag:s30] =	ssyncset.done $0x0  }
0x2e4: {  	s21 =	simm.s32 $0x0;
	[sflag:s30] =	ssyncadd.s32 $0xFFFFE000  }
0x2e5: {  	[tilespmem:s23], [sflag:$0x1] =	stream.linear.gather [hbm4b:s11+s21], $0x2000, $0x38;
	[tilespmem:$0x18080] =	vst v63  }
0x2e6: {  	s0 =	simm.s32 $0x0  }
0x2e7: {  	[tilespmem:s24], [sflag:$0x3] =	stream.linear.gather [hbm4b:s12+s21], $0x2000, $0x38;
	[tilespmem:$0x18080] =	vst v63  }
0x2e8: {  	v5 =	vld [tilespmem:s0+$0x12030]  }
0x2e9: {  	v7 =	vld [tilespmem:s0+$0x12020]  }
0x2ea: {  	v12 =	vld [tilespmem:s0+$0x12010]  }
0x2eb: {  	v8 =	vld [tilespmem:s0+$0x12000]  }
0x2ec: {  	v6 =	vld [tilespmem:s0+$0x12050]  }
0x2ed: {  	v20 =	vld [tilespmem:s0+$0x12040];
	_ =	sdelay $0x1  }
0x2ee: {  	v9 =	vsub.s32 v5, v1  }
0x2ef: {  	v13 =	vsub.s32 v7, v1;
	v11 =	vand.u32 $0x7F, v5;
	v17 =	vsub.s32 v12, v1  }
0x2f0: {  	v4 =	vld [tilespmem:s0+$0x12060];
	v19 =	vand.u32 $0x7F, v7;
	v14 =	vand.u32 $0x7F, v8;
	v16 =	vsub.s32 v6, v1  }
0x2f1: {  	v5 =	vld [tilespmem:s0+$0x12070];
	v22 =	vand.u32 $0x7F, v12;
	v23 =	vand.u32 $0x7F, v20;
	v10 =	vand.u32 $0xFFFFFF80, v9  }
0x2f2: {  	v7 =	vld [tilespmem:s0+$0x16010];
	v18 =	vand.u32 $0xFFFFFF80, v13;
	vm0 =	vlt.u32 v9, $0x10000;
	v9 =	vsub.s32 v8, v1  }
0x2f3: {  	v12 =	vld [tilespmem:s0+$0x16060];
	v21 =	vand.u32 $0xFFFFFF80, v17;
	vm1 =	vlt.u32 v13, $0x10000;
	vm3 =	vlt.u32 v17, $0x10000  }
0x2f4: {  	v8 =	vld [tilespmem:s0+$0x16030];
	vm2 =	vlt.u32 v9, $0x10000;
	v9 =	vand.u32 $0xFFFFFF80, v9;
	v13 =	vor.u32 v19, v18  }
0x2f5: {  	v18 =	vand.u32 $0xFFFFFF80, v16;
	v19 =	vld [tilespmem:s0+$0x16000];
	v21 =	vor.u32 v22, v21;
	v15 =	vor.u32 v14, v9  }
0x2f6: {  	v22 =	vsub.s32 v20, v1;
	v20 =	vld [tilespmem:s0+$0x16020];
	v14 =	vsub.s32 v4, v1;
	v17 =	vsub.s32 v5, v1  }
0x2f7: {  	s20 =	simm.s32 $0x200;
	v9 =	vld [tilespmem:s0+$0x16070];
	vm4 =	vlt.u32 v22, $0x10000;
	v24 =	vand.u32 $0xFFFFFF80, v22;
	v22 =	vand.u32 $0xFFFFFF80, v17  }
.LBB2_28:
0x2f8: {  	p0 =	sne.s32 s20, $0x7E00;
	v25 =	vld [tilespmem:s0+$0x16050];
	v10 =	vor.u32 v11, v10;
	v11 =	vand.u32 $0xFFFFFF80, v14;
	s21 =	smov.u32 s20;
	s20 =	sadd.s32 $0x200, s20  }
0x2f9: {  	v23 =	vor.u32 v23, v24;
	vm5 =	vlt.u32 v16, $0x10000;
	v6 =	vand.u32 $0x7F, v6;
	v26 =	vld [tilespmem:s0+$0x16040]  }
0x2fa: {  	v4 =	vand.u32 $0x7F, v4;
	v6 =	vor.u32 v6, v18;
	[tilespmem:v15+s2+$0x0] =	vst.idx.msk vm2, v19;
	vm2 =	vlt.u32 v14, $0x10000  }
0x2fb: {  	v5 =	vand.u32 $0x7F, v5;
	v4 =	vor.u32 v4, v11;
	[tilespmem:v21+s2+$0x0] =	vst.idx.msk vm3, v7;
	vm3 =	vlt.u32 v17, $0x10000  }
0x2fc: {  	v5 =	vor.u32 v5, v22;
	[tilespmem:v13+s2+$0x0] =	vst.idx.msk vm1, v20  }
0x2fd: {  	s0 =	sshra.s32 s21, $0x2;
	[tilespmem:v10+s2+$0x0] =	vst.idx.msk vm0, v8  }
0x2fe: {  	[tilespmem:v23+s2+$0x0] =	vst.idx.msk vm4, v26  }
0x2ff: {  	[tilespmem:v6+s2+$0x0] =	vst.idx.msk vm5, v25  }
0x300: {  	[tilespmem:v4+s2+$0x0] =	vst.idx.msk vm2, v12  }
0x301: {  	[tilespmem:v5+s2+$0x0] =	vst.idx.msk vm3, v9  }
0x302: {  	v5 =	vld [tilespmem:s0+$0x12030]  }
0x303: {  	v8 =	vld [tilespmem:s0+$0x12020]  }
0x304: {  	v12 =	vld [tilespmem:s0+$0x12010]  }
0x305: {  	v9 =	vld [tilespmem:s0+$0x12000]  }
0x306: {  	v6 =	vld [tilespmem:s0+$0x12050]  }
0x307: {  	v4 =	vld [tilespmem:s0+$0x12060];
	v13 =	vsub.s32 v5, v1  }
0x308: {  	v11 =	vand.u32 $0x7F, v5;
	v7 =	vld [tilespmem:s0+$0x16010];
	v17 =	vsub.s32 v8, v1;
	v10 =	vand.u32 $0xFFFFFF80, v13  }
0x309: {  	vm0 =	vlt.u32 v13, $0x10000;
	v5 =	vld [tilespmem:s0+$0x12070];
	v20 =	vsub.s32 v12, v1;
	v18 =	vand.u32 $0xFFFFFF80, v17  }
0x30a: {  	v19 =	vand.u32 $0x7F, v8;
	v22 =	vld [tilespmem:s0+$0x12040];
	v13 =	vsub.s32 v9, v1;
	v21 =	vand.u32 $0xFFFFFF80, v20  }
0x30b: {  	v9 =	vand.u32 $0x7F, v9;
	v8 =	vld [tilespmem:s0+$0x16030];
	vm2 =	vlt.u32 v13, $0x10000;
	v13 =	vand.u32 $0xFFFFFF80, v13  }
.Ltmp13:
0x30c: {  	v16 =	vsub.s32 v6, v1;
	v15 =	vor.u32 v9, v13;
	v14 =	vsub.s32 v4, v1;
	(pc) =	sbr.rel @p0 .LBB2_28-.Ltmp13, $4  }
0x30d: {  	vm1 =	vlt.u32 v17, $0x10000;
	v13 =	vor.u32 v19, v18;
	v18 =	vand.u32 $0xFFFFFF80, v16;
	v9 =	vld [tilespmem:s0+$0x16070]  }
0x30e: {  	vm3 =	vlt.u32 v20, $0x10000;
	v20 =	vand.u32 $0x7F, v12;
	v19 =	vld [tilespmem:s0+$0x16000];
	v17 =	vsub.s32 v5, v1  }
0x30f: {  	v21 =	vor.u32 v20, v21;
	v12 =	vld [tilespmem:s0+$0x16060];
	v24 =	vsub.s32 v22, v1;
	v23 =	vand.u32 $0x7F, v22  }
0x310: {  	v22 =	vand.u32 $0xFFFFFF80, v17;
	v20 =	vld [tilespmem:s0+$0x16020];
	vm4 =	vlt.u32 v24, $0x10000;
	v24 =	vand.u32 $0xFFFFFF80, v24  }
0x311: {  	_ =	sdelay $0x2  }
0x312: {  	v10 =	vor.u32 v11, v10;
	v11 =	vand.u32 $0xFFFFFF80, v14  }
0x313: {  	v26 =	vld [tilespmem:s0+$0x16040];
	v23 =	vor.u32 v23, v24;
	vm5 =	vlt.u32 v16, $0x10000;
	v6 =	vand.u32 $0x7F, v6  }
0x314: {  	v25 =	vld [tilespmem:s0+$0x16050];
	v4 =	vand.u32 $0x7F, v4;
	v6 =	vor.u32 v6, v18;
	[tilespmem:v15+s2+$0x0] =	vst.idx.msk vm2, v19;
	vm2 =	vlt.u32 v14, $0x10000  }
0x315: {  	v5 =	vand.u32 $0x7F, v5;
	v4 =	vor.u32 v4, v11;
	[tilespmem:v21+s2+$0x0] =	vst.idx.msk vm3, v7;
	vm3 =	vlt.u32 v17, $0x10000  }
0x316: {  	v5 =	vor.u32 v5, v22;
	[tilespmem:v13+s2+$0x0] =	vst.idx.msk vm1, v20  }
0x317: {  	[tilespmem:v10+s2+$0x0] =	vst.idx.msk vm0, v8  }
0x318: {  	[tilespmem:v23+s2+$0x0] =	vst.idx.msk vm4, v26  }
0x319: {  	[tilespmem:v6+s2+$0x0] =	vst.idx.msk vm5, v25  }
0x31a: {  	[tilespmem:v4+s2+$0x0] =	vst.idx.msk vm2, v12  }
0x31b: {  	[tilespmem:v5+s2+$0x0] =	vst.idx.msk vm3, v9  }
0x31c: {  	_ =	swait.ge [sflag:s19], $0x2000  }
0x31d: {  	[sflag:s19] =	ssyncset.done $0x0  }
0x31e: {  	[sflag:s19] =	ssyncadd.s32 $0xFFFFE000  }
0x31f: {  	_ =	swait.ge [sflag:s25], $0x2000  }
0x320: {  	[sflag:s25] =	ssyncset.done $0x0  }
0x321: {  	s21 =	simm.s32 $0x0;
	[sflag:s25] =	ssyncadd.s32 $0xFFFFE000  }
0x322: {  	[tilespmem:s26], [sflag:$0x2] =	stream.linear.gather [hbm4b:s13+s21], $0x2000, $0x38;
	[tilespmem:$0x18080] =	vst v63  }
0x323: {  	s0 =	simm.s32 $0x0  }
0x324: {  	[tilespmem:s28], [sflag:$0x4] =	stream.linear.gather [hbm4b:s14+s21], $0x2000, $0x38;
	[tilespmem:$0x18080] =	vst v63  }
0x325: {  	v5 =	vld [tilespmem:s0+$0x10030]  }
0x326: {  	v7 =	vld [tilespmem:s0+$0x10020]  }
0x327: {  	v12 =	vld [tilespmem:s0+$0x10010]  }
0x328: {  	v8 =	vld [tilespmem:s0+$0x10000]  }
0x329: {  	v6 =	vld [tilespmem:s0+$0x10050]  }
0x32a: {  	v20 =	vld [tilespmem:s0+$0x10040];
	_ =	sdelay $0x1  }
0x32b: {  	v9 =	vsub.s32 v5, v1  }
0x32c: {  	v13 =	vsub.s32 v7, v1;
	v11 =	vand.u32 $0x7F, v5;
	v17 =	vsub.s32 v12, v1  }
0x32d: {  	v4 =	vld [tilespmem:s0+$0x10060];
	v19 =	vand.u32 $0x7F, v7;
	v14 =	vand.u32 $0x7F, v8;
	v16 =	vsub.s32 v6, v1  }
0x32e: {  	v5 =	vld [tilespmem:s0+$0x10070];
	v22 =	vand.u32 $0x7F, v12;
	v23 =	vand.u32 $0x7F, v20;
	v10 =	vand.u32 $0xFFFFFF80, v9  }
0x32f: {  	v7 =	vld [tilespmem:s0+$0x14010];
	v18 =	vand.u32 $0xFFFFFF80, v13;
	vm0 =	vlt.u32 v9, $0x10000;
	v9 =	vsub.s32 v8, v1  }
0x330: {  	v12 =	vld [tilespmem:s0+$0x14060];
	v21 =	vand.u32 $0xFFFFFF80, v17;
	vm1 =	vlt.u32 v13, $0x10000;
	vm3 =	vlt.u32 v17, $0x10000  }
0x331: {  	v8 =	vld [tilespmem:s0+$0x14030];
	vm2 =	vlt.u32 v9, $0x10000;
	v9 =	vand.u32 $0xFFFFFF80, v9;
	v13 =	vor.u32 v19, v18  }
0x332: {  	v18 =	vand.u32 $0xFFFFFF80, v16;
	v19 =	vld [tilespmem:s0+$0x14000];
	v21 =	vor.u32 v22, v21;
	v15 =	vor.u32 v14, v9  }
0x333: {  	v22 =	vsub.s32 v20, v1;
	v20 =	vld [tilespmem:s0+$0x14020];
	v14 =	vsub.s32 v4, v1;
	v17 =	vsub.s32 v5, v1  }
0x334: {  	s20 =	simm.s32 $0x200;
	v9 =	vld [tilespmem:s0+$0x14070];
	vm4 =	vlt.u32 v22, $0x10000;
	v24 =	vand.u32 $0xFFFFFF80, v22;
	v22 =	vand.u32 $0xFFFFFF80, v17  }
.LBB2_30:
0x335: {  	p0 =	sne.s32 s20, $0x7E00;
	v25 =	vld [tilespmem:s0+$0x14050];
	v10 =	vor.u32 v11, v10;
	v11 =	vand.u32 $0xFFFFFF80, v14;
	s21 =	smov.u32 s20;
	s20 =	sadd.s32 $0x200, s20  }
0x336: {  	v23 =	vor.u32 v23, v24;
	vm5 =	vlt.u32 v16, $0x10000;
	v6 =	vand.u32 $0x7F, v6;
	v26 =	vld [tilespmem:s0+$0x14040]  }
0x337: {  	v4 =	vand.u32 $0x7F, v4;
	v6 =	vor.u32 v6, v18;
	[tilespmem:v15+s2+$0x0] =	vst.idx.msk vm2, v19;
	vm2 =	vlt.u32 v14, $0x10000  }
0x338: {  	v5 =	vand.u32 $0x7F, v5;
	v4 =	vor.u32 v4, v11;
	[tilespmem:v21+s2+$0x0] =	vst.idx.msk vm3, v7;
	vm3 =	vlt.u32 v17, $0x10000  }
0x339: {  	v5 =	vor.u32 v5, v22;
	[tilespmem:v13+s2+$0x0] =	vst.idx.msk vm1, v20  }
0x33a: {  	s0 =	sshra.s32 s21, $0x2;
	[tilespmem:v10+s2+$0x0] =	vst.idx.msk vm0, v8  }
0x33b: {  	[tilespmem:v23+s2+$0x0] =	vst.idx.msk vm4, v26  }
0x33c: {  	[tilespmem:v6+s2+$0x0] =	vst.idx.msk vm5, v25  }
0x33d: {  	[tilespmem:v4+s2+$0x0] =	vst.idx.msk vm2, v12  }
0x33e: {  	[tilespmem:v5+s2+$0x0] =	vst.idx.msk vm3, v9  }
0x33f: {  	v5 =	vld [tilespmem:s0+$0x10030]  }
0x340: {  	v8 =	vld [tilespmem:s0+$0x10020]  }
0x341: {  	v12 =	vld [tilespmem:s0+$0x10010]  }
0x342: {  	v9 =	vld [tilespmem:s0+$0x10000]  }
0x343: {  	v6 =	vld [tilespmem:s0+$0x10050]  }
0x344: {  	v4 =	vld [tilespmem:s0+$0x10060];
	v13 =	vsub.s32 v5, v1  }
0x345: {  	v11 =	vand.u32 $0x7F, v5;
	v7 =	vld [tilespmem:s0+$0x14010];
	v17 =	vsub.s32 v8, v1;
	v10 =	vand.u32 $0xFFFFFF80, v13  }
0x346: {  	vm0 =	vlt.u32 v13, $0x10000;
	v5 =	vld [tilespmem:s0+$0x10070];
	v20 =	vsub.s32 v12, v1;
	v18 =	vand.u32 $0xFFFFFF80, v17  }
0x347: {  	v19 =	vand.u32 $0x7F, v8;
	v22 =	vld [tilespmem:s0+$0x10040];
	v13 =	vsub.s32 v9, v1;
	v21 =	vand.u32 $0xFFFFFF80, v20  }
0x348: {  	v9 =	vand.u32 $0x7F, v9;
	v8 =	vld [tilespmem:s0+$0x14030];
	vm2 =	vlt.u32 v13, $0x10000;
	v13 =	vand.u32 $0xFFFFFF80, v13  }
.Ltmp14:
0x349: {  	v16 =	vsub.s32 v6, v1;
	v15 =	vor.u32 v9, v13;
	v14 =	vsub.s32 v4, v1;
	(pc) =	sbr.rel @p0 .LBB2_30-.Ltmp14, $4  }
0x34a: {  	vm1 =	vlt.u32 v17, $0x10000;
	v13 =	vor.u32 v19, v18;
	v18 =	vand.u32 $0xFFFFFF80, v16;
	v9 =	vld [tilespmem:s0+$0x14070]  }
0x34b: {  	vm3 =	vlt.u32 v20, $0x10000;
	v20 =	vand.u32 $0x7F, v12;
	v19 =	vld [tilespmem:s0+$0x14000];
	v17 =	vsub.s32 v5, v1  }
0x34c: {  	v21 =	vor.u32 v20, v21;
	v12 =	vld [tilespmem:s0+$0x14060];
	v24 =	vsub.s32 v22, v1;
	v23 =	vand.u32 $0x7F, v22  }
0x34d: {  	v22 =	vand.u32 $0xFFFFFF80, v17;
	v20 =	vld [tilespmem:s0+$0x14020];
	vm4 =	vlt.u32 v24, $0x10000;
	v24 =	vand.u32 $0xFFFFFF80, v24  }
0x34e: {  	_ =	sdelay $0x2  }
0x34f: {  	v10 =	vor.u32 v11, v10;
	v11 =	vand.u32 $0xFFFFFF80, v14  }
0x350: {  	v26 =	vld [tilespmem:s0+$0x14040];
	v23 =	vor.u32 v23, v24;
	vm5 =	vlt.u32 v16, $0x10000;
	v6 =	vand.u32 $0x7F, v6  }
0x351: {  	v25 =	vld [tilespmem:s0+$0x14050];
	v4 =	vand.u32 $0x7F, v4;
	v6 =	vor.u32 v6, v18;
	[tilespmem:v15+s2+$0x0] =	vst.idx.msk vm2, v19;
	vm2 =	vlt.u32 v14, $0x10000  }
0x352: {  	v5 =	vand.u32 $0x7F, v5;
	v4 =	vor.u32 v4, v11;
	[tilespmem:v21+s2+$0x0] =	vst.idx.msk vm3, v7;
	vm3 =	vlt.u32 v17, $0x10000  }
0x353: {  	v5 =	vor.u32 v5, v22;
	[tilespmem:v13+s2+$0x0] =	vst.idx.msk vm1, v20  }
0x354: {  	[tilespmem:v10+s2+$0x0] =	vst.idx.msk vm0, v8  }
0x355: {  	[tilespmem:v23+s2+$0x0] =	vst.idx.msk vm4, v26  }
0x356: {  	[tilespmem:v6+s2+$0x0] =	vst.idx.msk vm5, v25  }
0x357: {  	[tilespmem:v4+s2+$0x0] =	vst.idx.msk vm2, v12  }
0x358: {  	[tilespmem:v5+s2+$0x0] =	vst.idx.msk vm3, v9  }
0x359: {  	_ =	swait.ge [sflag:s29], $0x2000  }
0x35a: {  	[sflag:s29] =	ssyncset.done $0x0  }
0x35b: {  	[sflag:s29] =	ssyncadd.s32 $0xFFFFE000  }
0x35c: {  	_ =	swait.ge [sflag:s30], $0x2000  }
0x35d: {  	[sflag:s30] =	ssyncset.done $0x0  }
0x35e: {  	s21 =	simm.s32 $0x0;
	[sflag:s30] =	ssyncadd.s32 $0xFFFFE000  }
0x35f: {  	[tilespmem:s23], [sflag:$0x1] =	stream.linear.gather [hbm4b:s15+s21], $0x2000, $0x38;
	[tilespmem:$0x18080] =	vst v63  }
0x360: {  	s0 =	simm.s32 $0x0  }
0x361: {  	[tilespmem:s24], [sflag:$0x3] =	stream.linear.gather [hbm4b:s16+s21], $0x2000, $0x38;
	[tilespmem:$0x18080] =	vst v63  }
0x362: {  	v5 =	vld [tilespmem:s0+$0x12030]  }
0x363: {  	v7 =	vld [tilespmem:s0+$0x12020]  }
0x364: {  	v12 =	vld [tilespmem:s0+$0x12010]  }
0x365: {  	v8 =	vld [tilespmem:s0+$0x12000]  }
0x366: {  	v6 =	vld [tilespmem:s0+$0x12050]  }
0x367: {  	v20 =	vld [tilespmem:s0+$0x12040];
	_ =	sdelay $0x1  }
0x368: {  	v9 =	vsub.s32 v5, v1  }
0x369: {  	v13 =	vsub.s32 v7, v1;
	v11 =	vand.u32 $0x7F, v5;
	v17 =	vsub.s32 v12, v1  }
0x36a: {  	v4 =	vld [tilespmem:s0+$0x12060];
	v19 =	vand.u32 $0x7F, v7;
	v14 =	vand.u32 $0x7F, v8;
	v16 =	vsub.s32 v6, v1  }
0x36b: {  	v5 =	vld [tilespmem:s0+$0x12070];
	v22 =	vand.u32 $0x7F, v12;
	v23 =	vand.u32 $0x7F, v20;
	v10 =	vand.u32 $0xFFFFFF80, v9  }
0x36c: {  	v7 =	vld [tilespmem:s0+$0x16010];
	v18 =	vand.u32 $0xFFFFFF80, v13;
	vm0 =	vlt.u32 v9, $0x10000;
	v9 =	vsub.s32 v8, v1  }
0x36d: {  	v12 =	vld [tilespmem:s0+$0x16060];
	v21 =	vand.u32 $0xFFFFFF80, v17;
	vm1 =	vlt.u32 v13, $0x10000;
	vm3 =	vlt.u32 v17, $0x10000  }
0x36e: {  	v8 =	vld [tilespmem:s0+$0x16030];
	vm2 =	vlt.u32 v9, $0x10000;
	v9 =	vand.u32 $0xFFFFFF80, v9;
	v13 =	vor.u32 v19, v18  }
0x36f: {  	v18 =	vand.u32 $0xFFFFFF80, v16;
	v19 =	vld [tilespmem:s0+$0x16000];
	v21 =	vor.u32 v22, v21;
	v15 =	vor.u32 v14, v9  }
0x370: {  	v22 =	vsub.s32 v20, v1;
	v20 =	vld [tilespmem:s0+$0x16020];
	v14 =	vsub.s32 v4, v1;
	v17 =	vsub.s32 v5, v1  }
0x371: {  	s20 =	simm.s32 $0x200;
	v9 =	vld [tilespmem:s0+$0x16070];
	vm4 =	vlt.u32 v22, $0x10000;
	v24 =	vand.u32 $0xFFFFFF80, v22;
	v22 =	vand.u32 $0xFFFFFF80, v17  }
.LBB2_32:
0x372: {  	p0 =	sne.s32 s20, $0x7E00;
	v25 =	vld [tilespmem:s0+$0x16050];
	v10 =	vor.u32 v11, v10;
	v11 =	vand.u32 $0xFFFFFF80, v14;
	s21 =	smov.u32 s20;
	s20 =	sadd.s32 $0x200, s20  }
0x373: {  	v23 =	vor.u32 v23, v24;
	vm5 =	vlt.u32 v16, $0x10000;
	v6 =	vand.u32 $0x7F, v6;
	v26 =	vld [tilespmem:s0+$0x16040]  }
0x374: {  	v4 =	vand.u32 $0x7F, v4;
	v6 =	vor.u32 v6, v18;
	[tilespmem:v15+s2+$0x0] =	vst.idx.msk vm2, v19;
	vm2 =	vlt.u32 v14, $0x10000  }
0x375: {  	v5 =	vand.u32 $0x7F, v5;
	v4 =	vor.u32 v4, v11;
	[tilespmem:v21+s2+$0x0] =	vst.idx.msk vm3, v7;
	vm3 =	vlt.u32 v17, $0x10000  }
0x376: {  	v5 =	vor.u32 v5, v22;
	[tilespmem:v13+s2+$0x0] =	vst.idx.msk vm1, v20  }
0x377: {  	s0 =	sshra.s32 s21, $0x2;
	[tilespmem:v10+s2+$0x0] =	vst.idx.msk vm0, v8  }
0x378: {  	[tilespmem:v23+s2+$0x0] =	vst.idx.msk vm4, v26  }
0x379: {  	[tilespmem:v6+s2+$0x0] =	vst.idx.msk vm5, v25  }
0x37a: {  	[tilespmem:v4+s2+$0x0] =	vst.idx.msk vm2, v12  }
0x37b: {  	[tilespmem:v5+s2+$0x0] =	vst.idx.msk vm3, v9  }
0x37c: {  	v5 =	vld [tilespmem:s0+$0x12030]  }
0x37d: {  	v8 =	vld [tilespmem:s0+$0x12020]  }
0x37e: {  	v12 =	vld [tilespmem:s0+$0x12010]  }
0x37f: {  	v9 =	vld [tilespmem:s0+$0x12000]  }
0x380: {  	v6 =	vld [tilespmem:s0+$0x12050]  }
0x381: {  	v4 =	vld [tilespmem:s0+$0x12060];
	v13 =	vsub.s32 v5, v1  }
0x382: {  	v11 =	vand.u32 $0x7F, v5;
	v7 =	vld [tilespmem:s0+$0x16010];
	v17 =	vsub.s32 v8, v1;
	v10 =	vand.u32 $0xFFFFFF80, v13  }
0x383: {  	vm0 =	vlt.u32 v13, $0x10000;
	v5 =	vld [tilespmem:s0+$0x12070];
	v20 =	vsub.s32 v12, v1;
	v18 =	vand.u32 $0xFFFFFF80, v17  }
0x384: {  	v19 =	vand.u32 $0x7F, v8;
	v22 =	vld [tilespmem:s0+$0x12040];
	v13 =	vsub.s32 v9, v1;
	v21 =	vand.u32 $0xFFFFFF80, v20  }
0x385: {  	v9 =	vand.u32 $0x7F, v9;
	v8 =	vld [tilespmem:s0+$0x16030];
	vm2 =	vlt.u32 v13, $0x10000;
	v13 =	vand.u32 $0xFFFFFF80, v13  }
.Ltmp15:
0x386: {  	v16 =	vsub.s32 v6, v1;
	v15 =	vor.u32 v9, v13;
	v14 =	vsub.s32 v4, v1;
	(pc) =	sbr.rel @p0 .LBB2_32-.Ltmp15, $4  }
0x387: {  	vm1 =	vlt.u32 v17, $0x10000;
	v13 =	vor.u32 v19, v18;
	v18 =	vand.u32 $0xFFFFFF80, v16;
	v9 =	vld [tilespmem:s0+$0x16070]  }
0x388: {  	vm3 =	vlt.u32 v20, $0x10000;
	v20 =	vand.u32 $0x7F, v12;
	v19 =	vld [tilespmem:s0+$0x16000];
	v17 =	vsub.s32 v5, v1  }
0x389: {  	v21 =	vor.u32 v20, v21;
	v12 =	vld [tilespmem:s0+$0x16060];
	v24 =	vsub.s32 v22, v1;
	v23 =	vand.u32 $0x7F, v22  }
0x38a: {  	v22 =	vand.u32 $0xFFFFFF80, v17;
	v20 =	vld [tilespmem:s0+$0x16020];
	vm4 =	vlt.u32 v24, $0x10000;
	v24 =	vand.u32 $0xFFFFFF80, v24  }
0x38b: {  	_ =	sdelay $0x2  }
0x38c: {  	v10 =	vor.u32 v11, v10;
	v11 =	vand.u32 $0xFFFFFF80, v14  }
0x38d: {  	v26 =	vld [tilespmem:s0+$0x16040];
	v23 =	vor.u32 v23, v24;
	vm5 =	vlt.u32 v16, $0x10000;
	v6 =	vand.u32 $0x7F, v6  }
0x38e: {  	v25 =	vld [tilespmem:s0+$0x16050];
	v4 =	vand.u32 $0x7F, v4;
	v6 =	vor.u32 v6, v18;
	[tilespmem:v15+s2+$0x0] =	vst.idx.msk vm2, v19;
	vm2 =	vlt.u32 v14, $0x10000  }
0x38f: {  	v5 =	vand.u32 $0x7F, v5;
	v4 =	vor.u32 v4, v11;
	[tilespmem:v21+s2+$0x0] =	vst.idx.msk vm3, v7;
	vm3 =	vlt.u32 v17, $0x10000  }
0x390: {  	v5 =	vor.u32 v5, v22;
	[tilespmem:v13+s2+$0x0] =	vst.idx.msk vm1, v20  }
0x391: {  	[tilespmem:v10+s2+$0x0] =	vst.idx.msk vm0, v8  }
0x392: {  	[tilespmem:v23+s2+$0x0] =	vst.idx.msk vm4, v26  }
0x393: {  	[tilespmem:v6+s2+$0x0] =	vst.idx.msk vm5, v25  }
0x394: {  	[tilespmem:v4+s2+$0x0] =	vst.idx.msk vm2, v12  }
0x395: {  	[tilespmem:v5+s2+$0x0] =	vst.idx.msk vm3, v9  }
0x396: {  	_ =	swait.ge [sflag:s19], $0x2000  }
0x397: {  	[sflag:s19] =	ssyncset.done $0x0  }
0x398: {  	[sflag:s19] =	ssyncadd.s32 $0xFFFFE000  }
0x399: {  	_ =	swait.ge [sflag:s25], $0x2000  }
0x39a: {  	[sflag:s25] =	ssyncset.done $0x0  }
0x39b: {  	s21 =	simm.s32 $0x0;
	[sflag:s25] =	ssyncadd.s32 $0xFFFFE000  }
0x39c: {  	[tilespmem:s26], [sflag:$0x2] =	stream.linear.gather [hbm4b:s17+s21], $0x2000, $0x38;
	[tilespmem:$0x18080] =	vst v63  }
0x39d: {  	s0 =	simm.s32 $0x0  }
0x39e: {  	[tilespmem:s28], [sflag:$0x4] =	stream.linear.gather [hbm4b:s18+s21], $0x2000, $0x38;
	[tilespmem:$0x18080] =	vst v63  }
0x39f: {  	v5 =	vld [tilespmem:s0+$0x10030]  }
0x3a0: {  	v7 =	vld [tilespmem:s0+$0x10020]  }
0x3a1: {  	v12 =	vld [tilespmem:s0+$0x10010]  }
0x3a2: {  	v8 =	vld [tilespmem:s0+$0x10000]  }
0x3a3: {  	v6 =	vld [tilespmem:s0+$0x10050]  }
0x3a4: {  	v20 =	vld [tilespmem:s0+$0x10040];
	_ =	sdelay $0x1  }
0x3a5: {  	v9 =	vsub.s32 v5, v1  }
0x3a6: {  	v13 =	vsub.s32 v7, v1;
	v11 =	vand.u32 $0x7F, v5;
	v17 =	vsub.s32 v12, v1  }
0x3a7: {  	v4 =	vld [tilespmem:s0+$0x10060];
	v19 =	vand.u32 $0x7F, v7;
	v14 =	vand.u32 $0x7F, v8;
	v16 =	vsub.s32 v6, v1  }
0x3a8: {  	v5 =	vld [tilespmem:s0+$0x10070];
	v22 =	vand.u32 $0x7F, v12;
	v23 =	vand.u32 $0x7F, v20;
	v10 =	vand.u32 $0xFFFFFF80, v9  }
0x3a9: {  	v7 =	vld [tilespmem:s0+$0x14010];
	v18 =	vand.u32 $0xFFFFFF80, v13;
	vm0 =	vlt.u32 v9, $0x10000;
	v9 =	vsub.s32 v8, v1  }
0x3aa: {  	v12 =	vld [tilespmem:s0+$0x14060];
	v21 =	vand.u32 $0xFFFFFF80, v17;
	vm1 =	vlt.u32 v13, $0x10000;
	vm3 =	vlt.u32 v17, $0x10000  }
0x3ab: {  	v8 =	vld [tilespmem:s0+$0x14030];
	vm2 =	vlt.u32 v9, $0x10000;
	v9 =	vand.u32 $0xFFFFFF80, v9;
	v13 =	vor.u32 v19, v18  }
0x3ac: {  	v18 =	vand.u32 $0xFFFFFF80, v16;
	v19 =	vld [tilespmem:s0+$0x14000];
	v21 =	vor.u32 v22, v21;
	v15 =	vor.u32 v14, v9  }
0x3ad: {  	v22 =	vsub.s32 v20, v1;
	v20 =	vld [tilespmem:s0+$0x14020];
	v14 =	vsub.s32 v4, v1;
	v17 =	vsub.s32 v5, v1  }
0x3ae: {  	s20 =	simm.s32 $0x200;
	v9 =	vld [tilespmem:s0+$0x14070];
	vm4 =	vlt.u32 v22, $0x10000;
	v24 =	vand.u32 $0xFFFFFF80, v22;
	v22 =	vand.u32 $0xFFFFFF80, v17  }
.LBB2_34:
0x3af: {  	p0 =	sne.s32 s20, $0x7E00;
	v25 =	vld [tilespmem:s0+$0x14050];
	v10 =	vor.u32 v11, v10;
	v11 =	vand.u32 $0xFFFFFF80, v14;
	s21 =	smov.u32 s20;
	s20 =	sadd.s32 $0x200, s20  }
0x3b0: {  	v23 =	vor.u32 v23, v24;
	vm5 =	vlt.u32 v16, $0x10000;
	v6 =	vand.u32 $0x7F, v6;
	v26 =	vld [tilespmem:s0+$0x14040]  }
0x3b1: {  	v4 =	vand.u32 $0x7F, v4;
	v6 =	vor.u32 v6, v18;
	[tilespmem:v15+s2+$0x0] =	vst.idx.msk vm2, v19;
	vm2 =	vlt.u32 v14, $0x10000  }
0x3b2: {  	v5 =	vand.u32 $0x7F, v5;
	v4 =	vor.u32 v4, v11;
	[tilespmem:v21+s2+$0x0] =	vst.idx.msk vm3, v7;
	vm3 =	vlt.u32 v17, $0x10000  }
0x3b3: {  	v5 =	vor.u32 v5, v22;
	[tilespmem:v13+s2+$0x0] =	vst.idx.msk vm1, v20  }
0x3b4: {  	s0 =	sshra.s32 s21, $0x2;
	[tilespmem:v10+s2+$0x0] =	vst.idx.msk vm0, v8  }
0x3b5: {  	[tilespmem:v23+s2+$0x0] =	vst.idx.msk vm4, v26  }
0x3b6: {  	[tilespmem:v6+s2+$0x0] =	vst.idx.msk vm5, v25  }
0x3b7: {  	[tilespmem:v4+s2+$0x0] =	vst.idx.msk vm2, v12  }
0x3b8: {  	[tilespmem:v5+s2+$0x0] =	vst.idx.msk vm3, v9  }
0x3b9: {  	v5 =	vld [tilespmem:s0+$0x10030]  }
0x3ba: {  	v8 =	vld [tilespmem:s0+$0x10020]  }
0x3bb: {  	v12 =	vld [tilespmem:s0+$0x10010]  }
0x3bc: {  	v9 =	vld [tilespmem:s0+$0x10000]  }
0x3bd: {  	v6 =	vld [tilespmem:s0+$0x10050]  }
0x3be: {  	v4 =	vld [tilespmem:s0+$0x10060];
	v13 =	vsub.s32 v5, v1  }
0x3bf: {  	v11 =	vand.u32 $0x7F, v5;
	v7 =	vld [tilespmem:s0+$0x14010];
	v17 =	vsub.s32 v8, v1;
	v10 =	vand.u32 $0xFFFFFF80, v13  }
0x3c0: {  	vm0 =	vlt.u32 v13, $0x10000;
	v5 =	vld [tilespmem:s0+$0x10070];
	v20 =	vsub.s32 v12, v1;
	v18 =	vand.u32 $0xFFFFFF80, v17  }
0x3c1: {  	v19 =	vand.u32 $0x7F, v8;
	v22 =	vld [tilespmem:s0+$0x10040];
	v13 =	vsub.s32 v9, v1;
	v21 =	vand.u32 $0xFFFFFF80, v20  }
0x3c2: {  	v9 =	vand.u32 $0x7F, v9;
	v8 =	vld [tilespmem:s0+$0x14030];
	vm2 =	vlt.u32 v13, $0x10000;
	v13 =	vand.u32 $0xFFFFFF80, v13  }
.Ltmp16:
0x3c3: {  	v16 =	vsub.s32 v6, v1;
	v15 =	vor.u32 v9, v13;
	v14 =	vsub.s32 v4, v1;
	(pc) =	sbr.rel @p0 .LBB2_34-.Ltmp16, $4  }
0x3c4: {  	vm1 =	vlt.u32 v17, $0x10000;
	v13 =	vor.u32 v19, v18;
	v18 =	vand.u32 $0xFFFFFF80, v16;
	v9 =	vld [tilespmem:s0+$0x14070]  }
0x3c5: {  	vm3 =	vlt.u32 v20, $0x10000;
	v20 =	vand.u32 $0x7F, v12;
	v19 =	vld [tilespmem:s0+$0x14000];
	v17 =	vsub.s32 v5, v1  }
0x3c6: {  	v21 =	vor.u32 v20, v21;
	v12 =	vld [tilespmem:s0+$0x14060];
	v24 =	vsub.s32 v22, v1;
	v23 =	vand.u32 $0x7F, v22  }
0x3c7: {  	v22 =	vand.u32 $0xFFFFFF80, v17;
	v20 =	vld [tilespmem:s0+$0x14020];
	vm4 =	vlt.u32 v24, $0x10000;
	v24 =	vand.u32 $0xFFFFFF80, v24  }
0x3c8: {  	_ =	sdelay $0x2  }
0x3c9: {  	v10 =	vor.u32 v11, v10;
	v11 =	vand.u32 $0xFFFFFF80, v14  }
0x3ca: {  	v26 =	vld [tilespmem:s0+$0x14040];
	v23 =	vor.u32 v23, v24;
	vm5 =	vlt.u32 v16, $0x10000;
	v6 =	vand.u32 $0x7F, v6  }
0x3cb: {  	v25 =	vld [tilespmem:s0+$0x14050];
	v4 =	vand.u32 $0x7F, v4;
	v6 =	vor.u32 v6, v18;
	[tilespmem:v15+s2+$0x0] =	vst.idx.msk vm2, v19;
	vm2 =	vlt.u32 v14, $0x10000  }
0x3cc: {  	v5 =	vand.u32 $0x7F, v5;
	v4 =	vor.u32 v4, v11;
	[tilespmem:v21+s2+$0x0] =	vst.idx.msk vm3, v7;
	vm3 =	vlt.u32 v17, $0x10000  }
0x3cd: {  	v5 =	vor.u32 v5, v22;
	[tilespmem:v13+s2+$0x0] =	vst.idx.msk vm1, v20  }
0x3ce: {  	[tilespmem:v10+s2+$0x0] =	vst.idx.msk vm0, v8  }
0x3cf: {  	[tilespmem:v23+s2+$0x0] =	vst.idx.msk vm4, v26  }
0x3d0: {  	[tilespmem:v6+s2+$0x0] =	vst.idx.msk vm5, v25  }
0x3d1: {  	[tilespmem:v4+s2+$0x0] =	vst.idx.msk vm2, v12  }
0x3d2: {  	[tilespmem:v5+s2+$0x0] =	vst.idx.msk vm3, v9  }
0x3d3: {  	_ =	swait.ge [sflag:s29], $0x2000  }
0x3d4: {  	[sflag:s29] =	ssyncset.done $0x0  }
0x3d5: {  	[sflag:s29] =	ssyncadd.s32 $0xFFFFE000  }
0x3d6: {  	_ =	swait.ge [sflag:s30], $0x2000  }
0x3d7: {  	[sflag:s30] =	ssyncset.done $0x0  }
0x3d8: {  	s0 =	simm.s32 $0x0;
	[sflag:s30] =	ssyncadd.s32 $0xFFFFE000  }
0x3d9: {  	v5 =	vld [tilespmem:s0+$0x12030]  }
0x3da: {  	v7 =	vld [tilespmem:s0+$0x12020]  }
0x3db: {  	v12 =	vld [tilespmem:s0+$0x12010]  }
0x3dc: {  	v8 =	vld [tilespmem:s0+$0x12000]  }
0x3dd: {  	v6 =	vld [tilespmem:s0+$0x12050]  }
0x3de: {  	v20 =	vld [tilespmem:s0+$0x12040];
	_ =	sdelay $0x1  }
0x3df: {  	v9 =	vsub.s32 v5, v1  }
0x3e0: {  	v13 =	vsub.s32 v7, v1;
	v11 =	vand.u32 $0x7F, v5;
	v17 =	vsub.s32 v12, v1  }
0x3e1: {  	v4 =	vld [tilespmem:s0+$0x12060];
	v19 =	vand.u32 $0x7F, v7;
	v14 =	vand.u32 $0x7F, v8;
	v16 =	vsub.s32 v6, v1  }
0x3e2: {  	v5 =	vld [tilespmem:s0+$0x12070];
	v22 =	vand.u32 $0x7F, v12;
	v23 =	vand.u32 $0x7F, v20;
	v10 =	vand.u32 $0xFFFFFF80, v9  }
0x3e3: {  	v7 =	vld [tilespmem:s0+$0x16010];
	v18 =	vand.u32 $0xFFFFFF80, v13;
	vm0 =	vlt.u32 v9, $0x10000;
	v9 =	vsub.s32 v8, v1  }
0x3e4: {  	v12 =	vld [tilespmem:s0+$0x16060];
	v21 =	vand.u32 $0xFFFFFF80, v17;
	vm1 =	vlt.u32 v13, $0x10000;
	vm3 =	vlt.u32 v17, $0x10000  }
0x3e5: {  	v8 =	vld [tilespmem:s0+$0x16030];
	vm2 =	vlt.u32 v9, $0x10000;
	v9 =	vand.u32 $0xFFFFFF80, v9;
	v13 =	vor.u32 v19, v18  }
0x3e6: {  	v18 =	vand.u32 $0xFFFFFF80, v16;
	v19 =	vld [tilespmem:s0+$0x16000];
	v21 =	vor.u32 v22, v21;
	v15 =	vor.u32 v14, v9  }
0x3e7: {  	v22 =	vsub.s32 v20, v1;
	v20 =	vld [tilespmem:s0+$0x16020];
	v14 =	vsub.s32 v4, v1;
	v17 =	vsub.s32 v5, v1  }
0x3e8: {  	s20 =	simm.s32 $0x200;
	v9 =	vld [tilespmem:s0+$0x16070];
	vm4 =	vlt.u32 v22, $0x10000;
	v24 =	vand.u32 $0xFFFFFF80, v22;
	v22 =	vand.u32 $0xFFFFFF80, v17  }
.LBB2_36:
0x3e9: {  	p0 =	sne.s32 s20, $0x7E00;
	v25 =	vld [tilespmem:s0+$0x16050];
	v10 =	vor.u32 v11, v10;
	v11 =	vand.u32 $0xFFFFFF80, v14;
	s21 =	smov.u32 s20;
	s20 =	sadd.s32 $0x200, s20  }
0x3ea: {  	v23 =	vor.u32 v23, v24;
	vm5 =	vlt.u32 v16, $0x10000;
	v6 =	vand.u32 $0x7F, v6;
	v26 =	vld [tilespmem:s0+$0x16040]  }
0x3eb: {  	v4 =	vand.u32 $0x7F, v4;
	v6 =	vor.u32 v6, v18;
	[tilespmem:v15+s2+$0x0] =	vst.idx.msk vm2, v19;
	vm2 =	vlt.u32 v14, $0x10000  }
0x3ec: {  	v5 =	vand.u32 $0x7F, v5;
	v4 =	vor.u32 v4, v11;
	[tilespmem:v21+s2+$0x0] =	vst.idx.msk vm3, v7;
	vm3 =	vlt.u32 v17, $0x10000  }
0x3ed: {  	v5 =	vor.u32 v5, v22;
	[tilespmem:v13+s2+$0x0] =	vst.idx.msk vm1, v20  }
0x3ee: {  	s0 =	sshra.s32 s21, $0x2;
	[tilespmem:v10+s2+$0x0] =	vst.idx.msk vm0, v8  }
0x3ef: {  	[tilespmem:v23+s2+$0x0] =	vst.idx.msk vm4, v26  }
0x3f0: {  	[tilespmem:v6+s2+$0x0] =	vst.idx.msk vm5, v25  }
0x3f1: {  	[tilespmem:v4+s2+$0x0] =	vst.idx.msk vm2, v12  }
0x3f2: {  	[tilespmem:v5+s2+$0x0] =	vst.idx.msk vm3, v9  }
0x3f3: {  	v5 =	vld [tilespmem:s0+$0x12030]  }
0x3f4: {  	v8 =	vld [tilespmem:s0+$0x12020]  }
0x3f5: {  	v12 =	vld [tilespmem:s0+$0x12010]  }
0x3f6: {  	v9 =	vld [tilespmem:s0+$0x12000]  }
0x3f7: {  	v6 =	vld [tilespmem:s0+$0x12050]  }
0x3f8: {  	v4 =	vld [tilespmem:s0+$0x12060];
	v13 =	vsub.s32 v5, v1  }
0x3f9: {  	v11 =	vand.u32 $0x7F, v5;
	v7 =	vld [tilespmem:s0+$0x16010];
	v17 =	vsub.s32 v8, v1;
	v10 =	vand.u32 $0xFFFFFF80, v13  }
0x3fa: {  	vm0 =	vlt.u32 v13, $0x10000;
	v5 =	vld [tilespmem:s0+$0x12070];
	v20 =	vsub.s32 v12, v1;
	v18 =	vand.u32 $0xFFFFFF80, v17  }
0x3fb: {  	v19 =	vand.u32 $0x7F, v8;
	v22 =	vld [tilespmem:s0+$0x12040];
	v13 =	vsub.s32 v9, v1;
	v21 =	vand.u32 $0xFFFFFF80, v20  }
0x3fc: {  	v9 =	vand.u32 $0x7F, v9;
	v8 =	vld [tilespmem:s0+$0x16030];
	vm2 =	vlt.u32 v13, $0x10000;
	v13 =	vand.u32 $0xFFFFFF80, v13  }
.Ltmp17:
0x3fd: {  	v16 =	vsub.s32 v6, v1;
	v15 =	vor.u32 v9, v13;
	v14 =	vsub.s32 v4, v1;
	(pc) =	sbr.rel @p0 .LBB2_36-.Ltmp17, $4  }
0x3fe: {  	vm1 =	vlt.u32 v17, $0x10000;
	v13 =	vor.u32 v19, v18;
	v18 =	vand.u32 $0xFFFFFF80, v16;
	v9 =	vld [tilespmem:s0+$0x16070]  }
0x3ff: {  	vm3 =	vlt.u32 v20, $0x10000;
	v20 =	vand.u32 $0x7F, v12;
	v19 =	vld [tilespmem:s0+$0x16000];
	v17 =	vsub.s32 v5, v1  }
0x400: {  	v21 =	vor.u32 v20, v21;
	v12 =	vld [tilespmem:s0+$0x16060];
	v24 =	vsub.s32 v22, v1;
	v23 =	vand.u32 $0x7F, v22  }
0x401: {  	v22 =	vand.u32 $0xFFFFFF80, v17;
	v20 =	vld [tilespmem:s0+$0x16020];
	vm4 =	vlt.u32 v24, $0x10000;
	v24 =	vand.u32 $0xFFFFFF80, v24  }
0x402: {  	_ =	sdelay $0x2  }
0x403: {  	v10 =	vor.u32 v11, v10;
	v63 =	vand.u32 $0xFFFFFF80, v14  }
0x404: {  	v26 =	vld [tilespmem:s0+$0x16040];
	v23 =	vor.u32 v23, v24;
	vm5 =	vlt.u32 v16, $0x10000;
	v6 =	vand.u32 $0x7F, v6  }
0x405: {  	v25 =	vld [tilespmem:s0+$0x16050];
	vm14 =	vlt.u32 v14, $0x10000;
	v4 =	vand.u32 $0x7F, v4;
	v6 =	vor.u32 v6, v18;
	[tilespmem:v15+s2+$0x0] =	vst.idx.msk vm2, v19  }
0x406: {  	vm15 =	vlt.u32 v17, $0x10000;
	v5 =	vand.u32 $0x7F, v5;
	v4 =	vor.u32 v4, v63;
	[tilespmem:v21+s2+$0x0] =	vst.idx.msk vm3, v7  }
0x407: {  	v5 =	vor.u32 v5, v22;
	[tilespmem:v13+s2+$0x0] =	vst.idx.msk vm1, v20  }
0x408: {  	[tilespmem:v10+s2+$0x0] =	vst.idx.msk vm0, v8  }
0x409: {  	[tilespmem:v23+s2+$0x0] =	vst.idx.msk vm4, v26  }
0x40a: {  	s1 =	sadd.s32 $0x1, s1;
	[tilespmem:v6+s2+$0x0] =	vst.idx.msk vm5, v25  }
0x40b: {  	p0 =	sne.s32 s1, s22;
	[tilespmem:v4+s2+$0x0] =	vst.idx.msk vm14, v12  }
.Ltmp18:
0x40c: {  	s21 =	rddreg [dreg:$0x4];
	[tilespmem:v5+s2+$0x0] =	vst.idx.msk vm15, v9;
	(pc) =	sbr.rel @p0 .LBB2_1-.Ltmp18, $4  }
0x40d: {  	[hbm4b:s21+s2] =	stream.linear.scatter [tilespmem:s2], [sflag:$0x5], $0x10000, $0x38;
	[tilespmem:$0x18080] =	vst v63  }
0x40e: {  	_ =	swait.ge [sflag:s31], $0x10000  }
0x40f: {  	[sflag:s31] =	ssyncset.done $0x0  }
0x410: {  	[sflag:s31] =	ssyncadd.s32 $0xFFFF0000  }
0x411: {  	_ =	sfence.sel $0x180000  }
0x412: {  	[bflag:$0x0] =	sbarrier.arrive $0xFFFF  }
0x413: {  	_ =	strace $0x90000047  }
0x414: {  	s0 =	stileid.u32;
	[bflag:$0x2] =	sbarrier.arrive $0xFFFF  }
0x415: {  	p0 =	sne.s32 s0, $0x0;
	s0 =	rddreg [dreg:$0x2]  }
0x416: {  	s0 =	sadd.s32 @!p0 $0x100000, s0  }
0x417: {  	[sflag:s0] =	ssyncadd.tile.s32 @!p0 $0x1;
	_ =	shalt  }
.Lfunc_end2:
_tile_overlayer_lowered:
.L_overlay_start_2:
0x418: {  	(tag) =	ssettag $0x2  }
0x419: {  	s0 =	rddreg [dreg:$0x0];
	s2 =	stileid.u32  }
0x41a: {  	s1 =	rddreg [dreg:$0x1];
	p0 =	sne.s32 s2, $0x0  }
0x41b: {  	s3 =	rddreg [dreg:$0x2];
	[bflag:$0x3] =	sbarrier.arrive $0xFFFF;
	s2 =	simm.s32 @!p0 $0x1C05  }
0x41c: {  	[timem:s3], [sflag:s2] =	dma.local @!p0 [hbm:s0], s1  }
0x41d: {  	s0 =	simm.s32 @!p0 $0x5  }
0x41e: {  	_ =	swait.ge @!p0 [sflag:s0], s1  }
0x41f: {  	s1 =	ssub.s32 @!p0 $0x0, s1;
	[sflag:s0] =	ssyncset.done @!p0 $0x0  }
0x420: {  	[sflag:s0] =	ssyncadd.s32 @!p0 s1  }
0x421: {  	[bflag:$0x3] =	sbarrier.arrive $0xFFFF  }
0x422: {  	_ =	shalt  }

</sc_bundles>
